<compile_context>
chip_gen: v7x
topology: tpu7x:2x2x1
jax: 0.10.2.dev20260603
libtpu: 0.0.44.dev20260713+nightly
codegen_flags: <defaults>
</compile_context>

<pallas_src>
import functools

import jax
import jax.numpy as jnp
from jax import lax
from jax.experimental import pallas as pl
from jax.experimental.pallas import tpu as pltpu
from jax.experimental.pallas import tpu_sc as plsc

VOCAB = 1000000
EMBED_DIM = 4
BATCH = 16384
LINE = 16
PLANE_LINES = VOCAB // LINE
N_LINES = PLANE_LINES * EMBED_DIM
BLOCK = 128

_NUM_CORES = 2
_NUM_SUBCORES = 16
_NUM_WORKERS = _NUM_CORES * _NUM_SUBCORES
_B_PER_W = BATCH // _NUM_WORKERS
_CHUNK = 128
_E_PER_W = _B_PER_W * EMBED_DIM
_N_GATHERS = _E_PER_W // _CHUNK
_LANES = 16

_mesh = plsc.VectorSubcoreMesh(core_axis_name="c", subcore_axis_name="s")


@functools.partial(
    pl.kernel,
    mesh=_mesh,
    compiler_params=pltpu.CompilerParams(
        use_tc_tiling_on_sc=False, needs_layout_passes=False
    ),
    out_type=jax.ShapeDtypeStruct((BATCH * EMBED_DIM,), jnp.float32),
    scratch_types=[
        pltpu.VMEM((_B_PER_W,), jnp.int32),
        pltpu.VMEM((_N_GATHERS, _CHUNK), jnp.int32),
        pltpu.VMEM((_E_PER_W, LINE), jnp.float32),
        pltpu.VMEM((_E_PER_W,), jnp.float32),
        pltpu.SemaphoreType.DMA,
    ],
)
def _embed_gather(e_hbm, lines_hbm, out_hbm, idx_v, addr_v, lines_v, outb_v, sem):
    wid = lax.axis_index("s") * _NUM_CORES + lax.axis_index("c")
    base = wid * _B_PER_W
    pltpu.sync_copy(e_hbm.at[pl.ds(base, _B_PER_W)], idx_v)

    lane = lax.iota(jnp.int32, _LANES)
    copies = []
    for j in range(_N_GATHERS):
        c, g = j >> 2, j & 3
        for u in range(_CHUNK // _LANES):
            lb = idx_v[pl.ds(g * _CHUNK + u * _LANES, _LANES)] >> 4
            addr_v[j, pl.ds(u * _LANES, _LANES)] = lb + c * PLANE_LINES
        copies.append(
            pltpu.async_copy(
                lines_hbm.at[addr_v.at[j]],
                lines_v.at[pl.ds(j * _CHUNK, _CHUNK)],
                sem,
            )
        )

    for j in range(_N_GATHERS):
        copies[j].wait()
        c, g = j >> 2, j & 3
        for t in range(_CHUNK // _LANES):
            i = 32 * g + 8 * c + t
            k = lane + 16 * t + 128 * g
            r = idx_v[pl.ds(16 * t + 128 * g, _LANES)]
            vals = plsc.load_gather(lines_v, [k + c * _B_PER_W, r & 15])
            outb_v[pl.ds(i * _LANES, _LANES)] = vals

    pltpu.sync_copy(outb_v, out_hbm.at[pl.ds(base * EMBED_DIM, _E_PER_W)])


def kernel(e, table):
    lines = lax.reshape(table, (N_LINES, LINE), dimensions=(1, 0))
    out_flat = _embed_gather(e.astype(jnp.int32), lines)
    out = jnp.transpose(
        jnp.reshape(out_flat, (BATCH // BLOCK, EMBED_DIM, BLOCK)), (0, 2, 1)
    ).reshape(BATCH, EMBED_DIM)
    return out

# --- scband reference (transcript-rebuilt; emitter-appended) ---
"""Pipeline reference for scband-env-ebd-8349416424162 (READ-ONLY COPY).

The authoritative reference and input builder live on the scoring server;
editing this copy changes nothing except your own understanding.
"""

import jax, jax.numpy as jnp
import numpy as np

VOCAB = 1000000
EMBED_DIM = 4
BATCH = 16384

def setup_inputs(seed: int = 0) -> dict:
    key = jax.random.key(seed)
    k1, k2 = jax.random.split(key)
    e = jax.random.randint(k1, (BATCH,), 0, VOCAB, dtype=jnp.int64 if jax.config.jax_enable_x64 else jnp.int32)
    table = jax.random.normal(k2, (VOCAB, EMBED_DIM), dtype=jnp.float32)
    return {"e": e, "table": table}

def reference(e, table):
    # ENV_EBD.forward: self.embedings(e.long())
    idx = e.astype(jnp.int32)
    return jnp.take(table, idx, axis=0)

if __name__ == "__main__":
    import jax
    _d = setup_inputs()
    print(jax.jit(kernel)(*tuple(_d.values())))

</pallas_src>

<mosaic_0001>
#map = affine_map<(d0, d1) -> (0)>
#map1 = affine_map<(d0, d1) -> (0, 0)>
module attributes {stable_mosaic.version = 14 : i64} {
  func.func @_embed_gather(%arg0: i32, %arg1: i32, %arg2: memref<16384xi32, #tpu.memory_space<hbm>>, %arg3: memref<250000x16xf32, #tpu.memory_space<hbm>>, %arg4: memref<65536xf32, #tpu.memory_space<hbm>>, %arg5: memref<512xi32, #tpu.memory_space<vmem>>, %arg6: memref<16x128xi32, #tpu.memory_space<vmem>>, %arg7: memref<2048x16xf32, #tpu.memory_space<vmem>>, %arg8: memref<2048xf32, #tpu.memory_space<vmem>>, %arg9: memref<!tpu.dma_semaphore, #tpu.memory_space<semaphore_mem>>) attributes {dimension_semantics = [#tpu.dimension_semantics<core_parallel>, #tpu.dimension_semantics<subcore_parallel>], iteration_bounds = array<i64: 2, 16>, scalar_prefetch = 0 : i64, scratch_operands = 5 : i64, tpu.core_type = #tpu.core_type<sc_vector_subcore>, window_params = [{transform_indices = #map}, {transform_indices = #map1}, {transform_indices = #map}]} {
    %mul3A = arith.constant 2 : i32
    %mul3A_0 = arith.muli %arg1, %mul3A : i32
    %add3A = arith.addi %mul3A_0, %arg0 : i32
    %mul3A_1 = arith.constant 512 : i32
    %mul3A_2 = arith.muli %add3A, %mul3A_1 : i32
    "tpu.region"() ({
      %run_scoped3A = tpu.sem_alloc : memref<!tpu.dma_semaphore, #tpu.memory_space<semaphore_mem>>
      %dma_start3A_4030 = tpu.memref_slice %arg2[%mul3A_2] : memref<16384xi32, #tpu.memory_space<hbm>> -> memref<512xi32, #tpu.memory_space<hbm>>
      %dma_start3A_4031 = tpu.memref_slice %arg2[%mul3A_2] : memref<16384xi32, #tpu.memory_space<hbm>> -> memref<512xi32, #tpu.memory_space<hbm>>
      tpu.enqueue_dma source(%dma_start3A_4031 : memref<512xi32, #tpu.memory_space<hbm>>) target(%arg5 : memref<512xi32, #tpu.memory_space<vmem>>) target_semaphore(%run_scoped3A : memref<!tpu.dma_semaphore, #tpu.memory_space<semaphore_mem>>)
      %dma_wait3A_4032 = tpu.memref_slice %arg2[%mul3A_2] : memref<16384xi32, #tpu.memory_space<hbm>> -> memref<512xi32, #tpu.memory_space<hbm>>
      %dma_wait3A_4033 = tpu.memref_slice %arg2[%mul3A_2] : memref<16384xi32, #tpu.memory_space<hbm>> -> memref<512xi32, #tpu.memory_space<hbm>>
      tpu.wait_dma2 semaphore(%run_scoped3A : memref<!tpu.dma_semaphore, #tpu.memory_space<semaphore_mem>>) src(%dma_wait3A_4033 : memref<512xi32, #tpu.memory_space<hbm>>) dst(%arg5 : memref<512xi32, #tpu.memory_space<vmem>>)
      tpu.yield
    }) : () -> ()
    %iota3A = tpu.iota {dimensions = array<i32: 0>} : vector<16xi32>
    %get3A = arith.constant 0 : index
    %get3A_3 = tpu.vector_load %arg5[%get3A] {strides = array<i32>} : memref<512xi32, #tpu.memory_space<vmem>>, vector<16xi32>,
    %shift_right_arithmetic3A = arith.constant 4 : i32
    %shift_right_arithmetic3A_4 = vector.broadcast %shift_right_arithmetic3A : i32 to vector<16xi32>
    %shift_right_arithmetic3A_5 = arith.shrsi %get3A_3, %shift_right_arithmetic3A_4 : vector<16xi32>
    %add3A_6 = arith.constant 0 : i32
    %add3A_7 = vector.broadcast %add3A_6 : i32 to vector<16xi32>
    %add3A_8 = arith.addi %shift_right_arithmetic3A_5, %add3A_7 : vector<16xi32>
    %swap3A = arith.constant 0 : i32
    %swap3A_9 = arith.index_cast %swap3A : i32 to index
    %swap3A_10 = arith.constant 0 : index
    %swap3A_11 = tpu.vector_load %arg6[%swap3A_9, %swap3A_10] {strides = array<i32>} : memref<16x128xi32, #tpu.memory_space<vmem>>, vector<16xi32>,
    tpu.vector_store %arg6[%swap3A_9, %swap3A_10], %add3A_8 {strides = array<i32>} : memref<16x128xi32, #tpu.memory_space<vmem>>, vector<16xi32>,
    %get3A_12 = arith.constant 16 : index
    %get3A_13 = tpu.vector_load %arg5[%get3A_12] {strides = array<i32>} : memref<512xi32, #tpu.memory_space<vmem>>, vector<16xi32>,
    %shift_right_arithmetic3A_14 = arith.constant 4 : i32
    %shift_right_arithmetic3A_15 = vector.broadcast %shift_right_arithmetic3A_14 : i32 to vector<16xi32>
    %shift_right_arithmetic3A_16 = arith.shrsi %get3A_13, %shift_right_arithmetic3A_15 : vector<16xi32>
    %add3A_17 = arith.constant 0 : i32
    %add3A_18 = vector.broadcast %add3A_17 : i32 to vector<16xi32>
    %add3A_19 = arith.addi %shift_right_arithmetic3A_16, %add3A_18 : vector<16xi32>
    %swap3A_20 = arith.constant 0 : i32
    %swap3A_21 = arith.index_cast %swap3A_20 : i32 to index
    %swap3A_22 = arith.constant 16 : index
    %swap3A_23 = tpu.vector_load %arg6[%swap3A_21, %swap3A_22] {strides = array<i32>} : memref<16x128xi32, #tpu.memory_space<vmem>>, vector<16xi32>,
    tpu.vector_store %arg6[%swap3A_21, %swap3A_22], %add3A_19 {strides = array<i32>} : memref<16x128xi32, #tpu.memory_space<vmem>>, vector<16xi32>,
    %get3A_24 = arith.constant 32 : index
    %get3A_25 = tpu.vector_load %arg5[%get3A_24] {strides = array<i32>} : memref<512xi32, #tpu.memory_space<vmem>>, vector<16xi32>,
    %shift_right_arithmetic3A_26 = arith.constant 4 : i32
    %shift_right_arithmetic3A_27 = vector.broadcast %shift_right_arithmetic3A_26 : i32 to vector<16xi32>
    %shift_right_arithmetic3A_28 = arith.shrsi %get3A_25, %shift_right_arithmetic3A_27 : vector<16xi32>
    %add3A_29 = arith.constant 0 : i32
    %add3A_30 = vector.broadcast %add3A_29 : i32 to vector<16xi32>
    %add3A_31 = arith.addi %shift_right_arithmetic3A_28, %add3A_30 : vector<16xi32>
    %swap3A_32 = arith.constant 0 : i32
    %swap3A_33 = arith.index_cast %swap3A_32 : i32 to index
    %swap3A_34 = arith.constant 32 : index
    %swap3A_35 = tpu.vector_load %arg6[%swap3A_33, %swap3A_34] {strides = array<i32>} : memref<16x128xi32, #tpu.memory_space<vmem>>, vector<16xi32>,
    tpu.vector_store %arg6[%swap3A_33, %swap3A_34], %add3A_31 {strides = array<i32>} : memref<16x128xi32, #tpu.memory_space<vmem>>, vector<16xi32>,
    %get3A_36 = arith.constant 48 : index
    %get3A_37 = tpu.vector_load %arg5[%get3A_36] {strides = array<i32>} : memref<512xi32, #tpu.memory_space<vmem>>, vector<16xi32>,
    %shift_right_arithmetic3A_38 = arith.constant 4 : i32
    %shift_right_arithmetic3A_39 = vector.broadcast %shift_right_arithmetic3A_38 : i32 to vector<16xi32>
    %shift_right_arithmetic3A_40 = arith.shrsi %get3A_37, %shift_right_arithmetic3A_39 : vector<16xi32>
    %add3A_41 = arith.constant 0 : i32
    %add3A_42 = vector.broadcast %add3A_41 : i32 to vector<16xi32>
    %add3A_43 = arith.addi %shift_right_arithmetic3A_40, %add3A_42 : vector<16xi32>
    %swap3A_44 = arith.constant 0 : i32
    %swap3A_45 = arith.index_cast %swap3A_44 : i32 to index
    %swap3A_46 = arith.constant 48 : index
    %swap3A_47 = tpu.vector_load %arg6[%swap3A_45, %swap3A_46] {strides = array<i32>} : memref<16x128xi32, #tpu.memory_space<vmem>>, vector<16xi32>,
    tpu.vector_store %arg6[%swap3A_45, %swap3A_46], %add3A_43 {strides = array<i32>} : memref<16x128xi32, #tpu.memory_space<vmem>>, vector<16xi32>,
    %get3A_48 = arith.constant 64 : index
    %get3A_49 = tpu.vector_load %arg5[%get3A_48] {strides = array<i32>} : memref<512xi32, #tpu.memory_space<vmem>>, vector<16xi32>,
    %shift_right_arithmetic3A_50 = arith.constant 4 : i32
    %shift_right_arithmetic3A_51 = vector.broadcast %shift_right_arithmetic3A_50 : i32 to vector<16xi32>
    %shift_right_arithmetic3A_52 = arith.shrsi %get3A_49, %shift_right_arithmetic3A_51 : vector<16xi32>
    %add3A_53 = arith.constant 0 : i32
    %add3A_54 = vector.broadcast %add3A_53 : i32 to vector<16xi32>
    %add3A_55 = arith.addi %shift_right_arithmetic3A_52, %add3A_54 : vector<16xi32>
    %swap3A_56 = arith.constant 0 : i32
    %swap3A_57 = arith.index_cast %swap3A_56 : i32 to index
    %swap3A_58 = arith.constant 64 : index
    %swap3A_59 = tpu.vector_load %arg6[%swap3A_57, %swap3A_58] {strides = array<i32>} : memref<16x128xi32, #tpu.memory_space<vmem>>, vector<16xi32>,
    tpu.vector_store %arg6[%swap3A_57, %swap3A_58], %add3A_55 {strides = array<i32>} : memref<16x128xi32, #tpu.memory_space<vmem>>, vector<16xi32>,
    %get3A_60 = arith.constant 80 : index
    %get3A_61 = tpu.vector_load %arg5[%get3A_60] {strides = array<i32>} : memref<512xi32, #tpu.memory_space<vmem>>, vector<16xi32>,
    %shift_right_arithmetic3A_62 = arith.constant 4 : i32
    %shift_right_arithmetic3A_63 = vector.broadcast %shift_right_arithmetic3A_62 : i32 to vector<16xi32>
    %shift_right_arithmetic3A_64 = arith.shrsi %get3A_61, %shift_right_arithmetic3A_63 : vector<16xi32>
    %add3A_65 = arith.constant 0 : i32
    %add3A_66 = vector.broadcast %add3A_65 : i32 to vector<16xi32>
    %add3A_67 = arith.addi %shift_right_arithmetic3A_64, %add3A_66 : vector<16xi32>
    %swap3A_68 = arith.constant 0 : i32
    %swap3A_69 = arith.index_cast %swap3A_68 : i32 to index
    %swap3A_70 = arith.constant 80 : index
    %swap3A_71 = tpu.vector_load %arg6[%swap3A_69, %swap3A_70] {strides = array<i32>} : memref<16x128xi32, #tpu.memory_space<vmem>>, vector<16xi32>,
    tpu.vector_store %arg6[%swap3A_69, %swap3A_70], %add3A_67 {strides = array<i32>} : memref<16x128xi32, #tpu.memory_space<vmem>>, vector<16xi32>,
    %get3A_72 = arith.constant 96 : index
    %get3A_73 = tpu.vector_load %arg5[%get3A_72] {strides = array<i32>} : memref<512xi32, #tpu.memory_space<vmem>>, vector<16xi32>,
    %shift_right_arithmetic3A_74 = arith.constant 4 : i32
    %shift_right_arithmetic3A_75 = vector.broadcast %shift_right_arithmetic3A_74 : i32 to vector<16xi32>
    %shift_right_arithmetic3A_76 = arith.shrsi %get3A_73, %shift_right_arithmetic3A_75 : vector<16xi32>
    %add3A_77 = arith.constant 0 : i32
    %add3A_78 = vector.broadcast %add3A_77 : i32 to vector<16xi32>
    %add3A_79 = arith.addi %shift_right_arithmetic3A_76, %add3A_78 : vector<16xi32>
    %swap3A_80 = arith.constant 0 : i32
    %swap3A_81 = arith.index_cast %swap3A_80 : i32 to index
    %swap3A_82 = arith.constant 96 : index
    %swap3A_83 = tpu.vector_load %arg6[%swap3A_81, %swap3A_82] {strides = array<i32>} : memref<16x128xi32, #tpu.memory_space<vmem>>, vector<16xi32>,
    tpu.vector_store %arg6[%swap3A_81, %swap3A_82], %add3A_79 {strides = array<i32>} : memref<16x128xi32, #tpu.memory_space<vmem>>, vector<16xi32>,
    %get3A_84 = arith.constant 112 : index
    %get3A_85 = tpu.vector_load %arg5[%get3A_84] {strides = array<i32>} : memref<512xi32, #tpu.memory_space<vmem>>, vector<16xi32>,
    %shift_right_arithmetic3A_86 = arith.constant 4 : i32
    %shift_right_arithmetic3A_87 = vector.broadcast %shift_right_arithmetic3A_86 : i32 to vector<16xi32>
    %shift_right_arithmetic3A_88 = arith.shrsi %get3A_85, %shift_right_arithmetic3A_87 : vector<16xi32>
    %add3A_89 = arith.constant 0 : i32
    %add3A_90 = vector.broadcast %add3A_89 : i32 to vector<16xi32>
    %add3A_91 = arith.addi %shift_right_arithmetic3A_88, %add3A_90 : vector<16xi32>
    %swap3A_92 = arith.constant 0 : i32
    %swap3A_93 = arith.index_cast %swap3A_92 : i32 to index
    %swap3A_94 = arith.constant 112 : index
    %swap3A_95 = tpu.vector_load %arg6[%swap3A_93, %swap3A_94] {strides = array<i32>} : memref<16x128xi32, #tpu.memory_space<vmem>>, vector<16xi32>,
    tpu.vector_store %arg6[%swap3A_93, %swap3A_94], %add3A_91 {strides = array<i32>} : memref<16x128xi32, #tpu.memory_space<vmem>>, vector<16xi32>,
    %dma_start3A = arith.constant 0 : i32
    %dma_start3A_96 = arith.constant 0 : i32
    %dma_start3A_97 = arith.constant 0 : i32
    %dma_start3A_98 = tpu.memref_slice %arg7[%dma_start3A_96, %dma_start3A_97] : memref<2048x16xf32, #tpu.memory_space<vmem>> -> memref<128x16xf32, #tpu.memory_space<vmem>>
    %dma_start3A_99 = arith.constant 0 : i32
    %dma_start3A_100 = tpu.memref_slice %arg6[%dma_start3A, %dma_start3A_99] : memref<16x128xi32, #tpu.memory_space<vmem>> -> memref<1x128xi32, #tpu.memory_space<vmem>>
    %dma_start3A_101 = tpu.memref_squeeze %dma_start3A_100 : memref<1x128xi32, #tpu.memory_space<vmem>> -> memref<128xi32, #tpu.memory_space<vmem>>
    %dma_start3A_102 = arith.constant 0 : i32
    %dma_start3A_103 = arith.constant 0 : i32
    %dma_start3A_104 = tpu.memref_slice %arg3[%dma_start3A_102, %dma_start3A_103] : memref<250000x16xf32, #tpu.memory_space<hbm>> -> memref<250000x16xf32, #tpu.memory_space<hbm>>
    tpu.enqueue_indirect_dma source(%dma_start3A_104 : memref<250000x16xf32, #tpu.memory_space<hbm>>) target(%dma_start3A_98 : memref<128x16xf32, #tpu.memory_space<vmem>>) offsets(%dma_start3A_101 : memref<128xi32, #tpu.memory_space<vmem>>) semaphore(%arg9 : memref<!tpu.dma_semaphore, #tpu.memory_space<semaphore_mem>>)
    %get3A_105 = arith.constant 128 : index
    %get3A_106 = tpu.vector_load %arg5[%get3A_105] {strides = array<i32>} : memref<512xi32, #tpu.memory_space<vmem>>, vector<16xi32>,
    %shift_right_arithmetic3A_107 = arith.constant 4 : i32
    %shift_right_arithmetic3A_108 = vector.broadcast %shift_right_arithmetic3A_107 : i32 to vector<16xi32>
    %shift_right_arithmetic3A_109 = arith.shrsi %get3A_106, %shift_right_arithmetic3A_108 : vector<16xi32>
    %add3A_110 = arith.constant 0 : i32
    %add3A_111 = vector.broadcast %add3A_110 : i32 to vector<16xi32>
    %add3A_112 = arith.addi %shift_right_arithmetic3A_109, %add3A_111 : vector<16xi32>
    %swap3A_113 = arith.constant 1 : i32
    %swap3A_114 = arith.index_cast %swap3A_113 : i32 to index
    %swap3A_115 = arith.constant 0 : index
    %swap3A_116 = tpu.vector_load %arg6[%swap3A_114, %swap3A_115] {strides = array<i32>} : memref<16x128xi32, #tpu.memory_space<vmem>>, vector<16xi32>,
    tpu.vector_store %arg6[%swap3A_114, %swap3A_115], %add3A_112 {strides = array<i32>} : memref<16x128xi32, #tpu.memory_space<vmem>>, vector<16xi32>,
    %get3A_117 = arith.constant 144 : index
    %get3A_118 = tpu.vector_load %arg5[%get3A_117] {strides = array<i32>} : memref<512xi32, #tpu.memory_space<vmem>>, vector<16xi32>,
    %shift_right_arithmetic3A_119 = arith.constant 4 : i32
    %shift_right_arithmetic3A_120 = vector.broadcast %shift_right_arithmetic3A_119 : i32 to vector<16xi32>
    %shift_right_arithmetic3A_121 = arith.shrsi %get3A_118, %shift_right_arithmetic3A_120 : vector<16xi32>
    %add3A_122 = arith.constant 0 : i32
    %add3A_123 = vector.broadcast %add3A_122 : i32 to vector<16xi32>
    %add3A_124 = arith.addi %shift_right_arithmetic3A_121, %add3A_123 : vector<16xi32>
    %swap3A_125 = arith.constant 1 : i32
    %swap3A_126 = arith.index_cast %swap3A_125 : i32 to index
    %swap3A_127 = arith.constant 16 : index
    %swap3A_128 = tpu.vector_load %arg6[%swap3A_126, %swap3A_127] {strides = array<i32>} : memref<16x128xi32, #tpu.memory_space<vmem>>, vector<16xi32>,
    tpu.vector_store %arg6[%swap3A_126, %swap3A_127], %add3A_124 {strides = array<i32>} : memref<16x128xi32, #tpu.memory_space<vmem>>, vector<16xi32>,
    %get3A_129 = arith.constant 160 : index
    %get3A_130 = tpu.vector_load %arg5[%get3A_129] {strides = array<i32>} : memref<512xi32, #tpu.memory_space<vmem>>, vector<16xi32>,
    %shift_right_arithmetic3A_131 = arith.constant 4 : i32
    %shift_right_arithmetic3A_132 = vector.broadcast %shift_right_arithmetic3A_131 : i32 to vector<16xi32>
    %shift_right_arithmetic3A_133 = arith.shrsi %get3A_130, %shift_right_arithmetic3A_132 : vector<16xi32>
    %add3A_134 = arith.constant 0 : i32
    %add3A_135 = vector.broadcast %add3A_134 : i32 to vector<16xi32>
    %add3A_136 = arith.addi %shift_right_arithmetic3A_133, %add3A_135 : vector<16xi32>
    %swap3A_137 = arith.constant 1 : i32
    %swap3A_138 = arith.index_cast %swap3A_137 : i32 to index
    %swap3A_139 = arith.constant 32 : index
    %swap3A_140 = tpu.vector_load %arg6[%swap3A_138, %swap3A_139] {strides = array<i32>} : memref<16x128xi32, #tpu.memory_space<vmem>>, vector<16xi32>,
    tpu.vector_store %arg6[%swap3A_138, %swap3A_139], %add3A_136 {strides = array<i32>} : memref<16x128xi32, #tpu.memory_space<vmem>>, vector<16xi32>,
    %get3A_141 = arith.constant 176 : index
    %get3A_142 = tpu.vector_load %arg5[%get3A_141] {strides = array<i32>} : memref<512xi32, #tpu.memory_space<vmem>>, vector<16xi32>,
    %shift_right_arithmetic3A_143 = arith.constant 4 : i32
    %shift_right_arithmetic3A_144 = vector.broadcast %shift_right_arithmetic3A_143 : i32 to vector<16xi32>
    %shift_right_arithmetic3A_145 = arith.shrsi %get3A_142, %shift_right_arithmetic3A_144 : vector<16xi32>
    %add3A_146 = arith.constant 0 : i32
    %add3A_147 = vector.broadcast %add3A_146 : i32 to vector<16xi32>
    %add3A_148 = arith.addi %shift_right_arithmetic3A_145, %add3A_147 : vector<16xi32>
    %swap3A_149 = arith.constant 1 : i32
    %swap3A_150 = arith.index_cast %swap3A_149 : i32 to index
    %swap3A_151 = arith.constant 48 : index
    %swap3A_152 = tpu.vector_load %arg6[%swap3A_150, %swap3A_151] {strides = array<i32>} : memref<16x128xi32, #tpu.memory_space<vmem>>, vector<16xi32>,
    tpu.vector_store %arg6[%swap3A_150, %swap3A_151], %add3A_148 {strides = array<i32>} : memref<16x128xi32, #tpu.memory_space<vmem>>, vector<16xi32>,
    %get3A_153 = arith.constant 192 : index
    %get3A_154 = tpu.vector_load %arg5[%get3A_153] {strides = array<i32>} : memref<512xi32, #tpu.memory_space<vmem>>, vector<16xi32>,
    %shift_right_arithmetic3A_155 = arith.constant 4 : i32
    %shift_right_arithmetic3A_156 = vector.broadcast %shift_right_arithmetic3A_155 : i32 to vector<16xi32>
    %shift_right_arithmetic3A_157 = arith.shrsi %get3A_154, %shift_right_arithmetic3A_156 : vector<16xi32>
    %add3A_158 = arith.constant 0 : i32
    %add3A_159 = vector.broadcast %add3A_158 : i32 to vector<16xi32>
    %add3A_160 = arith.addi %shift_right_arithmetic3A_157, %add3A_159 : vector<16xi32>
    %swap3A_161 = arith.constant 1 : i32
    %swap3A_162 = arith.index_cast %swap3A_161 : i32 to index
    %swap3A_163 = arith.constant 64 : index
    %swap3A_164 = tpu.vector_load %arg6[%swap3A_162, %swap3A_163] {strides = array<i32>} : memref<16x128xi32, #tpu.memory_space<vmem>>, vector<16xi32>,
    tpu.vector_store %arg6[%swap3A_162, %swap3A_163], %add3A_160 {strides = array<i32>} : memref<16x128xi32, #tpu.memory_space<vmem>>, vector<16xi32>,
    %get3A_165 = arith.constant 208 : index
    %get3A_166 = tpu.vector_load %arg5[%get3A_165] {strides = array<i32>} : memref<512xi32, #tpu.memory_space<vmem>>, vector<16xi32>,
    %shift_right_arithmetic3A_167 = arith.constant 4 : i32
    %shift_right_arithmetic3A_168 = vector.broadcast %shift_right_arithmetic3A_167 : i32 to vector<16xi32>
    %shift_right_arithmetic3A_169 = arith.shrsi %get3A_166, %shift_right_arithmetic3A_168 : vector<16xi32>
    %add3A_170 = arith.constant 0 : i32
    %add3A_171 = vector.broadcast %add3A_170 : i32 to vector<16xi32>
    %add3A_172 = arith.addi %shift_right_arithmetic3A_169, %add3A_171 : vector<16xi32>
    %swap3A_173 = arith.constant 1 : i32
    %swap3A_174 = arith.index_cast %swap3A_173 : i32 to index
    %swap3A_175 = arith.constant 80 : index
    %swap3A_176 = tpu.vector_load %arg6[%swap3A_174, %swap3A_175] {strides = array<i32>} : memref<16x128xi32, #tpu.memory_space<vmem>>, vector<16xi32>,
    tpu.vector_store %arg6[%swap3A_174, %swap3A_175], %add3A_172 {strides = array<i32>} : memref<16x128xi32, #tpu.memory_space<vmem>>, vector<16xi32>,
    %get3A_177 = arith.constant 224 : index
    %get3A_178 = tpu.vector_load %arg5[%get3A_177] {strides = array<i32>} : memref<512xi32, #tpu.memory_space<vmem>>, vector<16xi32>,
    %shift_right_arithmetic3A_179 = arith.constant 4 : i32
    %shift_right_arithmetic3A_180 = vector.broadcast %shift_right_arithmetic3A_179 : i32 to vector<16xi32>
    %shift_right_arithmetic3A_181 = arith.shrsi %get3A_178, %shift_right_arithmetic3A_180 : vector<16xi32>
    %add3A_182 = arith.constant 0 : i32
    %add3A_183 = vector.broadcast %add3A_182 : i32 to vector<16xi32>
    %add3A_184 = arith.addi %shift_right_arithmetic3A_181, %add3A_183 : vector<16xi32>
    %swap3A_185 = arith.constant 1 : i32
    %swap3A_186 = arith.index_cast %swap3A_185 : i32 to index
    %swap3A_187 = arith.constant 96 : index
    %swap3A_188 = tpu.vector_load %arg6[%swap3A_186, %swap3A_187] {strides = array<i32>} : memref<16x128xi32, #tpu.memory_space<vmem>>, vector<16xi32>,
    tpu.vector_store %arg6[%swap3A_186, %swap3A_187], %add3A_184 {strides = array<i32>} : memref<16x128xi32, #tpu.memory_space<vmem>>, vector<16xi32>,
    %get3A_189 = arith.constant 240 : index
    %get3A_190 = tpu.vector_load %arg5[%get3A_189] {strides = array<i32>} : memref<512xi32, #tpu.memory_space<vmem>>, vector<16xi32>,
    %shift_right_arithmetic3A_191 = arith.constant 4 : i32
    %shift_right_arithmetic3A_192 = vector.broadcast %shift_right_arithmetic3A_191 : i32 to vector<16xi32>
    %shift_right_arithmetic3A_193 = arith.shrsi %get3A_190, %shift_right_arithmetic3A_192 : vector<16xi32>
    %add3A_194 = arith.constant 0 : i32
    %add3A_195 = vector.broadcast %add3A_194 : i32 to vector<16xi32>
    %add3A_196 = arith.addi %shift_right_arithmetic3A_193, %add3A_195 : vector<16xi32>
    %swap3A_197 = arith.constant 1 : i32
    %swap3A_198 = arith.index_cast %swap3A_197 : i32 to index
    %swap3A_199 = arith.constant 112 : index
    %swap3A_200 = tpu.vector_load %arg6[%swap3A_198, %swap3A_199] {strides = array<i32>} : memref<16x128xi32, #tpu.memory_space<vmem>>, vector<16xi32>,
    tpu.vector_store %arg6[%swap3A_198, %swap3A_199], %add3A_196 {strides = array<i32>} : memref<16x128xi32, #tpu.memory_space<vmem>>, vector<16xi32>,
    %dma_start3A_201 = arith.constant 1 : i32
    %dma_start3A_202 = arith.constant 128 : i32
    %dma_start3A_203 = arith.constant 0 : i32
    %dma_start3A_204 = tpu.memref_slice %arg7[%dma_start3A_202, %dma_start3A_203] : memref<2048x16xf32, #tpu.memory_space<vmem>> -> memref<128x16xf32, #tpu.memory_space<vmem>>
    %dma_start3A_205 = arith.constant 0 : i32
    %dma_start3A_206 = tpu.memref_slice %arg6[%dma_start3A_201, %dma_start3A_205] : memref<16x128xi32, #tpu.memory_space<vmem>> -> memref<1x128xi32, #tpu.memory_space<vmem>>
    %dma_start3A_207 = tpu.memref_squeeze %dma_start3A_206 : memref<1x128xi32, #tpu.memory_space<vmem>> -> memref<128xi32, #tpu.memory_space<vmem>>
    %dma_start3A_208 = arith.constant 0 : i32
    %dma_start3A_209 = arith.constant 0 : i32
    %dma_start3A_210 = tpu.memref_slice %arg3[%dma_start3A_208, %dma_start3A_209] : memref<250000x16xf32, #tpu.memory_space<hbm>> -> memref<250000x16xf32, #tpu.memory_space<hbm>>
    tpu.enqueue_indirect_dma source(%dma_start3A_210 : memref<250000x16xf32, #tpu.memory_space<hbm>>) target(%dma_start3A_204 : memref<128x16xf32, #tpu.memory_space<vmem>>) offsets(%dma_start3A_207 : memref<128xi32, #tpu.memory_space<vmem>>) semaphore(%arg9 : memref<!tpu.dma_semaphore, #tpu.memory_space<semaphore_mem>>)
    %get3A_211 = arith.constant 256 : index
    %get3A_212 = tpu.vector_load %arg5[%get3A_211] {strides = array<i32>} : memref<512xi32, #tpu.memory_space<vmem>>, vector<16xi32>,
    %shift_right_arithmetic3A_213 = arith.constant 4 : i32
    %shift_right_arithmetic3A_214 = vector.broadcast %shift_right_arithmetic3A_213 : i32 to vector<16xi32>
    %shift_right_arithmetic3A_215 = arith.shrsi %get3A_212, %shift_right_arithmetic3A_214 : vector<16xi32>
    %add3A_216 = arith.constant 0 : i32
    %add3A_217 = vector.broadcast %add3A_216 : i32 to vector<16xi32>
    %add3A_218 = arith.addi %shift_right_arithmetic3A_215, %add3A_217 : vector<16xi32>
    %swap3A_219 = arith.constant 2 : i32
    %swap3A_220 = arith.index_cast %swap3A_219 : i32 to index
    %swap3A_221 = arith.constant 0 : index
    %swap3A_222 = tpu.vector_load %arg6[%swap3A_220, %swap3A_221] {strides = array<i32>} : memref<16x128xi32, #tpu.memory_space<vmem>>, vector<16xi32>,
    tpu.vector_store %arg6[%swap3A_220, %swap3A_221], %add3A_218 {strides = array<i32>} : memref<16x128xi32, #tpu.memory_space<vmem>>, vector<16xi32>,
    %get3A_223 = arith.constant 272 : index
    %get3A_224 = tpu.vector_load %arg5[%get3A_223] {strides = array<i32>} : memref<512xi32, #tpu.memory_space<vmem>>, vector<16xi32>,
    %shift_right_arithmetic3A_225 = arith.constant 4 : i32
    %shift_right_arithmetic3A_226 = vector.broadcast %shift_right_arithmetic3A_225 : i32 to vector<16xi32>
    %shift_right_arithmetic3A_227 = arith.shrsi %get3A_224, %shift_right_arithmetic3A_226 : vector<16xi32>
    %add3A_228 = arith.constant 0 : i32
    %add3A_229 = vector.broadcast %add3A_228 : i32 to vector<16xi32>
    %add3A_230 = arith.addi %shift_right_arithmetic3A_227, %add3A_229 : vector<16xi32>
    %swap3A_231 = arith.constant 2 : i32
    %swap3A_232 = arith.index_cast %swap3A_231 : i32 to index
    %swap3A_233 = arith.constant 16 : index
    %swap3A_234 = tpu.vector_load %arg6[%swap3A_232, %swap3A_233] {strides = array<i32>} : memref<16x128xi32, #tpu.memory_space<vmem>>, vector<16xi32>,
    tpu.vector_store %arg6[%swap3A_232, %swap3A_233], %add3A_230 {strides = array<i32>} : memref<16x128xi32, #tpu.memory_space<vmem>>, vector<16xi32>,
    %get3A_235 = arith.constant 288 : index
    %get3A_236 = tpu.vector_load %arg5[%get3A_235] {strides = array<i32>} : memref<512xi32, #tpu.memory_space<vmem>>, vector<16xi32>,
    %shift_right_arithmetic3A_237 = arith.constant 4 : i32
    %shift_right_arithmetic3A_238 = vector.broadcast %shift_right_arithmetic3A_237 : i32 to vector<16xi32>
    %shift_right_arithmetic3A_239 = arith.shrsi %get3A_236, %shift_right_arithmetic3A_238 : vector<16xi32>
    %add3A_240 = arith.constant 0 : i32
    %add3A_241 = vector.broadcast %add3A_240 : i32 to vector<16xi32>
    %add3A_242 = arith.addi %shift_right_arithmetic3A_239, %add3A_241 : vector<16xi32>
    %swap3A_243 = arith.constant 2 : i32
    %swap3A_244 = arith.index_cast %swap3A_243 : i32 to index
    %swap3A_245 = arith.constant 32 : index
    %swap3A_246 = tpu.vector_load %arg6[%swap3A_244, %swap3A_245] {strides = array<i32>} : memref<16x128xi32, #tpu.memory_space<vmem>>, vector<16xi32>,
    tpu.vector_store %arg6[%swap3A_244, %swap3A_245], %add3A_242 {strides = array<i32>} : memref<16x128xi32, #tpu.memory_space<vmem>>, vector<16xi32>,
    %get3A_247 = arith.constant 304 : index
    %get3A_248 = tpu.vector_load %arg5[%get3A_247] {strides = array<i32>} : memref<512xi32, #tpu.memory_space<vmem>>, vector<16xi32>,
    %shift_right_arithmetic3A_249 = arith.constant 4 : i32
    %shift_right_arithmetic3A_250 = vector.broadcast %shift_right_arithmetic3A_249 : i32 to vector<16xi32>
    %shift_right_arithmetic3A_251 = arith.shrsi %get3A_248, %shift_right_arithmetic3A_250 : vector<16xi32>
    %add3A_252 = arith.constant 0 : i32
    %add3A_253 = vector.broadcast %add3A_252 : i32 to vector<16xi32>
    %add3A_254 = arith.addi %shift_right_arithmetic3A_251, %add3A_253 : vector<16xi32>
    %swap3A_255 = arith.constant 2 : i32
    %swap3A_256 = arith.index_cast %swap3A_255 : i32 to index
    %swap3A_257 = arith.constant 48 : index
    %swap3A_258 = tpu.vector_load %arg6[%swap3A_256, %swap3A_257] {strides = array<i32>} : memref<16x128xi32, #tpu.memory_space<vmem>>, vector<16xi32>,
    tpu.vector_store %arg6[%swap3A_256, %swap3A_257], %add3A_254 {strides = array<i32>} : memref<16x128xi32, #tpu.memory_space<vmem>>, vector<16xi32>,
    %get3A_259 = arith.constant 320 : index
    %get3A_260 = tpu.vector_load %arg5[%get3A_259] {strides = array<i32>} : memref<512xi32, #tpu.memory_space<vmem>>, vector<16xi32>,
    %shift_right_arithmetic3A_261 = arith.constant 4 : i32
    %shift_right_arithmetic3A_262 = vector.broadcast %shift_right_arithmetic3A_261 : i32 to vector<16xi32>
    %shift_right_arithmetic3A_263 = arith.shrsi %get3A_260, %shift_right_arithmetic3A_262 : vector<16xi32>
    %add3A_264 = arith.constant 0 : i32
    %add3A_265 = vector.broadcast %add3A_264 : i32 to vector<16xi32>
    %add3A_266 = arith.addi %shift_right_arithmetic3A_263, %add3A_265 : vector<16xi32>
    %swap3A_267 = arith.constant 2 : i32
    %swap3A_268 = arith.index_cast %swap3A_267 : i32 to index
    %swap3A_269 = arith.constant 64 : index
    %swap3A_270 = tpu.vector_load %arg6[%swap3A_268, %swap3A_269] {strides = array<i32>} : memref<16x128xi32, #tpu.memory_space<vmem>>, vector<16xi32>,
    tpu.vector_store %arg6[%swap3A_268, %swap3A_269], %add3A_266 {strides = array<i32>} : memref<16x128xi32, #tpu.memory_space<vmem>>, vector<16xi32>,
    %get3A_271 = arith.constant 336 : index
    %get3A_272 = tpu.vector_load %arg5[%get3A_271] {strides = array<i32>} : memref<512xi32, #tpu.memory_space<vmem>>, vector<16xi32>,
    %shift_right_arithmetic3A_273 = arith.constant 4 : i32
    %shift_right_arithmetic3A_274 = vector.broadcast %shift_right_arithmetic3A_273 : i32 to vector<16xi32>
    %shift_right_arithmetic3A_275 = arith.shrsi %get3A_272, %shift_right_arithmetic3A_274 : vector<16xi32>
    %add3A_276 = arith.constant 0 : i32
    %add3A_277 = vector.broadcast %add3A_276 : i32 to vector<16xi32>
    %add3A_278 = arith.addi %shift_right_arithmetic3A_275, %add3A_277 : vector<16xi32>
    %swap3A_279 = arith.constant 2 : i32
    %swap3A_280 = arith.index_cast %swap3A_279 : i32 to index
    %swap3A_281 = arith.constant 80 : index
    %swap3A_282 = tpu.vector_load %arg6[%swap3A_280, %swap3A_281] {strides = array<i32>} : memref<16x128xi32, #tpu.memory_space<vmem>>, vector<16xi32>,
    tpu.vector_store %arg6[%swap3A_280, %swap3A_281], %add3A_278 {strides = array<i32>} : memref<16x128xi32, #tpu.memory_space<vmem>>, vector<16xi32>,
    %get3A_283 = arith.constant 352 : index
    %get3A_284 = tpu.vector_load %arg5[%get3A_283] {strides = array<i32>} : memref<512xi32, #tpu.memory_space<vmem>>, vector<16xi32>,
    %shift_right_arithmetic3A_285 = arith.constant 4 : i32
    %shift_right_arithmetic3A_286 = vector.broadcast %shift_right_arithmetic3A_285 : i32 to vector<16xi32>
    %shift_right_arithmetic3A_287 = arith.shrsi %get3A_284, %shift_right_arithmetic3A_286 : vector<16xi32>
    %add3A_288 = arith.constant 0 : i32
    %add3A_289 = vector.broadcast %add3A_288 : i32 to vector<16xi32>
    %add3A_290 = arith.addi %shift_right_arithmetic3A_287, %add3A_289 : vector<16xi32>
    %swap3A_291 = arith.constant 2 : i32
    %swap3A_292 = arith.index_cast %swap3A_291 : i32 to index
    %swap3A_293 = arith.constant 96 : index
    %swap3A_294 = tpu.vector_load %arg6[%swap3A_292, %swap3A_293] {strides = array<i32>} : memref<16x128xi32, #tpu.memory_space<vmem>>, vector<16xi32>,
    tpu.vector_store %arg6[%swap3A_292, %swap3A_293], %add3A_290 {strides = array<i32>} : memref<16x128xi32, #tpu.memory_space<vmem>>, vector<16xi32>,
    %get3A_295 = arith.constant 368 : index
    %get3A_296 = tpu.vector_load %arg5[%get3A_295] {strides = array<i32>} : memref<512xi32, #tpu.memory_space<vmem>>, vector<16xi32>,
    %shift_right_arithmetic3A_297 = arith.constant 4 : i32
    %shift_right_arithmetic3A_298 = vector.broadcast %shift_right_arithmetic3A_297 : i32 to vector<16xi32>
    %shift_right_arithmetic3A_299 = arith.shrsi %get3A_296, %shift_right_arithmetic3A_298 : vector<16xi32>
    %add3A_300 = arith.constant 0 : i32
    %add3A_301 = vector.broadcast %add3A_300 : i32 to vector<16xi32>
    %add3A_302 = arith.addi %shift_right_arithmetic3A_299, %add3A_301 : vector<16xi32>
    %swap3A_303 = arith.constant 2 : i32
    %swap3A_304 = arith.index_cast %swap3A_303 : i32 to index
    %swap3A_305 = arith.constant 112 : index
    %swap3A_306 = tpu.vector_load %arg6[%swap3A_304, %swap3A_305] {strides = array<i32>} : memref<16x128xi32, #tpu.memory_space<vmem>>, vector<16xi32>,
    tpu.vector_store %arg6[%swap3A_304, %swap3A_305], %add3A_302 {strides = array<i32>} : memref<16x128xi32, #tpu.memory_space<vmem>>, vector<16xi32>,
    %dma_start3A_307 = arith.constant 2 : i32
    %dma_start3A_308 = arith.constant 256 : i32
    %dma_start3A_309 = arith.constant 0 : i32
    %dma_start3A_310 = tpu.memref_slice %arg7[%dma_start3A_308, %dma_start3A_309] : memref<2048x16xf32, #tpu.memory_space<vmem>> -> memref<128x16xf32, #tpu.memory_space<vmem>>
    %dma_start3A_311 = arith.constant 0 : i32
    %dma_start3A_312 = tpu.memref_slice %arg6[%dma_start3A_307, %dma_start3A_311] : memref<16x128xi32, #tpu.memory_space<vmem>> -> memref<1x128xi32, #tpu.memory_space<vmem>>
    %dma_start3A_313 = tpu.memref_squeeze %dma_start3A_312 : memref<1x128xi32, #tpu.memory_space<vmem>> -> memref<128xi32, #tpu.memory_space<vmem>>
    %dma_start3A_314 = arith.constant 0 : i32
    %dma_start3A_315 = arith.constant 0 : i32
    %dma_start3A_316 = tpu.memref_slice %arg3[%dma_start3A_314, %dma_start3A_315] : memref<250000x16xf32, #tpu.memory_space<hbm>> -> memref<250000x16xf32, #tpu.memory_space<hbm>>
    tpu.enqueue_indirect_dma source(%dma_start3A_316 : memref<250000x16xf32, #tpu.memory_space<hbm>>) target(%dma_start3A_310 : memref<128x16xf32, #tpu.memory_space<vmem>>) offsets(%dma_start3A_313 : memref<128xi32, #tpu.memory_space<vmem>>) semaphore(%arg9 : memref<!tpu.dma_semaphore, #tpu.memory_space<semaphore_mem>>)
    %get3A_317 = arith.constant 384 : index
    %get3A_318 = tpu.vector_load %arg5[%get3A_317] {strides = array<i32>} : memref<512xi32, #tpu.memory_space<vmem>>, vector<16xi32>,
    %shift_right_arithmetic3A_319 = arith.constant 4 : i32
    %shift_right_arithmetic3A_320 = vector.broadcast %shift_right_arithmetic3A_319 : i32 to vector<16xi32>
    %shift_right_arithmetic3A_321 = arith.shrsi %get3A_318, %shift_right_arithmetic3A_320 : vector<16xi32>
    %add3A_322 = arith.constant 0 : i32
    %add3A_323 = vector.broadcast %add3A_322 : i32 to vector<16xi32>
    %add3A_324 = arith.addi %shift_right_arithmetic3A_321, %add3A_323 : vector<16xi32>
    %swap3A_325 = arith.constant 3 : i32
    %swap3A_326 = arith.index_cast %swap3A_325 : i32 to index
    %swap3A_327 = arith.constant 0 : index
    %swap3A_328 = tpu.vector_load %arg6[%swap3A_326, %swap3A_327] {strides = array<i32>} : memref<16x128xi32, #tpu.memory_space<vmem>>, vector<16xi32>,
    tpu.vector_store %arg6[%swap3A_326, %swap3A_327], %add3A_324 {strides = array<i32>} : memref<16x128xi32, #tpu.memory_space<vmem>>, vector<16xi32>,
    %get3A_329 = arith.constant 400 : index
    %get3A_330 = tpu.vector_load %arg5[%get3A_329] {strides = array<i32>} : memref<512xi32, #tpu.memory_space<vmem>>, vector<16xi32>,
    %shift_right_arithmetic3A_331 = arith.constant 4 : i32
    %shift_right_arithmetic3A_332 = vector.broadcast %shift_right_arithmetic3A_331 : i32 to vector<16xi32>
    %shift_right_arithmetic3A_333 = arith.shrsi %get3A_330, %shift_right_arithmetic3A_332 : vector<16xi32>
    %add3A_334 = arith.constant 0 : i32
    %add3A_335 = vector.broadcast %add3A_334 : i32 to vector<16xi32>
    %add3A_336 = arith.addi %shift_right_arithmetic3A_333, %add3A_335 : vector<16xi32>
    %swap3A_337 = arith.constant 3 : i32
    %swap3A_338 = arith.index_cast %swap3A_337 : i32 to index
    %swap3A_339 = arith.constant 16 : index
    %swap3A_340 = tpu.vector_load %arg6[%swap3A_338, %swap3A_339] {strides = array<i32>} : memref<16x128xi32, #tpu.memory_space<vmem>>, vector<16xi32>,
    tpu.vector_store %arg6[%swap3A_338, %swap3A_339], %add3A_336 {strides = array<i32>} : memref<16x128xi32, #tpu.memory_space<vmem>>, vector<16xi32>,
    %get3A_341 = arith.constant 416 : index
    %get3A_342 = tpu.vector_load %arg5[%get3A_341] {strides = array<i32>} : memref<512xi32, #tpu.memory_space<vmem>>, vector<16xi32>,
    %shift_right_arithmetic3A_343 = arith.constant 4 : i32
    %shift_right_arithmetic3A_344 = vector.broadcast %shift_right_arithmetic3A_343 : i32 to vector<16xi32>
    %shift_right_arithmetic3A_345 = arith.shrsi %get3A_342, %shift_right_arithmetic3A_344 : vector<16xi32>
    %add3A_346 = arith.constant 0 : i32
    %add3A_347 = vector.broadcast %add3A_346 : i32 to vector<16xi32>
    %add3A_348 = arith.addi %shift_right_arithmetic3A_345, %add3A_347 : vector<16xi32>
    %swap3A_349 = arith.constant 3 : i32
    %swap3A_350 = arith.index_cast %swap3A_349 : i32 to index
    %swap3A_351 = arith.constant 32 : index
    %swap3A_352 = tpu.vector_load %arg6[%swap3A_350, %swap3A_351] {strides = array<i32>} : memref<16x128xi32, #tpu.memory_space<vmem>>, vector<16xi32>,
    tpu.vector_store %arg6[%swap3A_350, %swap3A_351], %add3A_348 {strides = array<i32>} : memref<16x128xi32, #tpu.memory_space<vmem>>, vector<16xi32>,
    %get3A_353 = arith.constant 432 : index
    %get3A_354 = tpu.vector_load %arg5[%get3A_353] {strides = array<i32>} : memref<512xi32, #tpu.memory_space<vmem>>, vector<16xi32>,
    %shift_right_arithmetic3A_355 = arith.constant 4 : i32
    %shift_right_arithmetic3A_356 = vector.broadcast %shift_right_arithmetic3A_355 : i32 to vector<16xi32>
    %shift_right_arithmetic3A_357 = arith.shrsi %get3A_354, %shift_right_arithmetic3A_356 : vector<16xi32>
    %add3A_358 = arith.constant 0 : i32
    %add3A_359 = vector.broadcast %add3A_358 : i32 to vector<16xi32>
    %add3A_360 = arith.addi %shift_right_arithmetic3A_357, %add3A_359 : vector<16xi32>
    %swap3A_361 = arith.constant 3 : i32
    %swap3A_362 = arith.index_cast %swap3A_361 : i32 to index
    %swap3A_363 = arith.constant 48 : index
    %swap3A_364 = tpu.vector_load %arg6[%swap3A_362, %swap3A_363] {strides = array<i32>} : memref<16x128xi32, #tpu.memory_space<vmem>>, vector<16xi32>,
    tpu.vector_store %arg6[%swap3A_362, %swap3A_363], %add3A_360 {strides = array<i32>} : memref<16x128xi32, #tpu.memory_space<vmem>>, vector<16xi32>,
    %get3A_365 = arith.constant 448 : index
    %get3A_366 = tpu.vector_load %arg5[%get3A_365] {strides = array<i32>} : memref<512xi32, #tpu.memory_space<vmem>>, vector<16xi32>,
    %shift_right_arithmetic3A_367 = arith.constant 4 : i32
    %shift_right_arithmetic3A_368 = vector.broadcast %shift_right_arithmetic3A_367 : i32 to vector<16xi32>
    %shift_right_arithmetic3A_369 = arith.shrsi %get3A_366, %shift_right_arithmetic3A_368 : vector<16xi32>
    %add3A_370 = arith.constant 0 : i32
    %add3A_371 = vector.broadcast %add3A_370 : i32 to vector<16xi32>
    %add3A_372 = arith.addi %shift_right_arithmetic3A_369, %add3A_371 : vector<16xi32>
    %swap3A_373 = arith.constant 3 : i32
    %swap3A_374 = arith.index_cast %swap3A_373 : i32 to index
    %swap3A_375 = arith.constant 64 : index
    %swap3A_376 = tpu.vector_load %arg6[%swap3A_374, %swap3A_375] {strides = array<i32>} : memref<16x128xi32, #tpu.memory_space<vmem>>, vector<16xi32>,
    tpu.vector_store %arg6[%swap3A_374, %swap3A_375], %add3A_372 {strides = array<i32>} : memref<16x128xi32, #tpu.memory_space<vmem>>, vector<16xi32>,
    %get3A_377 = arith.constant 464 : index
    %get3A_378 = tpu.vector_load %arg5[%get3A_377] {strides = array<i32>} : memref<512xi32, #tpu.memory_space<vmem>>, vector<16xi32>,
    %shift_right_arithmetic3A_379 = arith.constant 4 : i32
    %shift_right_arithmetic3A_380 = vector.broadcast %shift_right_arithmetic3A_379 : i32 to vector<16xi32>
    %shift_right_arithmetic3A_381 = arith.shrsi %get3A_378, %shift_right_arithmetic3A_380 : vector<16xi32>
    %add3A_382 = arith.constant 0 : i32
    %add3A_383 = vector.broadcast %add3A_382 : i32 to vector<16xi32>
    %add3A_384 = arith.addi %shift_right_arithmetic3A_381, %add3A_383 : vector<16xi32>
    %swap3A_385 = arith.constant 3 : i32
    %swap3A_386 = arith.index_cast %swap3A_385 : i32 to index
    %swap3A_387 = arith.constant 80 : index
    %swap3A_388 = tpu.vector_load %arg6[%swap3A_386, %swap3A_387] {strides = array<i32>} : memref<16x128xi32, #tpu.memory_space<vmem>>, vector<16xi32>,
    tpu.vector_store %arg6[%swap3A_386, %swap3A_387], %add3A_384 {strides = array<i32>} : memref<16x128xi32, #tpu.memory_space<vmem>>, vector<16xi32>,
    %get3A_389 = arith.constant 480 : index
    %get3A_390 = tpu.vector_load %arg5[%get3A_389] {strides = array<i32>} : memref<512xi32, #tpu.memory_space<vmem>>, vector<16xi32>,
    %shift_right_arithmetic3A_391 = arith.constant 4 : i32
    %shift_right_arithmetic3A_392 = vector.broadcast %shift_right_arithmetic3A_391 : i32 to vector<16xi32>
    %shift_right_arithmetic3A_393 = arith.shrsi %get3A_390, %shift_right_arithmetic3A_392 : vector<16xi32>
    %add3A_394 = arith.constant 0 : i32
    %add3A_395 = vector.broadcast %add3A_394 : i32 to vector<16xi32>
    %add3A_396 = arith.addi %shift_right_arithmetic3A_393, %add3A_395 : vector<16xi32>
    %swap3A_397 = arith.constant 3 : i32
    %swap3A_398 = arith.index_cast %swap3A_397 : i32 to index
    %swap3A_399 = arith.constant 96 : index
    %swap3A_400 = tpu.vector_load %arg6[%swap3A_398, %swap3A_399] {strides = array<i32>} : memref<16x128xi32, #tpu.memory_space<vmem>>, vector<16xi32>,
    tpu.vector_store %arg6[%swap3A_398, %swap3A_399], %add3A_396 {strides = array<i32>} : memref<16x128xi32, #tpu.memory_space<vmem>>, vector<16xi32>,
    %get3A_401 = arith.constant 496 : index
    %get3A_402 = tpu.vector_load %arg5[%get3A_401] {strides = array<i32>} : memref<512xi32, #tpu.memory_space<vmem>>, vector<16xi32>,
    %shift_right_arithmetic3A_403 = arith.constant 4 : i32
    %shift_right_arithmetic3A_404 = vector.broadcast %shift_right_arithmetic3A_403 : i32 to vector<16xi32>
    %shift_right_arithmetic3A_405 = arith.shrsi %get3A_402, %shift_right_arithmetic3A_404 : vector<16xi32>
    %add3A_406 = arith.constant 0 : i32
    %add3A_407 = vector.broadcast %add3A_406 : i32 to vector<16xi32>
    %add3A_408 = arith.addi %shift_right_arithmetic3A_405, %add3A_407 : vector<16xi32>
    %swap3A_409 = arith.constant 3 : i32
    %swap3A_410 = arith.index_cast %swap3A_409 : i32 to index
    %swap3A_411 = arith.constant 112 : index
    %swap3A_412 = tpu.vector_load %arg6[%swap3A_410, %swap3A_411] {strides = array<i32>} : memref<16x128xi32, #tpu.memory_space<vmem>>, vector<16xi32>,
    tpu.vector_store %arg6[%swap3A_410, %swap3A_411], %add3A_408 {strides = array<i32>} : memref<16x128xi32, #tpu.memory_space<vmem>>, vector<16xi32>,
    %dma_start3A_413 = arith.constant 3 : i32
    %dma_start3A_414 = arith.constant 384 : i32
    %dma_start3A_415 = arith.constant 0 : i32
    %dma_start3A_416 = tpu.memref_slice %arg7[%dma_start3A_414, %dma_start3A_415] : memref<2048x16xf32, #tpu.memory_space<vmem>> -> memref<128x16xf32, #tpu.memory_space<vmem>>
    %dma_start3A_417 = arith.constant 0 : i32
    %dma_start3A_418 = tpu.memref_slice %arg6[%dma_start3A_413, %dma_start3A_417] : memref<16x128xi32, #tpu.memory_space<vmem>> -> memref<1x128xi32, #tpu.memory_space<vmem>>
    %dma_start3A_419 = tpu.memref_squeeze %dma_start3A_418 : memref<1x128xi32, #tpu.memory_space<vmem>> -> memref<128xi32, #tpu.memory_space<vmem>>
    %dma_start3A_420 = arith.constant 0 : i32
    %dma_start3A_421 = arith.constant 0 : i32
    %dma_start3A_422 = tpu.memref_slice %arg3[%dma_start3A_420, %dma_start3A_421] : memref<250000x16xf32, #tpu.memory_space<hbm>> -> memref<250000x16xf32, #tpu.memory_space<hbm>>
    tpu.enqueue_indirect_dma source(%dma_start3A_422 : memref<250000x16xf32, #tpu.memory_space<hbm>>) target(%dma_start3A_416 : memref<128x16xf32, #tpu.memory_space<vmem>>) offsets(%dma_start3A_419 : memref<128xi32, #tpu.memory_space<vmem>>) semaphore(%arg9 : memref<!tpu.dma_semaphore, #tpu.memory_space<semaphore_mem>>)
    %get3A_423 = arith.constant 0 : index
    %get3A_424 = tpu.vector_load %arg5[%get3A_423] {strides = array<i32>} : memref<512xi32, #tpu.memory_space<vmem>>, vector<16xi32>,
    %shift_right_arithmetic3A_425 = arith.constant 4 : i32
    %shift_right_arithmetic3A_426 = vector.broadcast %shift_right_arithmetic3A_425 : i32 to vector<16xi32>
    %shift_right_arithmetic3A_427 = arith.shrsi %get3A_424, %shift_right_arithmetic3A_426 : vector<16xi32>
    %add3A_428 = arith.constant 62500 : i32
    %add3A_429 = vector.broadcast %add3A_428 : i32 to vector<16xi32>
    %add3A_430 = arith.addi %shift_right_arithmetic3A_427, %add3A_429 : vector<16xi32>
    %swap3A_431 = arith.constant 4 : i32
    %swap3A_432 = arith.index_cast %swap3A_431 : i32 to index
    %swap3A_433 = arith.constant 0 : index
    %swap3A_434 = tpu.vector_load %arg6[%swap3A_432, %swap3A_433] {strides = array<i32>} : memref<16x128xi32, #tpu.memory_space<vmem>>, vector<16xi32>,
    tpu.vector_store %arg6[%swap3A_432, %swap3A_433], %add3A_430 {strides = array<i32>} : memref<16x128xi32, #tpu.memory_space<vmem>>, vector<16xi32>,
    %get3A_435 = arith.constant 16 : index
    %get3A_436 = tpu.vector_load %arg5[%get3A_435] {strides = array<i32>} : memref<512xi32, #tpu.memory_space<vmem>>, vector<16xi32>,
    %shift_right_arithmetic3A_437 = arith.constant 4 : i32
    %shift_right_arithmetic3A_438 = vector.broadcast %shift_right_arithmetic3A_437 : i32 to vector<16xi32>
    %shift_right_arithmetic3A_439 = arith.shrsi %get3A_436, %shift_right_arithmetic3A_438 : vector<16xi32>
    %add3A_440 = arith.constant 62500 : i32
    %add3A_441 = vector.broadcast %add3A_440 : i32 to vector<16xi32>
    %add3A_442 = arith.addi %shift_right_arithmetic3A_439, %add3A_441 : vector<16xi32>
    %swap3A_443 = arith.constant 4 : i32
    %swap3A_444 = arith.index_cast %swap3A_443 : i32 to index
    %swap3A_445 = arith.constant 16 : index
    %swap3A_446 = tpu.vector_load %arg6[%swap3A_444, %swap3A_445] {strides = array<i32>} : memref<16x128xi32, #tpu.memory_space<vmem>>, vector<16xi32>,
    tpu.vector_store %arg6[%swap3A_444, %swap3A_445], %add3A_442 {strides = array<i32>} : memref<16x128xi32, #tpu.memory_space<vmem>>, vector<16xi32>,
    %get3A_447 = arith.constant 32 : index
    %get3A_448 = tpu.vector_load %arg5[%get3A_447] {strides = array<i32>} : memref<512xi32, #tpu.memory_space<vmem>>, vector<16xi32>,
    %shift_right_arithmetic3A_449 = arith.constant 4 : i32
    %shift_right_arithmetic3A_450 = vector.broadcast %shift_right_arithmetic3A_449 : i32 to vector<16xi32>
    %shift_right_arithmetic3A_451 = arith.shrsi %get3A_448, %shift_right_arithmetic3A_450 : vector<16xi32>
    %add3A_452 = arith.constant 62500 : i32
    %add3A_453 = vector.broadcast %add3A_452 : i32 to vector<16xi32>
    %add3A_454 = arith.addi %shift_right_arithmetic3A_451, %add3A_453 : vector<16xi32>
    %swap3A_455 = arith.constant 4 : i32
    %swap3A_456 = arith.index_cast %swap3A_455 : i32 to index
    %swap3A_457 = arith.constant 32 : index
    %swap3A_458 = tpu.vector_load %arg6[%swap3A_456, %swap3A_457] {strides = array<i32>} : memref<16x128xi32, #tpu.memory_space<vmem>>, vector<16xi32>,
    tpu.vector_store %arg6[%swap3A_456, %swap3A_457], %add3A_454 {strides = array<i32>} : memref<16x128xi32, #tpu.memory_space<vmem>>, vector<16xi32>,
    %get3A_459 = arith.constant 48 : index
    %get3A_460 = tpu.vector_load %arg5[%get3A_459] {strides = array<i32>} : memref<512xi32, #tpu.memory_space<vmem>>, vector<16xi32>,
    %shift_right_arithmetic3A_461 = arith.constant 4 : i32
    %shift_right_arithmetic3A_462 = vector.broadcast %shift_right_arithmetic3A_461 : i32 to vector<16xi32>
    %shift_right_arithmetic3A_463 = arith.shrsi %get3A_460, %shift_right_arithmetic3A_462 : vector<16xi32>
    %add3A_464 = arith.constant 62500 : i32
    %add3A_465 = vector.broadcast %add3A_464 : i32 to vector<16xi32>
    %add3A_466 = arith.addi %shift_right_arithmetic3A_463, %add3A_465 : vector<16xi32>
    %swap3A_467 = arith.constant 4 : i32
    %swap3A_468 = arith.index_cast %swap3A_467 : i32 to index
    %swap3A_469 = arith.constant 48 : index
    %swap3A_470 = tpu.vector_load %arg6[%swap3A_468, %swap3A_469] {strides = array<i32>} : memref<16x128xi32, #tpu.memory_space<vmem>>, vector<16xi32>,
    tpu.vector_store %arg6[%swap3A_468, %swap3A_469], %add3A_466 {strides = array<i32>} : memref<16x128xi32, #tpu.memory_space<vmem>>, vector<16xi32>,
    %get3A_471 = arith.constant 64 : index
    %get3A_472 = tpu.vector_load %arg5[%get3A_471] {strides = array<i32>} : memref<512xi32, #tpu.memory_space<vmem>>, vector<16xi32>,
    %shift_right_arithmetic3A_473 = arith.constant 4 : i32
    %shift_right_arithmetic3A_474 = vector.broadcast %shift_right_arithmetic3A_473 : i32 to vector<16xi32>
    %shift_right_arithmetic3A_475 = arith.shrsi %get3A_472, %shift_right_arithmetic3A_474 : vector<16xi32>
    %add3A_476 = arith.constant 62500 : i32
    %add3A_477 = vector.broadcast %add3A_476 : i32 to vector<16xi32>
    %add3A_478 = arith.addi %shift_right_arithmetic3A_475, %add3A_477 : vector<16xi32>
    %swap3A_479 = arith.constant 4 : i32
    %swap3A_480 = arith.index_cast %swap3A_479 : i32 to index
    %swap3A_481 = arith.constant 64 : index
    %swap3A_482 = tpu.vector_load %arg6[%swap3A_480, %swap3A_481] {strides = array<i32>} : memref<16x128xi32, #tpu.memory_space<vmem>>, vector<16xi32>,
    tpu.vector_store %arg6[%swap3A_480, %swap3A_481], %add3A_478 {strides = array<i32>} : memref<16x128xi32, #tpu.memory_space<vmem>>, vector<16xi32>,
    %get3A_483 = arith.constant 80 : index
    %get3A_484 = tpu.vector_load %arg5[%get3A_483] {strides = array<i32>} : memref<512xi32, #tpu.memory_space<vmem>>, vector<16xi32>,
    %shift_right_arithmetic3A_485 = arith.constant 4 : i32
    %shift_right_arithmetic3A_486 = vector.broadcast %shift_right_arithmetic3A_485 : i32 to vector<16xi32>
    %shift_right_arithmetic3A_487 = arith.shrsi %get3A_484, %shift_right_arithmetic3A_486 : vector<16xi32>
    %add3A_488 = arith.constant 62500 : i32
    %add3A_489 = vector.broadcast %add3A_488 : i32 to vector<16xi32>
    %add3A_490 = arith.addi %shift_right_arithmetic3A_487, %add3A_489 : vector<16xi32>
    %swap3A_491 = arith.constant 4 : i32
    %swap3A_492 = arith.index_cast %swap3A_491 : i32 to index
    %swap3A_493 = arith.constant 80 : index
    %swap3A_494 = tpu.vector_load %arg6[%swap3A_492, %swap3A_493] {strides = array<i32>} : memref<16x128xi32, #tpu.memory_space<vmem>>, vector<16xi32>,
    tpu.vector_store %arg6[%swap3A_492, %swap3A_493], %add3A_490 {strides = array<i32>} : memref<16x128xi32, #tpu.memory_space<vmem>>, vector<16xi32>,
    %get3A_495 = arith.constant 96 : index
    %get3A_496 = tpu.vector_load %arg5[%get3A_495] {strides = array<i32>} : memref<512xi32, #tpu.memory_space<vmem>>, vector<16xi32>,
    %shift_right_arithmetic3A_497 = arith.constant 4 : i32
    %shift_right_arithmetic3A_498 = vector.broadcast %shift_right_arithmetic3A_497 : i32 to vector<16xi32>
    %shift_right_arithmetic3A_499 = arith.shrsi %get3A_496, %shift_right_arithmetic3A_498 : vector<16xi32>
    %add3A_500 = arith.constant 62500 : i32
    %add3A_501 = vector.broadcast %add3A_500 : i32 to vector<16xi32>
    %add3A_502 = arith.addi %shift_right_arithmetic3A_499, %add3A_501 : vector<16xi32>
    %swap3A_503 = arith.constant 4 : i32
    %swap3A_504 = arith.index_cast %swap3A_503 : i32 to index
    %swap3A_505 = arith.constant 96 : index
    %swap3A_506 = tpu.vector_load %arg6[%swap3A_504, %swap3A_505] {strides = array<i32>} : memref<16x128xi32, #tpu.memory_space<vmem>>, vector<16xi32>,
    tpu.vector_store %arg6[%swap3A_504, %swap3A_505], %add3A_502 {strides = array<i32>} : memref<16x128xi32, #tpu.memory_space<vmem>>, vector<16xi32>,
    %get3A_507 = arith.constant 112 : index
    %get3A_508 = tpu.vector_load %arg5[%get3A_507] {strides = array<i32>} : memref<512xi32, #tpu.memory_space<vmem>>, vector<16xi32>,
    %shift_right_arithmetic3A_509 = arith.constant 4 : i32
    %shift_right_arithmetic3A_510 = vector.broadcast %shift_right_arithmetic3A_509 : i32 to vector<16xi32>
    %shift_right_arithmetic3A_511 = arith.shrsi %get3A_508, %shift_right_arithmetic3A_510 : vector<16xi32>
    %add3A_512 = arith.constant 62500 : i32
    %add3A_513 = vector.broadcast %add3A_512 : i32 to vector<16xi32>
    %add3A_514 = arith.addi %shift_right_arithmetic3A_511, %add3A_513 : vector<16xi32>
    %swap3A_515 = arith.constant 4 : i32
    %swap3A_516 = arith.index_cast %swap3A_515 : i32 to index
    %swap3A_517 = arith.constant 112 : index
    %swap3A_518 = tpu.vector_load %arg6[%swap3A_516, %swap3A_517] {strides = array<i32>} : memref<16x128xi32, #tpu.memory_space<vmem>>, vector<16xi32>,
    tpu.vector_store %arg6[%swap3A_516, %swap3A_517], %add3A_514 {strides = array<i32>} : memref<16x128xi32, #tpu.memory_space<vmem>>, vector<16xi32>,
    %dma_start3A_519 = arith.constant 4 : i32
    %dma_start3A_520 = arith.constant 512 : i32
    %dma_start3A_521 = arith.constant 0 : i32
    %dma_start3A_522 = tpu.memref_slice %arg7[%dma_start3A_520, %dma_start3A_521] : memref<2048x16xf32, #tpu.memory_space<vmem>> -> memref<128x16xf32, #tpu.memory_space<vmem>>
    %dma_start3A_523 = arith.constant 0 : i32
    %dma_start3A_524 = tpu.memref_slice %arg6[%dma_start3A_519, %dma_start3A_523] : memref<16x128xi32, #tpu.memory_space<vmem>> -> memref<1x128xi32, #tpu.memory_space<vmem>>
    %dma_start3A_525 = tpu.memref_squeeze %dma_start3A_524 : memref<1x128xi32, #tpu.memory_space<vmem>> -> memref<128xi32, #tpu.memory_space<vmem>>
    %dma_start3A_526 = arith.constant 0 : i32
    %dma_start3A_527 = arith.constant 0 : i32
    %dma_start3A_528 = tpu.memref_slice %arg3[%dma_start3A_526, %dma_start3A_527] : memref<250000x16xf32, #tpu.memory_space<hbm>> -> memref<250000x16xf32, #tpu.memory_space<hbm>>
    tpu.enqueue_indirect_dma source(%dma_start3A_528 : memref<250000x16xf32, #tpu.memory_space<hbm>>) target(%dma_start3A_522 : memref<128x16xf32, #tpu.memory_space<vmem>>) offsets(%dma_start3A_525 : memref<128xi32, #tpu.memory_space<vmem>>) semaphore(%arg9 : memref<!tpu.dma_semaphore, #tpu.memory_space<semaphore_mem>>)
    %get3A_529 = arith.constant 128 : index
    %get3A_530 = tpu.vector_load %arg5[%get3A_529] {strides = array<i32>} : memref<512xi32, #tpu.memory_space<vmem>>, vector<16xi32>,
    %shift_right_arithmetic3A_531 = arith.constant 4 : i32
    %shift_right_arithmetic3A_532 = vector.broadcast %shift_right_arithmetic3A_531 : i32 to vector<16xi32>
    %shift_right_arithmetic3A_533 = arith.shrsi %get3A_530, %shift_right_arithmetic3A_532 : vector<16xi32>
    %add3A_534 = arith.constant 62500 : i32
    %add3A_535 = vector.broadcast %add3A_534 : i32 to vector<16xi32>
    %add3A_536 = arith.addi %shift_right_arithmetic3A_533, %add3A_535 : vector<16xi32>
    %swap3A_537 = arith.constant 5 : i32
    %swap3A_538 = arith.index_cast %swap3A_537 : i32 to index
    %swap3A_539 = arith.constant 0 : index
    %swap3A_540 = tpu.vector_load %arg6[%swap3A_538, %swap3A_539] {strides = array<i32>} : memref<16x128xi32, #tpu.memory_space<vmem>>, vector<16xi32>,
    tpu.vector_store %arg6[%swap3A_538, %swap3A_539], %add3A_536 {strides = array<i32>} : memref<16x128xi32, #tpu.memory_space<vmem>>, vector<16xi32>,
    %get3A_541 = arith.constant 144 : index
    %get3A_542 = tpu.vector_load %arg5[%get3A_541] {strides = array<i32>} : memref<512xi32, #tpu.memory_space<vmem>>, vector<16xi32>,
    %shift_right_arithmetic3A_543 = arith.constant 4 : i32
    %shift_right_arithmetic3A_544 = vector.broadcast %shift_right_arithmetic3A_543 : i32 to vector<16xi32>
    %shift_right_arithmetic3A_545 = arith.shrsi %get3A_542, %shift_right_arithmetic3A_544 : vector<16xi32>
    %add3A_546 = arith.constant 62500 : i32
    %add3A_547 = vector.broadcast %add3A_546 : i32 to vector<16xi32>
    %add3A_548 = arith.addi %shift_right_arithmetic3A_545, %add3A_547 : vector<16xi32>
    %swap3A_549 = arith.constant 5 : i32
    %swap3A_550 = arith.index_cast %swap3A_549 : i32 to index
    %swap3A_551 = arith.constant 16 : index
    %swap3A_552 = tpu.vector_load %arg6[%swap3A_550, %swap3A_551] {strides = array<i32>} : memref<16x128xi32, #tpu.memory_space<vmem>>, vector<16xi32>,
    tpu.vector_store %arg6[%swap3A_550, %swap3A_551], %add3A_548 {strides = array<i32>} : memref<16x128xi32, #tpu.memory_space<vmem>>, vector<16xi32>,
    %get3A_553 = arith.constant 160 : index
    %get3A_554 = tpu.vector_load %arg5[%get3A_553] {strides = array<i32>} : memref<512xi32, #tpu.memory_space<vmem>>, vector<16xi32>,
    %shift_right_arithmetic3A_555 = arith.constant 4 : i32
    %shift_right_arithmetic3A_556 = vector.broadcast %shift_right_arithmetic3A_555 : i32 to vector<16xi32>
    %shift_right_arithmetic3A_557 = arith.shrsi %get3A_554, %shift_right_arithmetic3A_556 : vector<16xi32>
    %add3A_558 = arith.constant 62500 : i32
    %add3A_559 = vector.broadcast %add3A_558 : i32 to vector<16xi32>
    %add3A_560 = arith.addi %shift_right_arithmetic3A_557, %add3A_559 : vector<16xi32>
    %swap3A_561 = arith.constant 5 : i32
    %swap3A_562 = arith.index_cast %swap3A_561 : i32 to index
    %swap3A_563 = arith.constant 32 : index
    %swap3A_564 = tpu.vector_load %arg6[%swap3A_562, %swap3A_563] {strides = array<i32>} : memref<16x128xi32, #tpu.memory_space<vmem>>, vector<16xi32>,
    tpu.vector_store %arg6[%swap3A_562, %swap3A_563], %add3A_560 {strides = array<i32>} : memref<16x128xi32, #tpu.memory_space<vmem>>, vector<16xi32>,
    %get3A_565 = arith.constant 176 : index
    %get3A_566 = tpu.vector_load %arg5[%get3A_565] {strides = array<i32>} : memref<512xi32, #tpu.memory_space<vmem>>, vector<16xi32>,
    %shift_right_arithmetic3A_567 = arith.constant 4 : i32
    %shift_right_arithmetic3A_568 = vector.broadcast %shift_right_arithmetic3A_567 : i32 to vector<16xi32>
    %shift_right_arithmetic3A_569 = arith.shrsi %get3A_566, %shift_right_arithmetic3A_568 : vector<16xi32>
    %add3A_570 = arith.constant 62500 : i32
    %add3A_571 = vector.broadcast %add3A_570 : i32 to vector<16xi32>
    %add3A_572 = arith.addi %shift_right_arithmetic3A_569, %add3A_571 : vector<16xi32>
    %swap3A_573 = arith.constant 5 : i32
    %swap3A_574 = arith.index_cast %swap3A_573 : i32 to index
    %swap3A_575 = arith.constant 48 : index
    %swap3A_576 = tpu.vector_load %arg6[%swap3A_574, %swap3A_575] {strides = array<i32>} : memref<16x128xi32, #tpu.memory_space<vmem>>, vector<16xi32>,
    tpu.vector_store %arg6[%swap3A_574, %swap3A_575], %add3A_572 {strides = array<i32>} : memref<16x128xi32, #tpu.memory_space<vmem>>, vector<16xi32>,
    %get3A_577 = arith.constant 192 : index
    %get3A_578 = tpu.vector_load %arg5[%get3A_577] {strides = array<i32>} : memref<512xi32, #tpu.memory_space<vmem>>, vector<16xi32>,
    %shift_right_arithmetic3A_579 = arith.constant 4 : i32
    %shift_right_arithmetic3A_580 = vector.broadcast %shift_right_arithmetic3A_579 : i32 to vector<16xi32>
    %shift_right_arithmetic3A_581 = arith.shrsi %get3A_578, %shift_right_arithmetic3A_580 : vector<16xi32>
    %add3A_582 = arith.constant 62500 : i32
    %add3A_583 = vector.broadcast %add3A_582 : i32 to vector<16xi32>
    %add3A_584 = arith.addi %shift_right_arithmetic3A_581, %add3A_583 : vector<16xi32>
    %swap3A_585 = arith.constant 5 : i32
    %swap3A_586 = arith.index_cast %swap3A_585 : i32 to index
    %swap3A_587 = arith.constant 64 : index
    %swap3A_588 = tpu.vector_load %arg6[%swap3A_586, %swap3A_587] {strides = array<i32>} : memref<16x128xi32, #tpu.memory_space<vmem>>, vector<16xi32>,
    tpu.vector_store %arg6[%swap3A_586, %swap3A_587], %add3A_584 {strides = array<i32>} : memref<16x128xi32, #tpu.memory_space<vmem>>, vector<16xi32>,
    %get3A_589 = arith.constant 208 : index
    %get3A_590 = tpu.vector_load %arg5[%get3A_589] {strides = array<i32>} : memref<512xi32, #tpu.memory_space<vmem>>, vector<16xi32>,
    %shift_right_arithmetic3A_591 = arith.constant 4 : i32
    %shift_right_arithmetic3A_592 = vector.broadcast %shift_right_arithmetic3A_591 : i32 to vector<16xi32>
    %shift_right_arithmetic3A_593 = arith.shrsi %get3A_590, %shift_right_arithmetic3A_592 : vector<16xi32>
    %add3A_594 = arith.constant 62500 : i32
    %add3A_595 = vector.broadcast %add3A_594 : i32 to vector<16xi32>
    %add3A_596 = arith.addi %shift_right_arithmetic3A_593, %add3A_595 : vector<16xi32>
    %swap3A_597 = arith.constant 5 : i32
    %swap3A_598 = arith.index_cast %swap3A_597 : i32 to index
    %swap3A_599 = arith.constant 80 : index
    %swap3A_600 = tpu.vector_load %arg6[%swap3A_598, %swap3A_599] {strides = array<i32>} : memref<16x128xi32, #tpu.memory_space<vmem>>, vector<16xi32>,
    tpu.vector_store %arg6[%swap3A_598, %swap3A_599], %add3A_596 {strides = array<i32>} : memref<16x128xi32, #tpu.memory_space<vmem>>, vector<16xi32>,
    %get3A_601 = arith.constant 224 : index
    %get3A_602 = tpu.vector_load %arg5[%get3A_601] {strides = array<i32>} : memref<512xi32, #tpu.memory_space<vmem>>, vector<16xi32>,
    %shift_right_arithmetic3A_603 = arith.constant 4 : i32
    %shift_right_arithmetic3A_604 = vector.broadcast %shift_right_arithmetic3A_603 : i32 to vector<16xi32>
    %shift_right_arithmetic3A_605 = arith.shrsi %get3A_602, %shift_right_arithmetic3A_604 : vector<16xi32>
    %add3A_606 = arith.constant 62500 : i32
    %add3A_607 = vector.broadcast %add3A_606 : i32 to vector<16xi32>
    %add3A_608 = arith.addi %shift_right_arithmetic3A_605, %add3A_607 : vector<16xi32>
    %swap3A_609 = arith.constant 5 : i32
    %swap3A_610 = arith.index_cast %swap3A_609 : i32 to index
    %swap3A_611 = arith.constant 96 : index
    %swap3A_612 = tpu.vector_load %arg6[%swap3A_610, %swap3A_611] {strides = array<i32>} : memref<16x128xi32, #tpu.memory_space<vmem>>, vector<16xi32>,
    tpu.vector_store %arg6[%swap3A_610, %swap3A_611], %add3A_608 {strides = array<i32>} : memref<16x128xi32, #tpu.memory_space<vmem>>, vector<16xi32>,
    %get3A_613 = arith.constant 240 : index
    %get3A_614 = tpu.vector_load %arg5[%get3A_613] {strides = array<i32>} : memref<512xi32, #tpu.memory_space<vmem>>, vector<16xi32>,
    %shift_right_arithmetic3A_615 = arith.constant 4 : i32
    %shift_right_arithmetic3A_616 = vector.broadcast %shift_right_arithmetic3A_615 : i32 to vector<16xi32>
    %shift_right_arithmetic3A_617 = arith.shrsi %get3A_614, %shift_right_arithmetic3A_616 : vector<16xi32>
    %add3A_618 = arith.constant 62500 : i32
    %add3A_619 = vector.broadcast %add3A_618 : i32 to vector<16xi32>
    %add3A_620 = arith.addi %shift_right_arithmetic3A_617, %add3A_619 : vector<16xi32>
    %swap3A_621 = arith.constant 5 : i32
    %swap3A_622 = arith.index_cast %swap3A_621 : i32 to index
    %swap3A_623 = arith.constant 112 : index
    %swap3A_624 = tpu.vector_load %arg6[%swap3A_622, %swap3A_623] {strides = array<i32>} : memref<16x128xi32, #tpu.memory_space<vmem>>, vector<16xi32>,
    tpu.vector_store %arg6[%swap3A_622, %swap3A_623], %add3A_620 {strides = array<i32>} : memref<16x128xi32, #tpu.memory_space<vmem>>, vector<16xi32>,
    %dma_start3A_625 = arith.constant 5 : i32
    %dma_start3A_626 = arith.constant 640 : i32
    %dma_start3A_627 = arith.constant 0 : i32
    %dma_start3A_628 = tpu.memref_slice %arg7[%dma_start3A_626, %dma_start3A_627] : memref<2048x16xf32, #tpu.memory_space<vmem>> -> memref<128x16xf32, #tpu.memory_space<vmem>>
    %dma_start3A_629 = arith.constant 0 : i32
    %dma_start3A_630 = tpu.memref_slice %arg6[%dma_start3A_625, %dma_start3A_629] : memref<16x128xi32, #tpu.memory_space<vmem>> -> memref<1x128xi32, #tpu.memory_space<vmem>>
    %dma_start3A_631 = tpu.memref_squeeze %dma_start3A_630 : memref<1x128xi32, #tpu.memory_space<vmem>> -> memref<128xi32, #tpu.memory_space<vmem>>
    %dma_start3A_632 = arith.constant 0 : i32
    %dma_start3A_633 = arith.constant 0 : i32
    %dma_start3A_634 = tpu.memref_slice %arg3[%dma_start3A_632, %dma_start3A_633] : memref<250000x16xf32, #tpu.memory_space<hbm>> -> memref<250000x16xf32, #tpu.memory_space<hbm>>
    tpu.enqueue_indirect_dma source(%dma_start3A_634 : memref<250000x16xf32, #tpu.memory_space<hbm>>) target(%dma_start3A_628 : memref<128x16xf32, #tpu.memory_space<vmem>>) offsets(%dma_start3A_631 : memref<128xi32, #tpu.memory_space<vmem>>) semaphore(%arg9 : memref<!tpu.dma_semaphore, #tpu.memory_space<semaphore_mem>>)
    %get3A_635 = arith.constant 256 : index
    %get3A_636 = tpu.vector_load %arg5[%get3A_635] {strides = array<i32>} : memref<512xi32, #tpu.memory_space<vmem>>, vector<16xi32>,
    %shift_right_arithmetic3A_637 = arith.constant 4 : i32
    %shift_right_arithmetic3A_638 = vector.broadcast %shift_right_arithmetic3A_637 : i32 to vector<16xi32>
    %shift_right_arithmetic3A_639 = arith.shrsi %get3A_636, %shift_right_arithmetic3A_638 : vector<16xi32>
    %add3A_640 = arith.constant 62500 : i32
    %add3A_641 = vector.broadcast %add3A_640 : i32 to vector<16xi32>
    %add3A_642 = arith.addi %shift_right_arithmetic3A_639, %add3A_641 : vector<16xi32>
    %swap3A_643 = arith.constant 6 : i32
    %swap3A_644 = arith.index_cast %swap3A_643 : i32 to index
    %swap3A_645 = arith.constant 0 : index
    %swap3A_646 = tpu.vector_load %arg6[%swap3A_644, %swap3A_645] {strides = array<i32>} : memref<16x128xi32, #tpu.memory_space<vmem>>, vector<16xi32>,
    tpu.vector_store %arg6[%swap3A_644, %swap3A_645], %add3A_642 {strides = array<i32>} : memref<16x128xi32, #tpu.memory_space<vmem>>, vector<16xi32>,
    %get3A_647 = arith.constant 272 : index
    %get3A_648 = tpu.vector_load %arg5[%get3A_647] {strides = array<i32>} : memref<512xi32, #tpu.memory_space<vmem>>, vector<16xi32>,
    %shift_right_arithmetic3A_649 = arith.constant 4 : i32
    %shift_right_arithmetic3A_650 = vector.broadcast %shift_right_arithmetic3A_649 : i32 to vector<16xi32>
    %shift_right_arithmetic3A_651 = arith.shrsi %get3A_648, %shift_right_arithmetic3A_650 : vector<16xi32>
    %add3A_652 = arith.constant 62500 : i32
    %add3A_653 = vector.broadcast %add3A_652 : i32 to vector<16xi32>
    %add3A_654 = arith.addi %shift_right_arithmetic3A_651, %add3A_653 : vector<16xi32>
    %swap3A_655 = arith.constant 6 : i32
    %swap3A_656 = arith.index_cast %swap3A_655 : i32 to index
    %swap3A_657 = arith.constant 16 : index
    %swap3A_658 = tpu.vector_load %arg6[%swap3A_656, %swap3A_657] {strides = array<i32>} : memref<16x128xi32, #tpu.memory_space<vmem>>, vector<16xi32>,
    tpu.vector_store %arg6[%swap3A_656, %swap3A_657], %add3A_654 {strides = array<i32>} : memref<16x128xi32, #tpu.memory_space<vmem>>, vector<16xi32>,
    %get3A_659 = arith.constant 288 : index
    %get3A_660 = tpu.vector_load %arg5[%get3A_659] {strides = array<i32>} : memref<512xi32, #tpu.memory_space<vmem>>, vector<16xi32>,
    %shift_right_arithmetic3A_661 = arith.constant 4 : i32
    %shift_right_arithmetic3A_662 = vector.broadcast %shift_right_arithmetic3A_661 : i32 to vector<16xi32>
    %shift_right_arithmetic3A_663 = arith.shrsi %get3A_660, %shift_right_arithmetic3A_662 : vector<16xi32>
    %add3A_664 = arith.constant 62500 : i32
    %add3A_665 = vector.broadcast %add3A_664 : i32 to vector<16xi32>
    %add3A_666 = arith.addi %shift_right_arithmetic3A_663, %add3A_665 : vector<16xi32>
    %swap3A_667 = arith.constant 6 : i32
    %swap3A_668 = arith.index_cast %swap3A_667 : i32 to index
    %swap3A_669 = arith.constant 32 : index
    %swap3A_670 = tpu.vector_load %arg6[%swap3A_668, %swap3A_669] {strides = array<i32>} : memref<16x128xi32, #tpu.memory_space<vmem>>, vector<16xi32>,
    tpu.vector_store %arg6[%swap3A_668, %swap3A_669], %add3A_666 {strides = array<i32>} : memref<16x128xi32, #tpu.memory_space<vmem>>, vector<16xi32>,
    %get3A_671 = arith.constant 304 : index
    %get3A_672 = tpu.vector_load %arg5[%get3A_671] {strides = array<i32>} : memref<512xi32, #tpu.memory_space<vmem>>, vector<16xi32>,
    %shift_right_arithmetic3A_673 = arith.constant 4 : i32
    %shift_right_arithmetic3A_674 = vector.broadcast %shift_right_arithmetic3A_673 : i32 to vector<16xi32>
    %shift_right_arithmetic3A_675 = arith.shrsi %get3A_672, %shift_right_arithmetic3A_674 : vector<16xi32>
    %add3A_676 = arith.constant 62500 : i32
    %add3A_677 = vector.broadcast %add3A_676 : i32 to vector<16xi32>
    %add3A_678 = arith.addi %shift_right_arithmetic3A_675, %add3A_677 : vector<16xi32>
    %swap3A_679 = arith.constant 6 : i32
    %swap3A_680 = arith.index_cast %swap3A_679 : i32 to index
    %swap3A_681 = arith.constant 48 : index
    %swap3A_682 = tpu.vector_load %arg6[%swap3A_680, %swap3A_681] {strides = array<i32>} : memref<16x128xi32, #tpu.memory_space<vmem>>, vector<16xi32>,
    tpu.vector_store %arg6[%swap3A_680, %swap3A_681], %add3A_678 {strides = array<i32>} : memref<16x128xi32, #tpu.memory_space<vmem>>, vector<16xi32>,
    %get3A_683 = arith.constant 320 : index
    %get3A_684 = tpu.vector_load %arg5[%get3A_683] {strides = array<i32>} : memref<512xi32, #tpu.memory_space<vmem>>, vector<16xi32>,
    %shift_right_arithmetic3A_685 = arith.constant 4 : i32
    %shift_right_arithmetic3A_686 = vector.broadcast %shift_right_arithmetic3A_685 : i32 to vector<16xi32>
    %shift_right_arithmetic3A_687 = arith.shrsi %get3A_684, %shift_right_arithmetic3A_686 : vector<16xi32>
    %add3A_688 = arith.constant 62500 : i32
    %add3A_689 = vector.broadcast %add3A_688 : i32 to vector<16xi32>
    %add3A_690 = arith.addi %shift_right_arithmetic3A_687, %add3A_689 : vector<16xi32>
    %swap3A_691 = arith.constant 6 : i32
    %swap3A_692 = arith.index_cast %swap3A_691 : i32 to index
    %swap3A_693 = arith.constant 64 : index
    %swap3A_694 = tpu.vector_load %arg6[%swap3A_692, %swap3A_693] {strides = array<i32>} : memref<16x128xi32, #tpu.memory_space<vmem>>, vector<16xi32>,
    tpu.vector_store %arg6[%swap3A_692, %swap3A_693], %add3A_690 {strides = array<i32>} : memref<16x128xi32, #tpu.memory_space<vmem>>, vector<16xi32>,
    %get3A_695 = arith.constant 336 : index
    %get3A_696 = tpu.vector_load %arg5[%get3A_695] {strides = array<i32>} : memref<512xi32, #tpu.memory_space<vmem>>, vector<16xi32>,
    %shift_right_arithmetic3A_697 = arith.constant 4 : i32
    %shift_right_arithmetic3A_698 = vector.broadcast %shift_right_arithmetic3A_697 : i32 to vector<16xi32>
    %shift_right_arithmetic3A_699 = arith.shrsi %get3A_696, %shift_right_arithmetic3A_698 : vector<16xi32>
    %add3A_700 = arith.constant 62500 : i32
    %add3A_701 = vector.broadcast %add3A_700 : i32 to vector<16xi32>
    %add3A_702 = arith.addi %shift_right_arithmetic3A_699, %add3A_701 : vector<16xi32>
    %swap3A_703 = arith.constant 6 : i32
    %swap3A_704 = arith.index_cast %swap3A_703 : i32 to index
    %swap3A_705 = arith.constant 80 : index
    %swap3A_706 = tpu.vector_load %arg6[%swap3A_704, %swap3A_705] {strides = array<i32>} : memref<16x128xi32, #tpu.memory_space<vmem>>, vector<16xi32>,
    tpu.vector_store %arg6[%swap3A_704, %swap3A_705], %add3A_702 {strides = array<i32>} : memref<16x128xi32, #tpu.memory_space<vmem>>, vector<16xi32>,
    %get3A_707 = arith.constant 352 : index
    %get3A_708 = tpu.vector_load %arg5[%get3A_707] {strides = array<i32>} : memref<512xi32, #tpu.memory_space<vmem>>, vector<16xi32>,
    %shift_right_arithmetic3A_709 = arith.constant 4 : i32
    %shift_right_arithmetic3A_710 = vector.broadcast %shift_right_arithmetic3A_709 : i32 to vector<16xi32>
    %shift_right_arithmetic3A_711 = arith.shrsi %get3A_708, %shift_right_arithmetic3A_710 : vector<16xi32>
    %add3A_712 = arith.constant 62500 : i32
    %add3A_713 = vector.broadcast %add3A_712 : i32 to vector<16xi32>
    %add3A_714 = arith.addi %shift_right_arithmetic3A_711, %add3A_713 : vector<16xi32>
    %swap3A_715 = arith.constant 6 : i32
    %swap3A_716 = arith.index_cast %swap3A_715 : i32 to index
    %swap3A_717 = arith.constant 96 : index
    %swap3A_718 = tpu.vector_load %arg6[%swap3A_716, %swap3A_717] {strides = array<i32>} : memref<16x128xi32, #tpu.memory_space<vmem>>, vector<16xi32>,
    tpu.vector_store %arg6[%swap3A_716, %swap3A_717], %add3A_714 {strides = array<i32>} : memref<16x128xi32, #tpu.memory_space<vmem>>, vector<16xi32>,
    %get3A_719 = arith.constant 368 : index
    %get3A_720 = tpu.vector_load %arg5[%get3A_719] {strides = array<i32>} : memref<512xi32, #tpu.memory_space<vmem>>, vector<16xi32>,
    %shift_right_arithmetic3A_721 = arith.constant 4 : i32
    %shift_right_arithmetic3A_722 = vector.broadcast %shift_right_arithmetic3A_721 : i32 to vector<16xi32>
    %shift_right_arithmetic3A_723 = arith.shrsi %get3A_720, %shift_right_arithmetic3A_722 : vector<16xi32>
    %add3A_724 = arith.constant 62500 : i32
    %add3A_725 = vector.broadcast %add3A_724 : i32 to vector<16xi32>
    %add3A_726 = arith.addi %shift_right_arithmetic3A_723, %add3A_725 : vector<16xi32>
    %swap3A_727 = arith.constant 6 : i32
    %swap3A_728 = arith.index_cast %swap3A_727 : i32 to index
    %swap3A_729 = arith.constant 112 : index
    %swap3A_730 = tpu.vector_load %arg6[%swap3A_728, %swap3A_729] {strides = array<i32>} : memref<16x128xi32, #tpu.memory_space<vmem>>, vector<16xi32>,
    tpu.vector_store %arg6[%swap3A_728, %swap3A_729], %add3A_726 {strides = array<i32>} : memref<16x128xi32, #tpu.memory_space<vmem>>, vector<16xi32>,
    %dma_start3A_731 = arith.constant 6 : i32
    %dma_start3A_732 = arith.constant 768 : i32
    %dma_start3A_733 = arith.constant 0 : i32
    %dma_start3A_734 = tpu.memref_slice %arg7[%dma_start3A_732, %dma_start3A_733] : memref<2048x16xf32, #tpu.memory_space<vmem>> -> memref<128x16xf32, #tpu.memory_space<vmem>>
    %dma_start3A_735 = arith.constant 0 : i32
    %dma_start3A_736 = tpu.memref_slice %arg6[%dma_start3A_731, %dma_start3A_735] : memref<16x128xi32, #tpu.memory_space<vmem>> -> memref<1x128xi32, #tpu.memory_space<vmem>>
    %dma_start3A_737 = tpu.memref_squeeze %dma_start3A_736 : memref<1x128xi32, #tpu.memory_space<vmem>> -> memref<128xi32, #tpu.memory_space<vmem>>
    %dma_start3A_738 = arith.constant 0 : i32
    %dma_start3A_739 = arith.constant 0 : i32
    %dma_start3A_740 = tpu.memref_slice %arg3[%dma_start3A_738, %dma_start3A_739] : memref<250000x16xf32, #tpu.memory_space<hbm>> -> memref<250000x16xf32, #tpu.memory_space<hbm>>
    tpu.enqueue_indirect_dma source(%dma_start3A_740 : memref<250000x16xf32, #tpu.memory_space<hbm>>) target(%dma_start3A_734 : memref<128x16xf32, #tpu.memory_space<vmem>>) offsets(%dma_start3A_737 : memref<128xi32, #tpu.memory_space<vmem>>) semaphore(%arg9 : memref<!tpu.dma_semaphore, #tpu.memory_space<semaphore_mem>>)
    %get3A_741 = arith.constant 384 : index
    %get3A_742 = tpu.vector_load %arg5[%get3A_741] {strides = array<i32>} : memref<512xi32, #tpu.memory_space<vmem>>, vector<16xi32>,
    %shift_right_arithmetic3A_743 = arith.constant 4 : i32
    %shift_right_arithmetic3A_744 = vector.broadcast %shift_right_arithmetic3A_743 : i32 to vector<16xi32>
    %shift_right_arithmetic3A_745 = arith.shrsi %get3A_742, %shift_right_arithmetic3A_744 : vector<16xi32>
    %add3A_746 = arith.constant 62500 : i32
    %add3A_747 = vector.broadcast %add3A_746 : i32 to vector<16xi32>
    %add3A_748 = arith.addi %shift_right_arithmetic3A_745, %add3A_747 : vector<16xi32>
    %swap3A_749 = arith.constant 7 : i32
    %swap3A_750 = arith.index_cast %swap3A_749 : i32 to index
    %swap3A_751 = arith.constant 0 : index
    %swap3A_752 = tpu.vector_load %arg6[%swap3A_750, %swap3A_751] {strides = array<i32>} : memref<16x128xi32, #tpu.memory_space<vmem>>, vector<16xi32>,
    tpu.vector_store %arg6[%swap3A_750, %swap3A_751], %add3A_748 {strides = array<i32>} : memref<16x128xi32, #tpu.memory_space<vmem>>, vector<16xi32>,
    %get3A_753 = arith.constant 400 : index
    %get3A_754 = tpu.vector_load %arg5[%get3A_753] {strides = array<i32>} : memref<512xi32, #tpu.memory_space<vmem>>, vector<16xi32>,
    %shift_right_arithmetic3A_755 = arith.constant 4 : i32
    %shift_right_arithmetic3A_756 = vector.broadcast %shift_right_arithmetic3A_755 : i32 to vector<16xi32>
    %shift_right_arithmetic3A_757 = arith.shrsi %get3A_754, %shift_right_arithmetic3A_756 : vector<16xi32>
    %add3A_758 = arith.constant 62500 : i32
    %add3A_759 = vector.broadcast %add3A_758 : i32 to vector<16xi32>
    %add3A_760 = arith.addi %shift_right_arithmetic3A_757, %add3A_759 : vector<16xi32>
    %swap3A_761 = arith.constant 7 : i32
    %swap3A_762 = arith.index_cast %swap3A_761 : i32 to index
    %swap3A_763 = arith.constant 16 : index
    %swap3A_764 = tpu.vector_load %arg6[%swap3A_762, %swap3A_763] {strides = array<i32>} : memref<16x128xi32, #tpu.memory_space<vmem>>, vector<16xi32>,
    tpu.vector_store %arg6[%swap3A_762, %swap3A_763], %add3A_760 {strides = array<i32>} : memref<16x128xi32, #tpu.memory_space<vmem>>, vector<16xi32>,
    %get3A_765 = arith.constant 416 : index
    %get3A_766 = tpu.vector_load %arg5[%get3A_765] {strides = array<i32>} : memref<512xi32, #tpu.memory_space<vmem>>, vector<16xi32>,
    %shift_right_arithmetic3A_767 = arith.constant 4 : i32
    %shift_right_arithmetic3A_768 = vector.broadcast %shift_right_arithmetic3A_767 : i32 to vector<16xi32>
    %shift_right_arithmetic3A_769 = arith.shrsi %get3A_766, %shift_right_arithmetic3A_768 : vector<16xi32>
    %add3A_770 = arith.constant 62500 : i32
    %add3A_771 = vector.broadcast %add3A_770 : i32 to vector<16xi32>
    %add3A_772 = arith.addi %shift_right_arithmetic3A_769, %add3A_771 : vector<16xi32>
    %swap3A_773 = arith.constant 7 : i32
    %swap3A_774 = arith.index_cast %swap3A_773 : i32 to index
    %swap3A_775 = arith.constant 32 : index
    %swap3A_776 = tpu.vector_load %arg6[%swap3A_774, %swap3A_775] {strides = array<i32>} : memref<16x128xi32, #tpu.memory_space<vmem>>, vector<16xi32>,
    tpu.vector_store %arg6[%swap3A_774, %swap3A_775], %add3A_772 {strides = array<i32>} : memref<16x128xi32, #tpu.memory_space<vmem>>, vector<16xi32>,
    %get3A_777 = arith.constant 432 : index
    %get3A_778 = tpu.vector_load %arg5[%get3A_777] {strides = array<i32>} : memref<512xi32, #tpu.memory_space<vmem>>, vector<16xi32>,
    %shift_right_arithmetic3A_779 = arith.constant 4 : i32
    %shift_right_arithmetic3A_780 = vector.broadcast %shift_right_arithmetic3A_779 : i32 to vector<16xi32>
    %shift_right_arithmetic3A_781 = arith.shrsi %get3A_778, %shift_right_arithmetic3A_780 : vector<16xi32>
    %add3A_782 = arith.constant 62500 : i32
    %add3A_783 = vector.broadcast %add3A_782 : i32 to vector<16xi32>
    %add3A_784 = arith.addi %shift_right_arithmetic3A_781, %add3A_783 : vector<16xi32>
    %swap3A_785 = arith.constant 7 : i32
    %swap3A_786 = arith.index_cast %swap3A_785 : i32 to index
    %swap3A_787 = arith.constant 48 : index
    %swap3A_788 = tpu.vector_load %arg6[%swap3A_786, %swap3A_787] {strides = array<i32>} : memref<16x128xi32, #tpu.memory_space<vmem>>, vector<16xi32>,
    tpu.vector_store %arg6[%swap3A_786, %swap3A_787], %add3A_784 {strides = array<i32>} : memref<16x128xi32, #tpu.memory_space<vmem>>, vector<16xi32>,
    %get3A_789 = arith.constant 448 : index
    %get3A_790 = tpu.vector_load %arg5[%get3A_789] {strides = array<i32>} : memref<512xi32, #tpu.memory_space<vmem>>, vector<16xi32>,
    %shift_right_arithmetic3A_791 = arith.constant 4 : i32
    %shift_right_arithmetic3A_792 = vector.broadcast %shift_right_arithmetic3A_791 : i32 to vector<16xi32>
    %shift_right_arithmetic3A_793 = arith.shrsi %get3A_790, %shift_right_arithmetic3A_792 : vector<16xi32>
    %add3A_794 = arith.constant 62500 : i32
    %add3A_795 = vector.broadcast %add3A_794 : i32 to vector<16xi32>
    %add3A_796 = arith.addi %shift_right_arithmetic3A_793, %add3A_795 : vector<16xi32>
    %swap3A_797 = arith.constant 7 : i32
    %swap3A_798 = arith.index_cast %swap3A_797 : i32 to index
    %swap3A_799 = arith.constant 64 : index
    %swap3A_800 = tpu.vector_load %arg6[%swap3A_798, %swap3A_799] {strides = array<i32>} : memref<16x128xi32, #tpu.memory_space<vmem>>, vector<16xi32>,
    tpu.vector_store %arg6[%swap3A_798, %swap3A_799], %add3A_796 {strides = array<i32>} : memref<16x128xi32, #tpu.memory_space<vmem>>, vector<16xi32>,
    %get3A_801 = arith.constant 464 : index
    %get3A_802 = tpu.vector_load %arg5[%get3A_801] {strides = array<i32>} : memref<512xi32, #tpu.memory_space<vmem>>, vector<16xi32>,
    %shift_right_arithmetic3A_803 = arith.constant 4 : i32
    %shift_right_arithmetic3A_804 = vector.broadcast %shift_right_arithmetic3A_803 : i32 to vector<16xi32>
    %shift_right_arithmetic3A_805 = arith.shrsi %get3A_802, %shift_right_arithmetic3A_804 : vector<16xi32>
    %add3A_806 = arith.constant 62500 : i32
    %add3A_807 = vector.broadcast %add3A_806 : i32 to vector<16xi32>
    %add3A_808 = arith.addi %shift_right_arithmetic3A_805, %add3A_807 : vector<16xi32>
    %swap3A_809 = arith.constant 7 : i32
    %swap3A_810 = arith.index_cast %swap3A_809 : i32 to index
    %swap3A_811 = arith.constant 80 : index
    %swap3A_812 = tpu.vector_load %arg6[%swap3A_810, %swap3A_811] {strides = array<i32>} : memref<16x128xi32, #tpu.memory_space<vmem>>, vector<16xi32>,
    tpu.vector_store %arg6[%swap3A_810, %swap3A_811], %add3A_808 {strides = array<i32>} : memref<16x128xi32, #tpu.memory_space<vmem>>, vector<16xi32>,
    %get3A_813 = arith.constant 480 : index
    %get3A_814 = tpu.vector_load %arg5[%get3A_813] {strides = array<i32>} : memref<512xi32, #tpu.memory_space<vmem>>, vector<16xi32>,
    %shift_right_arithmetic3A_815 = arith.constant 4 : i32
    %shift_right_arithmetic3A_816 = vector.broadcast %shift_right_arithmetic3A_815 : i32 to vector<16xi32>
    %shift_right_arithmetic3A_817 = arith.shrsi %get3A_814, %shift_right_arithmetic3A_816 : vector<16xi32>
    %add3A_818 = arith.constant 62500 : i32
    %add3A_819 = vector.broadcast %add3A_818 : i32 to vector<16xi32>
    %add3A_820 = arith.addi %shift_right_arithmetic3A_817, %add3A_819 : vector<16xi32>
    %swap3A_821 = arith.constant 7 : i32
    %swap3A_822 = arith.index_cast %swap3A_821 : i32 to index
    %swap3A_823 = arith.constant 96 : index
    %swap3A_824 = tpu.vector_load %arg6[%swap3A_822, %swap3A_823] {strides = array<i32>} : memref<16x128xi32, #tpu.memory_space<vmem>>, vector<16xi32>,
    tpu.vector_store %arg6[%swap3A_822, %swap3A_823], %add3A_820 {strides = array<i32>} : memref<16x128xi32, #tpu.memory_space<vmem>>, vector<16xi32>,
    %get3A_825 = arith.constant 496 : index
    %get3A_826 = tpu.vector_load %arg5[%get3A_825] {strides = array<i32>} : memref<512xi32, #tpu.memory_space<vmem>>, vector<16xi32>,
    %shift_right_arithmetic3A_827 = arith.constant 4 : i32
    %shift_right_arithmetic3A_828 = vector.broadcast %shift_right_arithmetic3A_827 : i32 to vector<16xi32>
    %shift_right_arithmetic3A_829 = arith.shrsi %get3A_826, %shift_right_arithmetic3A_828 : vector<16xi32>
    %add3A_830 = arith.constant 62500 : i32
    %add3A_831 = vector.broadcast %add3A_830 : i32 to vector<16xi32>
    %add3A_832 = arith.addi %shift_right_arithmetic3A_829, %add3A_831 : vector<16xi32>
    %swap3A_833 = arith.constant 7 : i32
    %swap3A_834 = arith.index_cast %swap3A_833 : i32 to index
    %swap3A_835 = arith.constant 112 : index
    %swap3A_836 = tpu.vector_load %arg6[%swap3A_834, %swap3A_835] {strides = array<i32>} : memref<16x128xi32, #tpu.memory_space<vmem>>, vector<16xi32>,
    tpu.vector_store %arg6[%swap3A_834, %swap3A_835], %add3A_832 {strides = array<i32>} : memref<16x128xi32, #tpu.memory_space<vmem>>, vector<16xi32>,
    %dma_start3A_837 = arith.constant 7 : i32
    %dma_start3A_838 = arith.constant 896 : i32
    %dma_start3A_839 = arith.constant 0 : i32
    %dma_start3A_840 = tpu.memref_slice %arg7[%dma_start3A_838, %dma_start3A_839] : memref<2048x16xf32, #tpu.memory_space<vmem>> -> memref<128x16xf32, #tpu.memory_space<vmem>>
    %dma_start3A_841 = arith.constant 0 : i32
    %dma_start3A_842 = tpu.memref_slice %arg6[%dma_start3A_837, %dma_start3A_841] : memref<16x128xi32, #tpu.memory_space<vmem>> -> memref<1x128xi32, #tpu.memory_space<vmem>>
    %dma_start3A_843 = tpu.memref_squeeze %dma_start3A_842 : memref<1x128xi32, #tpu.memory_space<vmem>> -> memref<128xi32, #tpu.memory_space<vmem>>
    %dma_start3A_844 = arith.constant 0 : i32
    %dma_start3A_845 = arith.constant 0 : i32
    %dma_start3A_846 = tpu.memref_slice %arg3[%dma_start3A_844, %dma_start3A_845] : memref<250000x16xf32, #tpu.memory_space<hbm>> -> memref<250000x16xf32, #tpu.memory_space<hbm>>
    tpu.enqueue_indirect_dma source(%dma_start3A_846 : memref<250000x16xf32, #tpu.memory_space<hbm>>) target(%dma_start3A_840 : memref<128x16xf32, #tpu.memory_space<vmem>>) offsets(%dma_start3A_843 : memref<128xi32, #tpu.memory_space<vmem>>) semaphore(%arg9 : memref<!tpu.dma_semaphore, #tpu.memory_space<semaphore_mem>>)
    %get3A_847 = arith.constant 0 : index
    %get3A_848 = tpu.vector_load %arg5[%get3A_847] {strides = array<i32>} : memref<512xi32, #tpu.memory_space<vmem>>, vector<16xi32>,
    %shift_right_arithmetic3A_849 = arith.constant 4 : i32
    %shift_right_arithmetic3A_850 = vector.broadcast %shift_right_arithmetic3A_849 : i32 to vector<16xi32>
    %shift_right_arithmetic3A_851 = arith.shrsi %get3A_848, %shift_right_arithmetic3A_850 : vector<16xi32>
    %add3A_852 = arith.constant 125000 : i32
    %add3A_853 = vector.broadcast %add3A_852 : i32 to vector<16xi32>
    %add3A_854 = arith.addi %shift_right_arithmetic3A_851, %add3A_853 : vector<16xi32>
    %swap3A_855 = arith.constant 8 : i32
    %swap3A_856 = arith.index_cast %swap3A_855 : i32 to index
    %swap3A_857 = arith.constant 0 : index
    %swap3A_858 = tpu.vector_load %arg6[%swap3A_856, %swap3A_857] {strides = array<i32>} : memref<16x128xi32, #tpu.memory_space<vmem>>, vector<16xi32>,
    tpu.vector_store %arg6[%swap3A_856, %swap3A_857], %add3A_854 {strides = array<i32>} : memref<16x128xi32, #tpu.memory_space<vmem>>, vector<16xi32>,
    %get3A_859 = arith.constant 16 : index
    %get3A_860 = tpu.vector_load %arg5[%get3A_859] {strides = array<i32>} : memref<512xi32, #tpu.memory_space<vmem>>, vector<16xi32>,
    %shift_right_arithmetic3A_861 = arith.constant 4 : i32
    %shift_right_arithmetic3A_862 = vector.broadcast %shift_right_arithmetic3A_861 : i32 to vector<16xi32>
    %shift_right_arithmetic3A_863 = arith.shrsi %get3A_860, %shift_right_arithmetic3A_862 : vector<16xi32>
    %add3A_864 = arith.constant 125000 : i32
    %add3A_865 = vector.broadcast %add3A_864 : i32 to vector<16xi32>
    %add3A_866 = arith.addi %shift_right_arithmetic3A_863, %add3A_865 : vector<16xi32>
    %swap3A_867 = arith.constant 8 : i32
    %swap3A_868 = arith.index_cast %swap3A_867 : i32 to index
    %swap3A_869 = arith.constant 16 : index
    %swap3A_870 = tpu.vector_load %arg6[%swap3A_868, %swap3A_869] {strides = array<i32>} : memref<16x128xi32, #tpu.memory_space<vmem>>, vector<16xi32>,
    tpu.vector_store %arg6[%swap3A_868, %swap3A_869], %add3A_866 {strides = array<i32>} : memref<16x128xi32, #tpu.memory_space<vmem>>, vector<16xi32>,
    %get3A_871 = arith.constant 32 : index
    %get3A_872 = tpu.vector_load %arg5[%get3A_871] {strides = array<i32>} : memref<512xi32, #tpu.memory_space<vmem>>, vector<16xi32>,
    %shift_right_arithmetic3A_873 = arith.constant 4 : i32
    %shift_right_arithmetic3A_874 = vector.broadcast %shift_right_arithmetic3A_873 : i32 to vector<16xi32>
    %shift_right_arithmetic3A_875 = arith.shrsi %get3A_872, %shift_right_arithmetic3A_874 : vector<16xi32>
    %add3A_876 = arith.constant 125000 : i32
    %add3A_877 = vector.broadcast %add3A_876 : i32 to vector<16xi32>
    %add3A_878 = arith.addi %shift_right_arithmetic3A_875, %add3A_877 : vector<16xi32>
    %swap3A_879 = arith.constant 8 : i32
    %swap3A_880 = arith.index_cast %swap3A_879 : i32 to index
    %swap3A_881 = arith.constant 32 : index
    %swap3A_882 = tpu.vector_load %arg6[%swap3A_880, %swap3A_881] {strides = array<i32>} : memref<16x128xi32, #tpu.memory_space<vmem>>, vector<16xi32>,
    tpu.vector_store %arg6[%swap3A_880, %swap3A_881], %add3A_878 {strides = array<i32>} : memref<16x128xi32, #tpu.memory_space<vmem>>, vector<16xi32>,
    %get3A_883 = arith.constant 48 : index
    %get3A_884 = tpu.vector_load %arg5[%get3A_883] {strides = array<i32>} : memref<512xi32, #tpu.memory_space<vmem>>, vector<16xi32>,
    %shift_right_arithmetic3A_885 = arith.constant 4 : i32
    %shift_right_arithmetic3A_886 = vector.broadcast %shift_right_arithmetic3A_885 : i32 to vector<16xi32>
    %shift_right_arithmetic3A_887 = arith.shrsi %get3A_884, %shift_right_arithmetic3A_886 : vector<16xi32>
    %add3A_888 = arith.constant 125000 : i32
    %add3A_889 = vector.broadcast %add3A_888 : i32 to vector<16xi32>
    %add3A_890 = arith.addi %shift_right_arithmetic3A_887, %add3A_889 : vector<16xi32>
    %swap3A_891 = arith.constant 8 : i32
    %swap3A_892 = arith.index_cast %swap3A_891 : i32 to index
    %swap3A_893 = arith.constant 48 : index
    %swap3A_894 = tpu.vector_load %arg6[%swap3A_892, %swap3A_893] {strides = array<i32>} : memref<16x128xi32, #tpu.memory_space<vmem>>, vector<16xi32>,
    tpu.vector_store %arg6[%swap3A_892, %swap3A_893], %add3A_890 {strides = array<i32>} : memref<16x128xi32, #tpu.memory_space<vmem>>, vector<16xi32>,
    %get3A_895 = arith.constant 64 : index
    %get3A_896 = tpu.vector_load %arg5[%get3A_895] {strides = array<i32>} : memref<512xi32, #tpu.memory_space<vmem>>, vector<16xi32>,
    %shift_right_arithmetic3A_897 = arith.constant 4 : i32
    %shift_right_arithmetic3A_898 = vector.broadcast %shift_right_arithmetic3A_897 : i32 to vector<16xi32>
    %shift_right_arithmetic3A_899 = arith.shrsi %get3A_896, %shift_right_arithmetic3A_898 : vector<16xi32>
    %add3A_900 = arith.constant 125000 : i32
    %add3A_901 = vector.broadcast %add3A_900 : i32 to vector<16xi32>
    %add3A_902 = arith.addi %shift_right_arithmetic3A_899, %add3A_901 : vector<16xi32>
    %swap3A_903 = arith.constant 8 : i32
    %swap3A_904 = arith.index_cast %swap3A_903 : i32 to index
    %swap3A_905 = arith.constant 64 : index
    %swap3A_906 = tpu.vector_load %arg6[%swap3A_904, %swap3A_905] {strides = array<i32>} : memref<16x128xi32, #tpu.memory_space<vmem>>, vector<16xi32>,
    tpu.vector_store %arg6[%swap3A_904, %swap3A_905], %add3A_902 {strides = array<i32>} : memref<16x128xi32, #tpu.memory_space<vmem>>, vector<16xi32>,
    %get3A_907 = arith.constant 80 : index
    %get3A_908 = tpu.vector_load %arg5[%get3A_907] {strides = array<i32>} : memref<512xi32, #tpu.memory_space<vmem>>, vector<16xi32>,
    %shift_right_arithmetic3A_909 = arith.constant 4 : i32
    %shift_right_arithmetic3A_910 = vector.broadcast %shift_right_arithmetic3A_909 : i32 to vector<16xi32>
    %shift_right_arithmetic3A_911 = arith.shrsi %get3A_908, %shift_right_arithmetic3A_910 : vector<16xi32>
    %add3A_912 = arith.constant 125000 : i32
    %add3A_913 = vector.broadcast %add3A_912 : i32 to vector<16xi32>
    %add3A_914 = arith.addi %shift_right_arithmetic3A_911, %add3A_913 : vector<16xi32>
    %swap3A_915 = arith.constant 8 : i32
    %swap3A_916 = arith.index_cast %swap3A_915 : i32 to index
    %swap3A_917 = arith.constant 80 : index
    %swap3A_918 = tpu.vector_load %arg6[%swap3A_916, %swap3A_917] {strides = array<i32>} : memref<16x128xi32, #tpu.memory_space<vmem>>, vector<16xi32>,
    tpu.vector_store %arg6[%swap3A_916, %swap3A_917], %add3A_914 {strides = array<i32>} : memref<16x128xi32, #tpu.memory_space<vmem>>, vector<16xi32>,
    %get3A_919 = arith.constant 96 : index
    %get3A_920 = tpu.vector_load %arg5[%get3A_919] {strides = array<i32>} : memref<512xi32, #tpu.memory_space<vmem>>, vector<16xi32>,
    %shift_right_arithmetic3A_921 = arith.constant 4 : i32
    %shift_right_arithmetic3A_922 = vector.broadcast %shift_right_arithmetic3A_921 : i32 to vector<16xi32>
    %shift_right_arithmetic3A_923 = arith.shrsi %get3A_920, %shift_right_arithmetic3A_922 : vector<16xi32>
    %add3A_924 = arith.constant 125000 : i32
    %add3A_925 = vector.broadcast %add3A_924 : i32 to vector<16xi32>
    %add3A_926 = arith.addi %shift_right_arithmetic3A_923, %add3A_925 : vector<16xi32>
    %swap3A_927 = arith.constant 8 : i32
    %swap3A_928 = arith.index_cast %swap3A_927 : i32 to index
    %swap3A_929 = arith.constant 96 : index
    %swap3A_930 = tpu.vector_load %arg6[%swap3A_928, %swap3A_929] {strides = array<i32>} : memref<16x128xi32, #tpu.memory_space<vmem>>, vector<16xi32>,
    tpu.vector_store %arg6[%swap3A_928, %swap3A_929], %add3A_926 {strides = array<i32>} : memref<16x128xi32, #tpu.memory_space<vmem>>, vector<16xi32>,
    %get3A_931 = arith.constant 112 : index
    %get3A_932 = tpu.vector_load %arg5[%get3A_931] {strides = array<i32>} : memref<512xi32, #tpu.memory_space<vmem>>, vector<16xi32>,
    %shift_right_arithmetic3A_933 = arith.constant 4 : i32
    %shift_right_arithmetic3A_934 = vector.broadcast %shift_right_arithmetic3A_933 : i32 to vector<16xi32>
    %shift_right_arithmetic3A_935 = arith.shrsi %get3A_932, %shift_right_arithmetic3A_934 : vector<16xi32>
    %add3A_936 = arith.constant 125000 : i32
    %add3A_937 = vector.broadcast %add3A_936 : i32 to vector<16xi32>
    %add3A_938 = arith.addi %shift_right_arithmetic3A_935, %add3A_937 : vector<16xi32>
    %swap3A_939 = arith.constant 8 : i32
    %swap3A_940 = arith.index_cast %swap3A_939 : i32 to index
    %swap3A_941 = arith.constant 112 : index
    %swap3A_942 = tpu.vector_load %arg6[%swap3A_940, %swap3A_941] {strides = array<i32>} : memref<16x128xi32, #tpu.memory_space<vmem>>, vector<16xi32>,
    tpu.vector_store %arg6[%swap3A_940, %swap3A_941], %add3A_938 {strides = array<i32>} : memref<16x128xi32, #tpu.memory_space<vmem>>, vector<16xi32>,
    %dma_start3A_943 = arith.constant 8 : i32
    %dma_start3A_944 = arith.constant 1024 : i32
    %dma_start3A_945 = arith.constant 0 : i32
    %dma_start3A_946 = tpu.memref_slice %arg7[%dma_start3A_944, %dma_start3A_945] : memref<2048x16xf32, #tpu.memory_space<vmem>> -> memref<128x16xf32, #tpu.memory_space<vmem>>
    %dma_start3A_947 = arith.constant 0 : i32
    %dma_start3A_948 = tpu.memref_slice %arg6[%dma_start3A_943, %dma_start3A_947] : memref<16x128xi32, #tpu.memory_space<vmem>> -> memref<1x128xi32, #tpu.memory_space<vmem>>
    %dma_start3A_949 = tpu.memref_squeeze %dma_start3A_948 : memref<1x128xi32, #tpu.memory_space<vmem>> -> memref<128xi32, #tpu.memory_space<vmem>>
    %dma_start3A_950 = arith.constant 0 : i32
    %dma_start3A_951 = arith.constant 0 : i32
    %dma_start3A_952 = tpu.memref_slice %arg3[%dma_start3A_950, %dma_start3A_951] : memref<250000x16xf32, #tpu.memory_space<hbm>> -> memref<250000x16xf32, #tpu.memory_space<hbm>>
    tpu.enqueue_indirect_dma source(%dma_start3A_952 : memref<250000x16xf32, #tpu.memory_space<hbm>>) target(%dma_start3A_946 : memref<128x16xf32, #tpu.memory_space<vmem>>) offsets(%dma_start3A_949 : memref<128xi32, #tpu.memory_space<vmem>>) semaphore(%arg9 : memref<!tpu.dma_semaphore, #tpu.memory_space<semaphore_mem>>)
    %get3A_953 = arith.constant 128 : index
    %get3A_954 = tpu.vector_load %arg5[%get3A_953] {strides = array<i32>} : memref<512xi32, #tpu.memory_space<vmem>>, vector<16xi32>,
    %shift_right_arithmetic3A_955 = arith.constant 4 : i32
    %shift_right_arithmetic3A_956 = vector.broadcast %shift_right_arithmetic3A_955 : i32 to vector<16xi32>
    %shift_right_arithmetic3A_957 = arith.shrsi %get3A_954, %shift_right_arithmetic3A_956 : vector<16xi32>
    %add3A_958 = arith.constant 125000 : i32
    %add3A_959 = vector.broadcast %add3A_958 : i32 to vector<16xi32>
    %add3A_960 = arith.addi %shift_right_arithmetic3A_957, %add3A_959 : vector<16xi32>
    %swap3A_961 = arith.constant 9 : i32
    %swap3A_962 = arith.index_cast %swap3A_961 : i32 to index
    %swap3A_963 = arith.constant 0 : index
    %swap3A_964 = tpu.vector_load %arg6[%swap3A_962, %swap3A_963] {strides = array<i32>} : memref<16x128xi32, #tpu.memory_space<vmem>>, vector<16xi32>,
    tpu.vector_store %arg6[%swap3A_962, %swap3A_963], %add3A_960 {strides = array<i32>} : memref<16x128xi32, #tpu.memory_space<vmem>>, vector<16xi32>,
    %get3A_965 = arith.constant 144 : index
    %get3A_966 = tpu.vector_load %arg5[%get3A_965] {strides = array<i32>} : memref<512xi32, #tpu.memory_space<vmem>>, vector<16xi32>,
    %shift_right_arithmetic3A_967 = arith.constant 4 : i32
    %shift_right_arithmetic3A_968 = vector.broadcast %shift_right_arithmetic3A_967 : i32 to vector<16xi32>
    %shift_right_arithmetic3A_969 = arith.shrsi %get3A_966, %shift_right_arithmetic3A_968 : vector<16xi32>
    %add3A_970 = arith.constant 125000 : i32
    %add3A_971 = vector.broadcast %add3A_970 : i32 to vector<16xi32>
    %add3A_972 = arith.addi %shift_right_arithmetic3A_969, %add3A_971 : vector<16xi32>
    %swap3A_973 = arith.constant 9 : i32
    %swap3A_974 = arith.index_cast %swap3A_973 : i32 to index
    %swap3A_975 = arith.constant 16 : index
    %swap3A_976 = tpu.vector_load %arg6[%swap3A_974, %swap3A_975] {strides = array<i32>} : memref<16x128xi32, #tpu.memory_space<vmem>>, vector<16xi32>,
    tpu.vector_store %arg6[%swap3A_974, %swap3A_975], %add3A_972 {strides = array<i32>} : memref<16x128xi32, #tpu.memory_space<vmem>>, vector<16xi32>,
    %get3A_977 = arith.constant 160 : index
    %get3A_978 = tpu.vector_load %arg5[%get3A_977] {strides = array<i32>} : memref<512xi32, #tpu.memory_space<vmem>>, vector<16xi32>,
    %shift_right_arithmetic3A_979 = arith.constant 4 : i32
    %shift_right_arithmetic3A_980 = vector.broadcast %shift_right_arithmetic3A_979 : i32 to vector<16xi32>
    %shift_right_arithmetic3A_981 = arith.shrsi %get3A_978, %shift_right_arithmetic3A_980 : vector<16xi32>
    %add3A_982 = arith.constant 125000 : i32
    %add3A_983 = vector.broadcast %add3A_982 : i32 to vector<16xi32>
    %add3A_984 = arith.addi %shift_right_arithmetic3A_981, %add3A_983 : vector<16xi32>
    %swap3A_985 = arith.constant 9 : i32
    %swap3A_986 = arith.index_cast %swap3A_985 : i32 to index
    %swap3A_987 = arith.constant 32 : index
    %swap3A_988 = tpu.vector_load %arg6[%swap3A_986, %swap3A_987] {strides = array<i32>} : memref<16x128xi32, #tpu.memory_space<vmem>>, vector<16xi32>,
    tpu.vector_store %arg6[%swap3A_986, %swap3A_987], %add3A_984 {strides = array<i32>} : memref<16x128xi32, #tpu.memory_space<vmem>>, vector<16xi32>,
    %get3A_989 = arith.constant 176 : index
    %get3A_990 = tpu.vector_load %arg5[%get3A_989] {strides = array<i32>} : memref<512xi32, #tpu.memory_space<vmem>>, vector<16xi32>,
    %shift_right_arithmetic3A_991 = arith.constant 4 : i32
    %shift_right_arithmetic3A_992 = vector.broadcast %shift_right_arithmetic3A_991 : i32 to vector<16xi32>
    %shift_right_arithmetic3A_993 = arith.shrsi %get3A_990, %shift_right_arithmetic3A_992 : vector<16xi32>
    %add3A_994 = arith.constant 125000 : i32
    %add3A_995 = vector.broadcast %add3A_994 : i32 to vector<16xi32>
    %add3A_996 = arith.addi %shift_right_arithmetic3A_993, %add3A_995 : vector<16xi32>
    %swap3A_997 = arith.constant 9 : i32
    %swap3A_998 = arith.index_cast %swap3A_997 : i32 to index
    %swap3A_999 = arith.constant 48 : index
    %swap3A_1000 = tpu.vector_load %arg6[%swap3A_998, %swap3A_999] {strides = array<i32>} : memref<16x128xi32, #tpu.memory_space<vmem>>, vector<16xi32>,
    tpu.vector_store %arg6[%swap3A_998, %swap3A_999], %add3A_996 {strides = array<i32>} : memref<16x128xi32, #tpu.memory_space<vmem>>, vector<16xi32>,
    %get3A_1001 = arith.constant 192 : index
    %get3A_1002 = tpu.vector_load %arg5[%get3A_1001] {strides = array<i32>} : memref<512xi32, #tpu.memory_space<vmem>>, vector<16xi32>,
    %shift_right_arithmetic3A_1003 = arith.constant 4 : i32
    %shift_right_arithmetic3A_1004 = vector.broadcast %shift_right_arithmetic3A_1003 : i32 to vector<16xi32>
    %shift_right_arithmetic3A_1005 = arith.shrsi %get3A_1002, %shift_right_arithmetic3A_1004 : vector<16xi32>
    %add3A_1006 = arith.constant 125000 : i32
    %add3A_1007 = vector.broadcast %add3A_1006 : i32 to vector<16xi32>
    %add3A_1008 = arith.addi %shift_right_arithmetic3A_1005, %add3A_1007 : vector<16xi32>
    %swap3A_1009 = arith.constant 9 : i32
    %swap3A_1010 = arith.index_cast %swap3A_1009 : i32 to index
    %swap3A_1011 = arith.constant 64 : index
    %swap3A_1012 = tpu.vector_load %arg6[%swap3A_1010, %swap3A_1011] {strides = array<i32>} : memref<16x128xi32, #tpu.memory_space<vmem>>, vector<16xi32>,
    tpu.vector_store %arg6[%swap3A_1010, %swap3A_1011], %add3A_1008 {strides = array<i32>} : memref<16x128xi32, #tpu.memory_space<vmem>>, vector<16xi32>,
    %get3A_1013 = arith.constant 208 : index
    %get3A_1014 = tpu.vector_load %arg5[%get3A_1013] {strides = array<i32>} : memref<512xi32, #tpu.memory_space<vmem>>, vector<16xi32>,
    %shift_right_arithmetic3A_1015 = arith.constant 4 : i32
    %shift_right_arithmetic3A_1016 = vector.broadcast %shift_right_arithmetic3A_1015 : i32 to vector<16xi32>
    %shift_right_arithmetic3A_1017 = arith.shrsi %get3A_1014, %shift_right_arithmetic3A_1016 : vector<16xi32>
    %add3A_1018 = arith.constant 125000 : i32
    %add3A_1019 = vector.broadcast %add3A_1018 : i32 to vector<16xi32>
    %add3A_1020 = arith.addi %shift_right_arithmetic3A_1017, %add3A_1019 : vector<16xi32>
    %swap3A_1021 = arith.constant 9 : i32
    %swap3A_1022 = arith.index_cast %swap3A_1021 : i32 to index
    %swap3A_1023 = arith.constant 80 : index
    %swap3A_1024 = tpu.vector_load %arg6[%swap3A_1022, %swap3A_1023] {strides = array<i32>} : memref<16x128xi32, #tpu.memory_space<vmem>>, vector<16xi32>,
    tpu.vector_store %arg6[%swap3A_1022, %swap3A_1023], %add3A_1020 {strides = array<i32>} : memref<16x128xi32, #tpu.memory_space<vmem>>, vector<16xi32>,
    %get3A_1025 = arith.constant 224 : index
    %get3A_1026 = tpu.vector_load %arg5[%get3A_1025] {strides = array<i32>} : memref<512xi32, #tpu.memory_space<vmem>>, vector<16xi32>,
    %shift_right_arithmetic3A_1027 = arith.constant 4 : i32
    %shift_right_arithmetic3A_1028 = vector.broadcast %shift_right_arithmetic3A_1027 : i32 to vector<16xi32>
    %shift_right_arithmetic3A_1029 = arith.shrsi %get3A_1026, %shift_right_arithmetic3A_1028 : vector<16xi32>
    %add3A_1030 = arith.constant 125000 : i32
    %add3A_1031 = vector.broadcast %add3A_1030 : i32 to vector<16xi32>
    %add3A_1032 = arith.addi %shift_right_arithmetic3A_1029, %add3A_1031 : vector<16xi32>
    %swap3A_1033 = arith.constant 9 : i32
    %swap3A_1034 = arith.index_cast %swap3A_1033 : i32 to index
    %swap3A_1035 = arith.constant 96 : index
    %swap3A_1036 = tpu.vector_load %arg6[%swap3A_1034, %swap3A_1035] {strides = array<i32>} : memref<16x128xi32, #tpu.memory_space<vmem>>, vector<16xi32>,
    tpu.vector_store %arg6[%swap3A_1034, %swap3A_1035], %add3A_1032 {strides = array<i32>} : memref<16x128xi32, #tpu.memory_space<vmem>>, vector<16xi32>,
    %get3A_1037 = arith.constant 240 : index
    %get3A_1038 = tpu.vector_load %arg5[%get3A_1037] {strides = array<i32>} : memref<512xi32, #tpu.memory_space<vmem>>, vector<16xi32>,
    %shift_right_arithmetic3A_1039 = arith.constant 4 : i32
    %shift_right_arithmetic3A_1040 = vector.broadcast %shift_right_arithmetic3A_1039 : i32 to vector<16xi32>
    %shift_right_arithmetic3A_1041 = arith.shrsi %get3A_1038, %shift_right_arithmetic3A_1040 : vector<16xi32>
    %add3A_1042 = arith.constant 125000 : i32
    %add3A_1043 = vector.broadcast %add3A_1042 : i32 to vector<16xi32>
    %add3A_1044 = arith.addi %shift_right_arithmetic3A_1041, %add3A_1043 : vector<16xi32>
    %swap3A_1045 = arith.constant 9 : i32
    %swap3A_1046 = arith.index_cast %swap3A_1045 : i32 to index
    %swap3A_1047 = arith.constant 112 : index
    %swap3A_1048 = tpu.vector_load %arg6[%swap3A_1046, %swap3A_1047] {strides = array<i32>} : memref<16x128xi32, #tpu.memory_space<vmem>>, vector<16xi32>,
    tpu.vector_store %arg6[%swap3A_1046, %swap3A_1047], %add3A_1044 {strides = array<i32>} : memref<16x128xi32, #tpu.memory_space<vmem>>, vector<16xi32>,
    %dma_start3A_1049 = arith.constant 9 : i32
    %dma_start3A_1050 = arith.constant 1152 : i32
    %dma_start3A_1051 = arith.constant 0 : i32
    %dma_start3A_1052 = tpu.memref_slice %arg7[%dma_start3A_1050, %dma_start3A_1051] : memref<2048x16xf32, #tpu.memory_space<vmem>> -> memref<128x16xf32, #tpu.memory_space<vmem>>
    %dma_start3A_1053 = arith.constant 0 : i32
    %dma_start3A_1054 = tpu.memref_slice %arg6[%dma_start3A_1049, %dma_start3A_1053] : memref<16x128xi32, #tpu.memory_space<vmem>> -> memref<1x128xi32, #tpu.memory_space<vmem>>
    %dma_start3A_1055 = tpu.memref_squeeze %dma_start3A_1054 : memref<1x128xi32, #tpu.memory_space<vmem>> -> memref<128xi32, #tpu.memory_space<vmem>>
    %dma_start3A_1056 = arith.constant 0 : i32
    %dma_start3A_1057 = arith.constant 0 : i32
    %dma_start3A_1058 = tpu.memref_slice %arg3[%dma_start3A_1056, %dma_start3A_1057] : memref<250000x16xf32, #tpu.memory_space<hbm>> -> memref<250000x16xf32, #tpu.memory_space<hbm>>
    tpu.enqueue_indirect_dma source(%dma_start3A_1058 : memref<250000x16xf32, #tpu.memory_space<hbm>>) target(%dma_start3A_1052 : memref<128x16xf32, #tpu.memory_space<vmem>>) offsets(%dma_start3A_1055 : memref<128xi32, #tpu.memory_space<vmem>>) semaphore(%arg9 : memref<!tpu.dma_semaphore, #tpu.memory_space<semaphore_mem>>)
    %get3A_1059 = arith.constant 256 : index
    %get3A_1060 = tpu.vector_load %arg5[%get3A_1059] {strides = array<i32>} : memref<512xi32, #tpu.memory_space<vmem>>, vector<16xi32>,
    %shift_right_arithmetic3A_1061 = arith.constant 4 : i32
    %shift_right_arithmetic3A_1062 = vector.broadcast %shift_right_arithmetic3A_1061 : i32 to vector<16xi32>
    %shift_right_arithmetic3A_1063 = arith.shrsi %get3A_1060, %shift_right_arithmetic3A_1062 : vector<16xi32>
    %add3A_1064 = arith.constant 125000 : i32
    %add3A_1065 = vector.broadcast %add3A_1064 : i32 to vector<16xi32>
    %add3A_1066 = arith.addi %shift_right_arithmetic3A_1063, %add3A_1065 : vector<16xi32>
    %swap3A_1067 = arith.constant 10 : i32
    %swap3A_1068 = arith.index_cast %swap3A_1067 : i32 to index
    %swap3A_1069 = arith.constant 0 : index
    %swap3A_1070 = tpu.vector_load %arg6[%swap3A_1068, %swap3A_1069] {strides = array<i32>} : memref<16x128xi32, #tpu.memory_space<vmem>>, vector<16xi32>,
    tpu.vector_store %arg6[%swap3A_1068, %swap3A_1069], %add3A_1066 {strides = array<i32>} : memref<16x128xi32, #tpu.memory_space<vmem>>, vector<16xi32>,
    %get3A_1071 = arith.constant 272 : index
    %get3A_1072 = tpu.vector_load %arg5[%get3A_1071] {strides = array<i32>} : memref<512xi32, #tpu.memory_space<vmem>>, vector<16xi32>,
    %shift_right_arithmetic3A_1073 = arith.constant 4 : i32
    %shift_right_arithmetic3A_1074 = vector.broadcast %shift_right_arithmetic3A_1073 : i32 to vector<16xi32>
    %shift_right_arithmetic3A_1075 = arith.shrsi %get3A_1072, %shift_right_arithmetic3A_1074 : vector<16xi32>
    %add3A_1076 = arith.constant 125000 : i32
    %add3A_1077 = vector.broadcast %add3A_1076 : i32 to vector<16xi32>
    %add3A_1078 = arith.addi %shift_right_arithmetic3A_1075, %add3A_1077 : vector<16xi32>
    %swap3A_1079 = arith.constant 10 : i32
    %swap3A_1080 = arith.index_cast %swap3A_1079 : i32 to index
    %swap3A_1081 = arith.constant 16 : index
    %swap3A_1082 = tpu.vector_load %arg6[%swap3A_1080, %swap3A_1081] {strides = array<i32>} : memref<16x128xi32, #tpu.memory_space<vmem>>, vector<16xi32>,
    tpu.vector_store %arg6[%swap3A_1080, %swap3A_1081], %add3A_1078 {strides = array<i32>} : memref<16x128xi32, #tpu.memory_space<vmem>>, vector<16xi32>,
    %get3A_1083 = arith.constant 288 : index
    %get3A_1084 = tpu.vector_load %arg5[%get3A_1083] {strides = array<i32>} : memref<512xi32, #tpu.memory_space<vmem>>, vector<16xi32>,
    %shift_right_arithmetic3A_1085 = arith.constant 4 : i32
    %shift_right_arithmetic3A_1086 = vector.broadcast %shift_right_arithmetic3A_1085 : i32 to vector<16xi32>
    %shift_right_arithmetic3A_1087 = arith.shrsi %get3A_1084, %shift_right_arithmetic3A_1086 : vector<16xi32>
    %add3A_1088 = arith.constant 125000 : i32
    %add3A_1089 = vector.broadcast %add3A_1088 : i32 to vector<16xi32>
    %add3A_1090 = arith.addi %shift_right_arithmetic3A_1087, %add3A_1089 : vector<16xi32>
    %swap3A_1091 = arith.constant 10 : i32
    %swap3A_1092 = arith.index_cast %swap3A_1091 : i32 to index
    %swap3A_1093 = arith.constant 32 : index
    %swap3A_1094 = tpu.vector_load %arg6[%swap3A_1092, %swap3A_1093] {strides = array<i32>} : memref<16x128xi32, #tpu.memory_space<vmem>>, vector<16xi32>,
    tpu.vector_store %arg6[%swap3A_1092, %swap3A_1093], %add3A_1090 {strides = array<i32>} : memref<16x128xi32, #tpu.memory_space<vmem>>, vector<16xi32>,
    %get3A_1095 = arith.constant 304 : index
    %get3A_1096 = tpu.vector_load %arg5[%get3A_1095] {strides = array<i32>} : memref<512xi32, #tpu.memory_space<vmem>>, vector<16xi32>,
    %shift_right_arithmetic3A_1097 = arith.constant 4 : i32
    %shift_right_arithmetic3A_1098 = vector.broadcast %shift_right_arithmetic3A_1097 : i32 to vector<16xi32>
    %shift_right_arithmetic3A_1099 = arith.shrsi %get3A_1096, %shift_right_arithmetic3A_1098 : vector<16xi32>
    %add3A_1100 = arith.constant 125000 : i32
    %add3A_1101 = vector.broadcast %add3A_1100 : i32 to vector<16xi32>
    %add3A_1102 = arith.addi %shift_right_arithmetic3A_1099, %add3A_1101 : vector<16xi32>
    %swap3A_1103 = arith.constant 10 : i32
    %swap3A_1104 = arith.index_cast %swap3A_1103 : i32 to index
    %swap3A_1105 = arith.constant 48 : index
    %swap3A_1106 = tpu.vector_load %arg6[%swap3A_1104, %swap3A_1105] {strides = array<i32>} : memref<16x128xi32, #tpu.memory_space<vmem>>, vector<16xi32>,
    tpu.vector_store %arg6[%swap3A_1104, %swap3A_1105], %add3A_1102 {strides = array<i32>} : memref<16x128xi32, #tpu.memory_space<vmem>>, vector<16xi32>,
    %get3A_1107 = arith.constant 320 : index
    %get3A_1108 = tpu.vector_load %arg5[%get3A_1107] {strides = array<i32>} : memref<512xi32, #tpu.memory_space<vmem>>, vector<16xi32>,
    %shift_right_arithmetic3A_1109 = arith.constant 4 : i32
    %shift_right_arithmetic3A_1110 = vector.broadcast %shift_right_arithmetic3A_1109 : i32 to vector<16xi32>
    %shift_right_arithmetic3A_1111 = arith.shrsi %get3A_1108, %shift_right_arithmetic3A_1110 : vector<16xi32>
    %add3A_1112 = arith.constant 125000 : i32
    %add3A_1113 = vector.broadcast %add3A_1112 : i32 to vector<16xi32>
    %add3A_1114 = arith.addi %shift_right_arithmetic3A_1111, %add3A_1113 : vector<16xi32>
    %swap3A_1115 = arith.constant 10 : i32
    %swap3A_1116 = arith.index_cast %swap3A_1115 : i32 to index
    %swap3A_1117 = arith.constant 64 : index
    %swap3A_1118 = tpu.vector_load %arg6[%swap3A_1116, %swap3A_1117] {strides = array<i32>} : memref<16x128xi32, #tpu.memory_space<vmem>>, vector<16xi32>,
    tpu.vector_store %arg6[%swap3A_1116, %swap3A_1117], %add3A_1114 {strides = array<i32>} : memref<16x128xi32, #tpu.memory_space<vmem>>, vector<16xi32>,
    %get3A_1119 = arith.constant 336 : index
    %get3A_1120 = tpu.vector_load %arg5[%get3A_1119] {strides = array<i32>} : memref<512xi32, #tpu.memory_space<vmem>>, vector<16xi32>,
    %shift_right_arithmetic3A_1121 = arith.constant 4 : i32
    %shift_right_arithmetic3A_1122 = vector.broadcast %shift_right_arithmetic3A_1121 : i32 to vector<16xi32>
    %shift_right_arithmetic3A_1123 = arith.shrsi %get3A_1120, %shift_right_arithmetic3A_1122 : vector<16xi32>
    %add3A_1124 = arith.constant 125000 : i32
    %add3A_1125 = vector.broadcast %add3A_1124 : i32 to vector<16xi32>
    %add3A_1126 = arith.addi %shift_right_arithmetic3A_1123, %add3A_1125 : vector<16xi32>
    %swap3A_1127 = arith.constant 10 : i32
    %swap3A_1128 = arith.index_cast %swap3A_1127 : i32 to index
    %swap3A_1129 = arith.constant 80 : index
    %swap3A_1130 = tpu.vector_load %arg6[%swap3A_1128, %swap3A_1129] {strides = array<i32>} : memref<16x128xi32, #tpu.memory_space<vmem>>, vector<16xi32>,
    tpu.vector_store %arg6[%swap3A_1128, %swap3A_1129], %add3A_1126 {strides = array<i32>} : memref<16x128xi32, #tpu.memory_space<vmem>>, vector<16xi32>,
    %get3A_1131 = arith.constant 352 : index
    %get3A_1132 = tpu.vector_load %arg5[%get3A_1131] {strides = array<i32>} : memref<512xi32, #tpu.memory_space<vmem>>, vector<16xi32>,
    %shift_right_arithmetic3A_1133 = arith.constant 4 : i32
    %shift_right_arithmetic3A_1134 = vector.broadcast %shift_right_arithmetic3A_1133 : i32 to vector<16xi32>
    %shift_right_arithmetic3A_1135 = arith.shrsi %get3A_1132, %shift_right_arithmetic3A_1134 : vector<16xi32>
    %add3A_1136 = arith.constant 125000 : i32
    %add3A_1137 = vector.broadcast %add3A_1136 : i32 to vector<16xi32>
    %add3A_1138 = arith.addi %shift_right_arithmetic3A_1135, %add3A_1137 : vector<16xi32>
    %swap3A_1139 = arith.constant 10 : i32
    %swap3A_1140 = arith.index_cast %swap3A_1139 : i32 to index
    %swap3A_1141 = arith.constant 96 : index
    %swap3A_1142 = tpu.vector_load %arg6[%swap3A_1140, %swap3A_1141] {strides = array<i32>} : memref<16x128xi32, #tpu.memory_space<vmem>>, vector<16xi32>,
    tpu.vector_store %arg6[%swap3A_1140, %swap3A_1141], %add3A_1138 {strides = array<i32>} : memref<16x128xi32, #tpu.memory_space<vmem>>, vector<16xi32>,
    %get3A_1143 = arith.constant 368 : index
    %get3A_1144 = tpu.vector_load %arg5[%get3A_1143] {strides = array<i32>} : memref<512xi32, #tpu.memory_space<vmem>>, vector<16xi32>,
    %shift_right_arithmetic3A_1145 = arith.constant 4 : i32
    %shift_right_arithmetic3A_1146 = vector.broadcast %shift_right_arithmetic3A_1145 : i32 to vector<16xi32>
    %shift_right_arithmetic3A_1147 = arith.shrsi %get3A_1144, %shift_right_arithmetic3A_1146 : vector<16xi32>
    %add3A_1148 = arith.constant 125000 : i32
    %add3A_1149 = vector.broadcast %add3A_1148 : i32 to vector<16xi32>
    %add3A_1150 = arith.addi %shift_right_arithmetic3A_1147, %add3A_1149 : vector<16xi32>
    %swap3A_1151 = arith.constant 10 : i32
    %swap3A_1152 = arith.index_cast %swap3A_1151 : i32 to index
    %swap3A_1153 = arith.constant 112 : index
    %swap3A_1154 = tpu.vector_load %arg6[%swap3A_1152, %swap3A_1153] {strides = array<i32>} : memref<16x128xi32, #tpu.memory_space<vmem>>, vector<16xi32>,
    tpu.vector_store %arg6[%swap3A_1152, %swap3A_1153], %add3A_1150 {strides = array<i32>} : memref<16x128xi32, #tpu.memory_space<vmem>>, vector<16xi32>,
    %dma_start3A_1155 = arith.constant 10 : i32
    %dma_start3A_1156 = arith.constant 1280 : i32
    %dma_start3A_1157 = arith.constant 0 : i32
    %dma_start3A_1158 = tpu.memref_slice %arg7[%dma_start3A_1156, %dma_start3A_1157] : memref<2048x16xf32, #tpu.memory_space<vmem>> -> memref<128x16xf32, #tpu.memory_space<vmem>>
    %dma_start3A_1159 = arith.constant 0 : i32
    %dma_start3A_1160 = tpu.memref_slice %arg6[%dma_start3A_1155, %dma_start3A_1159] : memref<16x128xi32, #tpu.memory_space<vmem>> -> memref<1x128xi32, #tpu.memory_space<vmem>>
    %dma_start3A_1161 = tpu.memref_squeeze %dma_start3A_1160 : memref<1x128xi32, #tpu.memory_space<vmem>> -> memref<128xi32, #tpu.memory_space<vmem>>
    %dma_start3A_1162 = arith.constant 0 : i32
    %dma_start3A_1163 = arith.constant 0 : i32
    %dma_start3A_1164 = tpu.memref_slice %arg3[%dma_start3A_1162, %dma_start3A_1163] : memref<250000x16xf32, #tpu.memory_space<hbm>> -> memref<250000x16xf32, #tpu.memory_space<hbm>>
    tpu.enqueue_indirect_dma source(%dma_start3A_1164 : memref<250000x16xf32, #tpu.memory_space<hbm>>) target(%dma_start3A_1158 : memref<128x16xf32, #tpu.memory_space<vmem>>) offsets(%dma_start3A_1161 : memref<128xi32, #tpu.memory_space<vmem>>) semaphore(%arg9 : memref<!tpu.dma_semaphore, #tpu.memory_space<semaphore_mem>>)
    %get3A_1165 = arith.constant 384 : index
    %get3A_1166 = tpu.vector_load %arg5[%get3A_1165] {strides = array<i32>} : memref<512xi32, #tpu.memory_space<vmem>>, vector<16xi32>,
    %shift_right_arithmetic3A_1167 = arith.constant 4 : i32
    %shift_right_arithmetic3A_1168 = vector.broadcast %shift_right_arithmetic3A_1167 : i32 to vector<16xi32>
    %shift_right_arithmetic3A_1169 = arith.shrsi %get3A_1166, %shift_right_arithmetic3A_1168 : vector<16xi32>
    %add3A_1170 = arith.constant 125000 : i32
    %add3A_1171 = vector.broadcast %add3A_1170 : i32 to vector<16xi32>
    %add3A_1172 = arith.addi %shift_right_arithmetic3A_1169, %add3A_1171 : vector<16xi32>
    %swap3A_1173 = arith.constant 11 : i32
    %swap3A_1174 = arith.index_cast %swap3A_1173 : i32 to index
    %swap3A_1175 = arith.constant 0 : index
    %swap3A_1176 = tpu.vector_load %arg6[%swap3A_1174, %swap3A_1175] {strides = array<i32>} : memref<16x128xi32, #tpu.memory_space<vmem>>, vector<16xi32>,
    tpu.vector_store %arg6[%swap3A_1174, %swap3A_1175], %add3A_1172 {strides = array<i32>} : memref<16x128xi32, #tpu.memory_space<vmem>>, vector<16xi32>,
    %get3A_1177 = arith.constant 400 : index
    %get3A_1178 = tpu.vector_load %arg5[%get3A_1177] {strides = array<i32>} : memref<512xi32, #tpu.memory_space<vmem>>, vector<16xi32>,
    %shift_right_arithmetic3A_1179 = arith.constant 4 : i32
    %shift_right_arithmetic3A_1180 = vector.broadcast %shift_right_arithmetic3A_1179 : i32 to vector<16xi32>
    %shift_right_arithmetic3A_1181 = arith.shrsi %get3A_1178, %shift_right_arithmetic3A_1180 : vector<16xi32>
    %add3A_1182 = arith.constant 125000 : i32
    %add3A_1183 = vector.broadcast %add3A_1182 : i32 to vector<16xi32>
    %add3A_1184 = arith.addi %shift_right_arithmetic3A_1181, %add3A_1183 : vector<16xi32>
    %swap3A_1185 = arith.constant 11 : i32
    %swap3A_1186 = arith.index_cast %swap3A_1185 : i32 to index
    %swap3A_1187 = arith.constant 16 : index
    %swap3A_1188 = tpu.vector_load %arg6[%swap3A_1186, %swap3A_1187] {strides = array<i32>} : memref<16x128xi32, #tpu.memory_space<vmem>>, vector<16xi32>,
    tpu.vector_store %arg6[%swap3A_1186, %swap3A_1187], %add3A_1184 {strides = array<i32>} : memref<16x128xi32, #tpu.memory_space<vmem>>, vector<16xi32>,
    %get3A_1189 = arith.constant 416 : index
    %get3A_1190 = tpu.vector_load %arg5[%get3A_1189] {strides = array<i32>} : memref<512xi32, #tpu.memory_space<vmem>>, vector<16xi32>,
    %shift_right_arithmetic3A_1191 = arith.constant 4 : i32
    %shift_right_arithmetic3A_1192 = vector.broadcast %shift_right_arithmetic3A_1191 : i32 to vector<16xi32>
    %shift_right_arithmetic3A_1193 = arith.shrsi %get3A_1190, %shift_right_arithmetic3A_1192 : vector<16xi32>
    %add3A_1194 = arith.constant 125000 : i32
    %add3A_1195 = vector.broadcast %add3A_1194 : i32 to vector<16xi32>
    %add3A_1196 = arith.addi %shift_right_arithmetic3A_1193, %add3A_1195 : vector<16xi32>
    %swap3A_1197 = arith.constant 11 : i32
    %swap3A_1198 = arith.index_cast %swap3A_1197 : i32 to index
    %swap3A_1199 = arith.constant 32 : index
    %swap3A_1200 = tpu.vector_load %arg6[%swap3A_1198, %swap3A_1199] {strides = array<i32>} : memref<16x128xi32, #tpu.memory_space<vmem>>, vector<16xi32>,
    tpu.vector_store %arg6[%swap3A_1198, %swap3A_1199], %add3A_1196 {strides = array<i32>} : memref<16x128xi32, #tpu.memory_space<vmem>>, vector<16xi32>,
    %get3A_1201 = arith.constant 432 : index
    %get3A_1202 = tpu.vector_load %arg5[%get3A_1201] {strides = array<i32>} : memref<512xi32, #tpu.memory_space<vmem>>, vector<16xi32>,
    %shift_right_arithmetic3A_1203 = arith.constant 4 : i32
    %shift_right_arithmetic3A_1204 = vector.broadcast %shift_right_arithmetic3A_1203 : i32 to vector<16xi32>
    %shift_right_arithmetic3A_1205 = arith.shrsi %get3A_1202, %shift_right_arithmetic3A_1204 : vector<16xi32>
    %add3A_1206 = arith.constant 125000 : i32
    %add3A_1207 = vector.broadcast %add3A_1206 : i32 to vector<16xi32>
    %add3A_1208 = arith.addi %shift_right_arithmetic3A_1205, %add3A_1207 : vector<16xi32>
    %swap3A_1209 = arith.constant 11 : i32
    %swap3A_1210 = arith.index_cast %swap3A_1209 : i32 to index
    %swap3A_1211 = arith.constant 48 : index
    %swap3A_1212 = tpu.vector_load %arg6[%swap3A_1210, %swap3A_1211] {strides = array<i32>} : memref<16x128xi32, #tpu.memory_space<vmem>>, vector<16xi32>,
    tpu.vector_store %arg6[%swap3A_1210, %swap3A_1211], %add3A_1208 {strides = array<i32>} : memref<16x128xi32, #tpu.memory_space<vmem>>, vector<16xi32>,
    %get3A_1213 = arith.constant 448 : index
    %get3A_1214 = tpu.vector_load %arg5[%get3A_1213] {strides = array<i32>} : memref<512xi32, #tpu.memory_space<vmem>>, vector<16xi32>,
    %shift_right_arithmetic3A_1215 = arith.constant 4 : i32
    %shift_right_arithmetic3A_1216 = vector.broadcast %shift_right_arithmetic3A_1215 : i32 to vector<16xi32>
    %shift_right_arithmetic3A_1217 = arith.shrsi %get3A_1214, %shift_right_arithmetic3A_1216 : vector<16xi32>
    %add3A_1218 = arith.constant 125000 : i32
    %add3A_1219 = vector.broadcast %add3A_1218 : i32 to vector<16xi32>
    %add3A_1220 = arith.addi %shift_right_arithmetic3A_1217, %add3A_1219 : vector<16xi32>
    %swap3A_1221 = arith.constant 11 : i32
    %swap3A_1222 = arith.index_cast %swap3A_1221 : i32 to index
    %swap3A_1223 = arith.constant 64 : index
    %swap3A_1224 = tpu.vector_load %arg6[%swap3A_1222, %swap3A_1223] {strides = array<i32>} : memref<16x128xi32, #tpu.memory_space<vmem>>, vector<16xi32>,
    tpu.vector_store %arg6[%swap3A_1222, %swap3A_1223], %add3A_1220 {strides = array<i32>} : memref<16x128xi32, #tpu.memory_space<vmem>>, vector<16xi32>,
    %get3A_1225 = arith.constant 464 : index
    %get3A_1226 = tpu.vector_load %arg5[%get3A_1225] {strides = array<i32>} : memref<512xi32, #tpu.memory_space<vmem>>, vector<16xi32>,
    %shift_right_arithmetic3A_1227 = arith.constant 4 : i32
    %shift_right_arithmetic3A_1228 = vector.broadcast %shift_right_arithmetic3A_1227 : i32 to vector<16xi32>
    %shift_right_arithmetic3A_1229 = arith.shrsi %get3A_1226, %shift_right_arithmetic3A_1228 : vector<16xi32>
    %add3A_1230 = arith.constant 125000 : i32
    %add3A_1231 = vector.broadcast %add3A_1230 : i32 to vector<16xi32>
    %add3A_1232 = arith.addi %shift_right_arithmetic3A_1229, %add3A_1231 : vector<16xi32>
    %swap3A_1233 = arith.constant 11 : i32
    %swap3A_1234 = arith.index_cast %swap3A_1233 : i32 to index
    %swap3A_1235 = arith.constant 80 : index
    %swap3A_1236 = tpu.vector_load %arg6[%swap3A_1234, %swap3A_1235] {strides = array<i32>} : memref<16x128xi32, #tpu.memory_space<vmem>>, vector<16xi32>,
    tpu.vector_store %arg6[%swap3A_1234, %swap3A_1235], %add3A_1232 {strides = array<i32>} : memref<16x128xi32, #tpu.memory_space<vmem>>, vector<16xi32>,
    %get3A_1237 = arith.constant 480 : index
    %get3A_1238 = tpu.vector_load %arg5[%get3A_1237] {strides = array<i32>} : memref<512xi32, #tpu.memory_space<vmem>>, vector<16xi32>,
    %shift_right_arithmetic3A_1239 = arith.constant 4 : i32
    %shift_right_arithmetic3A_1240 = vector.broadcast %shift_right_arithmetic3A_1239 : i32 to vector<16xi32>
    %shift_right_arithmetic3A_1241 = arith.shrsi %get3A_1238, %shift_right_arithmetic3A_1240 : vector<16xi32>
    %add3A_1242 = arith.constant 125000 : i32
    %add3A_1243 = vector.broadcast %add3A_1242 : i32 to vector<16xi32>
    %add3A_1244 = arith.addi %shift_right_arithmetic3A_1241, %add3A_1243 : vector<16xi32>
    %swap3A_1245 = arith.constant 11 : i32
    %swap3A_1246 = arith.index_cast %swap3A_1245 : i32 to index
    %swap3A_1247 = arith.constant 96 : index
    %swap3A_1248 = tpu.vector_load %arg6[%swap3A_1246, %swap3A_1247] {strides = array<i32>} : memref<16x128xi32, #tpu.memory_space<vmem>>, vector<16xi32>,
    tpu.vector_store %arg6[%swap3A_1246, %swap3A_1247], %add3A_1244 {strides = array<i32>} : memref<16x128xi32, #tpu.memory_space<vmem>>, vector<16xi32>,
    %get3A_1249 = arith.constant 496 : index
    %get3A_1250 = tpu.vector_load %arg5[%get3A_1249] {strides = array<i32>} : memref<512xi32, #tpu.memory_space<vmem>>, vector<16xi32>,
    %shift_right_arithmetic3A_1251 = arith.constant 4 : i32
    %shift_right_arithmetic3A_1252 = vector.broadcast %shift_right_arithmetic3A_1251 : i32 to vector<16xi32>
    %shift_right_arithmetic3A_1253 = arith.shrsi %get3A_1250, %shift_right_arithmetic3A_1252 : vector<16xi32>
    %add3A_1254 = arith.constant 125000 : i32
    %add3A_1255 = vector.broadcast %add3A_1254 : i32 to vector<16xi32>
    %add3A_1256 = arith.addi %shift_right_arithmetic3A_1253, %add3A_1255 : vector<16xi32>
    %swap3A_1257 = arith.constant 11 : i32
    %swap3A_1258 = arith.index_cast %swap3A_1257 : i32 to index
    %swap3A_1259 = arith.constant 112 : index
    %swap3A_1260 = tpu.vector_load %arg6[%swap3A_1258, %swap3A_1259] {strides = array<i32>} : memref<16x128xi32, #tpu.memory_space<vmem>>, vector<16xi32>,
    tpu.vector_store %arg6[%swap3A_1258, %swap3A_1259], %add3A_1256 {strides = array<i32>} : memref<16x128xi32, #tpu.memory_space<vmem>>, vector<16xi32>,
    %dma_start3A_1261 = arith.constant 11 : i32
    %dma_start3A_1262 = arith.constant 1408 : i32
    %dma_start3A_1263 = arith.constant 0 : i32
    %dma_start3A_1264 = tpu.memref_slice %arg7[%dma_start3A_1262, %dma_start3A_1263] : memref<2048x16xf32, #tpu.memory_space<vmem>> -> memref<128x16xf32, #tpu.memory_space<vmem>>
    %dma_start3A_1265 = arith.constant 0 : i32
    %dma_start3A_1266 = tpu.memref_slice %arg6[%dma_start3A_1261, %dma_start3A_1265] : memref<16x128xi32, #tpu.memory_space<vmem>> -> memref<1x128xi32, #tpu.memory_space<vmem>>
    %dma_start3A_1267 = tpu.memref_squeeze %dma_start3A_1266 : memref<1x128xi32, #tpu.memory_space<vmem>> -> memref<128xi32, #tpu.memory_space<vmem>>
    %dma_start3A_1268 = arith.constant 0 : i32
    %dma_start3A_1269 = arith.constant 0 : i32
    %dma_start3A_1270 = tpu.memref_slice %arg3[%dma_start3A_1268, %dma_start3A_1269] : memref<250000x16xf32, #tpu.memory_space<hbm>> -> memref<250000x16xf32, #tpu.memory_space<hbm>>
    tpu.enqueue_indirect_dma source(%dma_start3A_1270 : memref<250000x16xf32, #tpu.memory_space<hbm>>) target(%dma_start3A_1264 : memref<128x16xf32, #tpu.memory_space<vmem>>) offsets(%dma_start3A_1267 : memref<128xi32, #tpu.memory_space<vmem>>) semaphore(%arg9 : memref<!tpu.dma_semaphore, #tpu.memory_space<semaphore_mem>>)
    %get3A_1271 = arith.constant 0 : index
    %get3A_1272 = tpu.vector_load %arg5[%get3A_1271] {strides = array<i32>} : memref<512xi32, #tpu.memory_space<vmem>>, vector<16xi32>,
    %shift_right_arithmetic3A_1273 = arith.constant 4 : i32
    %shift_right_arithmetic3A_1274 = vector.broadcast %shift_right_arithmetic3A_1273 : i32 to vector<16xi32>
    %shift_right_arithmetic3A_1275 = arith.shrsi %get3A_1272, %shift_right_arithmetic3A_1274 : vector<16xi32>
    %add3A_1276 = arith.constant 187500 : i32
    %add3A_1277 = vector.broadcast %add3A_1276 : i32 to vector<16xi32>
    %add3A_1278 = arith.addi %shift_right_arithmetic3A_1275, %add3A_1277 : vector<16xi32>
    %swap3A_1279 = arith.constant 12 : i32
    %swap3A_1280 = arith.index_cast %swap3A_1279 : i32 to index
    %swap3A_1281 = arith.constant 0 : index
    %swap3A_1282 = tpu.vector_load %arg6[%swap3A_1280, %swap3A_1281] {strides = array<i32>} : memref<16x128xi32, #tpu.memory_space<vmem>>, vector<16xi32>,
    tpu.vector_store %arg6[%swap3A_1280, %swap3A_1281], %add3A_1278 {strides = array<i32>} : memref<16x128xi32, #tpu.memory_space<vmem>>, vector<16xi32>,
    %get3A_1283 = arith.constant 16 : index
    %get3A_1284 = tpu.vector_load %arg5[%get3A_1283] {strides = array<i32>} : memref<512xi32, #tpu.memory_space<vmem>>, vector<16xi32>,
    %shift_right_arithmetic3A_1285 = arith.constant 4 : i32
    %shift_right_arithmetic3A_1286 = vector.broadcast %shift_right_arithmetic3A_1285 : i32 to vector<16xi32>
    %shift_right_arithmetic3A_1287 = arith.shrsi %get3A_1284, %shift_right_arithmetic3A_1286 : vector<16xi32>
    %add3A_1288 = arith.constant 187500 : i32
    %add3A_1289 = vector.broadcast %add3A_1288 : i32 to vector<16xi32>
    %add3A_1290 = arith.addi %shift_right_arithmetic3A_1287, %add3A_1289 : vector<16xi32>
    %swap3A_1291 = arith.constant 12 : i32
    %swap3A_1292 = arith.index_cast %swap3A_1291 : i32 to index
    %swap3A_1293 = arith.constant 16 : index
    %swap3A_1294 = tpu.vector_load %arg6[%swap3A_1292, %swap3A_1293] {strides = array<i32>} : memref<16x128xi32, #tpu.memory_space<vmem>>, vector<16xi32>,
    tpu.vector_store %arg6[%swap3A_1292, %swap3A_1293], %add3A_1290 {strides = array<i32>} : memref<16x128xi32, #tpu.memory_space<vmem>>, vector<16xi32>,
    %get3A_1295 = arith.constant 32 : index
    %get3A_1296 = tpu.vector_load %arg5[%get3A_1295] {strides = array<i32>} : memref<512xi32, #tpu.memory_space<vmem>>, vector<16xi32>,
    %shift_right_arithmetic3A_1297 = arith.constant 4 : i32
    %shift_right_arithmetic3A_1298 = vector.broadcast %shift_right_arithmetic3A_1297 : i32 to vector<16xi32>
    %shift_right_arithmetic3A_1299 = arith.shrsi %get3A_1296, %shift_right_arithmetic3A_1298 : vector<16xi32>
    %add3A_1300 = arith.constant 187500 : i32
    %add3A_1301 = vector.broadcast %add3A_1300 : i32 to vector<16xi32>
    %add3A_1302 = arith.addi %shift_right_arithmetic3A_1299, %add3A_1301 : vector<16xi32>
    %swap3A_1303 = arith.constant 12 : i32
    %swap3A_1304 = arith.index_cast %swap3A_1303 : i32 to index
    %swap3A_1305 = arith.constant 32 : index
    %swap3A_1306 = tpu.vector_load %arg6[%swap3A_1304, %swap3A_1305] {strides = array<i32>} : memref<16x128xi32, #tpu.memory_space<vmem>>, vector<16xi32>,
    tpu.vector_store %arg6[%swap3A_1304, %swap3A_1305], %add3A_1302 {strides = array<i32>} : memref<16x128xi32, #tpu.memory_space<vmem>>, vector<16xi32>,
    %get3A_1307 = arith.constant 48 : index
    %get3A_1308 = tpu.vector_load %arg5[%get3A_1307] {strides = array<i32>} : memref<512xi32, #tpu.memory_space<vmem>>, vector<16xi32>,
    %shift_right_arithmetic3A_1309 = arith.constant 4 : i32
    %shift_right_arithmetic3A_1310 = vector.broadcast %shift_right_arithmetic3A_1309 : i32 to vector<16xi32>
    %shift_right_arithmetic3A_1311 = arith.shrsi %get3A_1308, %shift_right_arithmetic3A_1310 : vector<16xi32>
    %add3A_1312 = arith.constant 187500 : i32
    %add3A_1313 = vector.broadcast %add3A_1312 : i32 to vector<16xi32>
    %add3A_1314 = arith.addi %shift_right_arithmetic3A_1311, %add3A_1313 : vector<16xi32>
    %swap3A_1315 = arith.constant 12 : i32
    %swap3A_1316 = arith.index_cast %swap3A_1315 : i32 to index
    %swap3A_1317 = arith.constant 48 : index
    %swap3A_1318 = tpu.vector_load %arg6[%swap3A_1316, %swap3A_1317] {strides = array<i32>} : memref<16x128xi32, #tpu.memory_space<vmem>>, vector<16xi32>,
    tpu.vector_store %arg6[%swap3A_1316, %swap3A_1317], %add3A_1314 {strides = array<i32>} : memref<16x128xi32, #tpu.memory_space<vmem>>, vector<16xi32>,
    %get3A_1319 = arith.constant 64 : index
    %get3A_1320 = tpu.vector_load %arg5[%get3A_1319] {strides = array<i32>} : memref<512xi32, #tpu.memory_space<vmem>>, vector<16xi32>,
    %shift_right_arithmetic3A_1321 = arith.constant 4 : i32
    %shift_right_arithmetic3A_1322 = vector.broadcast %shift_right_arithmetic3A_1321 : i32 to vector<16xi32>
    %shift_right_arithmetic3A_1323 = arith.shrsi %get3A_1320, %shift_right_arithmetic3A_1322 : vector<16xi32>
    %add3A_1324 = arith.constant 187500 : i32
    %add3A_1325 = vector.broadcast %add3A_1324 : i32 to vector<16xi32>
    %add3A_1326 = arith.addi %shift_right_arithmetic3A_1323, %add3A_1325 : vector<16xi32>
    %swap3A_1327 = arith.constant 12 : i32
    %swap3A_1328 = arith.index_cast %swap3A_1327 : i32 to index
    %swap3A_1329 = arith.constant 64 : index
    %swap3A_1330 = tpu.vector_load %arg6[%swap3A_1328, %swap3A_1329] {strides = array<i32>} : memref<16x128xi32, #tpu.memory_space<vmem>>, vector<16xi32>,
    tpu.vector_store %arg6[%swap3A_1328, %swap3A_1329], %add3A_1326 {strides = array<i32>} : memref<16x128xi32, #tpu.memory_space<vmem>>, vector<16xi32>,
    %get3A_1331 = arith.constant 80 : index
    %get3A_1332 = tpu.vector_load %arg5[%get3A_1331] {strides = array<i32>} : memref<512xi32, #tpu.memory_space<vmem>>, vector<16xi32>,
    %shift_right_arithmetic3A_1333 = arith.constant 4 : i32
    %shift_right_arithmetic3A_1334 = vector.broadcast %shift_right_arithmetic3A_1333 : i32 to vector<16xi32>
    %shift_right_arithmetic3A_1335 = arith.shrsi %get3A_1332, %shift_right_arithmetic3A_1334 : vector<16xi32>
    %add3A_1336 = arith.constant 187500 : i32
    %add3A_1337 = vector.broadcast %add3A_1336 : i32 to vector<16xi32>
    %add3A_1338 = arith.addi %shift_right_arithmetic3A_1335, %add3A_1337 : vector<16xi32>
    %swap3A_1339 = arith.constant 12 : i32
    %swap3A_1340 = arith.index_cast %swap3A_1339 : i32 to index
    %swap3A_1341 = arith.constant 80 : index
    %swap3A_1342 = tpu.vector_load %arg6[%swap3A_1340, %swap3A_1341] {strides = array<i32>} : memref<16x128xi32, #tpu.memory_space<vmem>>, vector<16xi32>,
    tpu.vector_store %arg6[%swap3A_1340, %swap3A_1341], %add3A_1338 {strides = array<i32>} : memref<16x128xi32, #tpu.memory_space<vmem>>, vector<16xi32>,
    %get3A_1343 = arith.constant 96 : index
    %get3A_1344 = tpu.vector_load %arg5[%get3A_1343] {strides = array<i32>} : memref<512xi32, #tpu.memory_space<vmem>>, vector<16xi32>,
    %shift_right_arithmetic3A_1345 = arith.constant 4 : i32
    %shift_right_arithmetic3A_1346 = vector.broadcast %shift_right_arithmetic3A_1345 : i32 to vector<16xi32>
    %shift_right_arithmetic3A_1347 = arith.shrsi %get3A_1344, %shift_right_arithmetic3A_1346 : vector<16xi32>
    %add3A_1348 = arith.constant 187500 : i32
    %add3A_1349 = vector.broadcast %add3A_1348 : i32 to vector<16xi32>
    %add3A_1350 = arith.addi %shift_right_arithmetic3A_1347, %add3A_1349 : vector<16xi32>
    %swap3A_1351 = arith.constant 12 : i32
    %swap3A_1352 = arith.index_cast %swap3A_1351 : i32 to index
    %swap3A_1353 = arith.constant 96 : index
    %swap3A_1354 = tpu.vector_load %arg6[%swap3A_1352, %swap3A_1353] {strides = array<i32>} : memref<16x128xi32, #tpu.memory_space<vmem>>, vector<16xi32>,
    tpu.vector_store %arg6[%swap3A_1352, %swap3A_1353], %add3A_1350 {strides = array<i32>} : memref<16x128xi32, #tpu.memory_space<vmem>>, vector<16xi32>,
    %get3A_1355 = arith.constant 112 : index
    %get3A_1356 = tpu.vector_load %arg5[%get3A_1355] {strides = array<i32>} : memref<512xi32, #tpu.memory_space<vmem>>, vector<16xi32>,
    %shift_right_arithmetic3A_1357 = arith.constant 4 : i32
    %shift_right_arithmetic3A_1358 = vector.broadcast %shift_right_arithmetic3A_1357 : i32 to vector<16xi32>
    %shift_right_arithmetic3A_1359 = arith.shrsi %get3A_1356, %shift_right_arithmetic3A_1358 : vector<16xi32>
    %add3A_1360 = arith.constant 187500 : i32
    %add3A_1361 = vector.broadcast %add3A_1360 : i32 to vector<16xi32>
    %add3A_1362 = arith.addi %shift_right_arithmetic3A_1359, %add3A_1361 : vector<16xi32>
    %swap3A_1363 = arith.constant 12 : i32
    %swap3A_1364 = arith.index_cast %swap3A_1363 : i32 to index
    %swap3A_1365 = arith.constant 112 : index
    %swap3A_1366 = tpu.vector_load %arg6[%swap3A_1364, %swap3A_1365] {strides = array<i32>} : memref<16x128xi32, #tpu.memory_space<vmem>>, vector<16xi32>,
    tpu.vector_store %arg6[%swap3A_1364, %swap3A_1365], %add3A_1362 {strides = array<i32>} : memref<16x128xi32, #tpu.memory_space<vmem>>, vector<16xi32>,
    %dma_start3A_1367 = arith.constant 12 : i32
    %dma_start3A_1368 = arith.constant 1536 : i32
    %dma_start3A_1369 = arith.constant 0 : i32
    %dma_start3A_1370 = tpu.memref_slice %arg7[%dma_start3A_1368, %dma_start3A_1369] : memref<2048x16xf32, #tpu.memory_space<vmem>> -> memref<128x16xf32, #tpu.memory_space<vmem>>
    %dma_start3A_1371 = arith.constant 0 : i32
    %dma_start3A_1372 = tpu.memref_slice %arg6[%dma_start3A_1367, %dma_start3A_1371] : memref<16x128xi32, #tpu.memory_space<vmem>> -> memref<1x128xi32, #tpu.memory_space<vmem>>
    %dma_start3A_1373 = tpu.memref_squeeze %dma_start3A_1372 : memref<1x128xi32, #tpu.memory_space<vmem>> -> memref<128xi32, #tpu.memory_space<vmem>>
    %dma_start3A_1374 = arith.constant 0 : i32
    %dma_start3A_1375 = arith.constant 0 : i32
    %dma_start3A_1376 = tpu.memref_slice %arg3[%dma_start3A_1374, %dma_start3A_1375] : memref<250000x16xf32, #tpu.memory_space<hbm>> -> memref<250000x16xf32, #tpu.memory_space<hbm>>
    tpu.enqueue_indirect_dma source(%dma_start3A_1376 : memref<250000x16xf32, #tpu.memory_space<hbm>>) target(%dma_start3A_1370 : memref<128x16xf32, #tpu.memory_space<vmem>>) offsets(%dma_start3A_1373 : memref<128xi32, #tpu.memory_space<vmem>>) semaphore(%arg9 : memref<!tpu.dma_semaphore, #tpu.memory_space<semaphore_mem>>)
    %get3A_1377 = arith.constant 128 : index
    %get3A_1378 = tpu.vector_load %arg5[%get3A_1377] {strides = array<i32>} : memref<512xi32, #tpu.memory_space<vmem>>, vector<16xi32>,
    %shift_right_arithmetic3A_1379 = arith.constant 4 : i32
    %shift_right_arithmetic3A_1380 = vector.broadcast %shift_right_arithmetic3A_1379 : i32 to vector<16xi32>
    %shift_right_arithmetic3A_1381 = arith.shrsi %get3A_1378, %shift_right_arithmetic3A_1380 : vector<16xi32>
    %add3A_1382 = arith.constant 187500 : i32
    %add3A_1383 = vector.broadcast %add3A_1382 : i32 to vector<16xi32>
    %add3A_1384 = arith.addi %shift_right_arithmetic3A_1381, %add3A_1383 : vector<16xi32>
    %swap3A_1385 = arith.constant 13 : i32
    %swap3A_1386 = arith.index_cast %swap3A_1385 : i32 to index
    %swap3A_1387 = arith.constant 0 : index
    %swap3A_1388 = tpu.vector_load %arg6[%swap3A_1386, %swap3A_1387] {strides = array<i32>} : memref<16x128xi32, #tpu.memory_space<vmem>>, vector<16xi32>,
    tpu.vector_store %arg6[%swap3A_1386, %swap3A_1387], %add3A_1384 {strides = array<i32>} : memref<16x128xi32, #tpu.memory_space<vmem>>, vector<16xi32>,
    %get3A_1389 = arith.constant 144 : index
    %get3A_1390 = tpu.vector_load %arg5[%get3A_1389] {strides = array<i32>} : memref<512xi32, #tpu.memory_space<vmem>>, vector<16xi32>,
    %shift_right_arithmetic3A_1391 = arith.constant 4 : i32
    %shift_right_arithmetic3A_1392 = vector.broadcast %shift_right_arithmetic3A_1391 : i32 to vector<16xi32>
    %shift_right_arithmetic3A_1393 = arith.shrsi %get3A_1390, %shift_right_arithmetic3A_1392 : vector<16xi32>
    %add3A_1394 = arith.constant 187500 : i32
    %add3A_1395 = vector.broadcast %add3A_1394 : i32 to vector<16xi32>
    %add3A_1396 = arith.addi %shift_right_arithmetic3A_1393, %add3A_1395 : vector<16xi32>
    %swap3A_1397 = arith.constant 13 : i32
    %swap3A_1398 = arith.index_cast %swap3A_1397 : i32 to index
    %swap3A_1399 = arith.constant 16 : index
    %swap3A_1400 = tpu.vector_load %arg6[%swap3A_1398, %swap3A_1399] {strides = array<i32>} : memref<16x128xi32, #tpu.memory_space<vmem>>, vector<16xi32>,
    tpu.vector_store %arg6[%swap3A_1398, %swap3A_1399], %add3A_1396 {strides = array<i32>} : memref<16x128xi32, #tpu.memory_space<vmem>>, vector<16xi32>,
    %get3A_1401 = arith.constant 160 : index
    %get3A_1402 = tpu.vector_load %arg5[%get3A_1401] {strides = array<i32>} : memref<512xi32, #tpu.memory_space<vmem>>, vector<16xi32>,
    %shift_right_arithmetic3A_1403 = arith.constant 4 : i32
    %shift_right_arithmetic3A_1404 = vector.broadcast %shift_right_arithmetic3A_1403 : i32 to vector<16xi32>
    %shift_right_arithmetic3A_1405 = arith.shrsi %get3A_1402, %shift_right_arithmetic3A_1404 : vector<16xi32>
    %add3A_1406 = arith.constant 187500 : i32
    %add3A_1407 = vector.broadcast %add3A_1406 : i32 to vector<16xi32>
    %add3A_1408 = arith.addi %shift_right_arithmetic3A_1405, %add3A_1407 : vector<16xi32>
    %swap3A_1409 = arith.constant 13 : i32
    %swap3A_1410 = arith.index_cast %swap3A_1409 : i32 to index
    %swap3A_1411 = arith.constant 32 : index
    %swap3A_1412 = tpu.vector_load %arg6[%swap3A_1410, %swap3A_1411] {strides = array<i32>} : memref<16x128xi32, #tpu.memory_space<vmem>>, vector<16xi32>,
    tpu.vector_store %arg6[%swap3A_1410, %swap3A_1411], %add3A_1408 {strides = array<i32>} : memref<16x128xi32, #tpu.memory_space<vmem>>, vector<16xi32>,
    %get3A_1413 = arith.constant 176 : index
    %get3A_1414 = tpu.vector_load %arg5[%get3A_1413] {strides = array<i32>} : memref<512xi32, #tpu.memory_space<vmem>>, vector<16xi32>,
    %shift_right_arithmetic3A_1415 = arith.constant 4 : i32
    %shift_right_arithmetic3A_1416 = vector.broadcast %shift_right_arithmetic3A_1415 : i32 to vector<16xi32>
    %shift_right_arithmetic3A_1417 = arith.shrsi %get3A_1414, %shift_right_arithmetic3A_1416 : vector<16xi32>
    %add3A_1418 = arith.constant 187500 : i32
    %add3A_1419 = vector.broadcast %add3A_1418 : i32 to vector<16xi32>
    %add3A_1420 = arith.addi %shift_right_arithmetic3A_1417, %add3A_1419 : vector<16xi32>
    %swap3A_1421 = arith.constant 13 : i32
    %swap3A_1422 = arith.index_cast %swap3A_1421 : i32 to index
    %swap3A_1423 = arith.constant 48 : index
    %swap3A_1424 = tpu.vector_load %arg6[%swap3A_1422, %swap3A_1423] {strides = array<i32>} : memref<16x128xi32, #tpu.memory_space<vmem>>, vector<16xi32>,
    tpu.vector_store %arg6[%swap3A_1422, %swap3A_1423], %add3A_1420 {strides = array<i32>} : memref<16x128xi32, #tpu.memory_space<vmem>>, vector<16xi32>,
    %get3A_1425 = arith.constant 192 : index
    %get3A_1426 = tpu.vector_load %arg5[%get3A_1425] {strides = array<i32>} : memref<512xi32, #tpu.memory_space<vmem>>, vector<16xi32>,
    %shift_right_arithmetic3A_1427 = arith.constant 4 : i32
    %shift_right_arithmetic3A_1428 = vector.broadcast %shift_right_arithmetic3A_1427 : i32 to vector<16xi32>
    %shift_right_arithmetic3A_1429 = arith.shrsi %get3A_1426, %shift_right_arithmetic3A_1428 : vector<16xi32>
    %add3A_1430 = arith.constant 187500 : i32
    %add3A_1431 = vector.broadcast %add3A_1430 : i32 to vector<16xi32>
    %add3A_1432 = arith.addi %shift_right_arithmetic3A_1429, %add3A_1431 : vector<16xi32>
    %swap3A_1433 = arith.constant 13 : i32
    %swap3A_1434 = arith.index_cast %swap3A_1433 : i32 to index
    %swap3A_1435 = arith.constant 64 : index
    %swap3A_1436 = tpu.vector_load %arg6[%swap3A_1434, %swap3A_1435] {strides = array<i32>} : memref<16x128xi32, #tpu.memory_space<vmem>>, vector<16xi32>,
    tpu.vector_store %arg6[%swap3A_1434, %swap3A_1435], %add3A_1432 {strides = array<i32>} : memref<16x128xi32, #tpu.memory_space<vmem>>, vector<16xi32>,
    %get3A_1437 = arith.constant 208 : index
    %get3A_1438 = tpu.vector_load %arg5[%get3A_1437] {strides = array<i32>} : memref<512xi32, #tpu.memory_space<vmem>>, vector<16xi32>,
    %shift_right_arithmetic3A_1439 = arith.constant 4 : i32
    %shift_right_arithmetic3A_1440 = vector.broadcast %shift_right_arithmetic3A_1439 : i32 to vector<16xi32>
    %shift_right_arithmetic3A_1441 = arith.shrsi %get3A_1438, %shift_right_arithmetic3A_1440 : vector<16xi32>
    %add3A_1442 = arith.constant 187500 : i32
    %add3A_1443 = vector.broadcast %add3A_1442 : i32 to vector<16xi32>
    %add3A_1444 = arith.addi %shift_right_arithmetic3A_1441, %add3A_1443 : vector<16xi32>
    %swap3A_1445 = arith.constant 13 : i32
    %swap3A_1446 = arith.index_cast %swap3A_1445 : i32 to index
    %swap3A_1447 = arith.constant 80 : index
    %swap3A_1448 = tpu.vector_load %arg6[%swap3A_1446, %swap3A_1447] {strides = array<i32>} : memref<16x128xi32, #tpu.memory_space<vmem>>, vector<16xi32>,
    tpu.vector_store %arg6[%swap3A_1446, %swap3A_1447], %add3A_1444 {strides = array<i32>} : memref<16x128xi32, #tpu.memory_space<vmem>>, vector<16xi32>,
    %get3A_1449 = arith.constant 224 : index
    %get3A_1450 = tpu.vector_load %arg5[%get3A_1449] {strides = array<i32>} : memref<512xi32, #tpu.memory_space<vmem>>, vector<16xi32>,
    %shift_right_arithmetic3A_1451 = arith.constant 4 : i32
    %shift_right_arithmetic3A_1452 = vector.broadcast %shift_right_arithmetic3A_1451 : i32 to vector<16xi32>
    %shift_right_arithmetic3A_1453 = arith.shrsi %get3A_1450, %shift_right_arithmetic3A_1452 : vector<16xi32>
    %add3A_1454 = arith.constant 187500 : i32
    %add3A_1455 = vector.broadcast %add3A_1454 : i32 to vector<16xi32>
    %add3A_1456 = arith.addi %shift_right_arithmetic3A_1453, %add3A_1455 : vector<16xi32>
    %swap3A_1457 = arith.constant 13 : i32
    %swap3A_1458 = arith.index_cast %swap3A_1457 : i32 to index
    %swap3A_1459 = arith.constant 96 : index
    %swap3A_1460 = tpu.vector_load %arg6[%swap3A_1458, %swap3A_1459] {strides = array<i32>} : memref<16x128xi32, #tpu.memory_space<vmem>>, vector<16xi32>,
    tpu.vector_store %arg6[%swap3A_1458, %swap3A_1459], %add3A_1456 {strides = array<i32>} : memref<16x128xi32, #tpu.memory_space<vmem>>, vector<16xi32>,
    %get3A_1461 = arith.constant 240 : index
    %get3A_1462 = tpu.vector_load %arg5[%get3A_1461] {strides = array<i32>} : memref<512xi32, #tpu.memory_space<vmem>>, vector<16xi32>,
    %shift_right_arithmetic3A_1463 = arith.constant 4 : i32
    %shift_right_arithmetic3A_1464 = vector.broadcast %shift_right_arithmetic3A_1463 : i32 to vector<16xi32>
    %shift_right_arithmetic3A_1465 = arith.shrsi %get3A_1462, %shift_right_arithmetic3A_1464 : vector<16xi32>
    %add3A_1466 = arith.constant 187500 : i32
    %add3A_1467 = vector.broadcast %add3A_1466 : i32 to vector<16xi32>
    %add3A_1468 = arith.addi %shift_right_arithmetic3A_1465, %add3A_1467 : vector<16xi32>
    %swap3A_1469 = arith.constant 13 : i32
    %swap3A_1470 = arith.index_cast %swap3A_1469 : i32 to index
    %swap3A_1471 = arith.constant 112 : index
    %swap3A_1472 = tpu.vector_load %arg6[%swap3A_1470, %swap3A_1471] {strides = array<i32>} : memref<16x128xi32, #tpu.memory_space<vmem>>, vector<16xi32>,
    tpu.vector_store %arg6[%swap3A_1470, %swap3A_1471], %add3A_1468 {strides = array<i32>} : memref<16x128xi32, #tpu.memory_space<vmem>>, vector<16xi32>,
    %dma_start3A_1473 = arith.constant 13 : i32
    %dma_start3A_1474 = arith.constant 1664 : i32
    %dma_start3A_1475 = arith.constant 0 : i32
    %dma_start3A_1476 = tpu.memref_slice %arg7[%dma_start3A_1474, %dma_start3A_1475] : memref<2048x16xf32, #tpu.memory_space<vmem>> -> memref<128x16xf32, #tpu.memory_space<vmem>>
    %dma_start3A_1477 = arith.constant 0 : i32
    %dma_start3A_1478 = tpu.memref_slice %arg6[%dma_start3A_1473, %dma_start3A_1477] : memref<16x128xi32, #tpu.memory_space<vmem>> -> memref<1x128xi32, #tpu.memory_space<vmem>>
    %dma_start3A_1479 = tpu.memref_squeeze %dma_start3A_1478 : memref<1x128xi32, #tpu.memory_space<vmem>> -> memref<128xi32, #tpu.memory_space<vmem>>
    %dma_start3A_1480 = arith.constant 0 : i32
    %dma_start3A_1481 = arith.constant 0 : i32
    %dma_start3A_1482 = tpu.memref_slice %arg3[%dma_start3A_1480, %dma_start3A_1481] : memref<250000x16xf32, #tpu.memory_space<hbm>> -> memref<250000x16xf32, #tpu.memory_space<hbm>>
    tpu.enqueue_indirect_dma source(%dma_start3A_1482 : memref<250000x16xf32, #tpu.memory_space<hbm>>) target(%dma_start3A_1476 : memref<128x16xf32, #tpu.memory_space<vmem>>) offsets(%dma_start3A_1479 : memref<128xi32, #tpu.memory_space<vmem>>) semaphore(%arg9 : memref<!tpu.dma_semaphore, #tpu.memory_space<semaphore_mem>>)
    %get3A_1483 = arith.constant 256 : index
    %get3A_1484 = tpu.vector_load %arg5[%get3A_1483] {strides = array<i32>} : memref<512xi32, #tpu.memory_space<vmem>>, vector<16xi32>,
    %shift_right_arithmetic3A_1485 = arith.constant 4 : i32
    %shift_right_arithmetic3A_1486 = vector.broadcast %shift_right_arithmetic3A_1485 : i32 to vector<16xi32>
    %shift_right_arithmetic3A_1487 = arith.shrsi %get3A_1484, %shift_right_arithmetic3A_1486 : vector<16xi32>
    %add3A_1488 = arith.constant 187500 : i32
    %add3A_1489 = vector.broadcast %add3A_1488 : i32 to vector<16xi32>
    %add3A_1490 = arith.addi %shift_right_arithmetic3A_1487, %add3A_1489 : vector<16xi32>
    %swap3A_1491 = arith.constant 14 : i32
    %swap3A_1492 = arith.index_cast %swap3A_1491 : i32 to index
    %swap3A_1493 = arith.constant 0 : index
    %swap3A_1494 = tpu.vector_load %arg6[%swap3A_1492, %swap3A_1493] {strides = array<i32>} : memref<16x128xi32, #tpu.memory_space<vmem>>, vector<16xi32>,
    tpu.vector_store %arg6[%swap3A_1492, %swap3A_1493], %add3A_1490 {strides = array<i32>} : memref<16x128xi32, #tpu.memory_space<vmem>>, vector<16xi32>,
    %get3A_1495 = arith.constant 272 : index
    %get3A_1496 = tpu.vector_load %arg5[%get3A_1495] {strides = array<i32>} : memref<512xi32, #tpu.memory_space<vmem>>, vector<16xi32>,
    %shift_right_arithmetic3A_1497 = arith.constant 4 : i32
    %shift_right_arithmetic3A_1498 = vector.broadcast %shift_right_arithmetic3A_1497 : i32 to vector<16xi32>
    %shift_right_arithmetic3A_1499 = arith.shrsi %get3A_1496, %shift_right_arithmetic3A_1498 : vector<16xi32>
    %add3A_1500 = arith.constant 187500 : i32
    %add3A_1501 = vector.broadcast %add3A_1500 : i32 to vector<16xi32>
    %add3A_1502 = arith.addi %shift_right_arithmetic3A_1499, %add3A_1501 : vector<16xi32>
    %swap3A_1503 = arith.constant 14 : i32
    %swap3A_1504 = arith.index_cast %swap3A_1503 : i32 to index
    %swap3A_1505 = arith.constant 16 : index
    %swap3A_1506 = tpu.vector_load %arg6[%swap3A_1504, %swap3A_1505] {strides = array<i32>} : memref<16x128xi32, #tpu.memory_space<vmem>>, vector<16xi32>,
    tpu.vector_store %arg6[%swap3A_1504, %swap3A_1505], %add3A_1502 {strides = array<i32>} : memref<16x128xi32, #tpu.memory_space<vmem>>, vector<16xi32>,
    %get3A_1507 = arith.constant 288 : index
    %get3A_1508 = tpu.vector_load %arg5[%get3A_1507] {strides = array<i32>} : memref<512xi32, #tpu.memory_space<vmem>>, vector<16xi32>,
    %shift_right_arithmetic3A_1509 = arith.constant 4 : i32
    %shift_right_arithmetic3A_1510 = vector.broadcast %shift_right_arithmetic3A_1509 : i32 to vector<16xi32>
    %shift_right_arithmetic3A_1511 = arith.shrsi %get3A_1508, %shift_right_arithmetic3A_1510 : vector<16xi32>
    %add3A_1512 = arith.constant 187500 : i32
    %add3A_1513 = vector.broadcast %add3A_1512 : i32 to vector<16xi32>
    %add3A_1514 = arith.addi %shift_right_arithmetic3A_1511, %add3A_1513 : vector<16xi32>
    %swap3A_1515 = arith.constant 14 : i32
    %swap3A_1516 = arith.index_cast %swap3A_1515 : i32 to index
    %swap3A_1517 = arith.constant 32 : index
    %swap3A_1518 = tpu.vector_load %arg6[%swap3A_1516, %swap3A_1517] {strides = array<i32>} : memref<16x128xi32, #tpu.memory_space<vmem>>, vector<16xi32>,
    tpu.vector_store %arg6[%swap3A_1516, %swap3A_1517], %add3A_1514 {strides = array<i32>} : memref<16x128xi32, #tpu.memory_space<vmem>>, vector<16xi32>,
    %get3A_1519 = arith.constant 304 : index
    %get3A_1520 = tpu.vector_load %arg5[%get3A_1519] {strides = array<i32>} : memref<512xi32, #tpu.memory_space<vmem>>, vector<16xi32>,
    %shift_right_arithmetic3A_1521 = arith.constant 4 : i32
    %shift_right_arithmetic3A_1522 = vector.broadcast %shift_right_arithmetic3A_1521 : i32 to vector<16xi32>
    %shift_right_arithmetic3A_1523 = arith.shrsi %get3A_1520, %shift_right_arithmetic3A_1522 : vector<16xi32>
    %add3A_1524 = arith.constant 187500 : i32
    %add3A_1525 = vector.broadcast %add3A_1524 : i32 to vector<16xi32>
    %add3A_1526 = arith.addi %shift_right_arithmetic3A_1523, %add3A_1525 : vector<16xi32>
    %swap3A_1527 = arith.constant 14 : i32
    %swap3A_1528 = arith.index_cast %swap3A_1527 : i32 to index
    %swap3A_1529 = arith.constant 48 : index
    %swap3A_1530 = tpu.vector_load %arg6[%swap3A_1528, %swap3A_1529] {strides = array<i32>} : memref<16x128xi32, #tpu.memory_space<vmem>>, vector<16xi32>,
    tpu.vector_store %arg6[%swap3A_1528, %swap3A_1529], %add3A_1526 {strides = array<i32>} : memref<16x128xi32, #tpu.memory_space<vmem>>, vector<16xi32>,
    %get3A_1531 = arith.constant 320 : index
    %get3A_1532 = tpu.vector_load %arg5[%get3A_1531] {strides = array<i32>} : memref<512xi32, #tpu.memory_space<vmem>>, vector<16xi32>,
    %shift_right_arithmetic3A_1533 = arith.constant 4 : i32
    %shift_right_arithmetic3A_1534 = vector.broadcast %shift_right_arithmetic3A_1533 : i32 to vector<16xi32>
    %shift_right_arithmetic3A_1535 = arith.shrsi %get3A_1532, %shift_right_arithmetic3A_1534 : vector<16xi32>
    %add3A_1536 = arith.constant 187500 : i32
    %add3A_1537 = vector.broadcast %add3A_1536 : i32 to vector<16xi32>
    %add3A_1538 = arith.addi %shift_right_arithmetic3A_1535, %add3A_1537 : vector<16xi32>
    %swap3A_1539 = arith.constant 14 : i32
    %swap3A_1540 = arith.index_cast %swap3A_1539 : i32 to index
    %swap3A_1541 = arith.constant 64 : index
    %swap3A_1542 = tpu.vector_load %arg6[%swap3A_1540, %swap3A_1541] {strides = array<i32>} : memref<16x128xi32, #tpu.memory_space<vmem>>, vector<16xi32>,
    tpu.vector_store %arg6[%swap3A_1540, %swap3A_1541], %add3A_1538 {strides = array<i32>} : memref<16x128xi32, #tpu.memory_space<vmem>>, vector<16xi32>,
    %get3A_1543 = arith.constant 336 : index
    %get3A_1544 = tpu.vector_load %arg5[%get3A_1543] {strides = array<i32>} : memref<512xi32, #tpu.memory_space<vmem>>, vector<16xi32>,
    %shift_right_arithmetic3A_1545 = arith.constant 4 : i32
    %shift_right_arithmetic3A_1546 = vector.broadcast %shift_right_arithmetic3A_1545 : i32 to vector<16xi32>
    %shift_right_arithmetic3A_1547 = arith.shrsi %get3A_1544, %shift_right_arithmetic3A_1546 : vector<16xi32>
    %add3A_1548 = arith.constant 187500 : i32
    %add3A_1549 = vector.broadcast %add3A_1548 : i32 to vector<16xi32>
    %add3A_1550 = arith.addi %shift_right_arithmetic3A_1547, %add3A_1549 : vector<16xi32>
    %swap3A_1551 = arith.constant 14 : i32
    %swap3A_1552 = arith.index_cast %swap3A_1551 : i32 to index
    %swap3A_1553 = arith.constant 80 : index
    %swap3A_1554 = tpu.vector_load %arg6[%swap3A_1552, %swap3A_1553] {strides = array<i32>} : memref<16x128xi32, #tpu.memory_space<vmem>>, vector<16xi32>,
    tpu.vector_store %arg6[%swap3A_1552, %swap3A_1553], %add3A_1550 {strides = array<i32>} : memref<16x128xi32, #tpu.memory_space<vmem>>, vector<16xi32>,
    %get3A_1555 = arith.constant 352 : index
    %get3A_1556 = tpu.vector_load %arg5[%get3A_1555] {strides = array<i32>} : memref<512xi32, #tpu.memory_space<vmem>>, vector<16xi32>,
    %shift_right_arithmetic3A_1557 = arith.constant 4 : i32
    %shift_right_arithmetic3A_1558 = vector.broadcast %shift_right_arithmetic3A_1557 : i32 to vector<16xi32>
    %shift_right_arithmetic3A_1559 = arith.shrsi %get3A_1556, %shift_right_arithmetic3A_1558 : vector<16xi32>
    %add3A_1560 = arith.constant 187500 : i32
    %add3A_1561 = vector.broadcast %add3A_1560 : i32 to vector<16xi32>
    %add3A_1562 = arith.addi %shift_right_arithmetic3A_1559, %add3A_1561 : vector<16xi32>
    %swap3A_1563 = arith.constant 14 : i32
    %swap3A_1564 = arith.index_cast %swap3A_1563 : i32 to index
    %swap3A_1565 = arith.constant 96 : index
    %swap3A_1566 = tpu.vector_load %arg6[%swap3A_1564, %swap3A_1565] {strides = array<i32>} : memref<16x128xi32, #tpu.memory_space<vmem>>, vector<16xi32>,
    tpu.vector_store %arg6[%swap3A_1564, %swap3A_1565], %add3A_1562 {strides = array<i32>} : memref<16x128xi32, #tpu.memory_space<vmem>>, vector<16xi32>,
    %get3A_1567 = arith.constant 368 : index
    %get3A_1568 = tpu.vector_load %arg5[%get3A_1567] {strides = array<i32>} : memref<512xi32, #tpu.memory_space<vmem>>, vector<16xi32>,
    %shift_right_arithmetic3A_1569 = arith.constant 4 : i32
    %shift_right_arithmetic3A_1570 = vector.broadcast %shift_right_arithmetic3A_1569 : i32 to vector<16xi32>
    %shift_right_arithmetic3A_1571 = arith.shrsi %get3A_1568, %shift_right_arithmetic3A_1570 : vector<16xi32>
    %add3A_1572 = arith.constant 187500 : i32
    %add3A_1573 = vector.broadcast %add3A_1572 : i32 to vector<16xi32>
    %add3A_1574 = arith.addi %shift_right_arithmetic3A_1571, %add3A_1573 : vector<16xi32>
    %swap3A_1575 = arith.constant 14 : i32
    %swap3A_1576 = arith.index_cast %swap3A_1575 : i32 to index
    %swap3A_1577 = arith.constant 112 : index
    %swap3A_1578 = tpu.vector_load %arg6[%swap3A_1576, %swap3A_1577] {strides = array<i32>} : memref<16x128xi32, #tpu.memory_space<vmem>>, vector<16xi32>,
    tpu.vector_store %arg6[%swap3A_1576, %swap3A_1577], %add3A_1574 {strides = array<i32>} : memref<16x128xi32, #tpu.memory_space<vmem>>, vector<16xi32>,
    %dma_start3A_1579 = arith.constant 14 : i32
    %dma_start3A_1580 = arith.constant 1792 : i32
    %dma_start3A_1581 = arith.constant 0 : i32
    %dma_start3A_1582 = tpu.memref_slice %arg7[%dma_start3A_1580, %dma_start3A_1581] : memref<2048x16xf32, #tpu.memory_space<vmem>> -> memref<128x16xf32, #tpu.memory_space<vmem>>
    %dma_start3A_1583 = arith.constant 0 : i32
    %dma_start3A_1584 = tpu.memref_slice %arg6[%dma_start3A_1579, %dma_start3A_1583] : memref<16x128xi32, #tpu.memory_space<vmem>> -> memref<1x128xi32, #tpu.memory_space<vmem>>
    %dma_start3A_1585 = tpu.memref_squeeze %dma_start3A_1584 : memref<1x128xi32, #tpu.memory_space<vmem>> -> memref<128xi32, #tpu.memory_space<vmem>>
    %dma_start3A_1586 = arith.constant 0 : i32
    %dma_start3A_1587 = arith.constant 0 : i32
    %dma_start3A_1588 = tpu.memref_slice %arg3[%dma_start3A_1586, %dma_start3A_1587] : memref<250000x16xf32, #tpu.memory_space<hbm>> -> memref<250000x16xf32, #tpu.memory_space<hbm>>
    tpu.enqueue_indirect_dma source(%dma_start3A_1588 : memref<250000x16xf32, #tpu.memory_space<hbm>>) target(%dma_start3A_1582 : memref<128x16xf32, #tpu.memory_space<vmem>>) offsets(%dma_start3A_1585 : memref<128xi32, #tpu.memory_space<vmem>>) semaphore(%arg9 : memref<!tpu.dma_semaphore, #tpu.memory_space<semaphore_mem>>)
    %get3A_1589 = arith.constant 384 : index
    %get3A_1590 = tpu.vector_load %arg5[%get3A_1589] {strides = array<i32>} : memref<512xi32, #tpu.memory_space<vmem>>, vector<16xi32>,
    %shift_right_arithmetic3A_1591 = arith.constant 4 : i32
    %shift_right_arithmetic3A_1592 = vector.broadcast %shift_right_arithmetic3A_1591 : i32 to vector<16xi32>
    %shift_right_arithmetic3A_1593 = arith.shrsi %get3A_1590, %shift_right_arithmetic3A_1592 : vector<16xi32>
    %add3A_1594 = arith.constant 187500 : i32
    %add3A_1595 = vector.broadcast %add3A_1594 : i32 to vector<16xi32>
    %add3A_1596 = arith.addi %shift_right_arithmetic3A_1593, %add3A_1595 : vector<16xi32>
    %swap3A_1597 = arith.constant 15 : i32
    %swap3A_1598 = arith.index_cast %swap3A_1597 : i32 to index
    %swap3A_1599 = arith.constant 0 : index
    %swap3A_1600 = tpu.vector_load %arg6[%swap3A_1598, %swap3A_1599] {strides = array<i32>} : memref<16x128xi32, #tpu.memory_space<vmem>>, vector<16xi32>,
    tpu.vector_store %arg6[%swap3A_1598, %swap3A_1599], %add3A_1596 {strides = array<i32>} : memref<16x128xi32, #tpu.memory_space<vmem>>, vector<16xi32>,
    %get3A_1601 = arith.constant 400 : index
    %get3A_1602 = tpu.vector_load %arg5[%get3A_1601] {strides = array<i32>} : memref<512xi32, #tpu.memory_space<vmem>>, vector<16xi32>,
    %shift_right_arithmetic3A_1603 = arith.constant 4 : i32
    %shift_right_arithmetic3A_1604 = vector.broadcast %shift_right_arithmetic3A_1603 : i32 to vector<16xi32>
    %shift_right_arithmetic3A_1605 = arith.shrsi %get3A_1602, %shift_right_arithmetic3A_1604 : vector<16xi32>
    %add3A_1606 = arith.constant 187500 : i32
    %add3A_1607 = vector.broadcast %add3A_1606 : i32 to vector<16xi32>
    %add3A_1608 = arith.addi %shift_right_arithmetic3A_1605, %add3A_1607 : vector<16xi32>
    %swap3A_1609 = arith.constant 15 : i32
    %swap3A_1610 = arith.index_cast %swap3A_1609 : i32 to index
    %swap3A_1611 = arith.constant 16 : index
    %swap3A_1612 = tpu.vector_load %arg6[%swap3A_1610, %swap3A_1611] {strides = array<i32>} : memref<16x128xi32, #tpu.memory_space<vmem>>, vector<16xi32>,
    tpu.vector_store %arg6[%swap3A_1610, %swap3A_1611], %add3A_1608 {strides = array<i32>} : memref<16x128xi32, #tpu.memory_space<vmem>>, vector<16xi32>,
    %get3A_1613 = arith.constant 416 : index
    %get3A_1614 = tpu.vector_load %arg5[%get3A_1613] {strides = array<i32>} : memref<512xi32, #tpu.memory_space<vmem>>, vector<16xi32>,
    %shift_right_arithmetic3A_1615 = arith.constant 4 : i32
    %shift_right_arithmetic3A_1616 = vector.broadcast %shift_right_arithmetic3A_1615 : i32 to vector<16xi32>
    %shift_right_arithmetic3A_1617 = arith.shrsi %get3A_1614, %shift_right_arithmetic3A_1616 : vector<16xi32>
    %add3A_1618 = arith.constant 187500 : i32
    %add3A_1619 = vector.broadcast %add3A_1618 : i32 to vector<16xi32>
    %add3A_1620 = arith.addi %shift_right_arithmetic3A_1617, %add3A_1619 : vector<16xi32>
    %swap3A_1621 = arith.constant 15 : i32
    %swap3A_1622 = arith.index_cast %swap3A_1621 : i32 to index
    %swap3A_1623 = arith.constant 32 : index
    %swap3A_1624 = tpu.vector_load %arg6[%swap3A_1622, %swap3A_1623] {strides = array<i32>} : memref<16x128xi32, #tpu.memory_space<vmem>>, vector<16xi32>,
    tpu.vector_store %arg6[%swap3A_1622, %swap3A_1623], %add3A_1620 {strides = array<i32>} : memref<16x128xi32, #tpu.memory_space<vmem>>, vector<16xi32>,
    %get3A_1625 = arith.constant 432 : index
    %get3A_1626 = tpu.vector_load %arg5[%get3A_1625] {strides = array<i32>} : memref<512xi32, #tpu.memory_space<vmem>>, vector<16xi32>,
    %shift_right_arithmetic3A_1627 = arith.constant 4 : i32
    %shift_right_arithmetic3A_1628 = vector.broadcast %shift_right_arithmetic3A_1627 : i32 to vector<16xi32>
    %shift_right_arithmetic3A_1629 = arith.shrsi %get3A_1626, %shift_right_arithmetic3A_1628 : vector<16xi32>
    %add3A_1630 = arith.constant 187500 : i32
    %add3A_1631 = vector.broadcast %add3A_1630 : i32 to vector<16xi32>
    %add3A_1632 = arith.addi %shift_right_arithmetic3A_1629, %add3A_1631 : vector<16xi32>
    %swap3A_1633 = arith.constant 15 : i32
    %swap3A_1634 = arith.index_cast %swap3A_1633 : i32 to index
    %swap3A_1635 = arith.constant 48 : index
    %swap3A_1636 = tpu.vector_load %arg6[%swap3A_1634, %swap3A_1635] {strides = array<i32>} : memref<16x128xi32, #tpu.memory_space<vmem>>, vector<16xi32>,
    tpu.vector_store %arg6[%swap3A_1634, %swap3A_1635], %add3A_1632 {strides = array<i32>} : memref<16x128xi32, #tpu.memory_space<vmem>>, vector<16xi32>,
    %get3A_1637 = arith.constant 448 : index
    %get3A_1638 = tpu.vector_load %arg5[%get3A_1637] {strides = array<i32>} : memref<512xi32, #tpu.memory_space<vmem>>, vector<16xi32>,
    %shift_right_arithmetic3A_1639 = arith.constant 4 : i32
    %shift_right_arithmetic3A_1640 = vector.broadcast %shift_right_arithmetic3A_1639 : i32 to vector<16xi32>
    %shift_right_arithmetic3A_1641 = arith.shrsi %get3A_1638, %shift_right_arithmetic3A_1640 : vector<16xi32>
    %add3A_1642 = arith.constant 187500 : i32
    %add3A_1643 = vector.broadcast %add3A_1642 : i32 to vector<16xi32>
    %add3A_1644 = arith.addi %shift_right_arithmetic3A_1641, %add3A_1643 : vector<16xi32>
    %swap3A_1645 = arith.constant 15 : i32
    %swap3A_1646 = arith.index_cast %swap3A_1645 : i32 to index
    %swap3A_1647 = arith.constant 64 : index
    %swap3A_1648 = tpu.vector_load %arg6[%swap3A_1646, %swap3A_1647] {strides = array<i32>} : memref<16x128xi32, #tpu.memory_space<vmem>>, vector<16xi32>,
    tpu.vector_store %arg6[%swap3A_1646, %swap3A_1647], %add3A_1644 {strides = array<i32>} : memref<16x128xi32, #tpu.memory_space<vmem>>, vector<16xi32>,
    %get3A_1649 = arith.constant 464 : index
    %get3A_1650 = tpu.vector_load %arg5[%get3A_1649] {strides = array<i32>} : memref<512xi32, #tpu.memory_space<vmem>>, vector<16xi32>,
    %shift_right_arithmetic3A_1651 = arith.constant 4 : i32
    %shift_right_arithmetic3A_1652 = vector.broadcast %shift_right_arithmetic3A_1651 : i32 to vector<16xi32>
    %shift_right_arithmetic3A_1653 = arith.shrsi %get3A_1650, %shift_right_arithmetic3A_1652 : vector<16xi32>
    %add3A_1654 = arith.constant 187500 : i32
    %add3A_1655 = vector.broadcast %add3A_1654 : i32 to vector<16xi32>
    %add3A_1656 = arith.addi %shift_right_arithmetic3A_1653, %add3A_1655 : vector<16xi32>
    %swap3A_1657 = arith.constant 15 : i32
    %swap3A_1658 = arith.index_cast %swap3A_1657 : i32 to index
    %swap3A_1659 = arith.constant 80 : index
    %swap3A_1660 = tpu.vector_load %arg6[%swap3A_1658, %swap3A_1659] {strides = array<i32>} : memref<16x128xi32, #tpu.memory_space<vmem>>, vector<16xi32>,
    tpu.vector_store %arg6[%swap3A_1658, %swap3A_1659], %add3A_1656 {strides = array<i32>} : memref<16x128xi32, #tpu.memory_space<vmem>>, vector<16xi32>,
    %get3A_1661 = arith.constant 480 : index
    %get3A_1662 = tpu.vector_load %arg5[%get3A_1661] {strides = array<i32>} : memref<512xi32, #tpu.memory_space<vmem>>, vector<16xi32>,
    %shift_right_arithmetic3A_1663 = arith.constant 4 : i32
    %shift_right_arithmetic3A_1664 = vector.broadcast %shift_right_arithmetic3A_1663 : i32 to vector<16xi32>
    %shift_right_arithmetic3A_1665 = arith.shrsi %get3A_1662, %shift_right_arithmetic3A_1664 : vector<16xi32>
    %add3A_1666 = arith.constant 187500 : i32
    %add3A_1667 = vector.broadcast %add3A_1666 : i32 to vector<16xi32>
    %add3A_1668 = arith.addi %shift_right_arithmetic3A_1665, %add3A_1667 : vector<16xi32>
    %swap3A_1669 = arith.constant 15 : i32
    %swap3A_1670 = arith.index_cast %swap3A_1669 : i32 to index
    %swap3A_1671 = arith.constant 96 : index
    %swap3A_1672 = tpu.vector_load %arg6[%swap3A_1670, %swap3A_1671] {strides = array<i32>} : memref<16x128xi32, #tpu.memory_space<vmem>>, vector<16xi32>,
    tpu.vector_store %arg6[%swap3A_1670, %swap3A_1671], %add3A_1668 {strides = array<i32>} : memref<16x128xi32, #tpu.memory_space<vmem>>, vector<16xi32>,
    %get3A_1673 = arith.constant 496 : index
    %get3A_1674 = tpu.vector_load %arg5[%get3A_1673] {strides = array<i32>} : memref<512xi32, #tpu.memory_space<vmem>>, vector<16xi32>,
    %shift_right_arithmetic3A_1675 = arith.constant 4 : i32
    %shift_right_arithmetic3A_1676 = vector.broadcast %shift_right_arithmetic3A_1675 : i32 to vector<16xi32>
    %shift_right_arithmetic3A_1677 = arith.shrsi %get3A_1674, %shift_right_arithmetic3A_1676 : vector<16xi32>
    %add3A_1678 = arith.constant 187500 : i32
    %add3A_1679 = vector.broadcast %add3A_1678 : i32 to vector<16xi32>
    %add3A_1680 = arith.addi %shift_right_arithmetic3A_1677, %add3A_1679 : vector<16xi32>
    %swap3A_1681 = arith.constant 15 : i32
    %swap3A_1682 = arith.index_cast %swap3A_1681 : i32 to index
    %swap3A_1683 = arith.constant 112 : index
    %swap3A_1684 = tpu.vector_load %arg6[%swap3A_1682, %swap3A_1683] {strides = array<i32>} : memref<16x128xi32, #tpu.memory_space<vmem>>, vector<16xi32>,
    tpu.vector_store %arg6[%swap3A_1682, %swap3A_1683], %add3A_1680 {strides = array<i32>} : memref<16x128xi32, #tpu.memory_space<vmem>>, vector<16xi32>,
    %dma_start3A_1685 = arith.constant 15 : i32
    %dma_start3A_1686 = arith.constant 1920 : i32
    %dma_start3A_1687 = arith.constant 0 : i32
    %dma_start3A_1688 = tpu.memref_slice %arg7[%dma_start3A_1686, %dma_start3A_1687] : memref<2048x16xf32, #tpu.memory_space<vmem>> -> memref<128x16xf32, #tpu.memory_space<vmem>>
    %dma_start3A_1689 = arith.constant 0 : i32
    %dma_start3A_1690 = tpu.memref_slice %arg6[%dma_start3A_1685, %dma_start3A_1689] : memref<16x128xi32, #tpu.memory_space<vmem>> -> memref<1x128xi32, #tpu.memory_space<vmem>>
    %dma_start3A_1691 = tpu.memref_squeeze %dma_start3A_1690 : memref<1x128xi32, #tpu.memory_space<vmem>> -> memref<128xi32, #tpu.memory_space<vmem>>
    %dma_start3A_1692 = arith.constant 0 : i32
    %dma_start3A_1693 = arith.constant 0 : i32
    %dma_start3A_1694 = tpu.memref_slice %arg3[%dma_start3A_1692, %dma_start3A_1693] : memref<250000x16xf32, #tpu.memory_space<hbm>> -> memref<250000x16xf32, #tpu.memory_space<hbm>>
    tpu.enqueue_indirect_dma source(%dma_start3A_1694 : memref<250000x16xf32, #tpu.memory_space<hbm>>) target(%dma_start3A_1688 : memref<128x16xf32, #tpu.memory_space<vmem>>) offsets(%dma_start3A_1691 : memref<128xi32, #tpu.memory_space<vmem>>) semaphore(%arg9 : memref<!tpu.dma_semaphore, #tpu.memory_space<semaphore_mem>>)
    %dma_wait3A = arith.constant 0 : i32
    %dma_wait3A_1695 = arith.constant 0 : i32
    %dma_wait3A_1696 = arith.constant 0 : i32
    %dma_wait3A_1697 = tpu.memref_slice %arg7[%dma_wait3A_1695, %dma_wait3A_1696] : memref<2048x16xf32, #tpu.memory_space<vmem>> -> memref<128x16xf32, #tpu.memory_space<vmem>>
    %dma_wait3A_1698 = arith.constant 0 : i32
    %dma_wait3A_1699 = tpu.memref_slice %arg6[%dma_wait3A, %dma_wait3A_1698] : memref<16x128xi32, #tpu.memory_space<vmem>> -> memref<1x128xi32, #tpu.memory_space<vmem>>
    %dma_wait3A_1700 = tpu.memref_squeeze %dma_wait3A_1699 : memref<1x128xi32, #tpu.memory_space<vmem>> -> memref<128xi32, #tpu.memory_space<vmem>>
    %dma_wait3A_1701 = arith.constant 0 : i32
    %dma_wait3A_1702 = arith.constant 0 : i32
    %dma_wait3A_1703 = tpu.memref_slice %arg3[%dma_wait3A_1701, %dma_wait3A_1702] : memref<250000x16xf32, #tpu.memory_space<hbm>> -> memref<250000x16xf32, #tpu.memory_space<hbm>>
    tpu.wait_indirect_dma semaphore(%arg9 : memref<!tpu.dma_semaphore, #tpu.memory_space<semaphore_mem>>) src(%dma_wait3A_1703 : memref<250000x16xf32, #tpu.memory_space<hbm>>) dst(%dma_wait3A_1697 : memref<128x16xf32, #tpu.memory_space<vmem>>)
    %add3A_1704 = arith.constant 0 : i32
    %add3A_1705 = vector.broadcast %add3A_1704 : i32 to vector<16xi32>
    %add3A_1706 = arith.addi %iota3A, %add3A_1705 : vector<16xi32>
    %add3A_1707 = arith.constant 0 : i32
    %add3A_1708 = vector.broadcast %add3A_1707 : i32 to vector<16xi32>
    %add3A_1709 = arith.addi %add3A_1706, %add3A_1708 : vector<16xi32>
    %get3A_1710 = arith.constant 0 : index
    %get3A_1711 = tpu.vector_load %arg5[%get3A_1710] {strides = array<i32>} : memref<512xi32, #tpu.memory_space<vmem>>, vector<16xi32>,
    %add3A_1712 = arith.constant 0 : i32
    %add3A_1713 = vector.broadcast %add3A_1712 : i32 to vector<16xi32>
    %add3A_1714 = arith.addi %add3A_1709, %add3A_1713 : vector<16xi32>
    %and3A = arith.constant 15 : i32
    %and3A_1715 = vector.broadcast %and3A : i32 to vector<16xi32>
    %and3A_1716 = arith.andi %get3A_1711, %and3A_1715 : vector<16xi32>
    %gather3A = tpu.vector_load_idx %arg7[%add3A_1714, %and3A_1716] : memref<2048x16xf32, #tpu.memory_space<vmem>>[vector<16xi32>, vector<16xi32>], vector<16xf32>,
    %swap3A_1717 = arith.constant 0 : index
    %swap3A_1718 = tpu.vector_load %arg8[%swap3A_1717] {strides = array<i32>} : memref<2048xf32, #tpu.memory_space<vmem>>, vector<16xf32>,
    tpu.vector_store %arg8[%swap3A_1717], %gather3A {strides = array<i32>} : memref<2048xf32, #tpu.memory_space<vmem>>, vector<16xf32>,
    %add3A_1719 = arith.constant 16 : i32
    %add3A_1720 = vector.broadcast %add3A_1719 : i32 to vector<16xi32>
    %add3A_1721 = arith.addi %iota3A, %add3A_1720 : vector<16xi32>
    %add3A_1722 = arith.constant 0 : i32
    %add3A_1723 = vector.broadcast %add3A_1722 : i32 to vector<16xi32>
    %add3A_1724 = arith.addi %add3A_1721, %add3A_1723 : vector<16xi32>
    %get3A_1725 = arith.constant 16 : index
    %get3A_1726 = tpu.vector_load %arg5[%get3A_1725] {strides = array<i32>} : memref<512xi32, #tpu.memory_space<vmem>>, vector<16xi32>,
    %add3A_1727 = arith.constant 0 : i32
    %add3A_1728 = vector.broadcast %add3A_1727 : i32 to vector<16xi32>
    %add3A_1729 = arith.addi %add3A_1724, %add3A_1728 : vector<16xi32>
    %and3A_1730 = arith.constant 15 : i32
    %and3A_1731 = vector.broadcast %and3A_1730 : i32 to vector<16xi32>
    %and3A_1732 = arith.andi %get3A_1726, %and3A_1731 : vector<16xi32>
    %gather3A_1733 = tpu.vector_load_idx %arg7[%add3A_1729, %and3A_1732] : memref<2048x16xf32, #tpu.memory_space<vmem>>[vector<16xi32>, vector<16xi32>], vector<16xf32>,
    %swap3A_1734 = arith.constant 16 : index
    %swap3A_1735 = tpu.vector_load %arg8[%swap3A_1734] {strides = array<i32>} : memref<2048xf32, #tpu.memory_space<vmem>>, vector<16xf32>,
    tpu.vector_store %arg8[%swap3A_1734], %gather3A_1733 {strides = array<i32>} : memref<2048xf32, #tpu.memory_space<vmem>>, vector<16xf32>,
    %add3A_1736 = arith.constant 32 : i32
    %add3A_1737 = vector.broadcast %add3A_1736 : i32 to vector<16xi32>
    %add3A_1738 = arith.addi %iota3A, %add3A_1737 : vector<16xi32>
    %add3A_1739 = arith.constant 0 : i32
    %add3A_1740 = vector.broadcast %add3A_1739 : i32 to vector<16xi32>
    %add3A_1741 = arith.addi %add3A_1738, %add3A_1740 : vector<16xi32>
    %get3A_1742 = arith.constant 32 : index
    %get3A_1743 = tpu.vector_load %arg5[%get3A_1742] {strides = array<i32>} : memref<512xi32, #tpu.memory_space<vmem>>, vector<16xi32>,
    %add3A_1744 = arith.constant 0 : i32
    %add3A_1745 = vector.broadcast %add3A_1744 : i32 to vector<16xi32>
    %add3A_1746 = arith.addi %add3A_1741, %add3A_1745 : vector<16xi32>
    %and3A_1747 = arith.constant 15 : i32
    %and3A_1748 = vector.broadcast %and3A_1747 : i32 to vector<16xi32>
    %and3A_1749 = arith.andi %get3A_1743, %and3A_1748 : vector<16xi32>
    %gather3A_1750 = tpu.vector_load_idx %arg7[%add3A_1746, %and3A_1749] : memref<2048x16xf32, #tpu.memory_space<vmem>>[vector<16xi32>, vector<16xi32>], vector<16xf32>,
    %swap3A_1751 = arith.constant 32 : index
    %swap3A_1752 = tpu.vector_load %arg8[%swap3A_1751] {strides = array<i32>} : memref<2048xf32, #tpu.memory_space<vmem>>, vector<16xf32>,
    tpu.vector_store %arg8[%swap3A_1751], %gather3A_1750 {strides = array<i32>} : memref<2048xf32, #tpu.memory_space<vmem>>, vector<16xf32>,
    %add3A_1753 = arith.constant 48 : i32
    %add3A_1754 = vector.broadcast %add3A_1753 : i32 to vector<16xi32>
    %add3A_1755 = arith.addi %iota3A, %add3A_1754 : vector<16xi32>
    %add3A_1756 = arith.constant 0 : i32
    %add3A_1757 = vector.broadcast %add3A_1756 : i32 to vector<16xi32>
    %add3A_1758 = arith.addi %add3A_1755, %add3A_1757 : vector<16xi32>
    %get3A_1759 = arith.constant 48 : index
    %get3A_1760 = tpu.vector_load %arg5[%get3A_1759] {strides = array<i32>} : memref<512xi32, #tpu.memory_space<vmem>>, vector<16xi32>,
    %add3A_1761 = arith.constant 0 : i32
    %add3A_1762 = vector.broadcast %add3A_1761 : i32 to vector<16xi32>
    %add3A_1763 = arith.addi %add3A_1758, %add3A_1762 : vector<16xi32>
    %and3A_1764 = arith.constant 15 : i32
    %and3A_1765 = vector.broadcast %and3A_1764 : i32 to vector<16xi32>
    %and3A_1766 = arith.andi %get3A_1760, %and3A_1765 : vector<16xi32>
    %gather3A_1767 = tpu.vector_load_idx %arg7[%add3A_1763, %and3A_1766] : memref<2048x16xf32, #tpu.memory_space<vmem>>[vector<16xi32>, vector<16xi32>], vector<16xf32>,
    %swap3A_1768 = arith.constant 48 : index
    %swap3A_1769 = tpu.vector_load %arg8[%swap3A_1768] {strides = array<i32>} : memref<2048xf32, #tpu.memory_space<vmem>>, vector<16xf32>,
    tpu.vector_store %arg8[%swap3A_1768], %gather3A_1767 {strides = array<i32>} : memref<2048xf32, #tpu.memory_space<vmem>>, vector<16xf32>,
    %add3A_1770 = arith.constant 64 : i32
    %add3A_1771 = vector.broadcast %add3A_1770 : i32 to vector<16xi32>
    %add3A_1772 = arith.addi %iota3A, %add3A_1771 : vector<16xi32>
    %add3A_1773 = arith.constant 0 : i32
    %add3A_1774 = vector.broadcast %add3A_1773 : i32 to vector<16xi32>
    %add3A_1775 = arith.addi %add3A_1772, %add3A_1774 : vector<16xi32>
    %get3A_1776 = arith.constant 64 : index
    %get3A_1777 = tpu.vector_load %arg5[%get3A_1776] {strides = array<i32>} : memref<512xi32, #tpu.memory_space<vmem>>, vector<16xi32>,
    %add3A_1778 = arith.constant 0 : i32
    %add3A_1779 = vector.broadcast %add3A_1778 : i32 to vector<16xi32>
    %add3A_1780 = arith.addi %add3A_1775, %add3A_1779 : vector<16xi32>
    %and3A_1781 = arith.constant 15 : i32
    %and3A_1782 = vector.broadcast %and3A_1781 : i32 to vector<16xi32>
    %and3A_1783 = arith.andi %get3A_1777, %and3A_1782 : vector<16xi32>
    %gather3A_1784 = tpu.vector_load_idx %arg7[%add3A_1780, %and3A_1783] : memref<2048x16xf32, #tpu.memory_space<vmem>>[vector<16xi32>, vector<16xi32>], vector<16xf32>,
    %swap3A_1785 = arith.constant 64 : index
    %swap3A_1786 = tpu.vector_load %arg8[%swap3A_1785] {strides = array<i32>} : memref<2048xf32, #tpu.memory_space<vmem>>, vector<16xf32>,
    tpu.vector_store %arg8[%swap3A_1785], %gather3A_1784 {strides = array<i32>} : memref<2048xf32, #tpu.memory_space<vmem>>, vector<16xf32>,
    %add3A_1787 = arith.constant 80 : i32
    %add3A_1788 = vector.broadcast %add3A_1787 : i32 to vector<16xi32>
    %add3A_1789 = arith.addi %iota3A, %add3A_1788 : vector<16xi32>
    %add3A_1790 = arith.constant 0 : i32
    %add3A_1791 = vector.broadcast %add3A_1790 : i32 to vector<16xi32>
    %add3A_1792 = arith.addi %add3A_1789, %add3A_1791 : vector<16xi32>
    %get3A_1793 = arith.constant 80 : index
    %get3A_1794 = tpu.vector_load %arg5[%get3A_1793] {strides = array<i32>} : memref<512xi32, #tpu.memory_space<vmem>>, vector<16xi32>,
    %add3A_1795 = arith.constant 0 : i32
    %add3A_1796 = vector.broadcast %add3A_1795 : i32 to vector<16xi32>
    %add3A_1797 = arith.addi %add3A_1792, %add3A_1796 : vector<16xi32>
    %and3A_1798 = arith.constant 15 : i32
    %and3A_1799 = vector.broadcast %and3A_1798 : i32 to vector<16xi32>
    %and3A_1800 = arith.andi %get3A_1794, %and3A_1799 : vector<16xi32>
    %gather3A_1801 = tpu.vector_load_idx %arg7[%add3A_1797, %and3A_1800] : memref<2048x16xf32, #tpu.memory_space<vmem>>[vector<16xi32>, vector<16xi32>], vector<16xf32>,
    %swap3A_1802 = arith.constant 80 : index
    %swap3A_1803 = tpu.vector_load %arg8[%swap3A_1802] {strides = array<i32>} : memref<2048xf32, #tpu.memory_space<vmem>>, vector<16xf32>,
    tpu.vector_store %arg8[%swap3A_1802], %gather3A_1801 {strides = array<i32>} : memref<2048xf32, #tpu.memory_space<vmem>>, vector<16xf32>,
    %add3A_1804 = arith.constant 96 : i32
    %add3A_1805 = vector.broadcast %add3A_1804 : i32 to vector<16xi32>
    %add3A_1806 = arith.addi %iota3A, %add3A_1805 : vector<16xi32>
    %add3A_1807 = arith.constant 0 : i32
    %add3A_1808 = vector.broadcast %add3A_1807 : i32 to vector<16xi32>
    %add3A_1809 = arith.addi %add3A_1806, %add3A_1808 : vector<16xi32>
    %get3A_1810 = arith.constant 96 : index
    %get3A_1811 = tpu.vector_load %arg5[%get3A_1810] {strides = array<i32>} : memref<512xi32, #tpu.memory_space<vmem>>, vector<16xi32>,
    %add3A_1812 = arith.constant 0 : i32
    %add3A_1813 = vector.broadcast %add3A_1812 : i32 to vector<16xi32>
    %add3A_1814 = arith.addi %add3A_1809, %add3A_1813 : vector<16xi32>
    %and3A_1815 = arith.constant 15 : i32
    %and3A_1816 = vector.broadcast %and3A_1815 : i32 to vector<16xi32>
    %and3A_1817 = arith.andi %get3A_1811, %and3A_1816 : vector<16xi32>
    %gather3A_1818 = tpu.vector_load_idx %arg7[%add3A_1814, %and3A_1817] : memref<2048x16xf32, #tpu.memory_space<vmem>>[vector<16xi32>, vector<16xi32>], vector<16xf32>,
    %swap3A_1819 = arith.constant 96 : index
    %swap3A_1820 = tpu.vector_load %arg8[%swap3A_1819] {strides = array<i32>} : memref<2048xf32, #tpu.memory_space<vmem>>, vector<16xf32>,
    tpu.vector_store %arg8[%swap3A_1819], %gather3A_1818 {strides = array<i32>} : memref<2048xf32, #tpu.memory_space<vmem>>, vector<16xf32>,
    %add3A_1821 = arith.constant 112 : i32
    %add3A_1822 = vector.broadcast %add3A_1821 : i32 to vector<16xi32>
    %add3A_1823 = arith.addi %iota3A, %add3A_1822 : vector<16xi32>
    %add3A_1824 = arith.constant 0 : i32
    %add3A_1825 = vector.broadcast %add3A_1824 : i32 to vector<16xi32>
    %add3A_1826 = arith.addi %add3A_1823, %add3A_1825 : vector<16xi32>
    %get3A_1827 = arith.constant 112 : index
    %get3A_1828 = tpu.vector_load %arg5[%get3A_1827] {strides = array<i32>} : memref<512xi32, #tpu.memory_space<vmem>>, vector<16xi32>,
    %add3A_1829 = arith.constant 0 : i32
    %add3A_1830 = vector.broadcast %add3A_1829 : i32 to vector<16xi32>
    %add3A_1831 = arith.addi %add3A_1826, %add3A_1830 : vector<16xi32>
    %and3A_1832 = arith.constant 15 : i32
    %and3A_1833 = vector.broadcast %and3A_1832 : i32 to vector<16xi32>
    %and3A_1834 = arith.andi %get3A_1828, %and3A_1833 : vector<16xi32>
    %gather3A_1835 = tpu.vector_load_idx %arg7[%add3A_1831, %and3A_1834] : memref<2048x16xf32, #tpu.memory_space<vmem>>[vector<16xi32>, vector<16xi32>], vector<16xf32>,
    %swap3A_1836 = arith.constant 112 : index
    %swap3A_1837 = tpu.vector_load %arg8[%swap3A_1836] {strides = array<i32>} : memref<2048xf32, #tpu.memory_space<vmem>>, vector<16xf32>,
    tpu.vector_store %arg8[%swap3A_1836], %gather3A_1835 {strides = array<i32>} : memref<2048xf32, #tpu.memory_space<vmem>>, vector<16xf32>,
    %dma_wait3A_1838 = arith.constant 1 : i32
    %dma_wait3A_1839 = arith.constant 128 : i32
    %dma_wait3A_1840 = arith.constant 0 : i32
    %dma_wait3A_1841 = tpu.memref_slice %arg7[%dma_wait3A_1839, %dma_wait3A_1840] : memref<2048x16xf32, #tpu.memory_space<vmem>> -> memref<128x16xf32, #tpu.memory_space<vmem>>
    %dma_wait3A_1842 = arith.constant 0 : i32
    %dma_wait3A_1843 = tpu.memref_slice %arg6[%dma_wait3A_1838, %dma_wait3A_1842] : memref<16x128xi32, #tpu.memory_space<vmem>> -> memref<1x128xi32, #tpu.memory_space<vmem>>
    %dma_wait3A_1844 = tpu.memref_squeeze %dma_wait3A_1843 : memref<1x128xi32, #tpu.memory_space<vmem>> -> memref<128xi32, #tpu.memory_space<vmem>>
    %dma_wait3A_1845 = arith.constant 0 : i32
    %dma_wait3A_1846 = arith.constant 0 : i32
    %dma_wait3A_1847 = tpu.memref_slice %arg3[%dma_wait3A_1845, %dma_wait3A_1846] : memref<250000x16xf32, #tpu.memory_space<hbm>> -> memref<250000x16xf32, #tpu.memory_space<hbm>>
    tpu.wait_indirect_dma semaphore(%arg9 : memref<!tpu.dma_semaphore, #tpu.memory_space<semaphore_mem>>) src(%dma_wait3A_1847 : memref<250000x16xf32, #tpu.memory_space<hbm>>) dst(%dma_wait3A_1841 : memref<128x16xf32, #tpu.memory_space<vmem>>)
    %add3A_1848 = arith.constant 0 : i32
    %add3A_1849 = vector.broadcast %add3A_1848 : i32 to vector<16xi32>
    %add3A_1850 = arith.addi %iota3A, %add3A_1849 : vector<16xi32>
    %add3A_1851 = arith.constant 128 : i32
    %add3A_1852 = vector.broadcast %add3A_1851 : i32 to vector<16xi32>
    %add3A_1853 = arith.addi %add3A_1850, %add3A_1852 : vector<16xi32>
    %get3A_1854 = arith.constant 128 : index
    %get3A_1855 = tpu.vector_load %arg5[%get3A_1854] {strides = array<i32>} : memref<512xi32, #tpu.memory_space<vmem>>, vector<16xi32>,
    %add3A_1856 = arith.constant 0 : i32
    %add3A_1857 = vector.broadcast %add3A_1856 : i32 to vector<16xi32>
    %add3A_1858 = arith.addi %add3A_1853, %add3A_1857 : vector<16xi32>
    %and3A_1859 = arith.constant 15 : i32
    %and3A_1860 = vector.broadcast %and3A_1859 : i32 to vector<16xi32>
    %and3A_1861 = arith.andi %get3A_1855, %and3A_1860 : vector<16xi32>
    %gather3A_1862 = tpu.vector_load_idx %arg7[%add3A_1858, %and3A_1861] : memref<2048x16xf32, #tpu.memory_space<vmem>>[vector<16xi32>, vector<16xi32>], vector<16xf32>,
    %swap3A_1863 = arith.constant 512 : index
    %swap3A_1864 = tpu.vector_load %arg8[%swap3A_1863] {strides = array<i32>} : memref<2048xf32, #tpu.memory_space<vmem>>, vector<16xf32>,
    tpu.vector_store %arg8[%swap3A_1863], %gather3A_1862 {strides = array<i32>} : memref<2048xf32, #tpu.memory_space<vmem>>, vector<16xf32>,
    %add3A_1865 = arith.constant 16 : i32
    %add3A_1866 = vector.broadcast %add3A_1865 : i32 to vector<16xi32>
    %add3A_1867 = arith.addi %iota3A, %add3A_1866 : vector<16xi32>
    %add3A_1868 = arith.constant 128 : i32
    %add3A_1869 = vector.broadcast %add3A_1868 : i32 to vector<16xi32>
    %add3A_1870 = arith.addi %add3A_1867, %add3A_1869 : vector<16xi32>
    %get3A_1871 = arith.constant 144 : index
    %get3A_1872 = tpu.vector_load %arg5[%get3A_1871] {strides = array<i32>} : memref<512xi32, #tpu.memory_space<vmem>>, vector<16xi32>,
    %add3A_1873 = arith.constant 0 : i32
    %add3A_1874 = vector.broadcast %add3A_1873 : i32 to vector<16xi32>
    %add3A_1875 = arith.addi %add3A_1870, %add3A_1874 : vector<16xi32>
    %and3A_1876 = arith.constant 15 : i32
    %and3A_1877 = vector.broadcast %and3A_1876 : i32 to vector<16xi32>
    %and3A_1878 = arith.andi %get3A_1872, %and3A_1877 : vector<16xi32>
    %gather3A_1879 = tpu.vector_load_idx %arg7[%add3A_1875, %and3A_1878] : memref<2048x16xf32, #tpu.memory_space<vmem>>[vector<16xi32>, vector<16xi32>], vector<16xf32>,
    %swap3A_1880 = arith.constant 528 : index
    %swap3A_1881 = tpu.vector_load %arg8[%swap3A_1880] {strides = array<i32>} : memref<2048xf32, #tpu.memory_space<vmem>>, vector<16xf32>,
    tpu.vector_store %arg8[%swap3A_1880], %gather3A_1879 {strides = array<i32>} : memref<2048xf32, #tpu.memory_space<vmem>>, vector<16xf32>,
    %add3A_1882 = arith.constant 32 : i32
    %add3A_1883 = vector.broadcast %add3A_1882 : i32 to vector<16xi32>
    %add3A_1884 = arith.addi %iota3A, %add3A_1883 : vector<16xi32>
    %add3A_1885 = arith.constant 128 : i32
    %add3A_1886 = vector.broadcast %add3A_1885 : i32 to vector<16xi32>
    %add3A_1887 = arith.addi %add3A_1884, %add3A_1886 : vector<16xi32>
    %get3A_1888 = arith.constant 160 : index
    %get3A_1889 = tpu.vector_load %arg5[%get3A_1888] {strides = array<i32>} : memref<512xi32, #tpu.memory_space<vmem>>, vector<16xi32>,
    %add3A_1890 = arith.constant 0 : i32
    %add3A_1891 = vector.broadcast %add3A_1890 : i32 to vector<16xi32>
    %add3A_1892 = arith.addi %add3A_1887, %add3A_1891 : vector<16xi32>
    %and3A_1893 = arith.constant 15 : i32
    %and3A_1894 = vector.broadcast %and3A_1893 : i32 to vector<16xi32>
    %and3A_1895 = arith.andi %get3A_1889, %and3A_1894 : vector<16xi32>
    %gather3A_1896 = tpu.vector_load_idx %arg7[%add3A_1892, %and3A_1895] : memref<2048x16xf32, #tpu.memory_space<vmem>>[vector<16xi32>, vector<16xi32>], vector<16xf32>,
    %swap3A_1897 = arith.constant 544 : index
    %swap3A_1898 = tpu.vector_load %arg8[%swap3A_1897] {strides = array<i32>} : memref<2048xf32, #tpu.memory_space<vmem>>, vector<16xf32>,
    tpu.vector_store %arg8[%swap3A_1897], %gather3A_1896 {strides = array<i32>} : memref<2048xf32, #tpu.memory_space<vmem>>, vector<16xf32>,
    %add3A_1899 = arith.constant 48 : i32
    %add3A_1900 = vector.broadcast %add3A_1899 : i32 to vector<16xi32>
    %add3A_1901 = arith.addi %iota3A, %add3A_1900 : vector<16xi32>
    %add3A_1902 = arith.constant 128 : i32
    %add3A_1903 = vector.broadcast %add3A_1902 : i32 to vector<16xi32>
    %add3A_1904 = arith.addi %add3A_1901, %add3A_1903 : vector<16xi32>
    %get3A_1905 = arith.constant 176 : index
    %get3A_1906 = tpu.vector_load %arg5[%get3A_1905] {strides = array<i32>} : memref<512xi32, #tpu.memory_space<vmem>>, vector<16xi32>,
    %add3A_1907 = arith.constant 0 : i32
    %add3A_1908 = vector.broadcast %add3A_1907 : i32 to vector<16xi32>
    %add3A_1909 = arith.addi %add3A_1904, %add3A_1908 : vector<16xi32>
    %and3A_1910 = arith.constant 15 : i32
    %and3A_1911 = vector.broadcast %and3A_1910 : i32 to vector<16xi32>
    %and3A_1912 = arith.andi %get3A_1906, %and3A_1911 : vector<16xi32>
    %gather3A_1913 = tpu.vector_load_idx %arg7[%add3A_1909, %and3A_1912] : memref<2048x16xf32, #tpu.memory_space<vmem>>[vector<16xi32>, vector<16xi32>], vector<16xf32>,
    %swap3A_1914 = arith.constant 560 : index
    %swap3A_1915 = tpu.vector_load %arg8[%swap3A_1914] {strides = array<i32>} : memref<2048xf32, #tpu.memory_space<vmem>>, vector<16xf32>,
    tpu.vector_store %arg8[%swap3A_1914], %gather3A_1913 {strides = array<i32>} : memref<2048xf32, #tpu.memory_space<vmem>>, vector<16xf32>,
    %add3A_1916 = arith.constant 64 : i32
    %add3A_1917 = vector.broadcast %add3A_1916 : i32 to vector<16xi32>
    %add3A_1918 = arith.addi %iota3A, %add3A_1917 : vector<16xi32>
    %add3A_1919 = arith.constant 128 : i32
    %add3A_1920 = vector.broadcast %add3A_1919 : i32 to vector<16xi32>
    %add3A_1921 = arith.addi %add3A_1918, %add3A_1920 : vector<16xi32>
    %get3A_1922 = arith.constant 192 : index
    %get3A_1923 = tpu.vector_load %arg5[%get3A_1922] {strides = array<i32>} : memref<512xi32, #tpu.memory_space<vmem>>, vector<16xi32>,
    %add3A_1924 = arith.constant 0 : i32
    %add3A_1925 = vector.broadcast %add3A_1924 : i32 to vector<16xi32>
    %add3A_1926 = arith.addi %add3A_1921, %add3A_1925 : vector<16xi32>
    %and3A_1927 = arith.constant 15 : i32
    %and3A_1928 = vector.broadcast %and3A_1927 : i32 to vector<16xi32>
    %and3A_1929 = arith.andi %get3A_1923, %and3A_1928 : vector<16xi32>
    %gather3A_1930 = tpu.vector_load_idx %arg7[%add3A_1926, %and3A_1929] : memref<2048x16xf32, #tpu.memory_space<vmem>>[vector<16xi32>, vector<16xi32>], vector<16xf32>,
    %swap3A_1931 = arith.constant 576 : index
    %swap3A_1932 = tpu.vector_load %arg8[%swap3A_1931] {strides = array<i32>} : memref<2048xf32, #tpu.memory_space<vmem>>, vector<16xf32>,
    tpu.vector_store %arg8[%swap3A_1931], %gather3A_1930 {strides = array<i32>} : memref<2048xf32, #tpu.memory_space<vmem>>, vector<16xf32>,
    %add3A_1933 = arith.constant 80 : i32
    %add3A_1934 = vector.broadcast %add3A_1933 : i32 to vector<16xi32>
    %add3A_1935 = arith.addi %iota3A, %add3A_1934 : vector<16xi32>
    %add3A_1936 = arith.constant 128 : i32
    %add3A_1937 = vector.broadcast %add3A_1936 : i32 to vector<16xi32>
    %add3A_1938 = arith.addi %add3A_1935, %add3A_1937 : vector<16xi32>
    %get3A_1939 = arith.constant 208 : index
    %get3A_1940 = tpu.vector_load %arg5[%get3A_1939] {strides = array<i32>} : memref<512xi32, #tpu.memory_space<vmem>>, vector<16xi32>,
    %add3A_1941 = arith.constant 0 : i32
    %add3A_1942 = vector.broadcast %add3A_1941 : i32 to vector<16xi32>
    %add3A_1943 = arith.addi %add3A_1938, %add3A_1942 : vector<16xi32>
    %and3A_1944 = arith.constant 15 : i32
    %and3A_1945 = vector.broadcast %and3A_1944 : i32 to vector<16xi32>
    %and3A_1946 = arith.andi %get3A_1940, %and3A_1945 : vector<16xi32>
    %gather3A_1947 = tpu.vector_load_idx %arg7[%add3A_1943, %and3A_1946] : memref<2048x16xf32, #tpu.memory_space<vmem>>[vector<16xi32>, vector<16xi32>], vector<16xf32>,
    %swap3A_1948 = arith.constant 592 : index
    %swap3A_1949 = tpu.vector_load %arg8[%swap3A_1948] {strides = array<i32>} : memref<2048xf32, #tpu.memory_space<vmem>>, vector<16xf32>,
    tpu.vector_store %arg8[%swap3A_1948], %gather3A_1947 {strides = array<i32>} : memref<2048xf32, #tpu.memory_space<vmem>>, vector<16xf32>,
    %add3A_1950 = arith.constant 96 : i32
    %add3A_1951 = vector.broadcast %add3A_1950 : i32 to vector<16xi32>
    %add3A_1952 = arith.addi %iota3A, %add3A_1951 : vector<16xi32>
    %add3A_1953 = arith.constant 128 : i32
    %add3A_1954 = vector.broadcast %add3A_1953 : i32 to vector<16xi32>
    %add3A_1955 = arith.addi %add3A_1952, %add3A_1954 : vector<16xi32>
    %get3A_1956 = arith.constant 224 : index
    %get3A_1957 = tpu.vector_load %arg5[%get3A_1956] {strides = array<i32>} : memref<512xi32, #tpu.memory_space<vmem>>, vector<16xi32>,
    %add3A_1958 = arith.constant 0 : i32
    %add3A_1959 = vector.broadcast %add3A_1958 : i32 to vector<16xi32>
    %add3A_1960 = arith.addi %add3A_1955, %add3A_1959 : vector<16xi32>
    %and3A_1961 = arith.constant 15 : i32
    %and3A_1962 = vector.broadcast %and3A_1961 : i32 to vector<16xi32>
    %and3A_1963 = arith.andi %get3A_1957, %and3A_1962 : vector<16xi32>
    %gather3A_1964 = tpu.vector_load_idx %arg7[%add3A_1960, %and3A_1963] : memref<2048x16xf32, #tpu.memory_space<vmem>>[vector<16xi32>, vector<16xi32>], vector<16xf32>,
    %swap3A_1965 = arith.constant 608 : index
    %swap3A_1966 = tpu.vector_load %arg8[%swap3A_1965] {strides = array<i32>} : memref<2048xf32, #tpu.memory_space<vmem>>, vector<16xf32>,
    tpu.vector_store %arg8[%swap3A_1965], %gather3A_1964 {strides = array<i32>} : memref<2048xf32, #tpu.memory_space<vmem>>, vector<16xf32>,
    %add3A_1967 = arith.constant 112 : i32
    %add3A_1968 = vector.broadcast %add3A_1967 : i32 to vector<16xi32>
    %add3A_1969 = arith.addi %iota3A, %add3A_1968 : vector<16xi32>
    %add3A_1970 = arith.constant 128 : i32
    %add3A_1971 = vector.broadcast %add3A_1970 : i32 to vector<16xi32>
    %add3A_1972 = arith.addi %add3A_1969, %add3A_1971 : vector<16xi32>
    %get3A_1973 = arith.constant 240 : index
    %get3A_1974 = tpu.vector_load %arg5[%get3A_1973] {strides = array<i32>} : memref<512xi32, #tpu.memory_space<vmem>>, vector<16xi32>,
    %add3A_1975 = arith.constant 0 : i32
    %add3A_1976 = vector.broadcast %add3A_1975 : i32 to vector<16xi32>
    %add3A_1977 = arith.addi %add3A_1972, %add3A_1976 : vector<16xi32>
    %and3A_1978 = arith.constant 15 : i32
    %and3A_1979 = vector.broadcast %and3A_1978 : i32 to vector<16xi32>
    %and3A_1980 = arith.andi %get3A_1974, %and3A_1979 : vector<16xi32>
    %gather3A_1981 = tpu.vector_load_idx %arg7[%add3A_1977, %and3A_1980] : memref<2048x16xf32, #tpu.memory_space<vmem>>[vector<16xi32>, vector<16xi32>], vector<16xf32>,
    %swap3A_1982 = arith.constant 624 : index
    %swap3A_1983 = tpu.vector_load %arg8[%swap3A_1982] {strides = array<i32>} : memref<2048xf32, #tpu.memory_space<vmem>>, vector<16xf32>,
    tpu.vector_store %arg8[%swap3A_1982], %gather3A_1981 {strides = array<i32>} : memref<2048xf32, #tpu.memory_space<vmem>>, vector<16xf32>,
    %dma_wait3A_1984 = arith.constant 2 : i32
    %dma_wait3A_1985 = arith.constant 256 : i32
    %dma_wait3A_1986 = arith.constant 0 : i32
    %dma_wait3A_1987 = tpu.memref_slice %arg7[%dma_wait3A_1985, %dma_wait3A_1986] : memref<2048x16xf32, #tpu.memory_space<vmem>> -> memref<128x16xf32, #tpu.memory_space<vmem>>
    %dma_wait3A_1988 = arith.constant 0 : i32
    %dma_wait3A_1989 = tpu.memref_slice %arg6[%dma_wait3A_1984, %dma_wait3A_1988] : memref<16x128xi32, #tpu.memory_space<vmem>> -> memref<1x128xi32, #tpu.memory_space<vmem>>
    %dma_wait3A_1990 = tpu.memref_squeeze %dma_wait3A_1989 : memref<1x128xi32, #tpu.memory_space<vmem>> -> memref<128xi32, #tpu.memory_space<vmem>>
    %dma_wait3A_1991 = arith.constant 0 : i32
    %dma_wait3A_1992 = arith.constant 0 : i32
    %dma_wait3A_1993 = tpu.memref_slice %arg3[%dma_wait3A_1991, %dma_wait3A_1992] : memref<250000x16xf32, #tpu.memory_space<hbm>> -> memref<250000x16xf32, #tpu.memory_space<hbm>>
    tpu.wait_indirect_dma semaphore(%arg9 : memref<!tpu.dma_semaphore, #tpu.memory_space<semaphore_mem>>) src(%dma_wait3A_1993 : memref<250000x16xf32, #tpu.memory_space<hbm>>) dst(%dma_wait3A_1987 : memref<128x16xf32, #tpu.memory_space<vmem>>)
    %add3A_1994 = arith.constant 0 : i32
    %add3A_1995 = vector.broadcast %add3A_1994 : i32 to vector<16xi32>
    %add3A_1996 = arith.addi %iota3A, %add3A_1995 : vector<16xi32>
    %add3A_1997 = arith.constant 256 : i32
    %add3A_1998 = vector.broadcast %add3A_1997 : i32 to vector<16xi32>
    %add3A_1999 = arith.addi %add3A_1996, %add3A_1998 : vector<16xi32>
    %get3A_2000 = arith.constant 256 : index
    %get3A_2001 = tpu.vector_load %arg5[%get3A_2000] {strides = array<i32>} : memref<512xi32, #tpu.memory_space<vmem>>, vector<16xi32>,
    %add3A_2002 = arith.constant 0 : i32
    %add3A_2003 = vector.broadcast %add3A_2002 : i32 to vector<16xi32>
    %add3A_2004 = arith.addi %add3A_1999, %add3A_2003 : vector<16xi32>
    %and3A_2005 = arith.constant 15 : i32
    %and3A_2006 = vector.broadcast %and3A_2005 : i32 to vector<16xi32>
    %and3A_2007 = arith.andi %get3A_2001, %and3A_2006 : vector<16xi32>
    %gather3A_2008 = tpu.vector_load_idx %arg7[%add3A_2004, %and3A_2007] : memref<2048x16xf32, #tpu.memory_space<vmem>>[vector<16xi32>, vector<16xi32>], vector<16xf32>,
    %swap3A_2009 = arith.constant 1024 : index
    %swap3A_2010 = tpu.vector_load %arg8[%swap3A_2009] {strides = array<i32>} : memref<2048xf32, #tpu.memory_space<vmem>>, vector<16xf32>,
    tpu.vector_store %arg8[%swap3A_2009], %gather3A_2008 {strides = array<i32>} : memref<2048xf32, #tpu.memory_space<vmem>>, vector<16xf32>,
    %add3A_2011 = arith.constant 16 : i32
    %add3A_2012 = vector.broadcast %add3A_2011 : i32 to vector<16xi32>
    %add3A_2013 = arith.addi %iota3A, %add3A_2012 : vector<16xi32>
    %add3A_2014 = arith.constant 256 : i32
    %add3A_2015 = vector.broadcast %add3A_2014 : i32 to vector<16xi32>
    %add3A_2016 = arith.addi %add3A_2013, %add3A_2015 : vector<16xi32>
    %get3A_2017 = arith.constant 272 : index
    %get3A_2018 = tpu.vector_load %arg5[%get3A_2017] {strides = array<i32>} : memref<512xi32, #tpu.memory_space<vmem>>, vector<16xi32>,
    %add3A_2019 = arith.constant 0 : i32
    %add3A_2020 = vector.broadcast %add3A_2019 : i32 to vector<16xi32>
    %add3A_2021 = arith.addi %add3A_2016, %add3A_2020 : vector<16xi32>
    %and3A_2022 = arith.constant 15 : i32
    %and3A_2023 = vector.broadcast %and3A_2022 : i32 to vector<16xi32>
    %and3A_2024 = arith.andi %get3A_2018, %and3A_2023 : vector<16xi32>
    %gather3A_2025 = tpu.vector_load_idx %arg7[%add3A_2021, %and3A_2024] : memref<2048x16xf32, #tpu.memory_space<vmem>>[vector<16xi32>, vector<16xi32>], vector<16xf32>,
    %swap3A_2026 = arith.constant 1040 : index
    %swap3A_2027 = tpu.vector_load %arg8[%swap3A_2026] {strides = array<i32>} : memref<2048xf32, #tpu.memory_space<vmem>>, vector<16xf32>,
    tpu.vector_store %arg8[%swap3A_2026], %gather3A_2025 {strides = array<i32>} : memref<2048xf32, #tpu.memory_space<vmem>>, vector<16xf32>,
    %add3A_2028 = arith.constant 32 : i32
    %add3A_2029 = vector.broadcast %add3A_2028 : i32 to vector<16xi32>
    %add3A_2030 = arith.addi %iota3A, %add3A_2029 : vector<16xi32>
    %add3A_2031 = arith.constant 256 : i32
    %add3A_2032 = vector.broadcast %add3A_2031 : i32 to vector<16xi32>
    %add3A_2033 = arith.addi %add3A_2030, %add3A_2032 : vector<16xi32>
    %get3A_2034 = arith.constant 288 : index
    %get3A_2035 = tpu.vector_load %arg5[%get3A_2034] {strides = array<i32>} : memref<512xi32, #tpu.memory_space<vmem>>, vector<16xi32>,
    %add3A_2036 = arith.constant 0 : i32
    %add3A_2037 = vector.broadcast %add3A_2036 : i32 to vector<16xi32>
    %add3A_2038 = arith.addi %add3A_2033, %add3A_2037 : vector<16xi32>
    %and3A_2039 = arith.constant 15 : i32
    %and3A_2040 = vector.broadcast %and3A_2039 : i32 to vector<16xi32>
    %and3A_2041 = arith.andi %get3A_2035, %and3A_2040 : vector<16xi32>
    %gather3A_2042 = tpu.vector_load_idx %arg7[%add3A_2038, %and3A_2041] : memref<2048x16xf32, #tpu.memory_space<vmem>>[vector<16xi32>, vector<16xi32>], vector<16xf32>,
    %swap3A_2043 = arith.constant 1056 : index
    %swap3A_2044 = tpu.vector_load %arg8[%swap3A_2043] {strides = array<i32>} : memref<2048xf32, #tpu.memory_space<vmem>>, vector<16xf32>,
    tpu.vector_store %arg8[%swap3A_2043], %gather3A_2042 {strides = array<i32>} : memref<2048xf32, #tpu.memory_space<vmem>>, vector<16xf32>,
    %add3A_2045 = arith.constant 48 : i32
    %add3A_2046 = vector.broadcast %add3A_2045 : i32 to vector<16xi32>
    %add3A_2047 = arith.addi %iota3A, %add3A_2046 : vector<16xi32>
    %add3A_2048 = arith.constant 256 : i32
    %add3A_2049 = vector.broadcast %add3A_2048 : i32 to vector<16xi32>
    %add3A_2050 = arith.addi %add3A_2047, %add3A_2049 : vector<16xi32>
    %get3A_2051 = arith.constant 304 : index
    %get3A_2052 = tpu.vector_load %arg5[%get3A_2051] {strides = array<i32>} : memref<512xi32, #tpu.memory_space<vmem>>, vector<16xi32>,
    %add3A_2053 = arith.constant 0 : i32
    %add3A_2054 = vector.broadcast %add3A_2053 : i32 to vector<16xi32>
    %add3A_2055 = arith.addi %add3A_2050, %add3A_2054 : vector<16xi32>
    %and3A_2056 = arith.constant 15 : i32
    %and3A_2057 = vector.broadcast %and3A_2056 : i32 to vector<16xi32>
    %and3A_2058 = arith.andi %get3A_2052, %and3A_2057 : vector<16xi32>
    %gather3A_2059 = tpu.vector_load_idx %arg7[%add3A_2055, %and3A_2058] : memref<2048x16xf32, #tpu.memory_space<vmem>>[vector<16xi32>, vector<16xi32>], vector<16xf32>,
    %swap3A_2060 = arith.constant 1072 : index
    %swap3A_2061 = tpu.vector_load %arg8[%swap3A_2060] {strides = array<i32>} : memref<2048xf32, #tpu.memory_space<vmem>>, vector<16xf32>,
    tpu.vector_store %arg8[%swap3A_2060], %gather3A_2059 {strides = array<i32>} : memref<2048xf32, #tpu.memory_space<vmem>>, vector<16xf32>,
    %add3A_2062 = arith.constant 64 : i32
    %add3A_2063 = vector.broadcast %add3A_2062 : i32 to vector<16xi32>
    %add3A_2064 = arith.addi %iota3A, %add3A_2063 : vector<16xi32>
    %add3A_2065 = arith.constant 256 : i32
    %add3A_2066 = vector.broadcast %add3A_2065 : i32 to vector<16xi32>
    %add3A_2067 = arith.addi %add3A_2064, %add3A_2066 : vector<16xi32>
    %get3A_2068 = arith.constant 320 : index
    %get3A_2069 = tpu.vector_load %arg5[%get3A_2068] {strides = array<i32>} : memref<512xi32, #tpu.memory_space<vmem>>, vector<16xi32>,
    %add3A_2070 = arith.constant 0 : i32
    %add3A_2071 = vector.broadcast %add3A_2070 : i32 to vector<16xi32>
    %add3A_2072 = arith.addi %add3A_2067, %add3A_2071 : vector<16xi32>
    %and3A_2073 = arith.constant 15 : i32
    %and3A_2074 = vector.broadcast %and3A_2073 : i32 to vector<16xi32>
    %and3A_2075 = arith.andi %get3A_2069, %and3A_2074 : vector<16xi32>
    %gather3A_2076 = tpu.vector_load_idx %arg7[%add3A_2072, %and3A_2075] : memref<2048x16xf32, #tpu.memory_space<vmem>>[vector<16xi32>, vector<16xi32>], vector<16xf32>,
    %swap3A_2077 = arith.constant 1088 : index
    %swap3A_2078 = tpu.vector_load %arg8[%swap3A_2077] {strides = array<i32>} : memref<2048xf32, #tpu.memory_space<vmem>>, vector<16xf32>,
    tpu.vector_store %arg8[%swap3A_2077], %gather3A_2076 {strides = array<i32>} : memref<2048xf32, #tpu.memory_space<vmem>>, vector<16xf32>,
    %add3A_2079 = arith.constant 80 : i32
    %add3A_2080 = vector.broadcast %add3A_2079 : i32 to vector<16xi32>
    %add3A_2081 = arith.addi %iota3A, %add3A_2080 : vector<16xi32>
    %add3A_2082 = arith.constant 256 : i32
    %add3A_2083 = vector.broadcast %add3A_2082 : i32 to vector<16xi32>
    %add3A_2084 = arith.addi %add3A_2081, %add3A_2083 : vector<16xi32>
    %get3A_2085 = arith.constant 336 : index
    %get3A_2086 = tpu.vector_load %arg5[%get3A_2085] {strides = array<i32>} : memref<512xi32, #tpu.memory_space<vmem>>, vector<16xi32>,
    %add3A_2087 = arith.constant 0 : i32
    %add3A_2088 = vector.broadcast %add3A_2087 : i32 to vector<16xi32>
    %add3A_2089 = arith.addi %add3A_2084, %add3A_2088 : vector<16xi32>
    %and3A_2090 = arith.constant 15 : i32
    %and3A_2091 = vector.broadcast %and3A_2090 : i32 to vector<16xi32>
    %and3A_2092 = arith.andi %get3A_2086, %and3A_2091 : vector<16xi32>
    %gather3A_2093 = tpu.vector_load_idx %arg7[%add3A_2089, %and3A_2092] : memref<2048x16xf32, #tpu.memory_space<vmem>>[vector<16xi32>, vector<16xi32>], vector<16xf32>,
    %swap3A_2094 = arith.constant 1104 : index
    %swap3A_2095 = tpu.vector_load %arg8[%swap3A_2094] {strides = array<i32>} : memref<2048xf32, #tpu.memory_space<vmem>>, vector<16xf32>,
    tpu.vector_store %arg8[%swap3A_2094], %gather3A_2093 {strides = array<i32>} : memref<2048xf32, #tpu.memory_space<vmem>>, vector<16xf32>,
    %add3A_2096 = arith.constant 96 : i32
    %add3A_2097 = vector.broadcast %add3A_2096 : i32 to vector<16xi32>
    %add3A_2098 = arith.addi %iota3A, %add3A_2097 : vector<16xi32>
    %add3A_2099 = arith.constant 256 : i32
    %add3A_2100 = vector.broadcast %add3A_2099 : i32 to vector<16xi32>
    %add3A_2101 = arith.addi %add3A_2098, %add3A_2100 : vector<16xi32>
    %get3A_2102 = arith.constant 352 : index
    %get3A_2103 = tpu.vector_load %arg5[%get3A_2102] {strides = array<i32>} : memref<512xi32, #tpu.memory_space<vmem>>, vector<16xi32>,
    %add3A_2104 = arith.constant 0 : i32
    %add3A_2105 = vector.broadcast %add3A_2104 : i32 to vector<16xi32>
    %add3A_2106 = arith.addi %add3A_2101, %add3A_2105 : vector<16xi32>
    %and3A_2107 = arith.constant 15 : i32
    %and3A_2108 = vector.broadcast %and3A_2107 : i32 to vector<16xi32>
    %and3A_2109 = arith.andi %get3A_2103, %and3A_2108 : vector<16xi32>
    %gather3A_2110 = tpu.vector_load_idx %arg7[%add3A_2106, %and3A_2109] : memref<2048x16xf32, #tpu.memory_space<vmem>>[vector<16xi32>, vector<16xi32>], vector<16xf32>,
    %swap3A_2111 = arith.constant 1120 : index
    %swap3A_2112 = tpu.vector_load %arg8[%swap3A_2111] {strides = array<i32>} : memref<2048xf32, #tpu.memory_space<vmem>>, vector<16xf32>,
    tpu.vector_store %arg8[%swap3A_2111], %gather3A_2110 {strides = array<i32>} : memref<2048xf32, #tpu.memory_space<vmem>>, vector<16xf32>,
    %add3A_2113 = arith.constant 112 : i32
    %add3A_2114 = vector.broadcast %add3A_2113 : i32 to vector<16xi32>
    %add3A_2115 = arith.addi %iota3A, %add3A_2114 : vector<16xi32>
    %add3A_2116 = arith.constant 256 : i32
    %add3A_2117 = vector.broadcast %add3A_2116 : i32 to vector<16xi32>
    %add3A_2118 = arith.addi %add3A_2115, %add3A_2117 : vector<16xi32>
    %get3A_2119 = arith.constant 368 : index
    %get3A_2120 = tpu.vector_load %arg5[%get3A_2119] {strides = array<i32>} : memref<512xi32, #tpu.memory_space<vmem>>, vector<16xi32>,
    %add3A_2121 = arith.constant 0 : i32
    %add3A_2122 = vector.broadcast %add3A_2121 : i32 to vector<16xi32>
    %add3A_2123 = arith.addi %add3A_2118, %add3A_2122 : vector<16xi32>
    %and3A_2124 = arith.constant 15 : i32
    %and3A_2125 = vector.broadcast %and3A_2124 : i32 to vector<16xi32>
    %and3A_2126 = arith.andi %get3A_2120, %and3A_2125 : vector<16xi32>
    %gather3A_2127 = tpu.vector_load_idx %arg7[%add3A_2123, %and3A_2126] : memref<2048x16xf32, #tpu.memory_space<vmem>>[vector<16xi32>, vector<16xi32>], vector<16xf32>,
    %swap3A_2128 = arith.constant 1136 : index
    %swap3A_2129 = tpu.vector_load %arg8[%swap3A_2128] {strides = array<i32>} : memref<2048xf32, #tpu.memory_space<vmem>>, vector<16xf32>,
    tpu.vector_store %arg8[%swap3A_2128], %gather3A_2127 {strides = array<i32>} : memref<2048xf32, #tpu.memory_space<vmem>>, vector<16xf32>,
    %dma_wait3A_2130 = arith.constant 3 : i32
    %dma_wait3A_2131 = arith.constant 384 : i32
    %dma_wait3A_2132 = arith.constant 0 : i32
    %dma_wait3A_2133 = tpu.memref_slice %arg7[%dma_wait3A_2131, %dma_wait3A_2132] : memref<2048x16xf32, #tpu.memory_space<vmem>> -> memref<128x16xf32, #tpu.memory_space<vmem>>
    %dma_wait3A_2134 = arith.constant 0 : i32
    %dma_wait3A_2135 = tpu.memref_slice %arg6[%dma_wait3A_2130, %dma_wait3A_2134] : memref<16x128xi32, #tpu.memory_space<vmem>> -> memref<1x128xi32, #tpu.memory_space<vmem>>
    %dma_wait3A_2136 = tpu.memref_squeeze %dma_wait3A_2135 : memref<1x128xi32, #tpu.memory_space<vmem>> -> memref<128xi32, #tpu.memory_space<vmem>>
    %dma_wait3A_2137 = arith.constant 0 : i32
    %dma_wait3A_2138 = arith.constant 0 : i32
    %dma_wait3A_2139 = tpu.memref_slice %arg3[%dma_wait3A_2137, %dma_wait3A_2138] : memref<250000x16xf32, #tpu.memory_space<hbm>> -> memref<250000x16xf32, #tpu.memory_space<hbm>>
    tpu.wait_indirect_dma semaphore(%arg9 : memref<!tpu.dma_semaphore, #tpu.memory_space<semaphore_mem>>) src(%dma_wait3A_2139 : memref<250000x16xf32, #tpu.memory_space<hbm>>) dst(%dma_wait3A_2133 : memref<128x16xf32, #tpu.memory_space<vmem>>)
    %add3A_2140 = arith.constant 0 : i32
    %add3A_2141 = vector.broadcast %add3A_2140 : i32 to vector<16xi32>
    %add3A_2142 = arith.addi %iota3A, %add3A_2141 : vector<16xi32>
    %add3A_2143 = arith.constant 384 : i32
    %add3A_2144 = vector.broadcast %add3A_2143 : i32 to vector<16xi32>
    %add3A_2145 = arith.addi %add3A_2142, %add3A_2144 : vector<16xi32>
    %get3A_2146 = arith.constant 384 : index
    %get3A_2147 = tpu.vector_load %arg5[%get3A_2146] {strides = array<i32>} : memref<512xi32, #tpu.memory_space<vmem>>, vector<16xi32>,
    %add3A_2148 = arith.constant 0 : i32
    %add3A_2149 = vector.broadcast %add3A_2148 : i32 to vector<16xi32>
    %add3A_2150 = arith.addi %add3A_2145, %add3A_2149 : vector<16xi32>
    %and3A_2151 = arith.constant 15 : i32
    %and3A_2152 = vector.broadcast %and3A_2151 : i32 to vector<16xi32>
    %and3A_2153 = arith.andi %get3A_2147, %and3A_2152 : vector<16xi32>
    %gather3A_2154 = tpu.vector_load_idx %arg7[%add3A_2150, %and3A_2153] : memref<2048x16xf32, #tpu.memory_space<vmem>>[vector<16xi32>, vector<16xi32>], vector<16xf32>,
    %swap3A_2155 = arith.constant 1536 : index
    %swap3A_2156 = tpu.vector_load %arg8[%swap3A_2155] {strides = array<i32>} : memref<2048xf32, #tpu.memory_space<vmem>>, vector<16xf32>,
    tpu.vector_store %arg8[%swap3A_2155], %gather3A_2154 {strides = array<i32>} : memref<2048xf32, #tpu.memory_space<vmem>>, vector<16xf32>,
    %add3A_2157 = arith.constant 16 : i32
    %add3A_2158 = vector.broadcast %add3A_2157 : i32 to vector<16xi32>
    %add3A_2159 = arith.addi %iota3A, %add3A_2158 : vector<16xi32>
    %add3A_2160 = arith.constant 384 : i32
    %add3A_2161 = vector.broadcast %add3A_2160 : i32 to vector<16xi32>
    %add3A_2162 = arith.addi %add3A_2159, %add3A_2161 : vector<16xi32>
    %get3A_2163 = arith.constant 400 : index
    %get3A_2164 = tpu.vector_load %arg5[%get3A_2163] {strides = array<i32>} : memref<512xi32, #tpu.memory_space<vmem>>, vector<16xi32>,
    %add3A_2165 = arith.constant 0 : i32
    %add3A_2166 = vector.broadcast %add3A_2165 : i32 to vector<16xi32>
    %add3A_2167 = arith.addi %add3A_2162, %add3A_2166 : vector<16xi32>
    %and3A_2168 = arith.constant 15 : i32
    %and3A_2169 = vector.broadcast %and3A_2168 : i32 to vector<16xi32>
    %and3A_2170 = arith.andi %get3A_2164, %and3A_2169 : vector<16xi32>
    %gather3A_2171 = tpu.vector_load_idx %arg7[%add3A_2167, %and3A_2170] : memref<2048x16xf32, #tpu.memory_space<vmem>>[vector<16xi32>, vector<16xi32>], vector<16xf32>,
    %swap3A_2172 = arith.constant 1552 : index
    %swap3A_2173 = tpu.vector_load %arg8[%swap3A_2172] {strides = array<i32>} : memref<2048xf32, #tpu.memory_space<vmem>>, vector<16xf32>,
    tpu.vector_store %arg8[%swap3A_2172], %gather3A_2171 {strides = array<i32>} : memref<2048xf32, #tpu.memory_space<vmem>>, vector<16xf32>,
    %add3A_2174 = arith.constant 32 : i32
    %add3A_2175 = vector.broadcast %add3A_2174 : i32 to vector<16xi32>
    %add3A_2176 = arith.addi %iota3A, %add3A_2175 : vector<16xi32>
    %add3A_2177 = arith.constant 384 : i32
    %add3A_2178 = vector.broadcast %add3A_2177 : i32 to vector<16xi32>
    %add3A_2179 = arith.addi %add3A_2176, %add3A_2178 : vector<16xi32>
    %get3A_2180 = arith.constant 416 : index
    %get3A_2181 = tpu.vector_load %arg5[%get3A_2180] {strides = array<i32>} : memref<512xi32, #tpu.memory_space<vmem>>, vector<16xi32>,
    %add3A_2182 = arith.constant 0 : i32
    %add3A_2183 = vector.broadcast %add3A_2182 : i32 to vector<16xi32>
    %add3A_2184 = arith.addi %add3A_2179, %add3A_2183 : vector<16xi32>
    %and3A_2185 = arith.constant 15 : i32
    %and3A_2186 = vector.broadcast %and3A_2185 : i32 to vector<16xi32>
    %and3A_2187 = arith.andi %get3A_2181, %and3A_2186 : vector<16xi32>
    %gather3A_2188 = tpu.vector_load_idx %arg7[%add3A_2184, %and3A_2187] : memref<2048x16xf32, #tpu.memory_space<vmem>>[vector<16xi32>, vector<16xi32>], vector<16xf32>,
    %swap3A_2189 = arith.constant 1568 : index
    %swap3A_2190 = tpu.vector_load %arg8[%swap3A_2189] {strides = array<i32>} : memref<2048xf32, #tpu.memory_space<vmem>>, vector<16xf32>,
    tpu.vector_store %arg8[%swap3A_2189], %gather3A_2188 {strides = array<i32>} : memref<2048xf32, #tpu.memory_space<vmem>>, vector<16xf32>,
    %add3A_2191 = arith.constant 48 : i32
    %add3A_2192 = vector.broadcast %add3A_2191 : i32 to vector<16xi32>
    %add3A_2193 = arith.addi %iota3A, %add3A_2192 : vector<16xi32>
    %add3A_2194 = arith.constant 384 : i32
    %add3A_2195 = vector.broadcast %add3A_2194 : i32 to vector<16xi32>
    %add3A_2196 = arith.addi %add3A_2193, %add3A_2195 : vector<16xi32>
    %get3A_2197 = arith.constant 432 : index
    %get3A_2198 = tpu.vector_load %arg5[%get3A_2197] {strides = array<i32>} : memref<512xi32, #tpu.memory_space<vmem>>, vector<16xi32>,
    %add3A_2199 = arith.constant 0 : i32
    %add3A_2200 = vector.broadcast %add3A_2199 : i32 to vector<16xi32>
    %add3A_2201 = arith.addi %add3A_2196, %add3A_2200 : vector<16xi32>
    %and3A_2202 = arith.constant 15 : i32
    %and3A_2203 = vector.broadcast %and3A_2202 : i32 to vector<16xi32>
    %and3A_2204 = arith.andi %get3A_2198, %and3A_2203 : vector<16xi32>
    %gather3A_2205 = tpu.vector_load_idx %arg7[%add3A_2201, %and3A_2204] : memref<2048x16xf32, #tpu.memory_space<vmem>>[vector<16xi32>, vector<16xi32>], vector<16xf32>,
    %swap3A_2206 = arith.constant 1584 : index
    %swap3A_2207 = tpu.vector_load %arg8[%swap3A_2206] {strides = array<i32>} : memref<2048xf32, #tpu.memory_space<vmem>>, vector<16xf32>,
    tpu.vector_store %arg8[%swap3A_2206], %gather3A_2205 {strides = array<i32>} : memref<2048xf32, #tpu.memory_space<vmem>>, vector<16xf32>,
    %add3A_2208 = arith.constant 64 : i32
    %add3A_2209 = vector.broadcast %add3A_2208 : i32 to vector<16xi32>
    %add3A_2210 = arith.addi %iota3A, %add3A_2209 : vector<16xi32>
    %add3A_2211 = arith.constant 384 : i32
    %add3A_2212 = vector.broadcast %add3A_2211 : i32 to vector<16xi32>
    %add3A_2213 = arith.addi %add3A_2210, %add3A_2212 : vector<16xi32>
    %get3A_2214 = arith.constant 448 : index
    %get3A_2215 = tpu.vector_load %arg5[%get3A_2214] {strides = array<i32>} : memref<512xi32, #tpu.memory_space<vmem>>, vector<16xi32>,
    %add3A_2216 = arith.constant 0 : i32
    %add3A_2217 = vector.broadcast %add3A_2216 : i32 to vector<16xi32>
    %add3A_2218 = arith.addi %add3A_2213, %add3A_2217 : vector<16xi32>
    %and3A_2219 = arith.constant 15 : i32
    %and3A_2220 = vector.broadcast %and3A_2219 : i32 to vector<16xi32>
    %and3A_2221 = arith.andi %get3A_2215, %and3A_2220 : vector<16xi32>
    %gather3A_2222 = tpu.vector_load_idx %arg7[%add3A_2218, %and3A_2221] : memref<2048x16xf32, #tpu.memory_space<vmem>>[vector<16xi32>, vector<16xi32>], vector<16xf32>,
    %swap3A_2223 = arith.constant 1600 : index
    %swap3A_2224 = tpu.vector_load %arg8[%swap3A_2223] {strides = array<i32>} : memref<2048xf32, #tpu.memory_space<vmem>>, vector<16xf32>,
    tpu.vector_store %arg8[%swap3A_2223], %gather3A_2222 {strides = array<i32>} : memref<2048xf32, #tpu.memory_space<vmem>>, vector<16xf32>,
    %add3A_2225 = arith.constant 80 : i32
    %add3A_2226 = vector.broadcast %add3A_2225 : i32 to vector<16xi32>
    %add3A_2227 = arith.addi %iota3A, %add3A_2226 : vector<16xi32>
    %add3A_2228 = arith.constant 384 : i32
    %add3A_2229 = vector.broadcast %add3A_2228 : i32 to vector<16xi32>
    %add3A_2230 = arith.addi %add3A_2227, %add3A_2229 : vector<16xi32>
    %get3A_2231 = arith.constant 464 : index
    %get3A_2232 = tpu.vector_load %arg5[%get3A_2231] {strides = array<i32>} : memref<512xi32, #tpu.memory_space<vmem>>, vector<16xi32>,
    %add3A_2233 = arith.constant 0 : i32
    %add3A_2234 = vector.broadcast %add3A_2233 : i32 to vector<16xi32>
    %add3A_2235 = arith.addi %add3A_2230, %add3A_2234 : vector<16xi32>
    %and3A_2236 = arith.constant 15 : i32
    %and3A_2237 = vector.broadcast %and3A_2236 : i32 to vector<16xi32>
    %and3A_2238 = arith.andi %get3A_2232, %and3A_2237 : vector<16xi32>
    %gather3A_2239 = tpu.vector_load_idx %arg7[%add3A_2235, %and3A_2238] : memref<2048x16xf32, #tpu.memory_space<vmem>>[vector<16xi32>, vector<16xi32>], vector<16xf32>,
    %swap3A_2240 = arith.constant 1616 : index
    %swap3A_2241 = tpu.vector_load %arg8[%swap3A_2240] {strides = array<i32>} : memref<2048xf32, #tpu.memory_space<vmem>>, vector<16xf32>,
    tpu.vector_store %arg8[%swap3A_2240], %gather3A_2239 {strides = array<i32>} : memref<2048xf32, #tpu.memory_space<vmem>>, vector<16xf32>,
    %add3A_2242 = arith.constant 96 : i32
    %add3A_2243 = vector.broadcast %add3A_2242 : i32 to vector<16xi32>
    %add3A_2244 = arith.addi %iota3A, %add3A_2243 : vector<16xi32>
    %add3A_2245 = arith.constant 384 : i32
    %add3A_2246 = vector.broadcast %add3A_2245 : i32 to vector<16xi32>
    %add3A_2247 = arith.addi %add3A_2244, %add3A_2246 : vector<16xi32>
    %get3A_2248 = arith.constant 480 : index
    %get3A_2249 = tpu.vector_load %arg5[%get3A_2248] {strides = array<i32>} : memref<512xi32, #tpu.memory_space<vmem>>, vector<16xi32>,
    %add3A_2250 = arith.constant 0 : i32
    %add3A_2251 = vector.broadcast %add3A_2250 : i32 to vector<16xi32>
    %add3A_2252 = arith.addi %add3A_2247, %add3A_2251 : vector<16xi32>
    %and3A_2253 = arith.constant 15 : i32
    %and3A_2254 = vector.broadcast %and3A_2253 : i32 to vector<16xi32>
    %and3A_2255 = arith.andi %get3A_2249, %and3A_2254 : vector<16xi32>
    %gather3A_2256 = tpu.vector_load_idx %arg7[%add3A_2252, %and3A_2255] : memref<2048x16xf32, #tpu.memory_space<vmem>>[vector<16xi32>, vector<16xi32>], vector<16xf32>,
    %swap3A_2257 = arith.constant 1632 : index
    %swap3A_2258 = tpu.vector_load %arg8[%swap3A_2257] {strides = array<i32>} : memref<2048xf32, #tpu.memory_space<vmem>>, vector<16xf32>,
    tpu.vector_store %arg8[%swap3A_2257], %gather3A_2256 {strides = array<i32>} : memref<2048xf32, #tpu.memory_space<vmem>>, vector<16xf32>,
    %add3A_2259 = arith.constant 112 : i32
    %add3A_2260 = vector.broadcast %add3A_2259 : i32 to vector<16xi32>
    %add3A_2261 = arith.addi %iota3A, %add3A_2260 : vector<16xi32>
    %add3A_2262 = arith.constant 384 : i32
    %add3A_2263 = vector.broadcast %add3A_2262 : i32 to vector<16xi32>
    %add3A_2264 = arith.addi %add3A_2261, %add3A_2263 : vector<16xi32>
    %get3A_2265 = arith.constant 496 : index
    %get3A_2266 = tpu.vector_load %arg5[%get3A_2265] {strides = array<i32>} : memref<512xi32, #tpu.memory_space<vmem>>, vector<16xi32>,
    %add3A_2267 = arith.constant 0 : i32
    %add3A_2268 = vector.broadcast %add3A_2267 : i32 to vector<16xi32>
    %add3A_2269 = arith.addi %add3A_2264, %add3A_2268 : vector<16xi32>
    %and3A_2270 = arith.constant 15 : i32
    %and3A_2271 = vector.broadcast %and3A_2270 : i32 to vector<16xi32>
    %and3A_2272 = arith.andi %get3A_2266, %and3A_2271 : vector<16xi32>
    %gather3A_2273 = tpu.vector_load_idx %arg7[%add3A_2269, %and3A_2272] : memref<2048x16xf32, #tpu.memory_space<vmem>>[vector<16xi32>, vector<16xi32>], vector<16xf32>,
    %swap3A_2274 = arith.constant 1648 : index
    %swap3A_2275 = tpu.vector_load %arg8[%swap3A_2274] {strides = array<i32>} : memref<2048xf32, #tpu.memory_space<vmem>>, vector<16xf32>,
    tpu.vector_store %arg8[%swap3A_2274], %gather3A_2273 {strides = array<i32>} : memref<2048xf32, #tpu.memory_space<vmem>>, vector<16xf32>,
    %dma_wait3A_2276 = arith.constant 4 : i32
    %dma_wait3A_2277 = arith.constant 512 : i32
    %dma_wait3A_2278 = arith.constant 0 : i32
    %dma_wait3A_2279 = tpu.memref_slice %arg7[%dma_wait3A_2277, %dma_wait3A_2278] : memref<2048x16xf32, #tpu.memory_space<vmem>> -> memref<128x16xf32, #tpu.memory_space<vmem>>
    %dma_wait3A_2280 = arith.constant 0 : i32
    %dma_wait3A_2281 = tpu.memref_slice %arg6[%dma_wait3A_2276, %dma_wait3A_2280] : memref<16x128xi32, #tpu.memory_space<vmem>> -> memref<1x128xi32, #tpu.memory_space<vmem>>
    %dma_wait3A_2282 = tpu.memref_squeeze %dma_wait3A_2281 : memref<1x128xi32, #tpu.memory_space<vmem>> -> memref<128xi32, #tpu.memory_space<vmem>>
    %dma_wait3A_2283 = arith.constant 0 : i32
    %dma_wait3A_2284 = arith.constant 0 : i32
    %dma_wait3A_2285 = tpu.memref_slice %arg3[%dma_wait3A_2283, %dma_wait3A_2284] : memref<250000x16xf32, #tpu.memory_space<hbm>> -> memref<250000x16xf32, #tpu.memory_space<hbm>>
    tpu.wait_indirect_dma semaphore(%arg9 : memref<!tpu.dma_semaphore, #tpu.memory_space<semaphore_mem>>) src(%dma_wait3A_2285 : memref<250000x16xf32, #tpu.memory_space<hbm>>) dst(%dma_wait3A_2279 : memref<128x16xf32, #tpu.memory_space<vmem>>)
    %add3A_2286 = arith.constant 0 : i32
    %add3A_2287 = vector.broadcast %add3A_2286 : i32 to vector<16xi32>
    %add3A_2288 = arith.addi %iota3A, %add3A_2287 : vector<16xi32>
    %add3A_2289 = arith.constant 0 : i32
    %add3A_2290 = vector.broadcast %add3A_2289 : i32 to vector<16xi32>
    %add3A_2291 = arith.addi %add3A_2288, %add3A_2290 : vector<16xi32>
    %get3A_2292 = arith.constant 0 : index
    %get3A_2293 = tpu.vector_load %arg5[%get3A_2292] {strides = array<i32>} : memref<512xi32, #tpu.memory_space<vmem>>, vector<16xi32>,
    %add3A_2294 = arith.constant 512 : i32
    %add3A_2295 = vector.broadcast %add3A_2294 : i32 to vector<16xi32>
    %add3A_2296 = arith.addi %add3A_2291, %add3A_2295 : vector<16xi32>
    %and3A_2297 = arith.constant 15 : i32
    %and3A_2298 = vector.broadcast %and3A_2297 : i32 to vector<16xi32>
    %and3A_2299 = arith.andi %get3A_2293, %and3A_2298 : vector<16xi32>
    %gather3A_2300 = tpu.vector_load_idx %arg7[%add3A_2296, %and3A_2299] : memref<2048x16xf32, #tpu.memory_space<vmem>>[vector<16xi32>, vector<16xi32>], vector<16xf32>,
    %swap3A_2301 = arith.constant 128 : index
    %swap3A_2302 = tpu.vector_load %arg8[%swap3A_2301] {strides = array<i32>} : memref<2048xf32, #tpu.memory_space<vmem>>, vector<16xf32>,
    tpu.vector_store %arg8[%swap3A_2301], %gather3A_2300 {strides = array<i32>} : memref<2048xf32, #tpu.memory_space<vmem>>, vector<16xf32>,
    %add3A_2303 = arith.constant 16 : i32
    %add3A_2304 = vector.broadcast %add3A_2303 : i32 to vector<16xi32>
    %add3A_2305 = arith.addi %iota3A, %add3A_2304 : vector<16xi32>
    %add3A_2306 = arith.constant 0 : i32
    %add3A_2307 = vector.broadcast %add3A_2306 : i32 to vector<16xi32>
    %add3A_2308 = arith.addi %add3A_2305, %add3A_2307 : vector<16xi32>
    %get3A_2309 = arith.constant 16 : index
    %get3A_2310 = tpu.vector_load %arg5[%get3A_2309] {strides = array<i32>} : memref<512xi32, #tpu.memory_space<vmem>>, vector<16xi32>,
    %add3A_2311 = arith.constant 512 : i32
    %add3A_2312 = vector.broadcast %add3A_2311 : i32 to vector<16xi32>
    %add3A_2313 = arith.addi %add3A_2308, %add3A_2312 : vector<16xi32>
    %and3A_2314 = arith.constant 15 : i32
    %and3A_2315 = vector.broadcast %and3A_2314 : i32 to vector<16xi32>
    %and3A_2316 = arith.andi %get3A_2310, %and3A_2315 : vector<16xi32>
    %gather3A_2317 = tpu.vector_load_idx %arg7[%add3A_2313, %and3A_2316] : memref<2048x16xf32, #tpu.memory_space<vmem>>[vector<16xi32>, vector<16xi32>], vector<16xf32>,
    %swap3A_2318 = arith.constant 144 : index
    %swap3A_2319 = tpu.vector_load %arg8[%swap3A_2318] {strides = array<i32>} : memref<2048xf32, #tpu.memory_space<vmem>>, vector<16xf32>,
    tpu.vector_store %arg8[%swap3A_2318], %gather3A_2317 {strides = array<i32>} : memref<2048xf32, #tpu.memory_space<vmem>>, vector<16xf32>,
    %add3A_2320 = arith.constant 32 : i32
    %add3A_2321 = vector.broadcast %add3A_2320 : i32 to vector<16xi32>
    %add3A_2322 = arith.addi %iota3A, %add3A_2321 : vector<16xi32>
    %add3A_2323 = arith.constant 0 : i32
    %add3A_2324 = vector.broadcast %add3A_2323 : i32 to vector<16xi32>
    %add3A_2325 = arith.addi %add3A_2322, %add3A_2324 : vector<16xi32>
    %get3A_2326 = arith.constant 32 : index
    %get3A_2327 = tpu.vector_load %arg5[%get3A_2326] {strides = array<i32>} : memref<512xi32, #tpu.memory_space<vmem>>, vector<16xi32>,
    %add3A_2328 = arith.constant 512 : i32
    %add3A_2329 = vector.broadcast %add3A_2328 : i32 to vector<16xi32>
    %add3A_2330 = arith.addi %add3A_2325, %add3A_2329 : vector<16xi32>
    %and3A_2331 = arith.constant 15 : i32
    %and3A_2332 = vector.broadcast %and3A_2331 : i32 to vector<16xi32>
    %and3A_2333 = arith.andi %get3A_2327, %and3A_2332 : vector<16xi32>
    %gather3A_2334 = tpu.vector_load_idx %arg7[%add3A_2330, %and3A_2333] : memref<2048x16xf32, #tpu.memory_space<vmem>>[vector<16xi32>, vector<16xi32>], vector<16xf32>,
    %swap3A_2335 = arith.constant 160 : index
    %swap3A_2336 = tpu.vector_load %arg8[%swap3A_2335] {strides = array<i32>} : memref<2048xf32, #tpu.memory_space<vmem>>, vector<16xf32>,
    tpu.vector_store %arg8[%swap3A_2335], %gather3A_2334 {strides = array<i32>} : memref<2048xf32, #tpu.memory_space<vmem>>, vector<16xf32>,
    %add3A_2337 = arith.constant 48 : i32
    %add3A_2338 = vector.broadcast %add3A_2337 : i32 to vector<16xi32>
    %add3A_2339 = arith.addi %iota3A, %add3A_2338 : vector<16xi32>
    %add3A_2340 = arith.constant 0 : i32
    %add3A_2341 = vector.broadcast %add3A_2340 : i32 to vector<16xi32>
    %add3A_2342 = arith.addi %add3A_2339, %add3A_2341 : vector<16xi32>
    %get3A_2343 = arith.constant 48 : index
    %get3A_2344 = tpu.vector_load %arg5[%get3A_2343] {strides = array<i32>} : memref<512xi32, #tpu.memory_space<vmem>>, vector<16xi32>,
    %add3A_2345 = arith.constant 512 : i32
    %add3A_2346 = vector.broadcast %add3A_2345 : i32 to vector<16xi32>
    %add3A_2347 = arith.addi %add3A_2342, %add3A_2346 : vector<16xi32>
    %and3A_2348 = arith.constant 15 : i32
    %and3A_2349 = vector.broadcast %and3A_2348 : i32 to vector<16xi32>
    %and3A_2350 = arith.andi %get3A_2344, %and3A_2349 : vector<16xi32>
    %gather3A_2351 = tpu.vector_load_idx %arg7[%add3A_2347, %and3A_2350] : memref<2048x16xf32, #tpu.memory_space<vmem>>[vector<16xi32>, vector<16xi32>], vector<16xf32>,
    %swap3A_2352 = arith.constant 176 : index
    %swap3A_2353 = tpu.vector_load %arg8[%swap3A_2352] {strides = array<i32>} : memref<2048xf32, #tpu.memory_space<vmem>>, vector<16xf32>,
    tpu.vector_store %arg8[%swap3A_2352], %gather3A_2351 {strides = array<i32>} : memref<2048xf32, #tpu.memory_space<vmem>>, vector<16xf32>,
    %add3A_2354 = arith.constant 64 : i32
    %add3A_2355 = vector.broadcast %add3A_2354 : i32 to vector<16xi32>
    %add3A_2356 = arith.addi %iota3A, %add3A_2355 : vector<16xi32>
    %add3A_2357 = arith.constant 0 : i32
    %add3A_2358 = vector.broadcast %add3A_2357 : i32 to vector<16xi32>
    %add3A_2359 = arith.addi %add3A_2356, %add3A_2358 : vector<16xi32>
    %get3A_2360 = arith.constant 64 : index
    %get3A_2361 = tpu.vector_load %arg5[%get3A_2360] {strides = array<i32>} : memref<512xi32, #tpu.memory_space<vmem>>, vector<16xi32>,
    %add3A_2362 = arith.constant 512 : i32
    %add3A_2363 = vector.broadcast %add3A_2362 : i32 to vector<16xi32>
    %add3A_2364 = arith.addi %add3A_2359, %add3A_2363 : vector<16xi32>
    %and3A_2365 = arith.constant 15 : i32
    %and3A_2366 = vector.broadcast %and3A_2365 : i32 to vector<16xi32>
    %and3A_2367 = arith.andi %get3A_2361, %and3A_2366 : vector<16xi32>
    %gather3A_2368 = tpu.vector_load_idx %arg7[%add3A_2364, %and3A_2367] : memref<2048x16xf32, #tpu.memory_space<vmem>>[vector<16xi32>, vector<16xi32>], vector<16xf32>,
    %swap3A_2369 = arith.constant 192 : index
    %swap3A_2370 = tpu.vector_load %arg8[%swap3A_2369] {strides = array<i32>} : memref<2048xf32, #tpu.memory_space<vmem>>, vector<16xf32>,
    tpu.vector_store %arg8[%swap3A_2369], %gather3A_2368 {strides = array<i32>} : memref<2048xf32, #tpu.memory_space<vmem>>, vector<16xf32>,
    %add3A_2371 = arith.constant 80 : i32
    %add3A_2372 = vector.broadcast %add3A_2371 : i32 to vector<16xi32>
    %add3A_2373 = arith.addi %iota3A, %add3A_2372 : vector<16xi32>
    %add3A_2374 = arith.constant 0 : i32
    %add3A_2375 = vector.broadcast %add3A_2374 : i32 to vector<16xi32>
    %add3A_2376 = arith.addi %add3A_2373, %add3A_2375 : vector<16xi32>
    %get3A_2377 = arith.constant 80 : index
    %get3A_2378 = tpu.vector_load %arg5[%get3A_2377] {strides = array<i32>} : memref<512xi32, #tpu.memory_space<vmem>>, vector<16xi32>,
    %add3A_2379 = arith.constant 512 : i32
    %add3A_2380 = vector.broadcast %add3A_2379 : i32 to vector<16xi32>
    %add3A_2381 = arith.addi %add3A_2376, %add3A_2380 : vector<16xi32>
    %and3A_2382 = arith.constant 15 : i32
    %and3A_2383 = vector.broadcast %and3A_2382 : i32 to vector<16xi32>
    %and3A_2384 = arith.andi %get3A_2378, %and3A_2383 : vector<16xi32>
    %gather3A_2385 = tpu.vector_load_idx %arg7[%add3A_2381, %and3A_2384] : memref<2048x16xf32, #tpu.memory_space<vmem>>[vector<16xi32>, vector<16xi32>], vector<16xf32>,
    %swap3A_2386 = arith.constant 208 : index
    %swap3A_2387 = tpu.vector_load %arg8[%swap3A_2386] {strides = array<i32>} : memref<2048xf32, #tpu.memory_space<vmem>>, vector<16xf32>,
    tpu.vector_store %arg8[%swap3A_2386], %gather3A_2385 {strides = array<i32>} : memref<2048xf32, #tpu.memory_space<vmem>>, vector<16xf32>,
    %add3A_2388 = arith.constant 96 : i32
    %add3A_2389 = vector.broadcast %add3A_2388 : i32 to vector<16xi32>
    %add3A_2390 = arith.addi %iota3A, %add3A_2389 : vector<16xi32>
    %add3A_2391 = arith.constant 0 : i32
    %add3A_2392 = vector.broadcast %add3A_2391 : i32 to vector<16xi32>
    %add3A_2393 = arith.addi %add3A_2390, %add3A_2392 : vector<16xi32>
    %get3A_2394 = arith.constant 96 : index
    %get3A_2395 = tpu.vector_load %arg5[%get3A_2394] {strides = array<i32>} : memref<512xi32, #tpu.memory_space<vmem>>, vector<16xi32>,
    %add3A_2396 = arith.constant 512 : i32
    %add3A_2397 = vector.broadcast %add3A_2396 : i32 to vector<16xi32>
    %add3A_2398 = arith.addi %add3A_2393, %add3A_2397 : vector<16xi32>
    %and3A_2399 = arith.constant 15 : i32
    %and3A_2400 = vector.broadcast %and3A_2399 : i32 to vector<16xi32>
    %and3A_2401 = arith.andi %get3A_2395, %and3A_2400 : vector<16xi32>
    %gather3A_2402 = tpu.vector_load_idx %arg7[%add3A_2398, %and3A_2401] : memref<2048x16xf32, #tpu.memory_space<vmem>>[vector<16xi32>, vector<16xi32>], vector<16xf32>,
    %swap3A_2403 = arith.constant 224 : index
    %swap3A_2404 = tpu.vector_load %arg8[%swap3A_2403] {strides = array<i32>} : memref<2048xf32, #tpu.memory_space<vmem>>, vector<16xf32>,
    tpu.vector_store %arg8[%swap3A_2403], %gather3A_2402 {strides = array<i32>} : memref<2048xf32, #tpu.memory_space<vmem>>, vector<16xf32>,
    %add3A_2405 = arith.constant 112 : i32
    %add3A_2406 = vector.broadcast %add3A_2405 : i32 to vector<16xi32>
    %add3A_2407 = arith.addi %iota3A, %add3A_2406 : vector<16xi32>
    %add3A_2408 = arith.constant 0 : i32
    %add3A_2409 = vector.broadcast %add3A_2408 : i32 to vector<16xi32>
    %add3A_2410 = arith.addi %add3A_2407, %add3A_2409 : vector<16xi32>
    %get3A_2411 = arith.constant 112 : index
    %get3A_2412 = tpu.vector_load %arg5[%get3A_2411] {strides = array<i32>} : memref<512xi32, #tpu.memory_space<vmem>>, vector<16xi32>,
    %add3A_2413 = arith.constant 512 : i32
    %add3A_2414 = vector.broadcast %add3A_2413 : i32 to vector<16xi32>
    %add3A_2415 = arith.addi %add3A_2410, %add3A_2414 : vector<16xi32>
    %and3A_2416 = arith.constant 15 : i32
    %and3A_2417 = vector.broadcast %and3A_2416 : i32 to vector<16xi32>
    %and3A_2418 = arith.andi %get3A_2412, %and3A_2417 : vector<16xi32>
    %gather3A_2419 = tpu.vector_load_idx %arg7[%add3A_2415, %and3A_2418] : memref<2048x16xf32, #tpu.memory_space<vmem>>[vector<16xi32>, vector<16xi32>], vector<16xf32>,
    %swap3A_2420 = arith.constant 240 : index
    %swap3A_2421 = tpu.vector_load %arg8[%swap3A_2420] {strides = array<i32>} : memref<2048xf32, #tpu.memory_space<vmem>>, vector<16xf32>,
    tpu.vector_store %arg8[%swap3A_2420], %gather3A_2419 {strides = array<i32>} : memref<2048xf32, #tpu.memory_space<vmem>>, vector<16xf32>,
    %dma_wait3A_2422 = arith.constant 5 : i32
    %dma_wait3A_2423 = arith.constant 640 : i32
    %dma_wait3A_2424 = arith.constant 0 : i32
    %dma_wait3A_2425 = tpu.memref_slice %arg7[%dma_wait3A_2423, %dma_wait3A_2424] : memref<2048x16xf32, #tpu.memory_space<vmem>> -> memref<128x16xf32, #tpu.memory_space<vmem>>
    %dma_wait3A_2426 = arith.constant 0 : i32
    %dma_wait3A_2427 = tpu.memref_slice %arg6[%dma_wait3A_2422, %dma_wait3A_2426] : memref<16x128xi32, #tpu.memory_space<vmem>> -> memref<1x128xi32, #tpu.memory_space<vmem>>
    %dma_wait3A_2428 = tpu.memref_squeeze %dma_wait3A_2427 : memref<1x128xi32, #tpu.memory_space<vmem>> -> memref<128xi32, #tpu.memory_space<vmem>>
    %dma_wait3A_2429 = arith.constant 0 : i32
    %dma_wait3A_2430 = arith.constant 0 : i32
    %dma_wait3A_2431 = tpu.memref_slice %arg3[%dma_wait3A_2429, %dma_wait3A_2430] : memref<250000x16xf32, #tpu.memory_space<hbm>> -> memref<250000x16xf32, #tpu.memory_space<hbm>>
    tpu.wait_indirect_dma semaphore(%arg9 : memref<!tpu.dma_semaphore, #tpu.memory_space<semaphore_mem>>) src(%dma_wait3A_2431 : memref<250000x16xf32, #tpu.memory_space<hbm>>) dst(%dma_wait3A_2425 : memref<128x16xf32, #tpu.memory_space<vmem>>)
    %add3A_2432 = arith.constant 0 : i32
    %add3A_2433 = vector.broadcast %add3A_2432 : i32 to vector<16xi32>
    %add3A_2434 = arith.addi %iota3A, %add3A_2433 : vector<16xi32>
    %add3A_2435 = arith.constant 128 : i32
    %add3A_2436 = vector.broadcast %add3A_2435 : i32 to vector<16xi32>
    %add3A_2437 = arith.addi %add3A_2434, %add3A_2436 : vector<16xi32>
    %get3A_2438 = arith.constant 128 : index
    %get3A_2439 = tpu.vector_load %arg5[%get3A_2438] {strides = array<i32>} : memref<512xi32, #tpu.memory_space<vmem>>, vector<16xi32>,
    %add3A_2440 = arith.constant 512 : i32
    %add3A_2441 = vector.broadcast %add3A_2440 : i32 to vector<16xi32>
    %add3A_2442 = arith.addi %add3A_2437, %add3A_2441 : vector<16xi32>
    %and3A_2443 = arith.constant 15 : i32
    %and3A_2444 = vector.broadcast %and3A_2443 : i32 to vector<16xi32>
    %and3A_2445 = arith.andi %get3A_2439, %and3A_2444 : vector<16xi32>
    %gather3A_2446 = tpu.vector_load_idx %arg7[%add3A_2442, %and3A_2445] : memref<2048x16xf32, #tpu.memory_space<vmem>>[vector<16xi32>, vector<16xi32>], vector<16xf32>,
    %swap3A_2447 = arith.constant 640 : index
    %swap3A_2448 = tpu.vector_load %arg8[%swap3A_2447] {strides = array<i32>} : memref<2048xf32, #tpu.memory_space<vmem>>, vector<16xf32>,
    tpu.vector_store %arg8[%swap3A_2447], %gather3A_2446 {strides = array<i32>} : memref<2048xf32, #tpu.memory_space<vmem>>, vector<16xf32>,
    %add3A_2449 = arith.constant 16 : i32
    %add3A_2450 = vector.broadcast %add3A_2449 : i32 to vector<16xi32>
    %add3A_2451 = arith.addi %iota3A, %add3A_2450 : vector<16xi32>
    %add3A_2452 = arith.constant 128 : i32
    %add3A_2453 = vector.broadcast %add3A_2452 : i32 to vector<16xi32>
    %add3A_2454 = arith.addi %add3A_2451, %add3A_2453 : vector<16xi32>
    %get3A_2455 = arith.constant 144 : index
    %get3A_2456 = tpu.vector_load %arg5[%get3A_2455] {strides = array<i32>} : memref<512xi32, #tpu.memory_space<vmem>>, vector<16xi32>,
    %add3A_2457 = arith.constant 512 : i32
    %add3A_2458 = vector.broadcast %add3A_2457 : i32 to vector<16xi32>
    %add3A_2459 = arith.addi %add3A_2454, %add3A_2458 : vector<16xi32>
    %and3A_2460 = arith.constant 15 : i32
    %and3A_2461 = vector.broadcast %and3A_2460 : i32 to vector<16xi32>
    %and3A_2462 = arith.andi %get3A_2456, %and3A_2461 : vector<16xi32>
    %gather3A_2463 = tpu.vector_load_idx %arg7[%add3A_2459, %and3A_2462] : memref<2048x16xf32, #tpu.memory_space<vmem>>[vector<16xi32>, vector<16xi32>], vector<16xf32>,
    %swap3A_2464 = arith.constant 656 : index
    %swap3A_2465 = tpu.vector_load %arg8[%swap3A_2464] {strides = array<i32>} : memref<2048xf32, #tpu.memory_space<vmem>>, vector<16xf32>,
    tpu.vector_store %arg8[%swap3A_2464], %gather3A_2463 {strides = array<i32>} : memref<2048xf32, #tpu.memory_space<vmem>>, vector<16xf32>,
    %add3A_2466 = arith.constant 32 : i32
    %add3A_2467 = vector.broadcast %add3A_2466 : i32 to vector<16xi32>
    %add3A_2468 = arith.addi %iota3A, %add3A_2467 : vector<16xi32>
    %add3A_2469 = arith.constant 128 : i32
    %add3A_2470 = vector.broadcast %add3A_2469 : i32 to vector<16xi32>
    %add3A_2471 = arith.addi %add3A_2468, %add3A_2470 : vector<16xi32>
    %get3A_2472 = arith.constant 160 : index
    %get3A_2473 = tpu.vector_load %arg5[%get3A_2472] {strides = array<i32>} : memref<512xi32, #tpu.memory_space<vmem>>, vector<16xi32>,
    %add3A_2474 = arith.constant 512 : i32
    %add3A_2475 = vector.broadcast %add3A_2474 : i32 to vector<16xi32>
    %add3A_2476 = arith.addi %add3A_2471, %add3A_2475 : vector<16xi32>
    %and3A_2477 = arith.constant 15 : i32
    %and3A_2478 = vector.broadcast %and3A_2477 : i32 to vector<16xi32>
    %and3A_2479 = arith.andi %get3A_2473, %and3A_2478 : vector<16xi32>
    %gather3A_2480 = tpu.vector_load_idx %arg7[%add3A_2476, %and3A_2479] : memref<2048x16xf32, #tpu.memory_space<vmem>>[vector<16xi32>, vector<16xi32>], vector<16xf32>,
    %swap3A_2481 = arith.constant 672 : index
    %swap3A_2482 = tpu.vector_load %arg8[%swap3A_2481] {strides = array<i32>} : memref<2048xf32, #tpu.memory_space<vmem>>, vector<16xf32>,
    tpu.vector_store %arg8[%swap3A_2481], %gather3A_2480 {strides = array<i32>} : memref<2048xf32, #tpu.memory_space<vmem>>, vector<16xf32>,
    %add3A_2483 = arith.constant 48 : i32
    %add3A_2484 = vector.broadcast %add3A_2483 : i32 to vector<16xi32>
    %add3A_2485 = arith.addi %iota3A, %add3A_2484 : vector<16xi32>
    %add3A_2486 = arith.constant 128 : i32
    %add3A_2487 = vector.broadcast %add3A_2486 : i32 to vector<16xi32>
    %add3A_2488 = arith.addi %add3A_2485, %add3A_2487 : vector<16xi32>
    %get3A_2489 = arith.constant 176 : index
    %get3A_2490 = tpu.vector_load %arg5[%get3A_2489] {strides = array<i32>} : memref<512xi32, #tpu.memory_space<vmem>>, vector<16xi32>,
    %add3A_2491 = arith.constant 512 : i32
    %add3A_2492 = vector.broadcast %add3A_2491 : i32 to vector<16xi32>
    %add3A_2493 = arith.addi %add3A_2488, %add3A_2492 : vector<16xi32>
    %and3A_2494 = arith.constant 15 : i32
    %and3A_2495 = vector.broadcast %and3A_2494 : i32 to vector<16xi32>
    %and3A_2496 = arith.andi %get3A_2490, %and3A_2495 : vector<16xi32>
    %gather3A_2497 = tpu.vector_load_idx %arg7[%add3A_2493, %and3A_2496] : memref<2048x16xf32, #tpu.memory_space<vmem>>[vector<16xi32>, vector<16xi32>], vector<16xf32>,
    %swap3A_2498 = arith.constant 688 : index
    %swap3A_2499 = tpu.vector_load %arg8[%swap3A_2498] {strides = array<i32>} : memref<2048xf32, #tpu.memory_space<vmem>>, vector<16xf32>,
    tpu.vector_store %arg8[%swap3A_2498], %gather3A_2497 {strides = array<i32>} : memref<2048xf32, #tpu.memory_space<vmem>>, vector<16xf32>,
    %add3A_2500 = arith.constant 64 : i32
    %add3A_2501 = vector.broadcast %add3A_2500 : i32 to vector<16xi32>
    %add3A_2502 = arith.addi %iota3A, %add3A_2501 : vector<16xi32>
    %add3A_2503 = arith.constant 128 : i32
    %add3A_2504 = vector.broadcast %add3A_2503 : i32 to vector<16xi32>
    %add3A_2505 = arith.addi %add3A_2502, %add3A_2504 : vector<16xi32>
    %get3A_2506 = arith.constant 192 : index
    %get3A_2507 = tpu.vector_load %arg5[%get3A_2506] {strides = array<i32>} : memref<512xi32, #tpu.memory_space<vmem>>, vector<16xi32>,
    %add3A_2508 = arith.constant 512 : i32
    %add3A_2509 = vector.broadcast %add3A_2508 : i32 to vector<16xi32>
    %add3A_2510 = arith.addi %add3A_2505, %add3A_2509 : vector<16xi32>
    %and3A_2511 = arith.constant 15 : i32
    %and3A_2512 = vector.broadcast %and3A_2511 : i32 to vector<16xi32>
    %and3A_2513 = arith.andi %get3A_2507, %and3A_2512 : vector<16xi32>
    %gather3A_2514 = tpu.vector_load_idx %arg7[%add3A_2510, %and3A_2513] : memref<2048x16xf32, #tpu.memory_space<vmem>>[vector<16xi32>, vector<16xi32>], vector<16xf32>,
    %swap3A_2515 = arith.constant 704 : index
    %swap3A_2516 = tpu.vector_load %arg8[%swap3A_2515] {strides = array<i32>} : memref<2048xf32, #tpu.memory_space<vmem>>, vector<16xf32>,
    tpu.vector_store %arg8[%swap3A_2515], %gather3A_2514 {strides = array<i32>} : memref<2048xf32, #tpu.memory_space<vmem>>, vector<16xf32>,
    %add3A_2517 = arith.constant 80 : i32
    %add3A_2518 = vector.broadcast %add3A_2517 : i32 to vector<16xi32>
    %add3A_2519 = arith.addi %iota3A, %add3A_2518 : vector<16xi32>
    %add3A_2520 = arith.constant 128 : i32
    %add3A_2521 = vector.broadcast %add3A_2520 : i32 to vector<16xi32>
    %add3A_2522 = arith.addi %add3A_2519, %add3A_2521 : vector<16xi32>
    %get3A_2523 = arith.constant 208 : index
    %get3A_2524 = tpu.vector_load %arg5[%get3A_2523] {strides = array<i32>} : memref<512xi32, #tpu.memory_space<vmem>>, vector<16xi32>,
    %add3A_2525 = arith.constant 512 : i32
    %add3A_2526 = vector.broadcast %add3A_2525 : i32 to vector<16xi32>
    %add3A_2527 = arith.addi %add3A_2522, %add3A_2526 : vector<16xi32>
    %and3A_2528 = arith.constant 15 : i32
    %and3A_2529 = vector.broadcast %and3A_2528 : i32 to vector<16xi32>
    %and3A_2530 = arith.andi %get3A_2524, %and3A_2529 : vector<16xi32>
    %gather3A_2531 = tpu.vector_load_idx %arg7[%add3A_2527, %and3A_2530] : memref<2048x16xf32, #tpu.memory_space<vmem>>[vector<16xi32>, vector<16xi32>], vector<16xf32>,
    %swap3A_2532 = arith.constant 720 : index
    %swap3A_2533 = tpu.vector_load %arg8[%swap3A_2532] {strides = array<i32>} : memref<2048xf32, #tpu.memory_space<vmem>>, vector<16xf32>,
    tpu.vector_store %arg8[%swap3A_2532], %gather3A_2531 {strides = array<i32>} : memref<2048xf32, #tpu.memory_space<vmem>>, vector<16xf32>,
    %add3A_2534 = arith.constant 96 : i32
    %add3A_2535 = vector.broadcast %add3A_2534 : i32 to vector<16xi32>
    %add3A_2536 = arith.addi %iota3A, %add3A_2535 : vector<16xi32>
    %add3A_2537 = arith.constant 128 : i32
    %add3A_2538 = vector.broadcast %add3A_2537 : i32 to vector<16xi32>
    %add3A_2539 = arith.addi %add3A_2536, %add3A_2538 : vector<16xi32>
    %get3A_2540 = arith.constant 224 : index
    %get3A_2541 = tpu.vector_load %arg5[%get3A_2540] {strides = array<i32>} : memref<512xi32, #tpu.memory_space<vmem>>, vector<16xi32>,
    %add3A_2542 = arith.constant 512 : i32
    %add3A_2543 = vector.broadcast %add3A_2542 : i32 to vector<16xi32>
    %add3A_2544 = arith.addi %add3A_2539, %add3A_2543 : vector<16xi32>
    %and3A_2545 = arith.constant 15 : i32
    %and3A_2546 = vector.broadcast %and3A_2545 : i32 to vector<16xi32>
    %and3A_2547 = arith.andi %get3A_2541, %and3A_2546 : vector<16xi32>
    %gather3A_2548 = tpu.vector_load_idx %arg7[%add3A_2544, %and3A_2547] : memref<2048x16xf32, #tpu.memory_space<vmem>>[vector<16xi32>, vector<16xi32>], vector<16xf32>,
    %swap3A_2549 = arith.constant 736 : index
    %swap3A_2550 = tpu.vector_load %arg8[%swap3A_2549] {strides = array<i32>} : memref<2048xf32, #tpu.memory_space<vmem>>, vector<16xf32>,
    tpu.vector_store %arg8[%swap3A_2549], %gather3A_2548 {strides = array<i32>} : memref<2048xf32, #tpu.memory_space<vmem>>, vector<16xf32>,
    %add3A_2551 = arith.constant 112 : i32
    %add3A_2552 = vector.broadcast %add3A_2551 : i32 to vector<16xi32>
    %add3A_2553 = arith.addi %iota3A, %add3A_2552 : vector<16xi32>
    %add3A_2554 = arith.constant 128 : i32
    %add3A_2555 = vector.broadcast %add3A_2554 : i32 to vector<16xi32>
    %add3A_2556 = arith.addi %add3A_2553, %add3A_2555 : vector<16xi32>
    %get3A_2557 = arith.constant 240 : index
    %get3A_2558 = tpu.vector_load %arg5[%get3A_2557] {strides = array<i32>} : memref<512xi32, #tpu.memory_space<vmem>>, vector<16xi32>,
    %add3A_2559 = arith.constant 512 : i32
    %add3A_2560 = vector.broadcast %add3A_2559 : i32 to vector<16xi32>
    %add3A_2561 = arith.addi %add3A_2556, %add3A_2560 : vector<16xi32>
    %and3A_2562 = arith.constant 15 : i32
    %and3A_2563 = vector.broadcast %and3A_2562 : i32 to vector<16xi32>
    %and3A_2564 = arith.andi %get3A_2558, %and3A_2563 : vector<16xi32>
    %gather3A_2565 = tpu.vector_load_idx %arg7[%add3A_2561, %and3A_2564] : memref<2048x16xf32, #tpu.memory_space<vmem>>[vector<16xi32>, vector<16xi32>], vector<16xf32>,
    %swap3A_2566 = arith.constant 752 : index
    %swap3A_2567 = tpu.vector_load %arg8[%swap3A_2566] {strides = array<i32>} : memref<2048xf32, #tpu.memory_space<vmem>>, vector<16xf32>,
    tpu.vector_store %arg8[%swap3A_2566], %gather3A_2565 {strides = array<i32>} : memref<2048xf32, #tpu.memory_space<vmem>>, vector<16xf32>,
    %dma_wait3A_2568 = arith.constant 6 : i32
    %dma_wait3A_2569 = arith.constant 768 : i32
    %dma_wait3A_2570 = arith.constant 0 : i32
    %dma_wait3A_2571 = tpu.memref_slice %arg7[%dma_wait3A_2569, %dma_wait3A_2570] : memref<2048x16xf32, #tpu.memory_space<vmem>> -> memref<128x16xf32, #tpu.memory_space<vmem>>
    %dma_wait3A_2572 = arith.constant 0 : i32
    %dma_wait3A_2573 = tpu.memref_slice %arg6[%dma_wait3A_2568, %dma_wait3A_2572] : memref<16x128xi32, #tpu.memory_space<vmem>> -> memref<1x128xi32, #tpu.memory_space<vmem>>
    %dma_wait3A_2574 = tpu.memref_squeeze %dma_wait3A_2573 : memref<1x128xi32, #tpu.memory_space<vmem>> -> memref<128xi32, #tpu.memory_space<vmem>>
    %dma_wait3A_2575 = arith.constant 0 : i32
    %dma_wait3A_2576 = arith.constant 0 : i32
    %dma_wait3A_2577 = tpu.memref_slice %arg3[%dma_wait3A_2575, %dma_wait3A_2576] : memref<250000x16xf32, #tpu.memory_space<hbm>> -> memref<250000x16xf32, #tpu.memory_space<hbm>>
    tpu.wait_indirect_dma semaphore(%arg9 : memref<!tpu.dma_semaphore, #tpu.memory_space<semaphore_mem>>) src(%dma_wait3A_2577 : memref<250000x16xf32, #tpu.memory_space<hbm>>) dst(%dma_wait3A_2571 : memref<128x16xf32, #tpu.memory_space<vmem>>)
    %add3A_2578 = arith.constant 0 : i32
    %add3A_2579 = vector.broadcast %add3A_2578 : i32 to vector<16xi32>
    %add3A_2580 = arith.addi %iota3A, %add3A_2579 : vector<16xi32>
    %add3A_2581 = arith.constant 256 : i32
    %add3A_2582 = vector.broadcast %add3A_2581 : i32 to vector<16xi32>
    %add3A_2583 = arith.addi %add3A_2580, %add3A_2582 : vector<16xi32>
    %get3A_2584 = arith.constant 256 : index
    %get3A_2585 = tpu.vector_load %arg5[%get3A_2584] {strides = array<i32>} : memref<512xi32, #tpu.memory_space<vmem>>, vector<16xi32>,
    %add3A_2586 = arith.constant 512 : i32
    %add3A_2587 = vector.broadcast %add3A_2586 : i32 to vector<16xi32>
    %add3A_2588 = arith.addi %add3A_2583, %add3A_2587 : vector<16xi32>
    %and3A_2589 = arith.constant 15 : i32
    %and3A_2590 = vector.broadcast %and3A_2589 : i32 to vector<16xi32>
    %and3A_2591 = arith.andi %get3A_2585, %and3A_2590 : vector<16xi32>
    %gather3A_2592 = tpu.vector_load_idx %arg7[%add3A_2588, %and3A_2591] : memref<2048x16xf32, #tpu.memory_space<vmem>>[vector<16xi32>, vector<16xi32>], vector<16xf32>,
    %swap3A_2593 = arith.constant 1152 : index
    %swap3A_2594 = tpu.vector_load %arg8[%swap3A_2593] {strides = array<i32>} : memref<2048xf32, #tpu.memory_space<vmem>>, vector<16xf32>,
    tpu.vector_store %arg8[%swap3A_2593], %gather3A_2592 {strides = array<i32>} : memref<2048xf32, #tpu.memory_space<vmem>>, vector<16xf32>,
    %add3A_2595 = arith.constant 16 : i32
    %add3A_2596 = vector.broadcast %add3A_2595 : i32 to vector<16xi32>
    %add3A_2597 = arith.addi %iota3A, %add3A_2596 : vector<16xi32>
    %add3A_2598 = arith.constant 256 : i32
    %add3A_2599 = vector.broadcast %add3A_2598 : i32 to vector<16xi32>
    %add3A_2600 = arith.addi %add3A_2597, %add3A_2599 : vector<16xi32>
    %get3A_2601 = arith.constant 272 : index
    %get3A_2602 = tpu.vector_load %arg5[%get3A_2601] {strides = array<i32>} : memref<512xi32, #tpu.memory_space<vmem>>, vector<16xi32>,
    %add3A_2603 = arith.constant 512 : i32
    %add3A_2604 = vector.broadcast %add3A_2603 : i32 to vector<16xi32>
    %add3A_2605 = arith.addi %add3A_2600, %add3A_2604 : vector<16xi32>
    %and3A_2606 = arith.constant 15 : i32
    %and3A_2607 = vector.broadcast %and3A_2606 : i32 to vector<16xi32>
    %and3A_2608 = arith.andi %get3A_2602, %and3A_2607 : vector<16xi32>
    %gather3A_2609 = tpu.vector_load_idx %arg7[%add3A_2605, %and3A_2608] : memref<2048x16xf32, #tpu.memory_space<vmem>>[vector<16xi32>, vector<16xi32>], vector<16xf32>,
    %swap3A_2610 = arith.constant 1168 : index
    %swap3A_2611 = tpu.vector_load %arg8[%swap3A_2610] {strides = array<i32>} : memref<2048xf32, #tpu.memory_space<vmem>>, vector<16xf32>,
    tpu.vector_store %arg8[%swap3A_2610], %gather3A_2609 {strides = array<i32>} : memref<2048xf32, #tpu.memory_space<vmem>>, vector<16xf32>,
    %add3A_2612 = arith.constant 32 : i32
    %add3A_2613 = vector.broadcast %add3A_2612 : i32 to vector<16xi32>
    %add3A_2614 = arith.addi %iota3A, %add3A_2613 : vector<16xi32>
    %add3A_2615 = arith.constant 256 : i32
    %add3A_2616 = vector.broadcast %add3A_2615 : i32 to vector<16xi32>
    %add3A_2617 = arith.addi %add3A_2614, %add3A_2616 : vector<16xi32>
    %get3A_2618 = arith.constant 288 : index
    %get3A_2619 = tpu.vector_load %arg5[%get3A_2618] {strides = array<i32>} : memref<512xi32, #tpu.memory_space<vmem>>, vector<16xi32>,
    %add3A_2620 = arith.constant 512 : i32
    %add3A_2621 = vector.broadcast %add3A_2620 : i32 to vector<16xi32>
    %add3A_2622 = arith.addi %add3A_2617, %add3A_2621 : vector<16xi32>
    %and3A_2623 = arith.constant 15 : i32
    %and3A_2624 = vector.broadcast %and3A_2623 : i32 to vector<16xi32>
    %and3A_2625 = arith.andi %get3A_2619, %and3A_2624 : vector<16xi32>
    %gather3A_2626 = tpu.vector_load_idx %arg7[%add3A_2622, %and3A_2625] : memref<2048x16xf32, #tpu.memory_space<vmem>>[vector<16xi32>, vector<16xi32>], vector<16xf32>,
    %swap3A_2627 = arith.constant 1184 : index
    %swap3A_2628 = tpu.vector_load %arg8[%swap3A_2627] {strides = array<i32>} : memref<2048xf32, #tpu.memory_space<vmem>>, vector<16xf32>,
    tpu.vector_store %arg8[%swap3A_2627], %gather3A_2626 {strides = array<i32>} : memref<2048xf32, #tpu.memory_space<vmem>>, vector<16xf32>,
    %add3A_2629 = arith.constant 48 : i32
    %add3A_2630 = vector.broadcast %add3A_2629 : i32 to vector<16xi32>
    %add3A_2631 = arith.addi %iota3A, %add3A_2630 : vector<16xi32>
    %add3A_2632 = arith.constant 256 : i32
    %add3A_2633 = vector.broadcast %add3A_2632 : i32 to vector<16xi32>
    %add3A_2634 = arith.addi %add3A_2631, %add3A_2633 : vector<16xi32>
    %get3A_2635 = arith.constant 304 : index
    %get3A_2636 = tpu.vector_load %arg5[%get3A_2635] {strides = array<i32>} : memref<512xi32, #tpu.memory_space<vmem>>, vector<16xi32>,
    %add3A_2637 = arith.constant 512 : i32
    %add3A_2638 = vector.broadcast %add3A_2637 : i32 to vector<16xi32>
    %add3A_2639 = arith.addi %add3A_2634, %add3A_2638 : vector<16xi32>
    %and3A_2640 = arith.constant 15 : i32
    %and3A_2641 = vector.broadcast %and3A_2640 : i32 to vector<16xi32>
    %and3A_2642 = arith.andi %get3A_2636, %and3A_2641 : vector<16xi32>
    %gather3A_2643 = tpu.vector_load_idx %arg7[%add3A_2639, %and3A_2642] : memref<2048x16xf32, #tpu.memory_space<vmem>>[vector<16xi32>, vector<16xi32>], vector<16xf32>,
    %swap3A_2644 = arith.constant 1200 : index
    %swap3A_2645 = tpu.vector_load %arg8[%swap3A_2644] {strides = array<i32>} : memref<2048xf32, #tpu.memory_space<vmem>>, vector<16xf32>,
    tpu.vector_store %arg8[%swap3A_2644], %gather3A_2643 {strides = array<i32>} : memref<2048xf32, #tpu.memory_space<vmem>>, vector<16xf32>,
    %add3A_2646 = arith.constant 64 : i32
    %add3A_2647 = vector.broadcast %add3A_2646 : i32 to vector<16xi32>
    %add3A_2648 = arith.addi %iota3A, %add3A_2647 : vector<16xi32>
    %add3A_2649 = arith.constant 256 : i32
    %add3A_2650 = vector.broadcast %add3A_2649 : i32 to vector<16xi32>
    %add3A_2651 = arith.addi %add3A_2648, %add3A_2650 : vector<16xi32>
    %get3A_2652 = arith.constant 320 : index
    %get3A_2653 = tpu.vector_load %arg5[%get3A_2652] {strides = array<i32>} : memref<512xi32, #tpu.memory_space<vmem>>, vector<16xi32>,
    %add3A_2654 = arith.constant 512 : i32
    %add3A_2655 = vector.broadcast %add3A_2654 : i32 to vector<16xi32>
    %add3A_2656 = arith.addi %add3A_2651, %add3A_2655 : vector<16xi32>
    %and3A_2657 = arith.constant 15 : i32
    %and3A_2658 = vector.broadcast %and3A_2657 : i32 to vector<16xi32>
    %and3A_2659 = arith.andi %get3A_2653, %and3A_2658 : vector<16xi32>
    %gather3A_2660 = tpu.vector_load_idx %arg7[%add3A_2656, %and3A_2659] : memref<2048x16xf32, #tpu.memory_space<vmem>>[vector<16xi32>, vector<16xi32>], vector<16xf32>,
    %swap3A_2661 = arith.constant 1216 : index
    %swap3A_2662 = tpu.vector_load %arg8[%swap3A_2661] {strides = array<i32>} : memref<2048xf32, #tpu.memory_space<vmem>>, vector<16xf32>,
    tpu.vector_store %arg8[%swap3A_2661], %gather3A_2660 {strides = array<i32>} : memref<2048xf32, #tpu.memory_space<vmem>>, vector<16xf32>,
    %add3A_2663 = arith.constant 80 : i32
    %add3A_2664 = vector.broadcast %add3A_2663 : i32 to vector<16xi32>
    %add3A_2665 = arith.addi %iota3A, %add3A_2664 : vector<16xi32>
    %add3A_2666 = arith.constant 256 : i32
    %add3A_2667 = vector.broadcast %add3A_2666 : i32 to vector<16xi32>
    %add3A_2668 = arith.addi %add3A_2665, %add3A_2667 : vector<16xi32>
    %get3A_2669 = arith.constant 336 : index
    %get3A_2670 = tpu.vector_load %arg5[%get3A_2669] {strides = array<i32>} : memref<512xi32, #tpu.memory_space<vmem>>, vector<16xi32>,
    %add3A_2671 = arith.constant 512 : i32
    %add3A_2672 = vector.broadcast %add3A_2671 : i32 to vector<16xi32>
    %add3A_2673 = arith.addi %add3A_2668, %add3A_2672 : vector<16xi32>
    %and3A_2674 = arith.constant 15 : i32
    %and3A_2675 = vector.broadcast %and3A_2674 : i32 to vector<16xi32>
    %and3A_2676 = arith.andi %get3A_2670, %and3A_2675 : vector<16xi32>
    %gather3A_2677 = tpu.vector_load_idx %arg7[%add3A_2673, %and3A_2676] : memref<2048x16xf32, #tpu.memory_space<vmem>>[vector<16xi32>, vector<16xi32>], vector<16xf32>,
    %swap3A_2678 = arith.constant 1232 : index
    %swap3A_2679 = tpu.vector_load %arg8[%swap3A_2678] {strides = array<i32>} : memref<2048xf32, #tpu.memory_space<vmem>>, vector<16xf32>,
    tpu.vector_store %arg8[%swap3A_2678], %gather3A_2677 {strides = array<i32>} : memref<2048xf32, #tpu.memory_space<vmem>>, vector<16xf32>,
    %add3A_2680 = arith.constant 96 : i32
    %add3A_2681 = vector.broadcast %add3A_2680 : i32 to vector<16xi32>
    %add3A_2682 = arith.addi %iota3A, %add3A_2681 : vector<16xi32>
    %add3A_2683 = arith.constant 256 : i32
    %add3A_2684 = vector.broadcast %add3A_2683 : i32 to vector<16xi32>
    %add3A_2685 = arith.addi %add3A_2682, %add3A_2684 : vector<16xi32>
    %get3A_2686 = arith.constant 352 : index
    %get3A_2687 = tpu.vector_load %arg5[%get3A_2686] {strides = array<i32>} : memref<512xi32, #tpu.memory_space<vmem>>, vector<16xi32>,
    %add3A_2688 = arith.constant 512 : i32
    %add3A_2689 = vector.broadcast %add3A_2688 : i32 to vector<16xi32>
    %add3A_2690 = arith.addi %add3A_2685, %add3A_2689 : vector<16xi32>
    %and3A_2691 = arith.constant 15 : i32
    %and3A_2692 = vector.broadcast %and3A_2691 : i32 to vector<16xi32>
    %and3A_2693 = arith.andi %get3A_2687, %and3A_2692 : vector<16xi32>
    %gather3A_2694 = tpu.vector_load_idx %arg7[%add3A_2690, %and3A_2693] : memref<2048x16xf32, #tpu.memory_space<vmem>>[vector<16xi32>, vector<16xi32>], vector<16xf32>,
    %swap3A_2695 = arith.constant 1248 : index
    %swap3A_2696 = tpu.vector_load %arg8[%swap3A_2695] {strides = array<i32>} : memref<2048xf32, #tpu.memory_space<vmem>>, vector<16xf32>,
    tpu.vector_store %arg8[%swap3A_2695], %gather3A_2694 {strides = array<i32>} : memref<2048xf32, #tpu.memory_space<vmem>>, vector<16xf32>,
    %add3A_2697 = arith.constant 112 : i32
    %add3A_2698 = vector.broadcast %add3A_2697 : i32 to vector<16xi32>
    %add3A_2699 = arith.addi %iota3A, %add3A_2698 : vector<16xi32>
    %add3A_2700 = arith.constant 256 : i32
    %add3A_2701 = vector.broadcast %add3A_2700 : i32 to vector<16xi32>
    %add3A_2702 = arith.addi %add3A_2699, %add3A_2701 : vector<16xi32>
    %get3A_2703 = arith.constant 368 : index
    %get3A_2704 = tpu.vector_load %arg5[%get3A_2703] {strides = array<i32>} : memref<512xi32, #tpu.memory_space<vmem>>, vector<16xi32>,
    %add3A_2705 = arith.constant 512 : i32
    %add3A_2706 = vector.broadcast %add3A_2705 : i32 to vector<16xi32>
    %add3A_2707 = arith.addi %add3A_2702, %add3A_2706 : vector<16xi32>
    %and3A_2708 = arith.constant 15 : i32
    %and3A_2709 = vector.broadcast %and3A_2708 : i32 to vector<16xi32>
    %and3A_2710 = arith.andi %get3A_2704, %and3A_2709 : vector<16xi32>
    %gather3A_2711 = tpu.vector_load_idx %arg7[%add3A_2707, %and3A_2710] : memref<2048x16xf32, #tpu.memory_space<vmem>>[vector<16xi32>, vector<16xi32>], vector<16xf32>,
    %swap3A_2712 = arith.constant 1264 : index
    %swap3A_2713 = tpu.vector_load %arg8[%swap3A_2712] {strides = array<i32>} : memref<2048xf32, #tpu.memory_space<vmem>>, vector<16xf32>,
    tpu.vector_store %arg8[%swap3A_2712], %gather3A_2711 {strides = array<i32>} : memref<2048xf32, #tpu.memory_space<vmem>>, vector<16xf32>,
    %dma_wait3A_2714 = arith.constant 7 : i32
    %dma_wait3A_2715 = arith.constant 896 : i32
    %dma_wait3A_2716 = arith.constant 0 : i32
    %dma_wait3A_2717 = tpu.memref_slice %arg7[%dma_wait3A_2715, %dma_wait3A_2716] : memref<2048x16xf32, #tpu.memory_space<vmem>> -> memref<128x16xf32, #tpu.memory_space<vmem>>
    %dma_wait3A_2718 = arith.constant 0 : i32
    %dma_wait3A_2719 = tpu.memref_slice %arg6[%dma_wait3A_2714, %dma_wait3A_2718] : memref<16x128xi32, #tpu.memory_space<vmem>> -> memref<1x128xi32, #tpu.memory_space<vmem>>
    %dma_wait3A_2720 = tpu.memref_squeeze %dma_wait3A_2719 : memref<1x128xi32, #tpu.memory_space<vmem>> -> memref<128xi32, #tpu.memory_space<vmem>>
    %dma_wait3A_2721 = arith.constant 0 : i32
    %dma_wait3A_2722 = arith.constant 0 : i32
    %dma_wait3A_2723 = tpu.memref_slice %arg3[%dma_wait3A_2721, %dma_wait3A_2722] : memref<250000x16xf32, #tpu.memory_space<hbm>> -> memref<250000x16xf32, #tpu.memory_space<hbm>>
    tpu.wait_indirect_dma semaphore(%arg9 : memref<!tpu.dma_semaphore, #tpu.memory_space<semaphore_mem>>) src(%dma_wait3A_2723 : memref<250000x16xf32, #tpu.memory_space<hbm>>) dst(%dma_wait3A_2717 : memref<128x16xf32, #tpu.memory_space<vmem>>)
    %add3A_2724 = arith.constant 0 : i32
    %add3A_2725 = vector.broadcast %add3A_2724 : i32 to vector<16xi32>
    %add3A_2726 = arith.addi %iota3A, %add3A_2725 : vector<16xi32>
    %add3A_2727 = arith.constant 384 : i32
    %add3A_2728 = vector.broadcast %add3A_2727 : i32 to vector<16xi32>
    %add3A_2729 = arith.addi %add3A_2726, %add3A_2728 : vector<16xi32>
    %get3A_2730 = arith.constant 384 : index
    %get3A_2731 = tpu.vector_load %arg5[%get3A_2730] {strides = array<i32>} : memref<512xi32, #tpu.memory_space<vmem>>, vector<16xi32>,
    %add3A_2732 = arith.constant 512 : i32
    %add3A_2733 = vector.broadcast %add3A_2732 : i32 to vector<16xi32>
    %add3A_2734 = arith.addi %add3A_2729, %add3A_2733 : vector<16xi32>
    %and3A_2735 = arith.constant 15 : i32
    %and3A_2736 = vector.broadcast %and3A_2735 : i32 to vector<16xi32>
    %and3A_2737 = arith.andi %get3A_2731, %and3A_2736 : vector<16xi32>
    %gather3A_2738 = tpu.vector_load_idx %arg7[%add3A_2734, %and3A_2737] : memref<2048x16xf32, #tpu.memory_space<vmem>>[vector<16xi32>, vector<16xi32>], vector<16xf32>,
    %swap3A_2739 = arith.constant 1664 : index
    %swap3A_2740 = tpu.vector_load %arg8[%swap3A_2739] {strides = array<i32>} : memref<2048xf32, #tpu.memory_space<vmem>>, vector<16xf32>,
    tpu.vector_store %arg8[%swap3A_2739], %gather3A_2738 {strides = array<i32>} : memref<2048xf32, #tpu.memory_space<vmem>>, vector<16xf32>,
    %add3A_2741 = arith.constant 16 : i32
    %add3A_2742 = vector.broadcast %add3A_2741 : i32 to vector<16xi32>
    %add3A_2743 = arith.addi %iota3A, %add3A_2742 : vector<16xi32>
    %add3A_2744 = arith.constant 384 : i32
    %add3A_2745 = vector.broadcast %add3A_2744 : i32 to vector<16xi32>
    %add3A_2746 = arith.addi %add3A_2743, %add3A_2745 : vector<16xi32>
    %get3A_2747 = arith.constant 400 : index
    %get3A_2748 = tpu.vector_load %arg5[%get3A_2747] {strides = array<i32>} : memref<512xi32, #tpu.memory_space<vmem>>, vector<16xi32>,
    %add3A_2749 = arith.constant 512 : i32
    %add3A_2750 = vector.broadcast %add3A_2749 : i32 to vector<16xi32>
    %add3A_2751 = arith.addi %add3A_2746, %add3A_2750 : vector<16xi32>
    %and3A_2752 = arith.constant 15 : i32
    %and3A_2753 = vector.broadcast %and3A_2752 : i32 to vector<16xi32>
    %and3A_2754 = arith.andi %get3A_2748, %and3A_2753 : vector<16xi32>
    %gather3A_2755 = tpu.vector_load_idx %arg7[%add3A_2751, %and3A_2754] : memref<2048x16xf32, #tpu.memory_space<vmem>>[vector<16xi32>, vector<16xi32>], vector<16xf32>,
    %swap3A_2756 = arith.constant 1680 : index
    %swap3A_2757 = tpu.vector_load %arg8[%swap3A_2756] {strides = array<i32>} : memref<2048xf32, #tpu.memory_space<vmem>>, vector<16xf32>,
    tpu.vector_store %arg8[%swap3A_2756], %gather3A_2755 {strides = array<i32>} : memref<2048xf32, #tpu.memory_space<vmem>>, vector<16xf32>,
    %add3A_2758 = arith.constant 32 : i32
    %add3A_2759 = vector.broadcast %add3A_2758 : i32 to vector<16xi32>
    %add3A_2760 = arith.addi %iota3A, %add3A_2759 : vector<16xi32>
    %add3A_2761 = arith.constant 384 : i32
    %add3A_2762 = vector.broadcast %add3A_2761 : i32 to vector<16xi32>
    %add3A_2763 = arith.addi %add3A_2760, %add3A_2762 : vector<16xi32>
    %get3A_2764 = arith.constant 416 : index
    %get3A_2765 = tpu.vector_load %arg5[%get3A_2764] {strides = array<i32>} : memref<512xi32, #tpu.memory_space<vmem>>, vector<16xi32>,
    %add3A_2766 = arith.constant 512 : i32
    %add3A_2767 = vector.broadcast %add3A_2766 : i32 to vector<16xi32>
    %add3A_2768 = arith.addi %add3A_2763, %add3A_2767 : vector<16xi32>
    %and3A_2769 = arith.constant 15 : i32
    %and3A_2770 = vector.broadcast %and3A_2769 : i32 to vector<16xi32>
    %and3A_2771 = arith.andi %get3A_2765, %and3A_2770 : vector<16xi32>
    %gather3A_2772 = tpu.vector_load_idx %arg7[%add3A_2768, %and3A_2771] : memref<2048x16xf32, #tpu.memory_space<vmem>>[vector<16xi32>, vector<16xi32>], vector<16xf32>,
    %swap3A_2773 = arith.constant 1696 : index
    %swap3A_2774 = tpu.vector_load %arg8[%swap3A_2773] {strides = array<i32>} : memref<2048xf32, #tpu.memory_space<vmem>>, vector<16xf32>,
    tpu.vector_store %arg8[%swap3A_2773], %gather3A_2772 {strides = array<i32>} : memref<2048xf32, #tpu.memory_space<vmem>>, vector<16xf32>,
    %add3A_2775 = arith.constant 48 : i32
    %add3A_2776 = vector.broadcast %add3A_2775 : i32 to vector<16xi32>
    %add3A_2777 = arith.addi %iota3A, %add3A_2776 : vector<16xi32>
    %add3A_2778 = arith.constant 384 : i32
    %add3A_2779 = vector.broadcast %add3A_2778 : i32 to vector<16xi32>
    %add3A_2780 = arith.addi %add3A_2777, %add3A_2779 : vector<16xi32>
    %get3A_2781 = arith.constant 432 : index
    %get3A_2782 = tpu.vector_load %arg5[%get3A_2781] {strides = array<i32>} : memref<512xi32, #tpu.memory_space<vmem>>, vector<16xi32>,
    %add3A_2783 = arith.constant 512 : i32
    %add3A_2784 = vector.broadcast %add3A_2783 : i32 to vector<16xi32>
    %add3A_2785 = arith.addi %add3A_2780, %add3A_2784 : vector<16xi32>
    %and3A_2786 = arith.constant 15 : i32
    %and3A_2787 = vector.broadcast %and3A_2786 : i32 to vector<16xi32>
    %and3A_2788 = arith.andi %get3A_2782, %and3A_2787 : vector<16xi32>
    %gather3A_2789 = tpu.vector_load_idx %arg7[%add3A_2785, %and3A_2788] : memref<2048x16xf32, #tpu.memory_space<vmem>>[vector<16xi32>, vector<16xi32>], vector<16xf32>,
    %swap3A_2790 = arith.constant 1712 : index
    %swap3A_2791 = tpu.vector_load %arg8[%swap3A_2790] {strides = array<i32>} : memref<2048xf32, #tpu.memory_space<vmem>>, vector<16xf32>,
    tpu.vector_store %arg8[%swap3A_2790], %gather3A_2789 {strides = array<i32>} : memref<2048xf32, #tpu.memory_space<vmem>>, vector<16xf32>,
    %add3A_2792 = arith.constant 64 : i32
    %add3A_2793 = vector.broadcast %add3A_2792 : i32 to vector<16xi32>
    %add3A_2794 = arith.addi %iota3A, %add3A_2793 : vector<16xi32>
    %add3A_2795 = arith.constant 384 : i32
    %add3A_2796 = vector.broadcast %add3A_2795 : i32 to vector<16xi32>
    %add3A_2797 = arith.addi %add3A_2794, %add3A_2796 : vector<16xi32>
    %get3A_2798 = arith.constant 448 : index
    %get3A_2799 = tpu.vector_load %arg5[%get3A_2798] {strides = array<i32>} : memref<512xi32, #tpu.memory_space<vmem>>, vector<16xi32>,
    %add3A_2800 = arith.constant 512 : i32
    %add3A_2801 = vector.broadcast %add3A_2800 : i32 to vector<16xi32>
    %add3A_2802 = arith.addi %add3A_2797, %add3A_2801 : vector<16xi32>
    %and3A_2803 = arith.constant 15 : i32
    %and3A_2804 = vector.broadcast %and3A_2803 : i32 to vector<16xi32>
    %and3A_2805 = arith.andi %get3A_2799, %and3A_2804 : vector<16xi32>
    %gather3A_2806 = tpu.vector_load_idx %arg7[%add3A_2802, %and3A_2805] : memref<2048x16xf32, #tpu.memory_space<vmem>>[vector<16xi32>, vector<16xi32>], vector<16xf32>,
    %swap3A_2807 = arith.constant 1728 : index
    %swap3A_2808 = tpu.vector_load %arg8[%swap3A_2807] {strides = array<i32>} : memref<2048xf32, #tpu.memory_space<vmem>>, vector<16xf32>,
    tpu.vector_store %arg8[%swap3A_2807], %gather3A_2806 {strides = array<i32>} : memref<2048xf32, #tpu.memory_space<vmem>>, vector<16xf32>,
    %add3A_2809 = arith.constant 80 : i32
    %add3A_2810 = vector.broadcast %add3A_2809 : i32 to vector<16xi32>
    %add3A_2811 = arith.addi %iota3A, %add3A_2810 : vector<16xi32>
    %add3A_2812 = arith.constant 384 : i32
    %add3A_2813 = vector.broadcast %add3A_2812 : i32 to vector<16xi32>
    %add3A_2814 = arith.addi %add3A_2811, %add3A_2813 : vector<16xi32>
    %get3A_2815 = arith.constant 464 : index
    %get3A_2816 = tpu.vector_load %arg5[%get3A_2815] {strides = array<i32>} : memref<512xi32, #tpu.memory_space<vmem>>, vector<16xi32>,
    %add3A_2817 = arith.constant 512 : i32
    %add3A_2818 = vector.broadcast %add3A_2817 : i32 to vector<16xi32>
    %add3A_2819 = arith.addi %add3A_2814, %add3A_2818 : vector<16xi32>
    %and3A_2820 = arith.constant 15 : i32
    %and3A_2821 = vector.broadcast %and3A_2820 : i32 to vector<16xi32>
    %and3A_2822 = arith.andi %get3A_2816, %and3A_2821 : vector<16xi32>
    %gather3A_2823 = tpu.vector_load_idx %arg7[%add3A_2819, %and3A_2822] : memref<2048x16xf32, #tpu.memory_space<vmem>>[vector<16xi32>, vector<16xi32>], vector<16xf32>,
    %swap3A_2824 = arith.constant 1744 : index
    %swap3A_2825 = tpu.vector_load %arg8[%swap3A_2824] {strides = array<i32>} : memref<2048xf32, #tpu.memory_space<vmem>>, vector<16xf32>,
    tpu.vector_store %arg8[%swap3A_2824], %gather3A_2823 {strides = array<i32>} : memref<2048xf32, #tpu.memory_space<vmem>>, vector<16xf32>,
    %add3A_2826 = arith.constant 96 : i32
    %add3A_2827 = vector.broadcast %add3A_2826 : i32 to vector<16xi32>
    %add3A_2828 = arith.addi %iota3A, %add3A_2827 : vector<16xi32>
    %add3A_2829 = arith.constant 384 : i32
    %add3A_2830 = vector.broadcast %add3A_2829 : i32 to vector<16xi32>
    %add3A_2831 = arith.addi %add3A_2828, %add3A_2830 : vector<16xi32>
    %get3A_2832 = arith.constant 480 : index
    %get3A_2833 = tpu.vector_load %arg5[%get3A_2832] {strides = array<i32>} : memref<512xi32, #tpu.memory_space<vmem>>, vector<16xi32>,
    %add3A_2834 = arith.constant 512 : i32
    %add3A_2835 = vector.broadcast %add3A_2834 : i32 to vector<16xi32>
    %add3A_2836 = arith.addi %add3A_2831, %add3A_2835 : vector<16xi32>
    %and3A_2837 = arith.constant 15 : i32
    %and3A_2838 = vector.broadcast %and3A_2837 : i32 to vector<16xi32>
    %and3A_2839 = arith.andi %get3A_2833, %and3A_2838 : vector<16xi32>
    %gather3A_2840 = tpu.vector_load_idx %arg7[%add3A_2836, %and3A_2839] : memref<2048x16xf32, #tpu.memory_space<vmem>>[vector<16xi32>, vector<16xi32>], vector<16xf32>,
    %swap3A_2841 = arith.constant 1760 : index
    %swap3A_2842 = tpu.vector_load %arg8[%swap3A_2841] {strides = array<i32>} : memref<2048xf32, #tpu.memory_space<vmem>>, vector<16xf32>,
    tpu.vector_store %arg8[%swap3A_2841], %gather3A_2840 {strides = array<i32>} : memref<2048xf32, #tpu.memory_space<vmem>>, vector<16xf32>,
    %add3A_2843 = arith.constant 112 : i32
    %add3A_2844 = vector.broadcast %add3A_2843 : i32 to vector<16xi32>
    %add3A_2845 = arith.addi %iota3A, %add3A_2844 : vector<16xi32>
    %add3A_2846 = arith.constant 384 : i32
    %add3A_2847 = vector.broadcast %add3A_2846 : i32 to vector<16xi32>
    %add3A_2848 = arith.addi %add3A_2845, %add3A_2847 : vector<16xi32>
    %get3A_2849 = arith.constant 496 : index
    %get3A_2850 = tpu.vector_load %arg5[%get3A_2849] {strides = array<i32>} : memref<512xi32, #tpu.memory_space<vmem>>, vector<16xi32>,
    %add3A_2851 = arith.constant 512 : i32
    %add3A_2852 = vector.broadcast %add3A_2851 : i32 to vector<16xi32>
    %add3A_2853 = arith.addi %add3A_2848, %add3A_2852 : vector<16xi32>
    %and3A_2854 = arith.constant 15 : i32
    %and3A_2855 = vector.broadcast %and3A_2854 : i32 to vector<16xi32>
    %and3A_2856 = arith.andi %get3A_2850, %and3A_2855 : vector<16xi32>
    %gather3A_2857 = tpu.vector_load_idx %arg7[%add3A_2853, %and3A_2856] : memref<2048x16xf32, #tpu.memory_space<vmem>>[vector<16xi32>, vector<16xi32>], vector<16xf32>,
    %swap3A_2858 = arith.constant 1776 : index
    %swap3A_2859 = tpu.vector_load %arg8[%swap3A_2858] {strides = array<i32>} : memref<2048xf32, #tpu.memory_space<vmem>>, vector<16xf32>,
    tpu.vector_store %arg8[%swap3A_2858], %gather3A_2857 {strides = array<i32>} : memref<2048xf32, #tpu.memory_space<vmem>>, vector<16xf32>,
    %dma_wait3A_2860 = arith.constant 8 : i32
    %dma_wait3A_2861 = arith.constant 1024 : i32
    %dma_wait3A_2862 = arith.constant 0 : i32
    %dma_wait3A_2863 = tpu.memref_slice %arg7[%dma_wait3A_2861, %dma_wait3A_2862] : memref<2048x16xf32, #tpu.memory_space<vmem>> -> memref<128x16xf32, #tpu.memory_space<vmem>>
    %dma_wait3A_2864 = arith.constant 0 : i32
    %dma_wait3A_2865 = tpu.memref_slice %arg6[%dma_wait3A_2860, %dma_wait3A_2864] : memref<16x128xi32, #tpu.memory_space<vmem>> -> memref<1x128xi32, #tpu.memory_space<vmem>>
    %dma_wait3A_2866 = tpu.memref_squeeze %dma_wait3A_2865 : memref<1x128xi32, #tpu.memory_space<vmem>> -> memref<128xi32, #tpu.memory_space<vmem>>
    %dma_wait3A_2867 = arith.constant 0 : i32
    %dma_wait3A_2868 = arith.constant 0 : i32
    %dma_wait3A_2869 = tpu.memref_slice %arg3[%dma_wait3A_2867, %dma_wait3A_2868] : memref<250000x16xf32, #tpu.memory_space<hbm>> -> memref<250000x16xf32, #tpu.memory_space<hbm>>
    tpu.wait_indirect_dma semaphore(%arg9 : memref<!tpu.dma_semaphore, #tpu.memory_space<semaphore_mem>>) src(%dma_wait3A_2869 : memref<250000x16xf32, #tpu.memory_space<hbm>>) dst(%dma_wait3A_2863 : memref<128x16xf32, #tpu.memory_space<vmem>>)
    %add3A_2870 = arith.constant 0 : i32
    %add3A_2871 = vector.broadcast %add3A_2870 : i32 to vector<16xi32>
    %add3A_2872 = arith.addi %iota3A, %add3A_2871 : vector<16xi32>
    %add3A_2873 = arith.constant 0 : i32
    %add3A_2874 = vector.broadcast %add3A_2873 : i32 to vector<16xi32>
    %add3A_2875 = arith.addi %add3A_2872, %add3A_2874 : vector<16xi32>
    %get3A_2876 = arith.constant 0 : index
    %get3A_2877 = tpu.vector_load %arg5[%get3A_2876] {strides = array<i32>} : memref<512xi32, #tpu.memory_space<vmem>>, vector<16xi32>,
    %add3A_2878 = arith.constant 1024 : i32
    %add3A_2879 = vector.broadcast %add3A_2878 : i32 to vector<16xi32>
    %add3A_2880 = arith.addi %add3A_2875, %add3A_2879 : vector<16xi32>
    %and3A_2881 = arith.constant 15 : i32
    %and3A_2882 = vector.broadcast %and3A_2881 : i32 to vector<16xi32>
    %and3A_2883 = arith.andi %get3A_2877, %and3A_2882 : vector<16xi32>
    %gather3A_2884 = tpu.vector_load_idx %arg7[%add3A_2880, %and3A_2883] : memref<2048x16xf32, #tpu.memory_space<vmem>>[vector<16xi32>, vector<16xi32>], vector<16xf32>,
    %swap3A_2885 = arith.constant 256 : index
    %swap3A_2886 = tpu.vector_load %arg8[%swap3A_2885] {strides = array<i32>} : memref<2048xf32, #tpu.memory_space<vmem>>, vector<16xf32>,
    tpu.vector_store %arg8[%swap3A_2885], %gather3A_2884 {strides = array<i32>} : memref<2048xf32, #tpu.memory_space<vmem>>, vector<16xf32>,
    %add3A_2887 = arith.constant 16 : i32
    %add3A_2888 = vector.broadcast %add3A_2887 : i32 to vector<16xi32>
    %add3A_2889 = arith.addi %iota3A, %add3A_2888 : vector<16xi32>
    %add3A_2890 = arith.constant 0 : i32
    %add3A_2891 = vector.broadcast %add3A_2890 : i32 to vector<16xi32>
    %add3A_2892 = arith.addi %add3A_2889, %add3A_2891 : vector<16xi32>
    %get3A_2893 = arith.constant 16 : index
    %get3A_2894 = tpu.vector_load %arg5[%get3A_2893] {strides = array<i32>} : memref<512xi32, #tpu.memory_space<vmem>>, vector<16xi32>,
    %add3A_2895 = arith.constant 1024 : i32
    %add3A_2896 = vector.broadcast %add3A_2895 : i32 to vector<16xi32>
    %add3A_2897 = arith.addi %add3A_2892, %add3A_2896 : vector<16xi32>
    %and3A_2898 = arith.constant 15 : i32
    %and3A_2899 = vector.broadcast %and3A_2898 : i32 to vector<16xi32>
    %and3A_2900 = arith.andi %get3A_2894, %and3A_2899 : vector<16xi32>
    %gather3A_2901 = tpu.vector_load_idx %arg7[%add3A_2897, %and3A_2900] : memref<2048x16xf32, #tpu.memory_space<vmem>>[vector<16xi32>, vector<16xi32>], vector<16xf32>,
    %swap3A_2902 = arith.constant 272 : index
    %swap3A_2903 = tpu.vector_load %arg8[%swap3A_2902] {strides = array<i32>} : memref<2048xf32, #tpu.memory_space<vmem>>, vector<16xf32>,
    tpu.vector_store %arg8[%swap3A_2902], %gather3A_2901 {strides = array<i32>} : memref<2048xf32, #tpu.memory_space<vmem>>, vector<16xf32>,
    %add3A_2904 = arith.constant 32 : i32
    %add3A_2905 = vector.broadcast %add3A_2904 : i32 to vector<16xi32>
    %add3A_2906 = arith.addi %iota3A, %add3A_2905 : vector<16xi32>
    %add3A_2907 = arith.constant 0 : i32
    %add3A_2908 = vector.broadcast %add3A_2907 : i32 to vector<16xi32>
    %add3A_2909 = arith.addi %add3A_2906, %add3A_2908 : vector<16xi32>
    %get3A_2910 = arith.constant 32 : index
    %get3A_2911 = tpu.vector_load %arg5[%get3A_2910] {strides = array<i32>} : memref<512xi32, #tpu.memory_space<vmem>>, vector<16xi32>,
    %add3A_2912 = arith.constant 1024 : i32
    %add3A_2913 = vector.broadcast %add3A_2912 : i32 to vector<16xi32>
    %add3A_2914 = arith.addi %add3A_2909, %add3A_2913 : vector<16xi32>
    %and3A_2915 = arith.constant 15 : i32
    %and3A_2916 = vector.broadcast %and3A_2915 : i32 to vector<16xi32>
    %and3A_2917 = arith.andi %get3A_2911, %and3A_2916 : vector<16xi32>
    %gather3A_2918 = tpu.vector_load_idx %arg7[%add3A_2914, %and3A_2917] : memref<2048x16xf32, #tpu.memory_space<vmem>>[vector<16xi32>, vector<16xi32>], vector<16xf32>,
    %swap3A_2919 = arith.constant 288 : index
    %swap3A_2920 = tpu.vector_load %arg8[%swap3A_2919] {strides = array<i32>} : memref<2048xf32, #tpu.memory_space<vmem>>, vector<16xf32>,
    tpu.vector_store %arg8[%swap3A_2919], %gather3A_2918 {strides = array<i32>} : memref<2048xf32, #tpu.memory_space<vmem>>, vector<16xf32>,
    %add3A_2921 = arith.constant 48 : i32
    %add3A_2922 = vector.broadcast %add3A_2921 : i32 to vector<16xi32>
    %add3A_2923 = arith.addi %iota3A, %add3A_2922 : vector<16xi32>
    %add3A_2924 = arith.constant 0 : i32
    %add3A_2925 = vector.broadcast %add3A_2924 : i32 to vector<16xi32>
    %add3A_2926 = arith.addi %add3A_2923, %add3A_2925 : vector<16xi32>
    %get3A_2927 = arith.constant 48 : index
    %get3A_2928 = tpu.vector_load %arg5[%get3A_2927] {strides = array<i32>} : memref<512xi32, #tpu.memory_space<vmem>>, vector<16xi32>,
    %add3A_2929 = arith.constant 1024 : i32
    %add3A_2930 = vector.broadcast %add3A_2929 : i32 to vector<16xi32>
    %add3A_2931 = arith.addi %add3A_2926, %add3A_2930 : vector<16xi32>
    %and3A_2932 = arith.constant 15 : i32
    %and3A_2933 = vector.broadcast %and3A_2932 : i32 to vector<16xi32>
    %and3A_2934 = arith.andi %get3A_2928, %and3A_2933 : vector<16xi32>
    %gather3A_2935 = tpu.vector_load_idx %arg7[%add3A_2931, %and3A_2934] : memref<2048x16xf32, #tpu.memory_space<vmem>>[vector<16xi32>, vector<16xi32>], vector<16xf32>,
    %swap3A_2936 = arith.constant 304 : index
    %swap3A_2937 = tpu.vector_load %arg8[%swap3A_2936] {strides = array<i32>} : memref<2048xf32, #tpu.memory_space<vmem>>, vector<16xf32>,
    tpu.vector_store %arg8[%swap3A_2936], %gather3A_2935 {strides = array<i32>} : memref<2048xf32, #tpu.memory_space<vmem>>, vector<16xf32>,
    %add3A_2938 = arith.constant 64 : i32
    %add3A_2939 = vector.broadcast %add3A_2938 : i32 to vector<16xi32>
    %add3A_2940 = arith.addi %iota3A, %add3A_2939 : vector<16xi32>
    %add3A_2941 = arith.constant 0 : i32
    %add3A_2942 = vector.broadcast %add3A_2941 : i32 to vector<16xi32>
    %add3A_2943 = arith.addi %add3A_2940, %add3A_2942 : vector<16xi32>
    %get3A_2944 = arith.constant 64 : index
    %get3A_2945 = tpu.vector_load %arg5[%get3A_2944] {strides = array<i32>} : memref<512xi32, #tpu.memory_space<vmem>>, vector<16xi32>,
    %add3A_2946 = arith.constant 1024 : i32
    %add3A_2947 = vector.broadcast %add3A_2946 : i32 to vector<16xi32>
    %add3A_2948 = arith.addi %add3A_2943, %add3A_2947 : vector<16xi32>
    %and3A_2949 = arith.constant 15 : i32
    %and3A_2950 = vector.broadcast %and3A_2949 : i32 to vector<16xi32>
    %and3A_2951 = arith.andi %get3A_2945, %and3A_2950 : vector<16xi32>
    %gather3A_2952 = tpu.vector_load_idx %arg7[%add3A_2948, %and3A_2951] : memref<2048x16xf32, #tpu.memory_space<vmem>>[vector<16xi32>, vector<16xi32>], vector<16xf32>,
    %swap3A_2953 = arith.constant 320 : index
    %swap3A_2954 = tpu.vector_load %arg8[%swap3A_2953] {strides = array<i32>} : memref<2048xf32, #tpu.memory_space<vmem>>, vector<16xf32>,
    tpu.vector_store %arg8[%swap3A_2953], %gather3A_2952 {strides = array<i32>} : memref<2048xf32, #tpu.memory_space<vmem>>, vector<16xf32>,
    %add3A_2955 = arith.constant 80 : i32
    %add3A_2956 = vector.broadcast %add3A_2955 : i32 to vector<16xi32>
    %add3A_2957 = arith.addi %iota3A, %add3A_2956 : vector<16xi32>
    %add3A_2958 = arith.constant 0 : i32
    %add3A_2959 = vector.broadcast %add3A_2958 : i32 to vector<16xi32>
    %add3A_2960 = arith.addi %add3A_2957, %add3A_2959 : vector<16xi32>
    %get3A_2961 = arith.constant 80 : index
    %get3A_2962 = tpu.vector_load %arg5[%get3A_2961] {strides = array<i32>} : memref<512xi32, #tpu.memory_space<vmem>>, vector<16xi32>,
    %add3A_2963 = arith.constant 1024 : i32
    %add3A_2964 = vector.broadcast %add3A_2963 : i32 to vector<16xi32>
    %add3A_2965 = arith.addi %add3A_2960, %add3A_2964 : vector<16xi32>
    %and3A_2966 = arith.constant 15 : i32
    %and3A_2967 = vector.broadcast %and3A_2966 : i32 to vector<16xi32>
    %and3A_2968 = arith.andi %get3A_2962, %and3A_2967 : vector<16xi32>
    %gather3A_2969 = tpu.vector_load_idx %arg7[%add3A_2965, %and3A_2968] : memref<2048x16xf32, #tpu.memory_space<vmem>>[vector<16xi32>, vector<16xi32>], vector<16xf32>,
    %swap3A_2970 = arith.constant 336 : index
    %swap3A_2971 = tpu.vector_load %arg8[%swap3A_2970] {strides = array<i32>} : memref<2048xf32, #tpu.memory_space<vmem>>, vector<16xf32>,
    tpu.vector_store %arg8[%swap3A_2970], %gather3A_2969 {strides = array<i32>} : memref<2048xf32, #tpu.memory_space<vmem>>, vector<16xf32>,
    %add3A_2972 = arith.constant 96 : i32
    %add3A_2973 = vector.broadcast %add3A_2972 : i32 to vector<16xi32>
    %add3A_2974 = arith.addi %iota3A, %add3A_2973 : vector<16xi32>
    %add3A_2975 = arith.constant 0 : i32
    %add3A_2976 = vector.broadcast %add3A_2975 : i32 to vector<16xi32>
    %add3A_2977 = arith.addi %add3A_2974, %add3A_2976 : vector<16xi32>
    %get3A_2978 = arith.constant 96 : index
    %get3A_2979 = tpu.vector_load %arg5[%get3A_2978] {strides = array<i32>} : memref<512xi32, #tpu.memory_space<vmem>>, vector<16xi32>,
    %add3A_2980 = arith.constant 1024 : i32
    %add3A_2981 = vector.broadcast %add3A_2980 : i32 to vector<16xi32>
    %add3A_2982 = arith.addi %add3A_2977, %add3A_2981 : vector<16xi32>
    %and3A_2983 = arith.constant 15 : i32
    %and3A_2984 = vector.broadcast %and3A_2983 : i32 to vector<16xi32>
    %and3A_2985 = arith.andi %get3A_2979, %and3A_2984 : vector<16xi32>
    %gather3A_2986 = tpu.vector_load_idx %arg7[%add3A_2982, %and3A_2985] : memref<2048x16xf32, #tpu.memory_space<vmem>>[vector<16xi32>, vector<16xi32>], vector<16xf32>,
    %swap3A_2987 = arith.constant 352 : index
    %swap3A_2988 = tpu.vector_load %arg8[%swap3A_2987] {strides = array<i32>} : memref<2048xf32, #tpu.memory_space<vmem>>, vector<16xf32>,
    tpu.vector_store %arg8[%swap3A_2987], %gather3A_2986 {strides = array<i32>} : memref<2048xf32, #tpu.memory_space<vmem>>, vector<16xf32>,
    %add3A_2989 = arith.constant 112 : i32
    %add3A_2990 = vector.broadcast %add3A_2989 : i32 to vector<16xi32>
    %add3A_2991 = arith.addi %iota3A, %add3A_2990 : vector<16xi32>
    %add3A_2992 = arith.constant 0 : i32
    %add3A_2993 = vector.broadcast %add3A_2992 : i32 to vector<16xi32>
    %add3A_2994 = arith.addi %add3A_2991, %add3A_2993 : vector<16xi32>
    %get3A_2995 = arith.constant 112 : index
    %get3A_2996 = tpu.vector_load %arg5[%get3A_2995] {strides = array<i32>} : memref<512xi32, #tpu.memory_space<vmem>>, vector<16xi32>,
    %add3A_2997 = arith.constant 1024 : i32
    %add3A_2998 = vector.broadcast %add3A_2997 : i32 to vector<16xi32>
    %add3A_2999 = arith.addi %add3A_2994, %add3A_2998 : vector<16xi32>
    %and3A_3000 = arith.constant 15 : i32
    %and3A_3001 = vector.broadcast %and3A_3000 : i32 to vector<16xi32>
    %and3A_3002 = arith.andi %get3A_2996, %and3A_3001 : vector<16xi32>
    %gather3A_3003 = tpu.vector_load_idx %arg7[%add3A_2999, %and3A_3002] : memref<2048x16xf32, #tpu.memory_space<vmem>>[vector<16xi32>, vector<16xi32>], vector<16xf32>,
    %swap3A_3004 = arith.constant 368 : index
    %swap3A_3005 = tpu.vector_load %arg8[%swap3A_3004] {strides = array<i32>} : memref<2048xf32, #tpu.memory_space<vmem>>, vector<16xf32>,
    tpu.vector_store %arg8[%swap3A_3004], %gather3A_3003 {strides = array<i32>} : memref<2048xf32, #tpu.memory_space<vmem>>, vector<16xf32>,
    %dma_wait3A_3006 = arith.constant 9 : i32
    %dma_wait3A_3007 = arith.constant 1152 : i32
    %dma_wait3A_3008 = arith.constant 0 : i32
    %dma_wait3A_3009 = tpu.memref_slice %arg7[%dma_wait3A_3007, %dma_wait3A_3008] : memref<2048x16xf32, #tpu.memory_space<vmem>> -> memref<128x16xf32, #tpu.memory_space<vmem>>
    %dma_wait3A_3010 = arith.constant 0 : i32
    %dma_wait3A_3011 = tpu.memref_slice %arg6[%dma_wait3A_3006, %dma_wait3A_3010] : memref<16x128xi32, #tpu.memory_space<vmem>> -> memref<1x128xi32, #tpu.memory_space<vmem>>
    %dma_wait3A_3012 = tpu.memref_squeeze %dma_wait3A_3011 : memref<1x128xi32, #tpu.memory_space<vmem>> -> memref<128xi32, #tpu.memory_space<vmem>>
    %dma_wait3A_3013 = arith.constant 0 : i32
    %dma_wait3A_3014 = arith.constant 0 : i32
    %dma_wait3A_3015 = tpu.memref_slice %arg3[%dma_wait3A_3013, %dma_wait3A_3014] : memref<250000x16xf32, #tpu.memory_space<hbm>> -> memref<250000x16xf32, #tpu.memory_space<hbm>>
    tpu.wait_indirect_dma semaphore(%arg9 : memref<!tpu.dma_semaphore, #tpu.memory_space<semaphore_mem>>) src(%dma_wait3A_3015 : memref<250000x16xf32, #tpu.memory_space<hbm>>) dst(%dma_wait3A_3009 : memref<128x16xf32, #tpu.memory_space<vmem>>)
    %add3A_3016 = arith.constant 0 : i32
    %add3A_3017 = vector.broadcast %add3A_3016 : i32 to vector<16xi32>
    %add3A_3018 = arith.addi %iota3A, %add3A_3017 : vector<16xi32>
    %add3A_3019 = arith.constant 128 : i32
    %add3A_3020 = vector.broadcast %add3A_3019 : i32 to vector<16xi32>
    %add3A_3021 = arith.addi %add3A_3018, %add3A_3020 : vector<16xi32>
    %get3A_3022 = arith.constant 128 : index
    %get3A_3023 = tpu.vector_load %arg5[%get3A_3022] {strides = array<i32>} : memref<512xi32, #tpu.memory_space<vmem>>, vector<16xi32>,
    %add3A_3024 = arith.constant 1024 : i32
    %add3A_3025 = vector.broadcast %add3A_3024 : i32 to vector<16xi32>
    %add3A_3026 = arith.addi %add3A_3021, %add3A_3025 : vector<16xi32>
    %and3A_3027 = arith.constant 15 : i32
    %and3A_3028 = vector.broadcast %and3A_3027 : i32 to vector<16xi32>
    %and3A_3029 = arith.andi %get3A_3023, %and3A_3028 : vector<16xi32>
    %gather3A_3030 = tpu.vector_load_idx %arg7[%add3A_3026, %and3A_3029] : memref<2048x16xf32, #tpu.memory_space<vmem>>[vector<16xi32>, vector<16xi32>], vector<16xf32>,
    %swap3A_3031 = arith.constant 768 : index
    %swap3A_3032 = tpu.vector_load %arg8[%swap3A_3031] {strides = array<i32>} : memref<2048xf32, #tpu.memory_space<vmem>>, vector<16xf32>,
    tpu.vector_store %arg8[%swap3A_3031], %gather3A_3030 {strides = array<i32>} : memref<2048xf32, #tpu.memory_space<vmem>>, vector<16xf32>,
    %add3A_3033 = arith.constant 16 : i32
    %add3A_3034 = vector.broadcast %add3A_3033 : i32 to vector<16xi32>
    %add3A_3035 = arith.addi %iota3A, %add3A_3034 : vector<16xi32>
    %add3A_3036 = arith.constant 128 : i32
    %add3A_3037 = vector.broadcast %add3A_3036 : i32 to vector<16xi32>
    %add3A_3038 = arith.addi %add3A_3035, %add3A_3037 : vector<16xi32>
    %get3A_3039 = arith.constant 144 : index
    %get3A_3040 = tpu.vector_load %arg5[%get3A_3039] {strides = array<i32>} : memref<512xi32, #tpu.memory_space<vmem>>, vector<16xi32>,
    %add3A_3041 = arith.constant 1024 : i32
    %add3A_3042 = vector.broadcast %add3A_3041 : i32 to vector<16xi32>
    %add3A_3043 = arith.addi %add3A_3038, %add3A_3042 : vector<16xi32>
    %and3A_3044 = arith.constant 15 : i32
    %and3A_3045 = vector.broadcast %and3A_3044 : i32 to vector<16xi32>
    %and3A_3046 = arith.andi %get3A_3040, %and3A_3045 : vector<16xi32>
    %gather3A_3047 = tpu.vector_load_idx %arg7[%add3A_3043, %and3A_3046] : memref<2048x16xf32, #tpu.memory_space<vmem>>[vector<16xi32>, vector<16xi32>], vector<16xf32>,
    %swap3A_3048 = arith.constant 784 : index
    %swap3A_3049 = tpu.vector_load %arg8[%swap3A_3048] {strides = array<i32>} : memref<2048xf32, #tpu.memory_space<vmem>>, vector<16xf32>,
    tpu.vector_store %arg8[%swap3A_3048], %gather3A_3047 {strides = array<i32>} : memref<2048xf32, #tpu.memory_space<vmem>>, vector<16xf32>,
    %add3A_3050 = arith.constant 32 : i32
    %add3A_3051 = vector.broadcast %add3A_3050 : i32 to vector<16xi32>
    %add3A_3052 = arith.addi %iota3A, %add3A_3051 : vector<16xi32>
    %add3A_3053 = arith.constant 128 : i32
    %add3A_3054 = vector.broadcast %add3A_3053 : i32 to vector<16xi32>
    %add3A_3055 = arith.addi %add3A_3052, %add3A_3054 : vector<16xi32>
    %get3A_3056 = arith.constant 160 : index
    %get3A_3057 = tpu.vector_load %arg5[%get3A_3056] {strides = array<i32>} : memref<512xi32, #tpu.memory_space<vmem>>, vector<16xi32>,
    %add3A_3058 = arith.constant 1024 : i32
    %add3A_3059 = vector.broadcast %add3A_3058 : i32 to vector<16xi32>
    %add3A_3060 = arith.addi %add3A_3055, %add3A_3059 : vector<16xi32>
    %and3A_3061 = arith.constant 15 : i32
    %and3A_3062 = vector.broadcast %and3A_3061 : i32 to vector<16xi32>
    %and3A_3063 = arith.andi %get3A_3057, %and3A_3062 : vector<16xi32>
    %gather3A_3064 = tpu.vector_load_idx %arg7[%add3A_3060, %and3A_3063] : memref<2048x16xf32, #tpu.memory_space<vmem>>[vector<16xi32>, vector<16xi32>], vector<16xf32>,
    %swap3A_3065 = arith.constant 800 : index
    %swap3A_3066 = tpu.vector_load %arg8[%swap3A_3065] {strides = array<i32>} : memref<2048xf32, #tpu.memory_space<vmem>>, vector<16xf32>,
    tpu.vector_store %arg8[%swap3A_3065], %gather3A_3064 {strides = array<i32>} : memref<2048xf32, #tpu.memory_space<vmem>>, vector<16xf32>,
    %add3A_3067 = arith.constant 48 : i32
    %add3A_3068 = vector.broadcast %add3A_3067 : i32 to vector<16xi32>
    %add3A_3069 = arith.addi %iota3A, %add3A_3068 : vector<16xi32>
    %add3A_3070 = arith.constant 128 : i32
    %add3A_3071 = vector.broadcast %add3A_3070 : i32 to vector<16xi32>
    %add3A_3072 = arith.addi %add3A_3069, %add3A_3071 : vector<16xi32>
    %get3A_3073 = arith.constant 176 : index
    %get3A_3074 = tpu.vector_load %arg5[%get3A_3073] {strides = array<i32>} : memref<512xi32, #tpu.memory_space<vmem>>, vector<16xi32>,
    %add3A_3075 = arith.constant 1024 : i32
    %add3A_3076 = vector.broadcast %add3A_3075 : i32 to vector<16xi32>
    %add3A_3077 = arith.addi %add3A_3072, %add3A_3076 : vector<16xi32>
    %and3A_3078 = arith.constant 15 : i32
    %and3A_3079 = vector.broadcast %and3A_3078 : i32 to vector<16xi32>
    %and3A_3080 = arith.andi %get3A_3074, %and3A_3079 : vector<16xi32>
    %gather3A_3081 = tpu.vector_load_idx %arg7[%add3A_3077, %and3A_3080] : memref<2048x16xf32, #tpu.memory_space<vmem>>[vector<16xi32>, vector<16xi32>], vector<16xf32>,
    %swap3A_3082 = arith.constant 816 : index
    %swap3A_3083 = tpu.vector_load %arg8[%swap3A_3082] {strides = array<i32>} : memref<2048xf32, #tpu.memory_space<vmem>>, vector<16xf32>,
    tpu.vector_store %arg8[%swap3A_3082], %gather3A_3081 {strides = array<i32>} : memref<2048xf32, #tpu.memory_space<vmem>>, vector<16xf32>,
    %add3A_3084 = arith.constant 64 : i32
    %add3A_3085 = vector.broadcast %add3A_3084 : i32 to vector<16xi32>
    %add3A_3086 = arith.addi %iota3A, %add3A_3085 : vector<16xi32>
    %add3A_3087 = arith.constant 128 : i32
    %add3A_3088 = vector.broadcast %add3A_3087 : i32 to vector<16xi32>
    %add3A_3089 = arith.addi %add3A_3086, %add3A_3088 : vector<16xi32>
    %get3A_3090 = arith.constant 192 : index
    %get3A_3091 = tpu.vector_load %arg5[%get3A_3090] {strides = array<i32>} : memref<512xi32, #tpu.memory_space<vmem>>, vector<16xi32>,
    %add3A_3092 = arith.constant 1024 : i32
    %add3A_3093 = vector.broadcast %add3A_3092 : i32 to vector<16xi32>
    %add3A_3094 = arith.addi %add3A_3089, %add3A_3093 : vector<16xi32>
    %and3A_3095 = arith.constant 15 : i32
    %and3A_3096 = vector.broadcast %and3A_3095 : i32 to vector<16xi32>
    %and3A_3097 = arith.andi %get3A_3091, %and3A_3096 : vector<16xi32>
    %gather3A_3098 = tpu.vector_load_idx %arg7[%add3A_3094, %and3A_3097] : memref<2048x16xf32, #tpu.memory_space<vmem>>[vector<16xi32>, vector<16xi32>], vector<16xf32>,
    %swap3A_3099 = arith.constant 832 : index
    %swap3A_3100 = tpu.vector_load %arg8[%swap3A_3099] {strides = array<i32>} : memref<2048xf32, #tpu.memory_space<vmem>>, vector<16xf32>,
    tpu.vector_store %arg8[%swap3A_3099], %gather3A_3098 {strides = array<i32>} : memref<2048xf32, #tpu.memory_space<vmem>>, vector<16xf32>,
    %add3A_3101 = arith.constant 80 : i32
    %add3A_3102 = vector.broadcast %add3A_3101 : i32 to vector<16xi32>
    %add3A_3103 = arith.addi %iota3A, %add3A_3102 : vector<16xi32>
    %add3A_3104 = arith.constant 128 : i32
    %add3A_3105 = vector.broadcast %add3A_3104 : i32 to vector<16xi32>
    %add3A_3106 = arith.addi %add3A_3103, %add3A_3105 : vector<16xi32>
    %get3A_3107 = arith.constant 208 : index
    %get3A_3108 = tpu.vector_load %arg5[%get3A_3107] {strides = array<i32>} : memref<512xi32, #tpu.memory_space<vmem>>, vector<16xi32>,
    %add3A_3109 = arith.constant 1024 : i32
    %add3A_3110 = vector.broadcast %add3A_3109 : i32 to vector<16xi32>
    %add3A_3111 = arith.addi %add3A_3106, %add3A_3110 : vector<16xi32>
    %and3A_3112 = arith.constant 15 : i32
    %and3A_3113 = vector.broadcast %and3A_3112 : i32 to vector<16xi32>
    %and3A_3114 = arith.andi %get3A_3108, %and3A_3113 : vector<16xi32>
    %gather3A_3115 = tpu.vector_load_idx %arg7[%add3A_3111, %and3A_3114] : memref<2048x16xf32, #tpu.memory_space<vmem>>[vector<16xi32>, vector<16xi32>], vector<16xf32>,
    %swap3A_3116 = arith.constant 848 : index
    %swap3A_3117 = tpu.vector_load %arg8[%swap3A_3116] {strides = array<i32>} : memref<2048xf32, #tpu.memory_space<vmem>>, vector<16xf32>,
    tpu.vector_store %arg8[%swap3A_3116], %gather3A_3115 {strides = array<i32>} : memref<2048xf32, #tpu.memory_space<vmem>>, vector<16xf32>,
    %add3A_3118 = arith.constant 96 : i32
    %add3A_3119 = vector.broadcast %add3A_3118 : i32 to vector<16xi32>
    %add3A_3120 = arith.addi %iota3A, %add3A_3119 : vector<16xi32>
    %add3A_3121 = arith.constant 128 : i32
    %add3A_3122 = vector.broadcast %add3A_3121 : i32 to vector<16xi32>
    %add3A_3123 = arith.addi %add3A_3120, %add3A_3122 : vector<16xi32>
    %get3A_3124 = arith.constant 224 : index
    %get3A_3125 = tpu.vector_load %arg5[%get3A_3124] {strides = array<i32>} : memref<512xi32, #tpu.memory_space<vmem>>, vector<16xi32>,
    %add3A_3126 = arith.constant 1024 : i32
    %add3A_3127 = vector.broadcast %add3A_3126 : i32 to vector<16xi32>
    %add3A_3128 = arith.addi %add3A_3123, %add3A_3127 : vector<16xi32>
    %and3A_3129 = arith.constant 15 : i32
    %and3A_3130 = vector.broadcast %and3A_3129 : i32 to vector<16xi32>
    %and3A_3131 = arith.andi %get3A_3125, %and3A_3130 : vector<16xi32>
    %gather3A_3132 = tpu.vector_load_idx %arg7[%add3A_3128, %and3A_3131] : memref<2048x16xf32, #tpu.memory_space<vmem>>[vector<16xi32>, vector<16xi32>], vector<16xf32>,
    %swap3A_3133 = arith.constant 864 : index
    %swap3A_3134 = tpu.vector_load %arg8[%swap3A_3133] {strides = array<i32>} : memref<2048xf32, #tpu.memory_space<vmem>>, vector<16xf32>,
    tpu.vector_store %arg8[%swap3A_3133], %gather3A_3132 {strides = array<i32>} : memref<2048xf32, #tpu.memory_space<vmem>>, vector<16xf32>,
    %add3A_3135 = arith.constant 112 : i32
    %add3A_3136 = vector.broadcast %add3A_3135 : i32 to vector<16xi32>
    %add3A_3137 = arith.addi %iota3A, %add3A_3136 : vector<16xi32>
    %add3A_3138 = arith.constant 128 : i32
    %add3A_3139 = vector.broadcast %add3A_3138 : i32 to vector<16xi32>
    %add3A_3140 = arith.addi %add3A_3137, %add3A_3139 : vector<16xi32>
    %get3A_3141 = arith.constant 240 : index
    %get3A_3142 = tpu.vector_load %arg5[%get3A_3141] {strides = array<i32>} : memref<512xi32, #tpu.memory_space<vmem>>, vector<16xi32>,
    %add3A_3143 = arith.constant 1024 : i32
    %add3A_3144 = vector.broadcast %add3A_3143 : i32 to vector<16xi32>
    %add3A_3145 = arith.addi %add3A_3140, %add3A_3144 : vector<16xi32>
    %and3A_3146 = arith.constant 15 : i32
    %and3A_3147 = vector.broadcast %and3A_3146 : i32 to vector<16xi32>
    %and3A_3148 = arith.andi %get3A_3142, %and3A_3147 : vector<16xi32>
    %gather3A_3149 = tpu.vector_load_idx %arg7[%add3A_3145, %and3A_3148] : memref<2048x16xf32, #tpu.memory_space<vmem>>[vector<16xi32>, vector<16xi32>], vector<16xf32>,
    %swap3A_3150 = arith.constant 880 : index
    %swap3A_3151 = tpu.vector_load %arg8[%swap3A_3150] {strides = array<i32>} : memref<2048xf32, #tpu.memory_space<vmem>>, vector<16xf32>,
    tpu.vector_store %arg8[%swap3A_3150], %gather3A_3149 {strides = array<i32>} : memref<2048xf32, #tpu.memory_space<vmem>>, vector<16xf32>,
    %dma_wait3A_3152 = arith.constant 10 : i32
    %dma_wait3A_3153 = arith.constant 1280 : i32
    %dma_wait3A_3154 = arith.constant 0 : i32
    %dma_wait3A_3155 = tpu.memref_slice %arg7[%dma_wait3A_3153, %dma_wait3A_3154] : memref<2048x16xf32, #tpu.memory_space<vmem>> -> memref<128x16xf32, #tpu.memory_space<vmem>>
    %dma_wait3A_3156 = arith.constant 0 : i32
    %dma_wait3A_3157 = tpu.memref_slice %arg6[%dma_wait3A_3152, %dma_wait3A_3156] : memref<16x128xi32, #tpu.memory_space<vmem>> -> memref<1x128xi32, #tpu.memory_space<vmem>>
    %dma_wait3A_3158 = tpu.memref_squeeze %dma_wait3A_3157 : memref<1x128xi32, #tpu.memory_space<vmem>> -> memref<128xi32, #tpu.memory_space<vmem>>
    %dma_wait3A_3159 = arith.constant 0 : i32
    %dma_wait3A_3160 = arith.constant 0 : i32
    %dma_wait3A_3161 = tpu.memref_slice %arg3[%dma_wait3A_3159, %dma_wait3A_3160] : memref<250000x16xf32, #tpu.memory_space<hbm>> -> memref<250000x16xf32, #tpu.memory_space<hbm>>
    tpu.wait_indirect_dma semaphore(%arg9 : memref<!tpu.dma_semaphore, #tpu.memory_space<semaphore_mem>>) src(%dma_wait3A_3161 : memref<250000x16xf32, #tpu.memory_space<hbm>>) dst(%dma_wait3A_3155 : memref<128x16xf32, #tpu.memory_space<vmem>>)
    %add3A_3162 = arith.constant 0 : i32
    %add3A_3163 = vector.broadcast %add3A_3162 : i32 to vector<16xi32>
    %add3A_3164 = arith.addi %iota3A, %add3A_3163 : vector<16xi32>
    %add3A_3165 = arith.constant 256 : i32
    %add3A_3166 = vector.broadcast %add3A_3165 : i32 to vector<16xi32>
    %add3A_3167 = arith.addi %add3A_3164, %add3A_3166 : vector<16xi32>
    %get3A_3168 = arith.constant 256 : index
    %get3A_3169 = tpu.vector_load %arg5[%get3A_3168] {strides = array<i32>} : memref<512xi32, #tpu.memory_space<vmem>>, vector<16xi32>,
    %add3A_3170 = arith.constant 1024 : i32
    %add3A_3171 = vector.broadcast %add3A_3170 : i32 to vector<16xi32>
    %add3A_3172 = arith.addi %add3A_3167, %add3A_3171 : vector<16xi32>
    %and3A_3173 = arith.constant 15 : i32
    %and3A_3174 = vector.broadcast %and3A_3173 : i32 to vector<16xi32>
    %and3A_3175 = arith.andi %get3A_3169, %and3A_3174 : vector<16xi32>
    %gather3A_3176 = tpu.vector_load_idx %arg7[%add3A_3172, %and3A_3175] : memref<2048x16xf32, #tpu.memory_space<vmem>>[vector<16xi32>, vector<16xi32>], vector<16xf32>,
    %swap3A_3177 = arith.constant 1280 : index
    %swap3A_3178 = tpu.vector_load %arg8[%swap3A_3177] {strides = array<i32>} : memref<2048xf32, #tpu.memory_space<vmem>>, vector<16xf32>,
    tpu.vector_store %arg8[%swap3A_3177], %gather3A_3176 {strides = array<i32>} : memref<2048xf32, #tpu.memory_space<vmem>>, vector<16xf32>,
    %add3A_3179 = arith.constant 16 : i32
    %add3A_3180 = vector.broadcast %add3A_3179 : i32 to vector<16xi32>
    %add3A_3181 = arith.addi %iota3A, %add3A_3180 : vector<16xi32>
    %add3A_3182 = arith.constant 256 : i32
    %add3A_3183 = vector.broadcast %add3A_3182 : i32 to vector<16xi32>
    %add3A_3184 = arith.addi %add3A_3181, %add3A_3183 : vector<16xi32>
    %get3A_3185 = arith.constant 272 : index
    %get3A_3186 = tpu.vector_load %arg5[%get3A_3185] {strides = array<i32>} : memref<512xi32, #tpu.memory_space<vmem>>, vector<16xi32>,
    %add3A_3187 = arith.constant 1024 : i32
    %add3A_3188 = vector.broadcast %add3A_3187 : i32 to vector<16xi32>
    %add3A_3189 = arith.addi %add3A_3184, %add3A_3188 : vector<16xi32>
    %and3A_3190 = arith.constant 15 : i32
    %and3A_3191 = vector.broadcast %and3A_3190 : i32 to vector<16xi32>
    %and3A_3192 = arith.andi %get3A_3186, %and3A_3191 : vector<16xi32>
    %gather3A_3193 = tpu.vector_load_idx %arg7[%add3A_3189, %and3A_3192] : memref<2048x16xf32, #tpu.memory_space<vmem>>[vector<16xi32>, vector<16xi32>], vector<16xf32>,
    %swap3A_3194 = arith.constant 1296 : index
    %swap3A_3195 = tpu.vector_load %arg8[%swap3A_3194] {strides = array<i32>} : memref<2048xf32, #tpu.memory_space<vmem>>, vector<16xf32>,
    tpu.vector_store %arg8[%swap3A_3194], %gather3A_3193 {strides = array<i32>} : memref<2048xf32, #tpu.memory_space<vmem>>, vector<16xf32>,
    %add3A_3196 = arith.constant 32 : i32
    %add3A_3197 = vector.broadcast %add3A_3196 : i32 to vector<16xi32>
    %add3A_3198 = arith.addi %iota3A, %add3A_3197 : vector<16xi32>
    %add3A_3199 = arith.constant 256 : i32
    %add3A_3200 = vector.broadcast %add3A_3199 : i32 to vector<16xi32>
    %add3A_3201 = arith.addi %add3A_3198, %add3A_3200 : vector<16xi32>
    %get3A_3202 = arith.constant 288 : index
    %get3A_3203 = tpu.vector_load %arg5[%get3A_3202] {strides = array<i32>} : memref<512xi32, #tpu.memory_space<vmem>>, vector<16xi32>,
    %add3A_3204 = arith.constant 1024 : i32
    %add3A_3205 = vector.broadcast %add3A_3204 : i32 to vector<16xi32>
    %add3A_3206 = arith.addi %add3A_3201, %add3A_3205 : vector<16xi32>
    %and3A_3207 = arith.constant 15 : i32
    %and3A_3208 = vector.broadcast %and3A_3207 : i32 to vector<16xi32>
    %and3A_3209 = arith.andi %get3A_3203, %and3A_3208 : vector<16xi32>
    %gather3A_3210 = tpu.vector_load_idx %arg7[%add3A_3206, %and3A_3209] : memref<2048x16xf32, #tpu.memory_space<vmem>>[vector<16xi32>, vector<16xi32>], vector<16xf32>,
    %swap3A_3211 = arith.constant 1312 : index
    %swap3A_3212 = tpu.vector_load %arg8[%swap3A_3211] {strides = array<i32>} : memref<2048xf32, #tpu.memory_space<vmem>>, vector<16xf32>,
    tpu.vector_store %arg8[%swap3A_3211], %gather3A_3210 {strides = array<i32>} : memref<2048xf32, #tpu.memory_space<vmem>>, vector<16xf32>,
    %add3A_3213 = arith.constant 48 : i32
    %add3A_3214 = vector.broadcast %add3A_3213 : i32 to vector<16xi32>
    %add3A_3215 = arith.addi %iota3A, %add3A_3214 : vector<16xi32>
    %add3A_3216 = arith.constant 256 : i32
    %add3A_3217 = vector.broadcast %add3A_3216 : i32 to vector<16xi32>
    %add3A_3218 = arith.addi %add3A_3215, %add3A_3217 : vector<16xi32>
    %get3A_3219 = arith.constant 304 : index
    %get3A_3220 = tpu.vector_load %arg5[%get3A_3219] {strides = array<i32>} : memref<512xi32, #tpu.memory_space<vmem>>, vector<16xi32>,
    %add3A_3221 = arith.constant 1024 : i32
    %add3A_3222 = vector.broadcast %add3A_3221 : i32 to vector<16xi32>
    %add3A_3223 = arith.addi %add3A_3218, %add3A_3222 : vector<16xi32>
    %and3A_3224 = arith.constant 15 : i32
    %and3A_3225 = vector.broadcast %and3A_3224 : i32 to vector<16xi32>
    %and3A_3226 = arith.andi %get3A_3220, %and3A_3225 : vector<16xi32>
    %gather3A_3227 = tpu.vector_load_idx %arg7[%add3A_3223, %and3A_3226] : memref<2048x16xf32, #tpu.memory_space<vmem>>[vector<16xi32>, vector<16xi32>], vector<16xf32>,
    %swap3A_3228 = arith.constant 1328 : index
    %swap3A_3229 = tpu.vector_load %arg8[%swap3A_3228] {strides = array<i32>} : memref<2048xf32, #tpu.memory_space<vmem>>, vector<16xf32>,
    tpu.vector_store %arg8[%swap3A_3228], %gather3A_3227 {strides = array<i32>} : memref<2048xf32, #tpu.memory_space<vmem>>, vector<16xf32>,
    %add3A_3230 = arith.constant 64 : i32
    %add3A_3231 = vector.broadcast %add3A_3230 : i32 to vector<16xi32>
    %add3A_3232 = arith.addi %iota3A, %add3A_3231 : vector<16xi32>
    %add3A_3233 = arith.constant 256 : i32
    %add3A_3234 = vector.broadcast %add3A_3233 : i32 to vector<16xi32>
    %add3A_3235 = arith.addi %add3A_3232, %add3A_3234 : vector<16xi32>
    %get3A_3236 = arith.constant 320 : index
    %get3A_3237 = tpu.vector_load %arg5[%get3A_3236] {strides = array<i32>} : memref<512xi32, #tpu.memory_space<vmem>>, vector<16xi32>,
    %add3A_3238 = arith.constant 1024 : i32
    %add3A_3239 = vector.broadcast %add3A_3238 : i32 to vector<16xi32>
    %add3A_3240 = arith.addi %add3A_3235, %add3A_3239 : vector<16xi32>
    %and3A_3241 = arith.constant 15 : i32
    %and3A_3242 = vector.broadcast %and3A_3241 : i32 to vector<16xi32>
    %and3A_3243 = arith.andi %get3A_3237, %and3A_3242 : vector<16xi32>
    %gather3A_3244 = tpu.vector_load_idx %arg7[%add3A_3240, %and3A_3243] : memref<2048x16xf32, #tpu.memory_space<vmem>>[vector<16xi32>, vector<16xi32>], vector<16xf32>,
    %swap3A_3245 = arith.constant 1344 : index
    %swap3A_3246 = tpu.vector_load %arg8[%swap3A_3245] {strides = array<i32>} : memref<2048xf32, #tpu.memory_space<vmem>>, vector<16xf32>,
    tpu.vector_store %arg8[%swap3A_3245], %gather3A_3244 {strides = array<i32>} : memref<2048xf32, #tpu.memory_space<vmem>>, vector<16xf32>,
    %add3A_3247 = arith.constant 80 : i32
    %add3A_3248 = vector.broadcast %add3A_3247 : i32 to vector<16xi32>
    %add3A_3249 = arith.addi %iota3A, %add3A_3248 : vector<16xi32>
    %add3A_3250 = arith.constant 256 : i32
    %add3A_3251 = vector.broadcast %add3A_3250 : i32 to vector<16xi32>
    %add3A_3252 = arith.addi %add3A_3249, %add3A_3251 : vector<16xi32>
    %get3A_3253 = arith.constant 336 : index
    %get3A_3254 = tpu.vector_load %arg5[%get3A_3253] {strides = array<i32>} : memref<512xi32, #tpu.memory_space<vmem>>, vector<16xi32>,
    %add3A_3255 = arith.constant 1024 : i32
    %add3A_3256 = vector.broadcast %add3A_3255 : i32 to vector<16xi32>
    %add3A_3257 = arith.addi %add3A_3252, %add3A_3256 : vector<16xi32>
    %and3A_3258 = arith.constant 15 : i32
    %and3A_3259 = vector.broadcast %and3A_3258 : i32 to vector<16xi32>
    %and3A_3260 = arith.andi %get3A_3254, %and3A_3259 : vector<16xi32>
    %gather3A_3261 = tpu.vector_load_idx %arg7[%add3A_3257, %and3A_3260] : memref<2048x16xf32, #tpu.memory_space<vmem>>[vector<16xi32>, vector<16xi32>], vector<16xf32>,
    %swap3A_3262 = arith.constant 1360 : index
    %swap3A_3263 = tpu.vector_load %arg8[%swap3A_3262] {strides = array<i32>} : memref<2048xf32, #tpu.memory_space<vmem>>, vector<16xf32>,
    tpu.vector_store %arg8[%swap3A_3262], %gather3A_3261 {strides = array<i32>} : memref<2048xf32, #tpu.memory_space<vmem>>, vector<16xf32>,
    %add3A_3264 = arith.constant 96 : i32
    %add3A_3265 = vector.broadcast %add3A_3264 : i32 to vector<16xi32>
    %add3A_3266 = arith.addi %iota3A, %add3A_3265 : vector<16xi32>
    %add3A_3267 = arith.constant 256 : i32
    %add3A_3268 = vector.broadcast %add3A_3267 : i32 to vector<16xi32>
    %add3A_3269 = arith.addi %add3A_3266, %add3A_3268 : vector<16xi32>
    %get3A_3270 = arith.constant 352 : index
    %get3A_3271 = tpu.vector_load %arg5[%get3A_3270] {strides = array<i32>} : memref<512xi32, #tpu.memory_space<vmem>>, vector<16xi32>,
    %add3A_3272 = arith.constant 1024 : i32
    %add3A_3273 = vector.broadcast %add3A_3272 : i32 to vector<16xi32>
    %add3A_3274 = arith.addi %add3A_3269, %add3A_3273 : vector<16xi32>
    %and3A_3275 = arith.constant 15 : i32
    %and3A_3276 = vector.broadcast %and3A_3275 : i32 to vector<16xi32>
    %and3A_3277 = arith.andi %get3A_3271, %and3A_3276 : vector<16xi32>
    %gather3A_3278 = tpu.vector_load_idx %arg7[%add3A_3274, %and3A_3277] : memref<2048x16xf32, #tpu.memory_space<vmem>>[vector<16xi32>, vector<16xi32>], vector<16xf32>,
    %swap3A_3279 = arith.constant 1376 : index
    %swap3A_3280 = tpu.vector_load %arg8[%swap3A_3279] {strides = array<i32>} : memref<2048xf32, #tpu.memory_space<vmem>>, vector<16xf32>,
    tpu.vector_store %arg8[%swap3A_3279], %gather3A_3278 {strides = array<i32>} : memref<2048xf32, #tpu.memory_space<vmem>>, vector<16xf32>,
    %add3A_3281 = arith.constant 112 : i32
    %add3A_3282 = vector.broadcast %add3A_3281 : i32 to vector<16xi32>
    %add3A_3283 = arith.addi %iota3A, %add3A_3282 : vector<16xi32>
    %add3A_3284 = arith.constant 256 : i32
    %add3A_3285 = vector.broadcast %add3A_3284 : i32 to vector<16xi32>
    %add3A_3286 = arith.addi %add3A_3283, %add3A_3285 : vector<16xi32>
    %get3A_3287 = arith.constant 368 : index
    %get3A_3288 = tpu.vector_load %arg5[%get3A_3287] {strides = array<i32>} : memref<512xi32, #tpu.memory_space<vmem>>, vector<16xi32>,
    %add3A_3289 = arith.constant 1024 : i32
    %add3A_3290 = vector.broadcast %add3A_3289 : i32 to vector<16xi32>
    %add3A_3291 = arith.addi %add3A_3286, %add3A_3290 : vector<16xi32>
    %and3A_3292 = arith.constant 15 : i32
    %and3A_3293 = vector.broadcast %and3A_3292 : i32 to vector<16xi32>
    %and3A_3294 = arith.andi %get3A_3288, %and3A_3293 : vector<16xi32>
    %gather3A_3295 = tpu.vector_load_idx %arg7[%add3A_3291, %and3A_3294] : memref<2048x16xf32, #tpu.memory_space<vmem>>[vector<16xi32>, vector<16xi32>], vector<16xf32>,
    %swap3A_3296 = arith.constant 1392 : index
    %swap3A_3297 = tpu.vector_load %arg8[%swap3A_3296] {strides = array<i32>} : memref<2048xf32, #tpu.memory_space<vmem>>, vector<16xf32>,
    tpu.vector_store %arg8[%swap3A_3296], %gather3A_3295 {strides = array<i32>} : memref<2048xf32, #tpu.memory_space<vmem>>, vector<16xf32>,
    %dma_wait3A_3298 = arith.constant 11 : i32
    %dma_wait3A_3299 = arith.constant 1408 : i32
    %dma_wait3A_3300 = arith.constant 0 : i32
    %dma_wait3A_3301 = tpu.memref_slice %arg7[%dma_wait3A_3299, %dma_wait3A_3300] : memref<2048x16xf32, #tpu.memory_space<vmem>> -> memref<128x16xf32, #tpu.memory_space<vmem>>
    %dma_wait3A_3302 = arith.constant 0 : i32
    %dma_wait3A_3303 = tpu.memref_slice %arg6[%dma_wait3A_3298, %dma_wait3A_3302] : memref<16x128xi32, #tpu.memory_space<vmem>> -> memref<1x128xi32, #tpu.memory_space<vmem>>
    %dma_wait3A_3304 = tpu.memref_squeeze %dma_wait3A_3303 : memref<1x128xi32, #tpu.memory_space<vmem>> -> memref<128xi32, #tpu.memory_space<vmem>>
    %dma_wait3A_3305 = arith.constant 0 : i32
    %dma_wait3A_3306 = arith.constant 0 : i32
    %dma_wait3A_3307 = tpu.memref_slice %arg3[%dma_wait3A_3305, %dma_wait3A_3306] : memref<250000x16xf32, #tpu.memory_space<hbm>> -> memref<250000x16xf32, #tpu.memory_space<hbm>>
    tpu.wait_indirect_dma semaphore(%arg9 : memref<!tpu.dma_semaphore, #tpu.memory_space<semaphore_mem>>) src(%dma_wait3A_3307 : memref<250000x16xf32, #tpu.memory_space<hbm>>) dst(%dma_wait3A_3301 : memref<128x16xf32, #tpu.memory_space<vmem>>)
    %add3A_3308 = arith.constant 0 : i32
    %add3A_3309 = vector.broadcast %add3A_3308 : i32 to vector<16xi32>
    %add3A_3310 = arith.addi %iota3A, %add3A_3309 : vector<16xi32>
    %add3A_3311 = arith.constant 384 : i32
    %add3A_3312 = vector.broadcast %add3A_3311 : i32 to vector<16xi32>
    %add3A_3313 = arith.addi %add3A_3310, %add3A_3312 : vector<16xi32>
    %get3A_3314 = arith.constant 384 : index
    %get3A_3315 = tpu.vector_load %arg5[%get3A_3314] {strides = array<i32>} : memref<512xi32, #tpu.memory_space<vmem>>, vector<16xi32>,
    %add3A_3316 = arith.constant 1024 : i32
    %add3A_3317 = vector.broadcast %add3A_3316 : i32 to vector<16xi32>
    %add3A_3318 = arith.addi %add3A_3313, %add3A_3317 : vector<16xi32>
    %and3A_3319 = arith.constant 15 : i32
    %and3A_3320 = vector.broadcast %and3A_3319 : i32 to vector<16xi32>
    %and3A_3321 = arith.andi %get3A_3315, %and3A_3320 : vector<16xi32>
    %gather3A_3322 = tpu.vector_load_idx %arg7[%add3A_3318, %and3A_3321] : memref<2048x16xf32, #tpu.memory_space<vmem>>[vector<16xi32>, vector<16xi32>], vector<16xf32>,
    %swap3A_3323 = arith.constant 1792 : index
    %swap3A_3324 = tpu.vector_load %arg8[%swap3A_3323] {strides = array<i32>} : memref<2048xf32, #tpu.memory_space<vmem>>, vector<16xf32>,
    tpu.vector_store %arg8[%swap3A_3323], %gather3A_3322 {strides = array<i32>} : memref<2048xf32, #tpu.memory_space<vmem>>, vector<16xf32>,
    %add3A_3325 = arith.constant 16 : i32
    %add3A_3326 = vector.broadcast %add3A_3325 : i32 to vector<16xi32>
    %add3A_3327 = arith.addi %iota3A, %add3A_3326 : vector<16xi32>
    %add3A_3328 = arith.constant 384 : i32
    %add3A_3329 = vector.broadcast %add3A_3328 : i32 to vector<16xi32>
    %add3A_3330 = arith.addi %add3A_3327, %add3A_3329 : vector<16xi32>
    %get3A_3331 = arith.constant 400 : index
    %get3A_3332 = tpu.vector_load %arg5[%get3A_3331] {strides = array<i32>} : memref<512xi32, #tpu.memory_space<vmem>>, vector<16xi32>,
    %add3A_3333 = arith.constant 1024 : i32
    %add3A_3334 = vector.broadcast %add3A_3333 : i32 to vector<16xi32>
    %add3A_3335 = arith.addi %add3A_3330, %add3A_3334 : vector<16xi32>
    %and3A_3336 = arith.constant 15 : i32
    %and3A_3337 = vector.broadcast %and3A_3336 : i32 to vector<16xi32>
    %and3A_3338 = arith.andi %get3A_3332, %and3A_3337 : vector<16xi32>
    %gather3A_3339 = tpu.vector_load_idx %arg7[%add3A_3335, %and3A_3338] : memref<2048x16xf32, #tpu.memory_space<vmem>>[vector<16xi32>, vector<16xi32>], vector<16xf32>,
    %swap3A_3340 = arith.constant 1808 : index
    %swap3A_3341 = tpu.vector_load %arg8[%swap3A_3340] {strides = array<i32>} : memref<2048xf32, #tpu.memory_space<vmem>>, vector<16xf32>,
    tpu.vector_store %arg8[%swap3A_3340], %gather3A_3339 {strides = array<i32>} : memref<2048xf32, #tpu.memory_space<vmem>>, vector<16xf32>,
    %add3A_3342 = arith.constant 32 : i32
    %add3A_3343 = vector.broadcast %add3A_3342 : i32 to vector<16xi32>
    %add3A_3344 = arith.addi %iota3A, %add3A_3343 : vector<16xi32>
    %add3A_3345 = arith.constant 384 : i32
    %add3A_3346 = vector.broadcast %add3A_3345 : i32 to vector<16xi32>
    %add3A_3347 = arith.addi %add3A_3344, %add3A_3346 : vector<16xi32>
    %get3A_3348 = arith.constant 416 : index
    %get3A_3349 = tpu.vector_load %arg5[%get3A_3348] {strides = array<i32>} : memref<512xi32, #tpu.memory_space<vmem>>, vector<16xi32>,
    %add3A_3350 = arith.constant 1024 : i32
    %add3A_3351 = vector.broadcast %add3A_3350 : i32 to vector<16xi32>
    %add3A_3352 = arith.addi %add3A_3347, %add3A_3351 : vector<16xi32>
    %and3A_3353 = arith.constant 15 : i32
    %and3A_3354 = vector.broadcast %and3A_3353 : i32 to vector<16xi32>
    %and3A_3355 = arith.andi %get3A_3349, %and3A_3354 : vector<16xi32>
    %gather3A_3356 = tpu.vector_load_idx %arg7[%add3A_3352, %and3A_3355] : memref<2048x16xf32, #tpu.memory_space<vmem>>[vector<16xi32>, vector<16xi32>], vector<16xf32>,
    %swap3A_3357 = arith.constant 1824 : index
    %swap3A_3358 = tpu.vector_load %arg8[%swap3A_3357] {strides = array<i32>} : memref<2048xf32, #tpu.memory_space<vmem>>, vector<16xf32>,
    tpu.vector_store %arg8[%swap3A_3357], %gather3A_3356 {strides = array<i32>} : memref<2048xf32, #tpu.memory_space<vmem>>, vector<16xf32>,
    %add3A_3359 = arith.constant 48 : i32
    %add3A_3360 = vector.broadcast %add3A_3359 : i32 to vector<16xi32>
    %add3A_3361 = arith.addi %iota3A, %add3A_3360 : vector<16xi32>
    %add3A_3362 = arith.constant 384 : i32
    %add3A_3363 = vector.broadcast %add3A_3362 : i32 to vector<16xi32>
    %add3A_3364 = arith.addi %add3A_3361, %add3A_3363 : vector<16xi32>
    %get3A_3365 = arith.constant 432 : index
    %get3A_3366 = tpu.vector_load %arg5[%get3A_3365] {strides = array<i32>} : memref<512xi32, #tpu.memory_space<vmem>>, vector<16xi32>,
    %add3A_3367 = arith.constant 1024 : i32
    %add3A_3368 = vector.broadcast %add3A_3367 : i32 to vector<16xi32>
    %add3A_3369 = arith.addi %add3A_3364, %add3A_3368 : vector<16xi32>
    %and3A_3370 = arith.constant 15 : i32
    %and3A_3371 = vector.broadcast %and3A_3370 : i32 to vector<16xi32>
    %and3A_3372 = arith.andi %get3A_3366, %and3A_3371 : vector<16xi32>
    %gather3A_3373 = tpu.vector_load_idx %arg7[%add3A_3369, %and3A_3372] : memref<2048x16xf32, #tpu.memory_space<vmem>>[vector<16xi32>, vector<16xi32>], vector<16xf32>,
    %swap3A_3374 = arith.constant 1840 : index
    %swap3A_3375 = tpu.vector_load %arg8[%swap3A_3374] {strides = array<i32>} : memref<2048xf32, #tpu.memory_space<vmem>>, vector<16xf32>,
    tpu.vector_store %arg8[%swap3A_3374], %gather3A_3373 {strides = array<i32>} : memref<2048xf32, #tpu.memory_space<vmem>>, vector<16xf32>,
    %add3A_3376 = arith.constant 64 : i32
    %add3A_3377 = vector.broadcast %add3A_3376 : i32 to vector<16xi32>
    %add3A_3378 = arith.addi %iota3A, %add3A_3377 : vector<16xi32>
    %add3A_3379 = arith.constant 384 : i32
    %add3A_3380 = vector.broadcast %add3A_3379 : i32 to vector<16xi32>
    %add3A_3381 = arith.addi %add3A_3378, %add3A_3380 : vector<16xi32>
    %get3A_3382 = arith.constant 448 : index
    %get3A_3383 = tpu.vector_load %arg5[%get3A_3382] {strides = array<i32>} : memref<512xi32, #tpu.memory_space<vmem>>, vector<16xi32>,
    %add3A_3384 = arith.constant 1024 : i32
    %add3A_3385 = vector.broadcast %add3A_3384 : i32 to vector<16xi32>
    %add3A_3386 = arith.addi %add3A_3381, %add3A_3385 : vector<16xi32>
    %and3A_3387 = arith.constant 15 : i32
    %and3A_3388 = vector.broadcast %and3A_3387 : i32 to vector<16xi32>
    %and3A_3389 = arith.andi %get3A_3383, %and3A_3388 : vector<16xi32>
    %gather3A_3390 = tpu.vector_load_idx %arg7[%add3A_3386, %and3A_3389] : memref<2048x16xf32, #tpu.memory_space<vmem>>[vector<16xi32>, vector<16xi32>], vector<16xf32>,
    %swap3A_3391 = arith.constant 1856 : index
    %swap3A_3392 = tpu.vector_load %arg8[%swap3A_3391] {strides = array<i32>} : memref<2048xf32, #tpu.memory_space<vmem>>, vector<16xf32>,
    tpu.vector_store %arg8[%swap3A_3391], %gather3A_3390 {strides = array<i32>} : memref<2048xf32, #tpu.memory_space<vmem>>, vector<16xf32>,
    %add3A_3393 = arith.constant 80 : i32
    %add3A_3394 = vector.broadcast %add3A_3393 : i32 to vector<16xi32>
    %add3A_3395 = arith.addi %iota3A, %add3A_3394 : vector<16xi32>
    %add3A_3396 = arith.constant 384 : i32
    %add3A_3397 = vector.broadcast %add3A_3396 : i32 to vector<16xi32>
    %add3A_3398 = arith.addi %add3A_3395, %add3A_3397 : vector<16xi32>
    %get3A_3399 = arith.constant 464 : index
    %get3A_3400 = tpu.vector_load %arg5[%get3A_3399] {strides = array<i32>} : memref<512xi32, #tpu.memory_space<vmem>>, vector<16xi32>,
    %add3A_3401 = arith.constant 1024 : i32
    %add3A_3402 = vector.broadcast %add3A_3401 : i32 to vector<16xi32>
    %add3A_3403 = arith.addi %add3A_3398, %add3A_3402 : vector<16xi32>
    %and3A_3404 = arith.constant 15 : i32
    %and3A_3405 = vector.broadcast %and3A_3404 : i32 to vector<16xi32>
    %and3A_3406 = arith.andi %get3A_3400, %and3A_3405 : vector<16xi32>
    %gather3A_3407 = tpu.vector_load_idx %arg7[%add3A_3403, %and3A_3406] : memref<2048x16xf32, #tpu.memory_space<vmem>>[vector<16xi32>, vector<16xi32>], vector<16xf32>,
    %swap3A_3408 = arith.constant 1872 : index
    %swap3A_3409 = tpu.vector_load %arg8[%swap3A_3408] {strides = array<i32>} : memref<2048xf32, #tpu.memory_space<vmem>>, vector<16xf32>,
    tpu.vector_store %arg8[%swap3A_3408], %gather3A_3407 {strides = array<i32>} : memref<2048xf32, #tpu.memory_space<vmem>>, vector<16xf32>,
    %add3A_3410 = arith.constant 96 : i32
    %add3A_3411 = vector.broadcast %add3A_3410 : i32 to vector<16xi32>
    %add3A_3412 = arith.addi %iota3A, %add3A_3411 : vector<16xi32>
    %add3A_3413 = arith.constant 384 : i32
    %add3A_3414 = vector.broadcast %add3A_3413 : i32 to vector<16xi32>
    %add3A_3415 = arith.addi %add3A_3412, %add3A_3414 : vector<16xi32>
    %get3A_3416 = arith.constant 480 : index
    %get3A_3417 = tpu.vector_load %arg5[%get3A_3416] {strides = array<i32>} : memref<512xi32, #tpu.memory_space<vmem>>, vector<16xi32>,
    %add3A_3418 = arith.constant 1024 : i32
    %add3A_3419 = vector.broadcast %add3A_3418 : i32 to vector<16xi32>
    %add3A_3420 = arith.addi %add3A_3415, %add3A_3419 : vector<16xi32>
    %and3A_3421 = arith.constant 15 : i32
    %and3A_3422 = vector.broadcast %and3A_3421 : i32 to vector<16xi32>
    %and3A_3423 = arith.andi %get3A_3417, %and3A_3422 : vector<16xi32>
    %gather3A_3424 = tpu.vector_load_idx %arg7[%add3A_3420, %and3A_3423] : memref<2048x16xf32, #tpu.memory_space<vmem>>[vector<16xi32>, vector<16xi32>], vector<16xf32>,
    %swap3A_3425 = arith.constant 1888 : index
    %swap3A_3426 = tpu.vector_load %arg8[%swap3A_3425] {strides = array<i32>} : memref<2048xf32, #tpu.memory_space<vmem>>, vector<16xf32>,
    tpu.vector_store %arg8[%swap3A_3425], %gather3A_3424 {strides = array<i32>} : memref<2048xf32, #tpu.memory_space<vmem>>, vector<16xf32>,
    %add3A_3427 = arith.constant 112 : i32
    %add3A_3428 = vector.broadcast %add3A_3427 : i32 to vector<16xi32>
    %add3A_3429 = arith.addi %iota3A, %add3A_3428 : vector<16xi32>
    %add3A_3430 = arith.constant 384 : i32
    %add3A_3431 = vector.broadcast %add3A_3430 : i32 to vector<16xi32>
    %add3A_3432 = arith.addi %add3A_3429, %add3A_3431 : vector<16xi32>
    %get3A_3433 = arith.constant 496 : index
    %get3A_3434 = tpu.vector_load %arg5[%get3A_3433] {strides = array<i32>} : memref<512xi32, #tpu.memory_space<vmem>>, vector<16xi32>,
    %add3A_3435 = arith.constant 1024 : i32
    %add3A_3436 = vector.broadcast %add3A_3435 : i32 to vector<16xi32>
    %add3A_3437 = arith.addi %add3A_3432, %add3A_3436 : vector<16xi32>
    %and3A_3438 = arith.constant 15 : i32
    %and3A_3439 = vector.broadcast %and3A_3438 : i32 to vector<16xi32>
    %and3A_3440 = arith.andi %get3A_3434, %and3A_3439 : vector<16xi32>
    %gather3A_3441 = tpu.vector_load_idx %arg7[%add3A_3437, %and3A_3440] : memref<2048x16xf32, #tpu.memory_space<vmem>>[vector<16xi32>, vector<16xi32>], vector<16xf32>,
    %swap3A_3442 = arith.constant 1904 : index
    %swap3A_3443 = tpu.vector_load %arg8[%swap3A_3442] {strides = array<i32>} : memref<2048xf32, #tpu.memory_space<vmem>>, vector<16xf32>,
    tpu.vector_store %arg8[%swap3A_3442], %gather3A_3441 {strides = array<i32>} : memref<2048xf32, #tpu.memory_space<vmem>>, vector<16xf32>,
    %dma_wait3A_3444 = arith.constant 12 : i32
    %dma_wait3A_3445 = arith.constant 1536 : i32
    %dma_wait3A_3446 = arith.constant 0 : i32
    %dma_wait3A_3447 = tpu.memref_slice %arg7[%dma_wait3A_3445, %dma_wait3A_3446] : memref<2048x16xf32, #tpu.memory_space<vmem>> -> memref<128x16xf32, #tpu.memory_space<vmem>>
    %dma_wait3A_3448 = arith.constant 0 : i32
    %dma_wait3A_3449 = tpu.memref_slice %arg6[%dma_wait3A_3444, %dma_wait3A_3448] : memref<16x128xi32, #tpu.memory_space<vmem>> -> memref<1x128xi32, #tpu.memory_space<vmem>>
    %dma_wait3A_3450 = tpu.memref_squeeze %dma_wait3A_3449 : memref<1x128xi32, #tpu.memory_space<vmem>> -> memref<128xi32, #tpu.memory_space<vmem>>
    %dma_wait3A_3451 = arith.constant 0 : i32
    %dma_wait3A_3452 = arith.constant 0 : i32
    %dma_wait3A_3453 = tpu.memref_slice %arg3[%dma_wait3A_3451, %dma_wait3A_3452] : memref<250000x16xf32, #tpu.memory_space<hbm>> -> memref<250000x16xf32, #tpu.memory_space<hbm>>
    tpu.wait_indirect_dma semaphore(%arg9 : memref<!tpu.dma_semaphore, #tpu.memory_space<semaphore_mem>>) src(%dma_wait3A_3453 : memref<250000x16xf32, #tpu.memory_space<hbm>>) dst(%dma_wait3A_3447 : memref<128x16xf32, #tpu.memory_space<vmem>>)
    %add3A_3454 = arith.constant 0 : i32
    %add3A_3455 = vector.broadcast %add3A_3454 : i32 to vector<16xi32>
    %add3A_3456 = arith.addi %iota3A, %add3A_3455 : vector<16xi32>
    %add3A_3457 = arith.constant 0 : i32
    %add3A_3458 = vector.broadcast %add3A_3457 : i32 to vector<16xi32>
    %add3A_3459 = arith.addi %add3A_3456, %add3A_3458 : vector<16xi32>
    %get3A_3460 = arith.constant 0 : index
    %get3A_3461 = tpu.vector_load %arg5[%get3A_3460] {strides = array<i32>} : memref<512xi32, #tpu.memory_space<vmem>>, vector<16xi32>,
    %add3A_3462 = arith.constant 1536 : i32
    %add3A_3463 = vector.broadcast %add3A_3462 : i32 to vector<16xi32>
    %add3A_3464 = arith.addi %add3A_3459, %add3A_3463 : vector<16xi32>
    %and3A_3465 = arith.constant 15 : i32
    %and3A_3466 = vector.broadcast %and3A_3465 : i32 to vector<16xi32>
    %and3A_3467 = arith.andi %get3A_3461, %and3A_3466 : vector<16xi32>
    %gather3A_3468 = tpu.vector_load_idx %arg7[%add3A_3464, %and3A_3467] : memref<2048x16xf32, #tpu.memory_space<vmem>>[vector<16xi32>, vector<16xi32>], vector<16xf32>,
    %swap3A_3469 = arith.constant 384 : index
    %swap3A_3470 = tpu.vector_load %arg8[%swap3A_3469] {strides = array<i32>} : memref<2048xf32, #tpu.memory_space<vmem>>, vector<16xf32>,
    tpu.vector_store %arg8[%swap3A_3469], %gather3A_3468 {strides = array<i32>} : memref<2048xf32, #tpu.memory_space<vmem>>, vector<16xf32>,
    %add3A_3471 = arith.constant 16 : i32
    %add3A_3472 = vector.broadcast %add3A_3471 : i32 to vector<16xi32>
    %add3A_3473 = arith.addi %iota3A, %add3A_3472 : vector<16xi32>
    %add3A_3474 = arith.constant 0 : i32
    %add3A_3475 = vector.broadcast %add3A_3474 : i32 to vector<16xi32>
    %add3A_3476 = arith.addi %add3A_3473, %add3A_3475 : vector<16xi32>
    %get3A_3477 = arith.constant 16 : index
    %get3A_3478 = tpu.vector_load %arg5[%get3A_3477] {strides = array<i32>} : memref<512xi32, #tpu.memory_space<vmem>>, vector<16xi32>,
    %add3A_3479 = arith.constant 1536 : i32
    %add3A_3480 = vector.broadcast %add3A_3479 : i32 to vector<16xi32>
    %add3A_3481 = arith.addi %add3A_3476, %add3A_3480 : vector<16xi32>
    %and3A_3482 = arith.constant 15 : i32
    %and3A_3483 = vector.broadcast %and3A_3482 : i32 to vector<16xi32>
    %and3A_3484 = arith.andi %get3A_3478, %and3A_3483 : vector<16xi32>
    %gather3A_3485 = tpu.vector_load_idx %arg7[%add3A_3481, %and3A_3484] : memref<2048x16xf32, #tpu.memory_space<vmem>>[vector<16xi32>, vector<16xi32>], vector<16xf32>,
    %swap3A_3486 = arith.constant 400 : index
    %swap3A_3487 = tpu.vector_load %arg8[%swap3A_3486] {strides = array<i32>} : memref<2048xf32, #tpu.memory_space<vmem>>, vector<16xf32>,
    tpu.vector_store %arg8[%swap3A_3486], %gather3A_3485 {strides = array<i32>} : memref<2048xf32, #tpu.memory_space<vmem>>, vector<16xf32>,
    %add3A_3488 = arith.constant 32 : i32
    %add3A_3489 = vector.broadcast %add3A_3488 : i32 to vector<16xi32>
    %add3A_3490 = arith.addi %iota3A, %add3A_3489 : vector<16xi32>
    %add3A_3491 = arith.constant 0 : i32
    %add3A_3492 = vector.broadcast %add3A_3491 : i32 to vector<16xi32>
    %add3A_3493 = arith.addi %add3A_3490, %add3A_3492 : vector<16xi32>
    %get3A_3494 = arith.constant 32 : index
    %get3A_3495 = tpu.vector_load %arg5[%get3A_3494] {strides = array<i32>} : memref<512xi32, #tpu.memory_space<vmem>>, vector<16xi32>,
    %add3A_3496 = arith.constant 1536 : i32
    %add3A_3497 = vector.broadcast %add3A_3496 : i32 to vector<16xi32>
    %add3A_3498 = arith.addi %add3A_3493, %add3A_3497 : vector<16xi32>
    %and3A_3499 = arith.constant 15 : i32
    %and3A_3500 = vector.broadcast %and3A_3499 : i32 to vector<16xi32>
    %and3A_3501 = arith.andi %get3A_3495, %and3A_3500 : vector<16xi32>
    %gather3A_3502 = tpu.vector_load_idx %arg7[%add3A_3498, %and3A_3501] : memref<2048x16xf32, #tpu.memory_space<vmem>>[vector<16xi32>, vector<16xi32>], vector<16xf32>,
    %swap3A_3503 = arith.constant 416 : index
    %swap3A_3504 = tpu.vector_load %arg8[%swap3A_3503] {strides = array<i32>} : memref<2048xf32, #tpu.memory_space<vmem>>, vector<16xf32>,
    tpu.vector_store %arg8[%swap3A_3503], %gather3A_3502 {strides = array<i32>} : memref<2048xf32, #tpu.memory_space<vmem>>, vector<16xf32>,
    %add3A_3505 = arith.constant 48 : i32
    %add3A_3506 = vector.broadcast %add3A_3505 : i32 to vector<16xi32>
    %add3A_3507 = arith.addi %iota3A, %add3A_3506 : vector<16xi32>
    %add3A_3508 = arith.constant 0 : i32
    %add3A_3509 = vector.broadcast %add3A_3508 : i32 to vector<16xi32>
    %add3A_3510 = arith.addi %add3A_3507, %add3A_3509 : vector<16xi32>
    %get3A_3511 = arith.constant 48 : index
    %get3A_3512 = tpu.vector_load %arg5[%get3A_3511] {strides = array<i32>} : memref<512xi32, #tpu.memory_space<vmem>>, vector<16xi32>,
    %add3A_3513 = arith.constant 1536 : i32
    %add3A_3514 = vector.broadcast %add3A_3513 : i32 to vector<16xi32>
    %add3A_3515 = arith.addi %add3A_3510, %add3A_3514 : vector<16xi32>
    %and3A_3516 = arith.constant 15 : i32
    %and3A_3517 = vector.broadcast %and3A_3516 : i32 to vector<16xi32>
    %and3A_3518 = arith.andi %get3A_3512, %and3A_3517 : vector<16xi32>
    %gather3A_3519 = tpu.vector_load_idx %arg7[%add3A_3515, %and3A_3518] : memref<2048x16xf32, #tpu.memory_space<vmem>>[vector<16xi32>, vector<16xi32>], vector<16xf32>,
    %swap3A_3520 = arith.constant 432 : index
    %swap3A_3521 = tpu.vector_load %arg8[%swap3A_3520] {strides = array<i32>} : memref<2048xf32, #tpu.memory_space<vmem>>, vector<16xf32>,
    tpu.vector_store %arg8[%swap3A_3520], %gather3A_3519 {strides = array<i32>} : memref<2048xf32, #tpu.memory_space<vmem>>, vector<16xf32>,
    %add3A_3522 = arith.constant 64 : i32
    %add3A_3523 = vector.broadcast %add3A_3522 : i32 to vector<16xi32>
    %add3A_3524 = arith.addi %iota3A, %add3A_3523 : vector<16xi32>
    %add3A_3525 = arith.constant 0 : i32
    %add3A_3526 = vector.broadcast %add3A_3525 : i32 to vector<16xi32>
    %add3A_3527 = arith.addi %add3A_3524, %add3A_3526 : vector<16xi32>
    %get3A_3528 = arith.constant 64 : index
    %get3A_3529 = tpu.vector_load %arg5[%get3A_3528] {strides = array<i32>} : memref<512xi32, #tpu.memory_space<vmem>>, vector<16xi32>,
    %add3A_3530 = arith.constant 1536 : i32
    %add3A_3531 = vector.broadcast %add3A_3530 : i32 to vector<16xi32>
    %add3A_3532 = arith.addi %add3A_3527, %add3A_3531 : vector<16xi32>
    %and3A_3533 = arith.constant 15 : i32
    %and3A_3534 = vector.broadcast %and3A_3533 : i32 to vector<16xi32>
    %and3A_3535 = arith.andi %get3A_3529, %and3A_3534 : vector<16xi32>
    %gather3A_3536 = tpu.vector_load_idx %arg7[%add3A_3532, %and3A_3535] : memref<2048x16xf32, #tpu.memory_space<vmem>>[vector<16xi32>, vector<16xi32>], vector<16xf32>,
    %swap3A_3537 = arith.constant 448 : index
    %swap3A_3538 = tpu.vector_load %arg8[%swap3A_3537] {strides = array<i32>} : memref<2048xf32, #tpu.memory_space<vmem>>, vector<16xf32>,
    tpu.vector_store %arg8[%swap3A_3537], %gather3A_3536 {strides = array<i32>} : memref<2048xf32, #tpu.memory_space<vmem>>, vector<16xf32>,
    %add3A_3539 = arith.constant 80 : i32
    %add3A_3540 = vector.broadcast %add3A_3539 : i32 to vector<16xi32>
    %add3A_3541 = arith.addi %iota3A, %add3A_3540 : vector<16xi32>
    %add3A_3542 = arith.constant 0 : i32
    %add3A_3543 = vector.broadcast %add3A_3542 : i32 to vector<16xi32>
    %add3A_3544 = arith.addi %add3A_3541, %add3A_3543 : vector<16xi32>
    %get3A_3545 = arith.constant 80 : index
    %get3A_3546 = tpu.vector_load %arg5[%get3A_3545] {strides = array<i32>} : memref<512xi32, #tpu.memory_space<vmem>>, vector<16xi32>,
    %add3A_3547 = arith.constant 1536 : i32
    %add3A_3548 = vector.broadcast %add3A_3547 : i32 to vector<16xi32>
    %add3A_3549 = arith.addi %add3A_3544, %add3A_3548 : vector<16xi32>
    %and3A_3550 = arith.constant 15 : i32
    %and3A_3551 = vector.broadcast %and3A_3550 : i32 to vector<16xi32>
    %and3A_3552 = arith.andi %get3A_3546, %and3A_3551 : vector<16xi32>
    %gather3A_3553 = tpu.vector_load_idx %arg7[%add3A_3549, %and3A_3552] : memref<2048x16xf32, #tpu.memory_space<vmem>>[vector<16xi32>, vector<16xi32>], vector<16xf32>,
    %swap3A_3554 = arith.constant 464 : index
    %swap3A_3555 = tpu.vector_load %arg8[%swap3A_3554] {strides = array<i32>} : memref<2048xf32, #tpu.memory_space<vmem>>, vector<16xf32>,
    tpu.vector_store %arg8[%swap3A_3554], %gather3A_3553 {strides = array<i32>} : memref<2048xf32, #tpu.memory_space<vmem>>, vector<16xf32>,
    %add3A_3556 = arith.constant 96 : i32
    %add3A_3557 = vector.broadcast %add3A_3556 : i32 to vector<16xi32>
    %add3A_3558 = arith.addi %iota3A, %add3A_3557 : vector<16xi32>
    %add3A_3559 = arith.constant 0 : i32
    %add3A_3560 = vector.broadcast %add3A_3559 : i32 to vector<16xi32>
    %add3A_3561 = arith.addi %add3A_3558, %add3A_3560 : vector<16xi32>
    %get3A_3562 = arith.constant 96 : index
    %get3A_3563 = tpu.vector_load %arg5[%get3A_3562] {strides = array<i32>} : memref<512xi32, #tpu.memory_space<vmem>>, vector<16xi32>,
    %add3A_3564 = arith.constant 1536 : i32
    %add3A_3565 = vector.broadcast %add3A_3564 : i32 to vector<16xi32>
    %add3A_3566 = arith.addi %add3A_3561, %add3A_3565 : vector<16xi32>
    %and3A_3567 = arith.constant 15 : i32
    %and3A_3568 = vector.broadcast %and3A_3567 : i32 to vector<16xi32>
    %and3A_3569 = arith.andi %get3A_3563, %and3A_3568 : vector<16xi32>
    %gather3A_3570 = tpu.vector_load_idx %arg7[%add3A_3566, %and3A_3569] : memref<2048x16xf32, #tpu.memory_space<vmem>>[vector<16xi32>, vector<16xi32>], vector<16xf32>,
    %swap3A_3571 = arith.constant 480 : index
    %swap3A_3572 = tpu.vector_load %arg8[%swap3A_3571] {strides = array<i32>} : memref<2048xf32, #tpu.memory_space<vmem>>, vector<16xf32>,
    tpu.vector_store %arg8[%swap3A_3571], %gather3A_3570 {strides = array<i32>} : memref<2048xf32, #tpu.memory_space<vmem>>, vector<16xf32>,
    %add3A_3573 = arith.constant 112 : i32
    %add3A_3574 = vector.broadcast %add3A_3573 : i32 to vector<16xi32>
    %add3A_3575 = arith.addi %iota3A, %add3A_3574 : vector<16xi32>
    %add3A_3576 = arith.constant 0 : i32
    %add3A_3577 = vector.broadcast %add3A_3576 : i32 to vector<16xi32>
    %add3A_3578 = arith.addi %add3A_3575, %add3A_3577 : vector<16xi32>
    %get3A_3579 = arith.constant 112 : index
    %get3A_3580 = tpu.vector_load %arg5[%get3A_3579] {strides = array<i32>} : memref<512xi32, #tpu.memory_space<vmem>>, vector<16xi32>,
    %add3A_3581 = arith.constant 1536 : i32
    %add3A_3582 = vector.broadcast %add3A_3581 : i32 to vector<16xi32>
    %add3A_3583 = arith.addi %add3A_3578, %add3A_3582 : vector<16xi32>
    %and3A_3584 = arith.constant 15 : i32
    %and3A_3585 = vector.broadcast %and3A_3584 : i32 to vector<16xi32>
    %and3A_3586 = arith.andi %get3A_3580, %and3A_3585 : vector<16xi32>
    %gather3A_3587 = tpu.vector_load_idx %arg7[%add3A_3583, %and3A_3586] : memref<2048x16xf32, #tpu.memory_space<vmem>>[vector<16xi32>, vector<16xi32>], vector<16xf32>,
    %swap3A_3588 = arith.constant 496 : index
    %swap3A_3589 = tpu.vector_load %arg8[%swap3A_3588] {strides = array<i32>} : memref<2048xf32, #tpu.memory_space<vmem>>, vector<16xf32>,
    tpu.vector_store %arg8[%swap3A_3588], %gather3A_3587 {strides = array<i32>} : memref<2048xf32, #tpu.memory_space<vmem>>, vector<16xf32>,
    %dma_wait3A_3590 = arith.constant 13 : i32
    %dma_wait3A_3591 = arith.constant 1664 : i32
    %dma_wait3A_3592 = arith.constant 0 : i32
    %dma_wait3A_3593 = tpu.memref_slice %arg7[%dma_wait3A_3591, %dma_wait3A_3592] : memref<2048x16xf32, #tpu.memory_space<vmem>> -> memref<128x16xf32, #tpu.memory_space<vmem>>
    %dma_wait3A_3594 = arith.constant 0 : i32
    %dma_wait3A_3595 = tpu.memref_slice %arg6[%dma_wait3A_3590, %dma_wait3A_3594] : memref<16x128xi32, #tpu.memory_space<vmem>> -> memref<1x128xi32, #tpu.memory_space<vmem>>
    %dma_wait3A_3596 = tpu.memref_squeeze %dma_wait3A_3595 : memref<1x128xi32, #tpu.memory_space<vmem>> -> memref<128xi32, #tpu.memory_space<vmem>>
    %dma_wait3A_3597 = arith.constant 0 : i32
    %dma_wait3A_3598 = arith.constant 0 : i32
    %dma_wait3A_3599 = tpu.memref_slice %arg3[%dma_wait3A_3597, %dma_wait3A_3598] : memref<250000x16xf32, #tpu.memory_space<hbm>> -> memref<250000x16xf32, #tpu.memory_space<hbm>>
    tpu.wait_indirect_dma semaphore(%arg9 : memref<!tpu.dma_semaphore, #tpu.memory_space<semaphore_mem>>) src(%dma_wait3A_3599 : memref<250000x16xf32, #tpu.memory_space<hbm>>) dst(%dma_wait3A_3593 : memref<128x16xf32, #tpu.memory_space<vmem>>)
    %add3A_3600 = arith.constant 0 : i32
    %add3A_3601 = vector.broadcast %add3A_3600 : i32 to vector<16xi32>
    %add3A_3602 = arith.addi %iota3A, %add3A_3601 : vector<16xi32>
    %add3A_3603 = arith.constant 128 : i32
    %add3A_3604 = vector.broadcast %add3A_3603 : i32 to vector<16xi32>
    %add3A_3605 = arith.addi %add3A_3602, %add3A_3604 : vector<16xi32>
    %get3A_3606 = arith.constant 128 : index
    %get3A_3607 = tpu.vector_load %arg5[%get3A_3606] {strides = array<i32>} : memref<512xi32, #tpu.memory_space<vmem>>, vector<16xi32>,
    %add3A_3608 = arith.constant 1536 : i32
    %add3A_3609 = vector.broadcast %add3A_3608 : i32 to vector<16xi32>
    %add3A_3610 = arith.addi %add3A_3605, %add3A_3609 : vector<16xi32>
    %and3A_3611 = arith.constant 15 : i32
    %and3A_3612 = vector.broadcast %and3A_3611 : i32 to vector<16xi32>
    %and3A_3613 = arith.andi %get3A_3607, %and3A_3612 : vector<16xi32>
    %gather3A_3614 = tpu.vector_load_idx %arg7[%add3A_3610, %and3A_3613] : memref<2048x16xf32, #tpu.memory_space<vmem>>[vector<16xi32>, vector<16xi32>], vector<16xf32>,
    %swap3A_3615 = arith.constant 896 : index
    %swap3A_3616 = tpu.vector_load %arg8[%swap3A_3615] {strides = array<i32>} : memref<2048xf32, #tpu.memory_space<vmem>>, vector<16xf32>,
    tpu.vector_store %arg8[%swap3A_3615], %gather3A_3614 {strides = array<i32>} : memref<2048xf32, #tpu.memory_space<vmem>>, vector<16xf32>,
    %add3A_3617 = arith.constant 16 : i32
    %add3A_3618 = vector.broadcast %add3A_3617 : i32 to vector<16xi32>
    %add3A_3619 = arith.addi %iota3A, %add3A_3618 : vector<16xi32>
    %add3A_3620 = arith.constant 128 : i32
    %add3A_3621 = vector.broadcast %add3A_3620 : i32 to vector<16xi32>
    %add3A_3622 = arith.addi %add3A_3619, %add3A_3621 : vector<16xi32>
    %get3A_3623 = arith.constant 144 : index
    %get3A_3624 = tpu.vector_load %arg5[%get3A_3623] {strides = array<i32>} : memref<512xi32, #tpu.memory_space<vmem>>, vector<16xi32>,
    %add3A_3625 = arith.constant 1536 : i32
    %add3A_3626 = vector.broadcast %add3A_3625 : i32 to vector<16xi32>
    %add3A_3627 = arith.addi %add3A_3622, %add3A_3626 : vector<16xi32>
    %and3A_3628 = arith.constant 15 : i32
    %and3A_3629 = vector.broadcast %and3A_3628 : i32 to vector<16xi32>
    %and3A_3630 = arith.andi %get3A_3624, %and3A_3629 : vector<16xi32>
    %gather3A_3631 = tpu.vector_load_idx %arg7[%add3A_3627, %and3A_3630] : memref<2048x16xf32, #tpu.memory_space<vmem>>[vector<16xi32>, vector<16xi32>], vector<16xf32>,
    %swap3A_3632 = arith.constant 912 : index
    %swap3A_3633 = tpu.vector_load %arg8[%swap3A_3632] {strides = array<i32>} : memref<2048xf32, #tpu.memory_space<vmem>>, vector<16xf32>,
    tpu.vector_store %arg8[%swap3A_3632], %gather3A_3631 {strides = array<i32>} : memref<2048xf32, #tpu.memory_space<vmem>>, vector<16xf32>,
    %add3A_3634 = arith.constant 32 : i32
    %add3A_3635 = vector.broadcast %add3A_3634 : i32 to vector<16xi32>
    %add3A_3636 = arith.addi %iota3A, %add3A_3635 : vector<16xi32>
    %add3A_3637 = arith.constant 128 : i32
    %add3A_3638 = vector.broadcast %add3A_3637 : i32 to vector<16xi32>
    %add3A_3639 = arith.addi %add3A_3636, %add3A_3638 : vector<16xi32>
    %get3A_3640 = arith.constant 160 : index
    %get3A_3641 = tpu.vector_load %arg5[%get3A_3640] {strides = array<i32>} : memref<512xi32, #tpu.memory_space<vmem>>, vector<16xi32>,
    %add3A_3642 = arith.constant 1536 : i32
    %add3A_3643 = vector.broadcast %add3A_3642 : i32 to vector<16xi32>
    %add3A_3644 = arith.addi %add3A_3639, %add3A_3643 : vector<16xi32>
    %and3A_3645 = arith.constant 15 : i32
    %and3A_3646 = vector.broadcast %and3A_3645 : i32 to vector<16xi32>
    %and3A_3647 = arith.andi %get3A_3641, %and3A_3646 : vector<16xi32>
    %gather3A_3648 = tpu.vector_load_idx %arg7[%add3A_3644, %and3A_3647] : memref<2048x16xf32, #tpu.memory_space<vmem>>[vector<16xi32>, vector<16xi32>], vector<16xf32>,
    %swap3A_3649 = arith.constant 928 : index
    %swap3A_3650 = tpu.vector_load %arg8[%swap3A_3649] {strides = array<i32>} : memref<2048xf32, #tpu.memory_space<vmem>>, vector<16xf32>,
    tpu.vector_store %arg8[%swap3A_3649], %gather3A_3648 {strides = array<i32>} : memref<2048xf32, #tpu.memory_space<vmem>>, vector<16xf32>,
    %add3A_3651 = arith.constant 48 : i32
    %add3A_3652 = vector.broadcast %add3A_3651 : i32 to vector<16xi32>
    %add3A_3653 = arith.addi %iota3A, %add3A_3652 : vector<16xi32>
    %add3A_3654 = arith.constant 128 : i32
    %add3A_3655 = vector.broadcast %add3A_3654 : i32 to vector<16xi32>
    %add3A_3656 = arith.addi %add3A_3653, %add3A_3655 : vector<16xi32>
    %get3A_3657 = arith.constant 176 : index
    %get3A_3658 = tpu.vector_load %arg5[%get3A_3657] {strides = array<i32>} : memref<512xi32, #tpu.memory_space<vmem>>, vector<16xi32>,
    %add3A_3659 = arith.constant 1536 : i32
    %add3A_3660 = vector.broadcast %add3A_3659 : i32 to vector<16xi32>
    %add3A_3661 = arith.addi %add3A_3656, %add3A_3660 : vector<16xi32>
    %and3A_3662 = arith.constant 15 : i32
    %and3A_3663 = vector.broadcast %and3A_3662 : i32 to vector<16xi32>
    %and3A_3664 = arith.andi %get3A_3658, %and3A_3663 : vector<16xi32>
    %gather3A_3665 = tpu.vector_load_idx %arg7[%add3A_3661, %and3A_3664] : memref<2048x16xf32, #tpu.memory_space<vmem>>[vector<16xi32>, vector<16xi32>], vector<16xf32>,
    %swap3A_3666 = arith.constant 944 : index
    %swap3A_3667 = tpu.vector_load %arg8[%swap3A_3666] {strides = array<i32>} : memref<2048xf32, #tpu.memory_space<vmem>>, vector<16xf32>,
    tpu.vector_store %arg8[%swap3A_3666], %gather3A_3665 {strides = array<i32>} : memref<2048xf32, #tpu.memory_space<vmem>>, vector<16xf32>,
    %add3A_3668 = arith.constant 64 : i32
    %add3A_3669 = vector.broadcast %add3A_3668 : i32 to vector<16xi32>
    %add3A_3670 = arith.addi %iota3A, %add3A_3669 : vector<16xi32>
    %add3A_3671 = arith.constant 128 : i32
    %add3A_3672 = vector.broadcast %add3A_3671 : i32 to vector<16xi32>
    %add3A_3673 = arith.addi %add3A_3670, %add3A_3672 : vector<16xi32>
    %get3A_3674 = arith.constant 192 : index
    %get3A_3675 = tpu.vector_load %arg5[%get3A_3674] {strides = array<i32>} : memref<512xi32, #tpu.memory_space<vmem>>, vector<16xi32>,
    %add3A_3676 = arith.constant 1536 : i32
    %add3A_3677 = vector.broadcast %add3A_3676 : i32 to vector<16xi32>
    %add3A_3678 = arith.addi %add3A_3673, %add3A_3677 : vector<16xi32>
    %and3A_3679 = arith.constant 15 : i32
    %and3A_3680 = vector.broadcast %and3A_3679 : i32 to vector<16xi32>
    %and3A_3681 = arith.andi %get3A_3675, %and3A_3680 : vector<16xi32>
    %gather3A_3682 = tpu.vector_load_idx %arg7[%add3A_3678, %and3A_3681] : memref<2048x16xf32, #tpu.memory_space<vmem>>[vector<16xi32>, vector<16xi32>], vector<16xf32>,
    %swap3A_3683 = arith.constant 960 : index
    %swap3A_3684 = tpu.vector_load %arg8[%swap3A_3683] {strides = array<i32>} : memref<2048xf32, #tpu.memory_space<vmem>>, vector<16xf32>,
    tpu.vector_store %arg8[%swap3A_3683], %gather3A_3682 {strides = array<i32>} : memref<2048xf32, #tpu.memory_space<vmem>>, vector<16xf32>,
    %add3A_3685 = arith.constant 80 : i32
    %add3A_3686 = vector.broadcast %add3A_3685 : i32 to vector<16xi32>
    %add3A_3687 = arith.addi %iota3A, %add3A_3686 : vector<16xi32>
    %add3A_3688 = arith.constant 128 : i32
    %add3A_3689 = vector.broadcast %add3A_3688 : i32 to vector<16xi32>
    %add3A_3690 = arith.addi %add3A_3687, %add3A_3689 : vector<16xi32>
    %get3A_3691 = arith.constant 208 : index
    %get3A_3692 = tpu.vector_load %arg5[%get3A_3691] {strides = array<i32>} : memref<512xi32, #tpu.memory_space<vmem>>, vector<16xi32>,
    %add3A_3693 = arith.constant 1536 : i32
    %add3A_3694 = vector.broadcast %add3A_3693 : i32 to vector<16xi32>
    %add3A_3695 = arith.addi %add3A_3690, %add3A_3694 : vector<16xi32>
    %and3A_3696 = arith.constant 15 : i32
    %and3A_3697 = vector.broadcast %and3A_3696 : i32 to vector<16xi32>
    %and3A_3698 = arith.andi %get3A_3692, %and3A_3697 : vector<16xi32>
    %gather3A_3699 = tpu.vector_load_idx %arg7[%add3A_3695, %and3A_3698] : memref<2048x16xf32, #tpu.memory_space<vmem>>[vector<16xi32>, vector<16xi32>], vector<16xf32>,
    %swap3A_3700 = arith.constant 976 : index
    %swap3A_3701 = tpu.vector_load %arg8[%swap3A_3700] {strides = array<i32>} : memref<2048xf32, #tpu.memory_space<vmem>>, vector<16xf32>,
    tpu.vector_store %arg8[%swap3A_3700], %gather3A_3699 {strides = array<i32>} : memref<2048xf32, #tpu.memory_space<vmem>>, vector<16xf32>,
    %add3A_3702 = arith.constant 96 : i32
    %add3A_3703 = vector.broadcast %add3A_3702 : i32 to vector<16xi32>
    %add3A_3704 = arith.addi %iota3A, %add3A_3703 : vector<16xi32>
    %add3A_3705 = arith.constant 128 : i32
    %add3A_3706 = vector.broadcast %add3A_3705 : i32 to vector<16xi32>
    %add3A_3707 = arith.addi %add3A_3704, %add3A_3706 : vector<16xi32>
    %get3A_3708 = arith.constant 224 : index
    %get3A_3709 = tpu.vector_load %arg5[%get3A_3708] {strides = array<i32>} : memref<512xi32, #tpu.memory_space<vmem>>, vector<16xi32>,
    %add3A_3710 = arith.constant 1536 : i32
    %add3A_3711 = vector.broadcast %add3A_3710 : i32 to vector<16xi32>
    %add3A_3712 = arith.addi %add3A_3707, %add3A_3711 : vector<16xi32>
    %and3A_3713 = arith.constant 15 : i32
    %and3A_3714 = vector.broadcast %and3A_3713 : i32 to vector<16xi32>
    %and3A_3715 = arith.andi %get3A_3709, %and3A_3714 : vector<16xi32>
    %gather3A_3716 = tpu.vector_load_idx %arg7[%add3A_3712, %and3A_3715] : memref<2048x16xf32, #tpu.memory_space<vmem>>[vector<16xi32>, vector<16xi32>], vector<16xf32>,
    %swap3A_3717 = arith.constant 992 : index
    %swap3A_3718 = tpu.vector_load %arg8[%swap3A_3717] {strides = array<i32>} : memref<2048xf32, #tpu.memory_space<vmem>>, vector<16xf32>,
    tpu.vector_store %arg8[%swap3A_3717], %gather3A_3716 {strides = array<i32>} : memref<2048xf32, #tpu.memory_space<vmem>>, vector<16xf32>,
    %add3A_3719 = arith.constant 112 : i32
    %add3A_3720 = vector.broadcast %add3A_3719 : i32 to vector<16xi32>
    %add3A_3721 = arith.addi %iota3A, %add3A_3720 : vector<16xi32>
    %add3A_3722 = arith.constant 128 : i32
    %add3A_3723 = vector.broadcast %add3A_3722 : i32 to vector<16xi32>
    %add3A_3724 = arith.addi %add3A_3721, %add3A_3723 : vector<16xi32>
    %get3A_3725 = arith.constant 240 : index
    %get3A_3726 = tpu.vector_load %arg5[%get3A_3725] {strides = array<i32>} : memref<512xi32, #tpu.memory_space<vmem>>, vector<16xi32>,
    %add3A_3727 = arith.constant 1536 : i32
    %add3A_3728 = vector.broadcast %add3A_3727 : i32 to vector<16xi32>
    %add3A_3729 = arith.addi %add3A_3724, %add3A_3728 : vector<16xi32>
    %and3A_3730 = arith.constant 15 : i32
    %and3A_3731 = vector.broadcast %and3A_3730 : i32 to vector<16xi32>
    %and3A_3732 = arith.andi %get3A_3726, %and3A_3731 : vector<16xi32>
    %gather3A_3733 = tpu.vector_load_idx %arg7[%add3A_3729, %and3A_3732] : memref<2048x16xf32, #tpu.memory_space<vmem>>[vector<16xi32>, vector<16xi32>], vector<16xf32>,
    %swap3A_3734 = arith.constant 1008 : index
    %swap3A_3735 = tpu.vector_load %arg8[%swap3A_3734] {strides = array<i32>} : memref<2048xf32, #tpu.memory_space<vmem>>, vector<16xf32>,
    tpu.vector_store %arg8[%swap3A_3734], %gather3A_3733 {strides = array<i32>} : memref<2048xf32, #tpu.memory_space<vmem>>, vector<16xf32>,
    %dma_wait3A_3736 = arith.constant 14 : i32
    %dma_wait3A_3737 = arith.constant 1792 : i32
    %dma_wait3A_3738 = arith.constant 0 : i32
    %dma_wait3A_3739 = tpu.memref_slice %arg7[%dma_wait3A_3737, %dma_wait3A_3738] : memref<2048x16xf32, #tpu.memory_space<vmem>> -> memref<128x16xf32, #tpu.memory_space<vmem>>
    %dma_wait3A_3740 = arith.constant 0 : i32
    %dma_wait3A_3741 = tpu.memref_slice %arg6[%dma_wait3A_3736, %dma_wait3A_3740] : memref<16x128xi32, #tpu.memory_space<vmem>> -> memref<1x128xi32, #tpu.memory_space<vmem>>
    %dma_wait3A_3742 = tpu.memref_squeeze %dma_wait3A_3741 : memref<1x128xi32, #tpu.memory_space<vmem>> -> memref<128xi32, #tpu.memory_space<vmem>>
    %dma_wait3A_3743 = arith.constant 0 : i32
    %dma_wait3A_3744 = arith.constant 0 : i32
    %dma_wait3A_3745 = tpu.memref_slice %arg3[%dma_wait3A_3743, %dma_wait3A_3744] : memref<250000x16xf32, #tpu.memory_space<hbm>> -> memref<250000x16xf32, #tpu.memory_space<hbm>>
    tpu.wait_indirect_dma semaphore(%arg9 : memref<!tpu.dma_semaphore, #tpu.memory_space<semaphore_mem>>) src(%dma_wait3A_3745 : memref<250000x16xf32, #tpu.memory_space<hbm>>) dst(%dma_wait3A_3739 : memref<128x16xf32, #tpu.memory_space<vmem>>)
    %add3A_3746 = arith.constant 0 : i32
    %add3A_3747 = vector.broadcast %add3A_3746 : i32 to vector<16xi32>
    %add3A_3748 = arith.addi %iota3A, %add3A_3747 : vector<16xi32>
    %add3A_3749 = arith.constant 256 : i32
    %add3A_3750 = vector.broadcast %add3A_3749 : i32 to vector<16xi32>
    %add3A_3751 = arith.addi %add3A_3748, %add3A_3750 : vector<16xi32>
    %get3A_3752 = arith.constant 256 : index
    %get3A_3753 = tpu.vector_load %arg5[%get3A_3752] {strides = array<i32>} : memref<512xi32, #tpu.memory_space<vmem>>, vector<16xi32>,
    %add3A_3754 = arith.constant 1536 : i32
    %add3A_3755 = vector.broadcast %add3A_3754 : i32 to vector<16xi32>
    %add3A_3756 = arith.addi %add3A_3751, %add3A_3755 : vector<16xi32>
    %and3A_3757 = arith.constant 15 : i32
    %and3A_3758 = vector.broadcast %and3A_3757 : i32 to vector<16xi32>
    %and3A_3759 = arith.andi %get3A_3753, %and3A_3758 : vector<16xi32>
    %gather3A_3760 = tpu.vector_load_idx %arg7[%add3A_3756, %and3A_3759] : memref<2048x16xf32, #tpu.memory_space<vmem>>[vector<16xi32>, vector<16xi32>], vector<16xf32>,
    %swap3A_3761 = arith.constant 1408 : index
    %swap3A_3762 = tpu.vector_load %arg8[%swap3A_3761] {strides = array<i32>} : memref<2048xf32, #tpu.memory_space<vmem>>, vector<16xf32>,
    tpu.vector_store %arg8[%swap3A_3761], %gather3A_3760 {strides = array<i32>} : memref<2048xf32, #tpu.memory_space<vmem>>, vector<16xf32>,
    %add3A_3763 = arith.constant 16 : i32
    %add3A_3764 = vector.broadcast %add3A_3763 : i32 to vector<16xi32>
    %add3A_3765 = arith.addi %iota3A, %add3A_3764 : vector<16xi32>
    %add3A_3766 = arith.constant 256 : i32
    %add3A_3767 = vector.broadcast %add3A_3766 : i32 to vector<16xi32>
    %add3A_3768 = arith.addi %add3A_3765, %add3A_3767 : vector<16xi32>
    %get3A_3769 = arith.constant 272 : index
    %get3A_3770 = tpu.vector_load %arg5[%get3A_3769] {strides = array<i32>} : memref<512xi32, #tpu.memory_space<vmem>>, vector<16xi32>,
    %add3A_3771 = arith.constant 1536 : i32
    %add3A_3772 = vector.broadcast %add3A_3771 : i32 to vector<16xi32>
    %add3A_3773 = arith.addi %add3A_3768, %add3A_3772 : vector<16xi32>
    %and3A_3774 = arith.constant 15 : i32
    %and3A_3775 = vector.broadcast %and3A_3774 : i32 to vector<16xi32>
    %and3A_3776 = arith.andi %get3A_3770, %and3A_3775 : vector<16xi32>
    %gather3A_3777 = tpu.vector_load_idx %arg7[%add3A_3773, %and3A_3776] : memref<2048x16xf32, #tpu.memory_space<vmem>>[vector<16xi32>, vector<16xi32>], vector<16xf32>,
    %swap3A_3778 = arith.constant 1424 : index
    %swap3A_3779 = tpu.vector_load %arg8[%swap3A_3778] {strides = array<i32>} : memref<2048xf32, #tpu.memory_space<vmem>>, vector<16xf32>,
    tpu.vector_store %arg8[%swap3A_3778], %gather3A_3777 {strides = array<i32>} : memref<2048xf32, #tpu.memory_space<vmem>>, vector<16xf32>,
    %add3A_3780 = arith.constant 32 : i32
    %add3A_3781 = vector.broadcast %add3A_3780 : i32 to vector<16xi32>
    %add3A_3782 = arith.addi %iota3A, %add3A_3781 : vector<16xi32>
    %add3A_3783 = arith.constant 256 : i32
    %add3A_3784 = vector.broadcast %add3A_3783 : i32 to vector<16xi32>
    %add3A_3785 = arith.addi %add3A_3782, %add3A_3784 : vector<16xi32>
    %get3A_3786 = arith.constant 288 : index
    %get3A_3787 = tpu.vector_load %arg5[%get3A_3786] {strides = array<i32>} : memref<512xi32, #tpu.memory_space<vmem>>, vector<16xi32>,
    %add3A_3788 = arith.constant 1536 : i32
    %add3A_3789 = vector.broadcast %add3A_3788 : i32 to vector<16xi32>
    %add3A_3790 = arith.addi %add3A_3785, %add3A_3789 : vector<16xi32>
    %and3A_3791 = arith.constant 15 : i32
    %and3A_3792 = vector.broadcast %and3A_3791 : i32 to vector<16xi32>
    %and3A_3793 = arith.andi %get3A_3787, %and3A_3792 : vector<16xi32>
    %gather3A_3794 = tpu.vector_load_idx %arg7[%add3A_3790, %and3A_3793] : memref<2048x16xf32, #tpu.memory_space<vmem>>[vector<16xi32>, vector<16xi32>], vector<16xf32>,
    %swap3A_3795 = arith.constant 1440 : index
    %swap3A_3796 = tpu.vector_load %arg8[%swap3A_3795] {strides = array<i32>} : memref<2048xf32, #tpu.memory_space<vmem>>, vector<16xf32>,
    tpu.vector_store %arg8[%swap3A_3795], %gather3A_3794 {strides = array<i32>} : memref<2048xf32, #tpu.memory_space<vmem>>, vector<16xf32>,
    %add3A_3797 = arith.constant 48 : i32
    %add3A_3798 = vector.broadcast %add3A_3797 : i32 to vector<16xi32>
    %add3A_3799 = arith.addi %iota3A, %add3A_3798 : vector<16xi32>
    %add3A_3800 = arith.constant 256 : i32
    %add3A_3801 = vector.broadcast %add3A_3800 : i32 to vector<16xi32>
    %add3A_3802 = arith.addi %add3A_3799, %add3A_3801 : vector<16xi32>
    %get3A_3803 = arith.constant 304 : index
    %get3A_3804 = tpu.vector_load %arg5[%get3A_3803] {strides = array<i32>} : memref<512xi32, #tpu.memory_space<vmem>>, vector<16xi32>,
    %add3A_3805 = arith.constant 1536 : i32
    %add3A_3806 = vector.broadcast %add3A_3805 : i32 to vector<16xi32>
    %add3A_3807 = arith.addi %add3A_3802, %add3A_3806 : vector<16xi32>
    %and3A_3808 = arith.constant 15 : i32
    %and3A_3809 = vector.broadcast %and3A_3808 : i32 to vector<16xi32>
    %and3A_3810 = arith.andi %get3A_3804, %and3A_3809 : vector<16xi32>
    %gather3A_3811 = tpu.vector_load_idx %arg7[%add3A_3807, %and3A_3810] : memref<2048x16xf32, #tpu.memory_space<vmem>>[vector<16xi32>, vector<16xi32>], vector<16xf32>,
    %swap3A_3812 = arith.constant 1456 : index
    %swap3A_3813 = tpu.vector_load %arg8[%swap3A_3812] {strides = array<i32>} : memref<2048xf32, #tpu.memory_space<vmem>>, vector<16xf32>,
    tpu.vector_store %arg8[%swap3A_3812], %gather3A_3811 {strides = array<i32>} : memref<2048xf32, #tpu.memory_space<vmem>>, vector<16xf32>,
    %add3A_3814 = arith.constant 64 : i32
    %add3A_3815 = vector.broadcast %add3A_3814 : i32 to vector<16xi32>
    %add3A_3816 = arith.addi %iota3A, %add3A_3815 : vector<16xi32>
    %add3A_3817 = arith.constant 256 : i32
    %add3A_3818 = vector.broadcast %add3A_3817 : i32 to vector<16xi32>
    %add3A_3819 = arith.addi %add3A_3816, %add3A_3818 : vector<16xi32>
    %get3A_3820 = arith.constant 320 : index
    %get3A_3821 = tpu.vector_load %arg5[%get3A_3820] {strides = array<i32>} : memref<512xi32, #tpu.memory_space<vmem>>, vector<16xi32>,
    %add3A_3822 = arith.constant 1536 : i32
    %add3A_3823 = vector.broadcast %add3A_3822 : i32 to vector<16xi32>
    %add3A_3824 = arith.addi %add3A_3819, %add3A_3823 : vector<16xi32>
    %and3A_3825 = arith.constant 15 : i32
    %and3A_3826 = vector.broadcast %and3A_3825 : i32 to vector<16xi32>
    %and3A_3827 = arith.andi %get3A_3821, %and3A_3826 : vector<16xi32>
    %gather3A_3828 = tpu.vector_load_idx %arg7[%add3A_3824, %and3A_3827] : memref<2048x16xf32, #tpu.memory_space<vmem>>[vector<16xi32>, vector<16xi32>], vector<16xf32>,
    %swap3A_3829 = arith.constant 1472 : index
    %swap3A_3830 = tpu.vector_load %arg8[%swap3A_3829] {strides = array<i32>} : memref<2048xf32, #tpu.memory_space<vmem>>, vector<16xf32>,
    tpu.vector_store %arg8[%swap3A_3829], %gather3A_3828 {strides = array<i32>} : memref<2048xf32, #tpu.memory_space<vmem>>, vector<16xf32>,
    %add3A_3831 = arith.constant 80 : i32
    %add3A_3832 = vector.broadcast %add3A_3831 : i32 to vector<16xi32>
    %add3A_3833 = arith.addi %iota3A, %add3A_3832 : vector<16xi32>
    %add3A_3834 = arith.constant 256 : i32
    %add3A_3835 = vector.broadcast %add3A_3834 : i32 to vector<16xi32>
    %add3A_3836 = arith.addi %add3A_3833, %add3A_3835 : vector<16xi32>
    %get3A_3837 = arith.constant 336 : index
    %get3A_3838 = tpu.vector_load %arg5[%get3A_3837] {strides = array<i32>} : memref<512xi32, #tpu.memory_space<vmem>>, vector<16xi32>,
    %add3A_3839 = arith.constant 1536 : i32
    %add3A_3840 = vector.broadcast %add3A_3839 : i32 to vector<16xi32>
    %add3A_3841 = arith.addi %add3A_3836, %add3A_3840 : vector<16xi32>
    %and3A_3842 = arith.constant 15 : i32
    %and3A_3843 = vector.broadcast %and3A_3842 : i32 to vector<16xi32>
    %and3A_3844 = arith.andi %get3A_3838, %and3A_3843 : vector<16xi32>
    %gather3A_3845 = tpu.vector_load_idx %arg7[%add3A_3841, %and3A_3844] : memref<2048x16xf32, #tpu.memory_space<vmem>>[vector<16xi32>, vector<16xi32>], vector<16xf32>,
    %swap3A_3846 = arith.constant 1488 : index
    %swap3A_3847 = tpu.vector_load %arg8[%swap3A_3846] {strides = array<i32>} : memref<2048xf32, #tpu.memory_space<vmem>>, vector<16xf32>,
    tpu.vector_store %arg8[%swap3A_3846], %gather3A_3845 {strides = array<i32>} : memref<2048xf32, #tpu.memory_space<vmem>>, vector<16xf32>,
    %add3A_3848 = arith.constant 96 : i32
    %add3A_3849 = vector.broadcast %add3A_3848 : i32 to vector<16xi32>
    %add3A_3850 = arith.addi %iota3A, %add3A_3849 : vector<16xi32>
    %add3A_3851 = arith.constant 256 : i32
    %add3A_3852 = vector.broadcast %add3A_3851 : i32 to vector<16xi32>
    %add3A_3853 = arith.addi %add3A_3850, %add3A_3852 : vector<16xi32>
    %get3A_3854 = arith.constant 352 : index
    %get3A_3855 = tpu.vector_load %arg5[%get3A_3854] {strides = array<i32>} : memref<512xi32, #tpu.memory_space<vmem>>, vector<16xi32>,
    %add3A_3856 = arith.constant 1536 : i32
    %add3A_3857 = vector.broadcast %add3A_3856 : i32 to vector<16xi32>
    %add3A_3858 = arith.addi %add3A_3853, %add3A_3857 : vector<16xi32>
    %and3A_3859 = arith.constant 15 : i32
    %and3A_3860 = vector.broadcast %and3A_3859 : i32 to vector<16xi32>
    %and3A_3861 = arith.andi %get3A_3855, %and3A_3860 : vector<16xi32>
    %gather3A_3862 = tpu.vector_load_idx %arg7[%add3A_3858, %and3A_3861] : memref<2048x16xf32, #tpu.memory_space<vmem>>[vector<16xi32>, vector<16xi32>], vector<16xf32>,
    %swap3A_3863 = arith.constant 1504 : index
    %swap3A_3864 = tpu.vector_load %arg8[%swap3A_3863] {strides = array<i32>} : memref<2048xf32, #tpu.memory_space<vmem>>, vector<16xf32>,
    tpu.vector_store %arg8[%swap3A_3863], %gather3A_3862 {strides = array<i32>} : memref<2048xf32, #tpu.memory_space<vmem>>, vector<16xf32>,
    %add3A_3865 = arith.constant 112 : i32
    %add3A_3866 = vector.broadcast %add3A_3865 : i32 to vector<16xi32>
    %add3A_3867 = arith.addi %iota3A, %add3A_3866 : vector<16xi32>
    %add3A_3868 = arith.constant 256 : i32
    %add3A_3869 = vector.broadcast %add3A_3868 : i32 to vector<16xi32>
    %add3A_3870 = arith.addi %add3A_3867, %add3A_3869 : vector<16xi32>
    %get3A_3871 = arith.constant 368 : index
    %get3A_3872 = tpu.vector_load %arg5[%get3A_3871] {strides = array<i32>} : memref<512xi32, #tpu.memory_space<vmem>>, vector<16xi32>,
    %add3A_3873 = arith.constant 1536 : i32
    %add3A_3874 = vector.broadcast %add3A_3873 : i32 to vector<16xi32>
    %add3A_3875 = arith.addi %add3A_3870, %add3A_3874 : vector<16xi32>
    %and3A_3876 = arith.constant 15 : i32
    %and3A_3877 = vector.broadcast %and3A_3876 : i32 to vector<16xi32>
    %and3A_3878 = arith.andi %get3A_3872, %and3A_3877 : vector<16xi32>
    %gather3A_3879 = tpu.vector_load_idx %arg7[%add3A_3875, %and3A_3878] : memref<2048x16xf32, #tpu.memory_space<vmem>>[vector<16xi32>, vector<16xi32>], vector<16xf32>,
    %swap3A_3880 = arith.constant 1520 : index
    %swap3A_3881 = tpu.vector_load %arg8[%swap3A_3880] {strides = array<i32>} : memref<2048xf32, #tpu.memory_space<vmem>>, vector<16xf32>,
    tpu.vector_store %arg8[%swap3A_3880], %gather3A_3879 {strides = array<i32>} : memref<2048xf32, #tpu.memory_space<vmem>>, vector<16xf32>,
    %dma_wait3A_3882 = arith.constant 15 : i32
    %dma_wait3A_3883 = arith.constant 1920 : i32
    %dma_wait3A_3884 = arith.constant 0 : i32
    %dma_wait3A_3885 = tpu.memref_slice %arg7[%dma_wait3A_3883, %dma_wait3A_3884] : memref<2048x16xf32, #tpu.memory_space<vmem>> -> memref<128x16xf32, #tpu.memory_space<vmem>>
    %dma_wait3A_3886 = arith.constant 0 : i32
    %dma_wait3A_3887 = tpu.memref_slice %arg6[%dma_wait3A_3882, %dma_wait3A_3886] : memref<16x128xi32, #tpu.memory_space<vmem>> -> memref<1x128xi32, #tpu.memory_space<vmem>>
    %dma_wait3A_3888 = tpu.memref_squeeze %dma_wait3A_3887 : memref<1x128xi32, #tpu.memory_space<vmem>> -> memref<128xi32, #tpu.memory_space<vmem>>
    %dma_wait3A_3889 = arith.constant 0 : i32
    %dma_wait3A_3890 = arith.constant 0 : i32
    %dma_wait3A_3891 = tpu.memref_slice %arg3[%dma_wait3A_3889, %dma_wait3A_3890] : memref<250000x16xf32, #tpu.memory_space<hbm>> -> memref<250000x16xf32, #tpu.memory_space<hbm>>
    tpu.wait_indirect_dma semaphore(%arg9 : memref<!tpu.dma_semaphore, #tpu.memory_space<semaphore_mem>>) src(%dma_wait3A_3891 : memref<250000x16xf32, #tpu.memory_space<hbm>>) dst(%dma_wait3A_3885 : memref<128x16xf32, #tpu.memory_space<vmem>>)
    %add3A_3892 = arith.constant 0 : i32
    %add3A_3893 = vector.broadcast %add3A_3892 : i32 to vector<16xi32>
    %add3A_3894 = arith.addi %iota3A, %add3A_3893 : vector<16xi32>
    %add3A_3895 = arith.constant 384 : i32
    %add3A_3896 = vector.broadcast %add3A_3895 : i32 to vector<16xi32>
    %add3A_3897 = arith.addi %add3A_3894, %add3A_3896 : vector<16xi32>
    %get3A_3898 = arith.constant 384 : index
    %get3A_3899 = tpu.vector_load %arg5[%get3A_3898] {strides = array<i32>} : memref<512xi32, #tpu.memory_space<vmem>>, vector<16xi32>,
    %add3A_3900 = arith.constant 1536 : i32
    %add3A_3901 = vector.broadcast %add3A_3900 : i32 to vector<16xi32>
    %add3A_3902 = arith.addi %add3A_3897, %add3A_3901 : vector<16xi32>
    %and3A_3903 = arith.constant 15 : i32
    %and3A_3904 = vector.broadcast %and3A_3903 : i32 to vector<16xi32>
    %and3A_3905 = arith.andi %get3A_3899, %and3A_3904 : vector<16xi32>
    %gather3A_3906 = tpu.vector_load_idx %arg7[%add3A_3902, %and3A_3905] : memref<2048x16xf32, #tpu.memory_space<vmem>>[vector<16xi32>, vector<16xi32>], vector<16xf32>,
    %swap3A_3907 = arith.constant 1920 : index
    %swap3A_3908 = tpu.vector_load %arg8[%swap3A_3907] {strides = array<i32>} : memref<2048xf32, #tpu.memory_space<vmem>>, vector<16xf32>,
    tpu.vector_store %arg8[%swap3A_3907], %gather3A_3906 {strides = array<i32>} : memref<2048xf32, #tpu.memory_space<vmem>>, vector<16xf32>,
    %add3A_3909 = arith.constant 16 : i32
    %add3A_3910 = vector.broadcast %add3A_3909 : i32 to vector<16xi32>
    %add3A_3911 = arith.addi %iota3A, %add3A_3910 : vector<16xi32>
    %add3A_3912 = arith.constant 384 : i32
    %add3A_3913 = vector.broadcast %add3A_3912 : i32 to vector<16xi32>
    %add3A_3914 = arith.addi %add3A_3911, %add3A_3913 : vector<16xi32>
    %get3A_3915 = arith.constant 400 : index
    %get3A_3916 = tpu.vector_load %arg5[%get3A_3915] {strides = array<i32>} : memref<512xi32, #tpu.memory_space<vmem>>, vector<16xi32>,
    %add3A_3917 = arith.constant 1536 : i32
    %add3A_3918 = vector.broadcast %add3A_3917 : i32 to vector<16xi32>
    %add3A_3919 = arith.addi %add3A_3914, %add3A_3918 : vector<16xi32>
    %and3A_3920 = arith.constant 15 : i32
    %and3A_3921 = vector.broadcast %and3A_3920 : i32 to vector<16xi32>
    %and3A_3922 = arith.andi %get3A_3916, %and3A_3921 : vector<16xi32>
    %gather3A_3923 = tpu.vector_load_idx %arg7[%add3A_3919, %and3A_3922] : memref<2048x16xf32, #tpu.memory_space<vmem>>[vector<16xi32>, vector<16xi32>], vector<16xf32>,
    %swap3A_3924 = arith.constant 1936 : index
    %swap3A_3925 = tpu.vector_load %arg8[%swap3A_3924] {strides = array<i32>} : memref<2048xf32, #tpu.memory_space<vmem>>, vector<16xf32>,
    tpu.vector_store %arg8[%swap3A_3924], %gather3A_3923 {strides = array<i32>} : memref<2048xf32, #tpu.memory_space<vmem>>, vector<16xf32>,
    %add3A_3926 = arith.constant 32 : i32
    %add3A_3927 = vector.broadcast %add3A_3926 : i32 to vector<16xi32>
    %add3A_3928 = arith.addi %iota3A, %add3A_3927 : vector<16xi32>
    %add3A_3929 = arith.constant 384 : i32
    %add3A_3930 = vector.broadcast %add3A_3929 : i32 to vector<16xi32>
    %add3A_3931 = arith.addi %add3A_3928, %add3A_3930 : vector<16xi32>
    %get3A_3932 = arith.constant 416 : index
    %get3A_3933 = tpu.vector_load %arg5[%get3A_3932] {strides = array<i32>} : memref<512xi32, #tpu.memory_space<vmem>>, vector<16xi32>,
    %add3A_3934 = arith.constant 1536 : i32
    %add3A_3935 = vector.broadcast %add3A_3934 : i32 to vector<16xi32>
    %add3A_3936 = arith.addi %add3A_3931, %add3A_3935 : vector<16xi32>
    %and3A_3937 = arith.constant 15 : i32
    %and3A_3938 = vector.broadcast %and3A_3937 : i32 to vector<16xi32>
    %and3A_3939 = arith.andi %get3A_3933, %and3A_3938 : vector<16xi32>
    %gather3A_3940 = tpu.vector_load_idx %arg7[%add3A_3936, %and3A_3939] : memref<2048x16xf32, #tpu.memory_space<vmem>>[vector<16xi32>, vector<16xi32>], vector<16xf32>,
    %swap3A_3941 = arith.constant 1952 : index
    %swap3A_3942 = tpu.vector_load %arg8[%swap3A_3941] {strides = array<i32>} : memref<2048xf32, #tpu.memory_space<vmem>>, vector<16xf32>,
    tpu.vector_store %arg8[%swap3A_3941], %gather3A_3940 {strides = array<i32>} : memref<2048xf32, #tpu.memory_space<vmem>>, vector<16xf32>,
    %add3A_3943 = arith.constant 48 : i32
    %add3A_3944 = vector.broadcast %add3A_3943 : i32 to vector<16xi32>
    %add3A_3945 = arith.addi %iota3A, %add3A_3944 : vector<16xi32>
    %add3A_3946 = arith.constant 384 : i32
    %add3A_3947 = vector.broadcast %add3A_3946 : i32 to vector<16xi32>
    %add3A_3948 = arith.addi %add3A_3945, %add3A_3947 : vector<16xi32>
    %get3A_3949 = arith.constant 432 : index
    %get3A_3950 = tpu.vector_load %arg5[%get3A_3949] {strides = array<i32>} : memref<512xi32, #tpu.memory_space<vmem>>, vector<16xi32>,
    %add3A_3951 = arith.constant 1536 : i32
    %add3A_3952 = vector.broadcast %add3A_3951 : i32 to vector<16xi32>
    %add3A_3953 = arith.addi %add3A_3948, %add3A_3952 : vector<16xi32>
    %and3A_3954 = arith.constant 15 : i32
    %and3A_3955 = vector.broadcast %and3A_3954 : i32 to vector<16xi32>
    %and3A_3956 = arith.andi %get3A_3950, %and3A_3955 : vector<16xi32>
    %gather3A_3957 = tpu.vector_load_idx %arg7[%add3A_3953, %and3A_3956] : memref<2048x16xf32, #tpu.memory_space<vmem>>[vector<16xi32>, vector<16xi32>], vector<16xf32>,
    %swap3A_3958 = arith.constant 1968 : index
    %swap3A_3959 = tpu.vector_load %arg8[%swap3A_3958] {strides = array<i32>} : memref<2048xf32, #tpu.memory_space<vmem>>, vector<16xf32>,
    tpu.vector_store %arg8[%swap3A_3958], %gather3A_3957 {strides = array<i32>} : memref<2048xf32, #tpu.memory_space<vmem>>, vector<16xf32>,
    %add3A_3960 = arith.constant 64 : i32
    %add3A_3961 = vector.broadcast %add3A_3960 : i32 to vector<16xi32>
    %add3A_3962 = arith.addi %iota3A, %add3A_3961 : vector<16xi32>
    %add3A_3963 = arith.constant 384 : i32
    %add3A_3964 = vector.broadcast %add3A_3963 : i32 to vector<16xi32>
    %add3A_3965 = arith.addi %add3A_3962, %add3A_3964 : vector<16xi32>
    %get3A_3966 = arith.constant 448 : index
    %get3A_3967 = tpu.vector_load %arg5[%get3A_3966] {strides = array<i32>} : memref<512xi32, #tpu.memory_space<vmem>>, vector<16xi32>,
    %add3A_3968 = arith.constant 1536 : i32
    %add3A_3969 = vector.broadcast %add3A_3968 : i32 to vector<16xi32>
    %add3A_3970 = arith.addi %add3A_3965, %add3A_3969 : vector<16xi32>
    %and3A_3971 = arith.constant 15 : i32
    %and3A_3972 = vector.broadcast %and3A_3971 : i32 to vector<16xi32>
    %and3A_3973 = arith.andi %get3A_3967, %and3A_3972 : vector<16xi32>
    %gather3A_3974 = tpu.vector_load_idx %arg7[%add3A_3970, %and3A_3973] : memref<2048x16xf32, #tpu.memory_space<vmem>>[vector<16xi32>, vector<16xi32>], vector<16xf32>,
    %swap3A_3975 = arith.constant 1984 : index
    %swap3A_3976 = tpu.vector_load %arg8[%swap3A_3975] {strides = array<i32>} : memref<2048xf32, #tpu.memory_space<vmem>>, vector<16xf32>,
    tpu.vector_store %arg8[%swap3A_3975], %gather3A_3974 {strides = array<i32>} : memref<2048xf32, #tpu.memory_space<vmem>>, vector<16xf32>,
    %add3A_3977 = arith.constant 80 : i32
    %add3A_3978 = vector.broadcast %add3A_3977 : i32 to vector<16xi32>
    %add3A_3979 = arith.addi %iota3A, %add3A_3978 : vector<16xi32>
    %add3A_3980 = arith.constant 384 : i32
    %add3A_3981 = vector.broadcast %add3A_3980 : i32 to vector<16xi32>
    %add3A_3982 = arith.addi %add3A_3979, %add3A_3981 : vector<16xi32>
    %get3A_3983 = arith.constant 464 : index
    %get3A_3984 = tpu.vector_load %arg5[%get3A_3983] {strides = array<i32>} : memref<512xi32, #tpu.memory_space<vmem>>, vector<16xi32>,
    %add3A_3985 = arith.constant 1536 : i32
    %add3A_3986 = vector.broadcast %add3A_3985 : i32 to vector<16xi32>
    %add3A_3987 = arith.addi %add3A_3982, %add3A_3986 : vector<16xi32>
    %and3A_3988 = arith.constant 15 : i32
    %and3A_3989 = vector.broadcast %and3A_3988 : i32 to vector<16xi32>
    %and3A_3990 = arith.andi %get3A_3984, %and3A_3989 : vector<16xi32>
    %gather3A_3991 = tpu.vector_load_idx %arg7[%add3A_3987, %and3A_3990] : memref<2048x16xf32, #tpu.memory_space<vmem>>[vector<16xi32>, vector<16xi32>], vector<16xf32>,
    %swap3A_3992 = arith.constant 2000 : index
    %swap3A_3993 = tpu.vector_load %arg8[%swap3A_3992] {strides = array<i32>} : memref<2048xf32, #tpu.memory_space<vmem>>, vector<16xf32>,
    tpu.vector_store %arg8[%swap3A_3992], %gather3A_3991 {strides = array<i32>} : memref<2048xf32, #tpu.memory_space<vmem>>, vector<16xf32>,
    %add3A_3994 = arith.constant 96 : i32
    %add3A_3995 = vector.broadcast %add3A_3994 : i32 to vector<16xi32>
    %add3A_3996 = arith.addi %iota3A, %add3A_3995 : vector<16xi32>
    %add3A_3997 = arith.constant 384 : i32
    %add3A_3998 = vector.broadcast %add3A_3997 : i32 to vector<16xi32>
    %add3A_3999 = arith.addi %add3A_3996, %add3A_3998 : vector<16xi32>
    %get3A_4000 = arith.constant 480 : index
    %get3A_4001 = tpu.vector_load %arg5[%get3A_4000] {strides = array<i32>} : memref<512xi32, #tpu.memory_space<vmem>>, vector<16xi32>,
    %add3A_4002 = arith.constant 1536 : i32
    %add3A_4003 = vector.broadcast %add3A_4002 : i32 to vector<16xi32>
    %add3A_4004 = arith.addi %add3A_3999, %add3A_4003 : vector<16xi32>
    %and3A_4005 = arith.constant 15 : i32
    %and3A_4006 = vector.broadcast %and3A_4005 : i32 to vector<16xi32>
    %and3A_4007 = arith.andi %get3A_4001, %and3A_4006 : vector<16xi32>
    %gather3A_4008 = tpu.vector_load_idx %arg7[%add3A_4004, %and3A_4007] : memref<2048x16xf32, #tpu.memory_space<vmem>>[vector<16xi32>, vector<16xi32>], vector<16xf32>,
    %swap3A_4009 = arith.constant 2016 : index
    %swap3A_4010 = tpu.vector_load %arg8[%swap3A_4009] {strides = array<i32>} : memref<2048xf32, #tpu.memory_space<vmem>>, vector<16xf32>,
    tpu.vector_store %arg8[%swap3A_4009], %gather3A_4008 {strides = array<i32>} : memref<2048xf32, #tpu.memory_space<vmem>>, vector<16xf32>,
    %add3A_4011 = arith.constant 112 : i32
    %add3A_4012 = vector.broadcast %add3A_4011 : i32 to vector<16xi32>
    %add3A_4013 = arith.addi %iota3A, %add3A_4012 : vector<16xi32>
    %add3A_4014 = arith.constant 384 : i32
    %add3A_4015 = vector.broadcast %add3A_4014 : i32 to vector<16xi32>
    %add3A_4016 = arith.addi %add3A_4013, %add3A_4015 : vector<16xi32>
    %get3A_4017 = arith.constant 496 : index
    %get3A_4018 = tpu.vector_load %arg5[%get3A_4017] {strides = array<i32>} : memref<512xi32, #tpu.memory_space<vmem>>, vector<16xi32>,
    %add3A_4019 = arith.constant 1536 : i32
    %add3A_4020 = vector.broadcast %add3A_4019 : i32 to vector<16xi32>
    %add3A_4021 = arith.addi %add3A_4016, %add3A_4020 : vector<16xi32>
    %and3A_4022 = arith.constant 15 : i32
    %and3A_4023 = vector.broadcast %and3A_4022 : i32 to vector<16xi32>
    %and3A_4024 = arith.andi %get3A_4018, %and3A_4023 : vector<16xi32>
    %gather3A_4025 = tpu.vector_load_idx %arg7[%add3A_4021, %and3A_4024] : memref<2048x16xf32, #tpu.memory_space<vmem>>[vector<16xi32>, vector<16xi32>], vector<16xf32>,
    %swap3A_4026 = arith.constant 2032 : index
    %swap3A_4027 = tpu.vector_load %arg8[%swap3A_4026] {strides = array<i32>} : memref<2048xf32, #tpu.memory_space<vmem>>, vector<16xf32>,
    tpu.vector_store %arg8[%swap3A_4026], %gather3A_4025 {strides = array<i32>} : memref<2048xf32, #tpu.memory_space<vmem>>, vector<16xf32>,
    %mul3A_4028 = arith.constant 4 : i32
    %mul3A_4029 = arith.muli %mul3A_2, %mul3A_4028 : i32
    "tpu.region"() ({
      %run_scoped3A = tpu.sem_alloc : memref<!tpu.dma_semaphore, #tpu.memory_space<semaphore_mem>>
      %dma_start3A_4030 = tpu.memref_slice %arg4[%mul3A_4029] : memref<65536xf32, #tpu.memory_space<hbm>> -> memref<2048xf32, #tpu.memory_space<hbm>>
      %dma_start3A_4031 = tpu.memref_slice %arg4[%mul3A_4029] : memref<65536xf32, #tpu.memory_space<hbm>> -> memref<2048xf32, #tpu.memory_space<hbm>>
      tpu.enqueue_dma source(%arg8 : memref<2048xf32, #tpu.memory_space<vmem>>) target(%dma_start3A_4031 : memref<2048xf32, #tpu.memory_space<hbm>>) target_semaphore(%run_scoped3A : memref<!tpu.dma_semaphore, #tpu.memory_space<semaphore_mem>>)
      %dma_wait3A_4032 = tpu.memref_slice %arg4[%mul3A_4029] : memref<65536xf32, #tpu.memory_space<hbm>> -> memref<2048xf32, #tpu.memory_space<hbm>>
      %dma_wait3A_4033 = tpu.memref_slice %arg4[%mul3A_4029] : memref<65536xf32, #tpu.memory_space<hbm>> -> memref<2048xf32, #tpu.memory_space<hbm>>
      tpu.wait_dma2 semaphore(%run_scoped3A : memref<!tpu.dma_semaphore, #tpu.memory_space<semaphore_mem>>) src(%arg8 : memref<2048xf32, #tpu.memory_space<vmem>>) dst(%dma_wait3A_4033 : memref<2048xf32, #tpu.memory_space<hbm>>)
      tpu.yield
    }) : () -> ()
    return
  }
}

</mosaic_0001>

<sc_bundles>
// kernel: kernel.3.cloned.1.call-start
scs
__scs_entry_jumppad:
0x0: {  	(pc) =	sbr.rel $0x88, $3  }
0x1: {  	(tag) =	ssettag $0x0;
	lr =	simm.s32 $0x1  }
0x2: {  	[smem:$0x3F9F] =	sst lr;
	_ =	strace $0xD0000000  }
0x3: {  	_ = 	snop  }
0x4: {  	_ = 	snop  }
0x5: {  	_ = 	snop  }
0x6: {  	_ = 	snop  }
0x7: {  	_ = 	snop  }
__scs_overlays_trampoline_lowered:
0x8: {  	[smem:$0x3FAE] =	sst s0  }
0x9: {  	[smem:$0x3FAF] =	sst s1  }
0xa: {  	[smem:$0x3FB0] =	sst s2  }
0xb: {  	[smem:$0x3FB1] =	sst s3  }
0xc: {  	[smem:$0x3FB2] =	sst s4  }
0xd: {  	[smem:$0x3FB3] =	sst s5  }
0xe: {  	[smem:$0x3FB4] =	sst s6  }
0xf: {  	[smem:$0x3FB5] =	sst s7  }
0x10: {  	[smem:$0x3FB6] =	sst s8  }
0x11: {  	[smem:$0x3FB7] =	sst s9;
	s0 =	simm.s32 @!p0 $0x0  }
0x12: {  	s1 =	sld [smem:$0x3F9D];
	s0 =	simm.s32 @p0 $0x1  }
0x13: {  	[smem:$0x3FB8] =	sst s0;
	s0 =	simm.s32 @!p1 $0x0  }
0x14: {  	s2 =	sld [smem:$0x3F9C];
	s0 =	simm.s32 @p1 $0x1  }
0x15: {  	[smem:$0x3FB9] =	sst s0;
	s0 =	simm.s32 @!p2 $0x0  }
0x16: {  	s3 =	sld [smem:$0x3FDB];
	s0 =	simm.s32 @p2 $0x1  }
0x17: {  	s4 =	simm.s32 $0x1BF5;
	[smem:$0x3FBB] =	sst s0  }
0x18: {  	s0 =	sld [smem:$0x3F9E];
	_ =	swait.ge [sflag:s4], $0x0  }
0x19: {  	s7 =	sld [smem:$0x3F9F]  }
0x1a: {  	s8 =	sadd.s32 $0xFFFFE003, lr  }
0x1b: {  	s9 =	sadd.s32 $0xFFFFFEF7, lr;
	s5 =	simm.s32 $0xFFFFFFFF;
	p2 =	slt.u32 s8, $0xFFFFF086  }
0x1c: {  	p1 =	slt.u32 s9, $0xF7A;
	s5 =	simm.s32 @!p2 $0x0  }
0x1d: {  	s5 =	simm.s32 @p1 $0x1;
	p0 =	seq.s32 s7, s2  }
0x1e: {  	s7 =	smul.u32 @!p0 $0xF7A, s2;
	p2 =	seq.s32 @!p0 s5, $0x0  }
0x1f: {  	s9 =	smul.u32 $0xF7A, s1;
	s8 =	simm.s32 @!p0 $0x1BF5;
	p2 =	por !p2, p0  }
0x20: {  	[sflag:s8] =	ssyncset.s32 @!p0 $0xFFFFF086;
	s6 =	sadd.s32 @!p0 s3, s7;
	s7 =	simm.s32 @!p0 $0x108  }
0x21: {  	s3 =	sadd.s32 s3, s9;
	s6 =	sadd.s32 @!p0 $0x88, s6;
	s7 =	simm.s32 @p2 $0x1082  }
0x22: {  	[simem:s7], [sflag:s8] =	dma.local @!p0 [hbm:s6], $0xF7A  }
0x23: {  	s9 =	sor.u32 $0xD0000000, s2;
	s6 =	simm.s32 $0x108;
	_ =	swait.ge @!p0 [sflag:s8], $0x0  }
0x24: {  	s3 =	sadd.s32 $0x88, s3;
	s6 =	simm.s32 @!p1 $0x1082;
	[sflag:s4] =	ssyncset.s32 $0xFFFFF086  }
0x25: {  	[simem:s6], [sflag:s4] =	dma.local [hbm:s3], $0xF7A  }
0x26: {  	[smem:$0x3F9F] =	sst s1;
	(tag) =	ssettag s2;
	_ =	strace s9  }
0x27: {  	s1 =	sld [smem:$0x3FAF]  }
0x28: {  	s2 =	sld [smem:$0x3FB0]  }
0x29: {  	s4 =	sld [smem:$0x3FB2]  }
0x2a: {  	p0 =	seq.s32 s5, $0x0;
	s5 =	sld [smem:$0x3FB3]  }
0x2b: {  	s6 =	sld [smem:$0x3FB4]  }
0x2c: {  	s7 =	sld [smem:$0x3FB5]  }
0x2d: {  	s3 =	simm.s32 $0x108;
	s8 =	sld [smem:$0x3FB6]  }
0x2e: {  	s3 =	simm.s32 @!p0 $0x1082;
	s9 =	sld [smem:$0x3FB7]  }
0x2f: {  	lr =	sadd.s32 s0, s3;
	s0 =	sld [smem:$0x3FAE]  }
0x30: {  	s3 =	sld [smem:$0x3FB1]  }
0x31: {  	[smem:$0x3FBA] =	sst s10  }
0x32: {  	s10 =	sld [smem:$0x3FB8];
	_ =	sdelay $0x3  }
0x33: {  	p0 =	seq.s32 s10, $0x1;
	s10 =	sld [smem:$0x3FBA];
	_ =	sdelay $0x3  }
0x34: {  	[smem:$0x3FBA] =	sst s10  }
0x35: {  	s10 =	sld [smem:$0x3FB9];
	_ =	sdelay $0x3  }
0x36: {  	p1 =	seq.s32 s10, $0x1;
	s10 =	sld [smem:$0x3FBA];
	_ =	sdelay $0x3  }
0x37: {  	[smem:$0x3FBA] =	sst s10  }
0x38: {  	s10 =	sld [smem:$0x3FBB]  }
0x39: {  	_ = 	snop;
	(pc) =	sbr.ind lr, $3  }
0x3a: {  	_ = 	snop  }
0x3b: {  	_ = 	snop  }
0x3c: {  	p2 =	seq.s32 s10, $0x1;
	s10 =	sld [smem:$0x3FBA]  }
0x3d: {  	_ =	shalt  }
0x3e: {  	_ =	shalt  }
0x3f: {  	_ =	shalt  }
0x40: {  	_ =	shalt  }
0x41: {  	_ =	shalt  }
0x42: {  	_ =	shalt  }
0x43: {  	_ =	shalt  }
0x44: {  	_ =	shalt  }
0x45: {  	_ =	shalt  }
0x46: {  	_ =	shalt  }
0x47: {  	_ =	shalt  }
0x48: {  	_ =	shalt  }
0x49: {  	_ =	shalt  }
0x4a: {  	_ =	shalt  }
0x4b: {  	_ =	shalt  }
0x4c: {  	_ =	shalt  }
0x4d: {  	_ =	shalt  }
0x4e: {  	_ =	shalt  }
0x4f: {  	_ =	shalt  }
0x50: {  	_ =	shalt  }
0x51: {  	_ =	shalt  }
0x52: {  	_ =	shalt  }
0x53: {  	_ =	shalt  }
0x54: {  	_ =	shalt  }
0x55: {  	_ =	shalt  }
0x56: {  	_ =	shalt  }
0x57: {  	_ =	shalt  }
0x58: {  	_ =	shalt  }
0x59: {  	_ =	shalt  }
0x5a: {  	_ =	shalt  }
0x5b: {  	_ =	shalt  }
0x5c: {  	_ =	shalt  }
0x5d: {  	_ =	shalt  }
0x5e: {  	_ =	shalt  }
0x5f: {  	_ =	shalt  }
0x60: {  	_ =	shalt  }
0x61: {  	_ =	shalt  }
0x62: {  	_ =	shalt  }
0x63: {  	_ =	shalt  }
0x64: {  	_ =	shalt  }
0x65: {  	_ =	shalt  }
0x66: {  	_ =	shalt  }
0x67: {  	_ =	shalt  }
0x68: {  	_ =	shalt  }
0x69: {  	_ =	shalt  }
0x6a: {  	_ =	shalt  }
0x6b: {  	_ =	shalt  }
0x6c: {  	_ =	shalt  }
0x6d: {  	_ =	shalt  }
0x6e: {  	_ =	shalt  }
0x6f: {  	_ =	shalt  }
0x70: {  	_ =	shalt  }
0x71: {  	_ =	shalt  }
0x72: {  	_ =	shalt  }
0x73: {  	_ =	shalt  }
0x74: {  	_ =	shalt  }
0x75: {  	_ =	shalt  }
0x76: {  	_ =	shalt  }
0x77: {  	_ =	shalt  }
0x78: {  	_ =	shalt  }
0x79: {  	_ =	shalt  }
0x7a: {  	_ =	shalt  }
0x7b: {  	_ =	shalt  }
0x7c: {  	_ =	shalt  }
0x7d: {  	_ =	shalt  }
0x7e: {  	_ =	shalt  }
0x7f: {  	_ =	shalt  }
0x80: {  	_ =	shalt  }
0x81: {  	_ =	shalt  }
0x82: {  	_ =	shalt  }
0x83: {  	_ =	shalt  }
0x84: {  	_ =	shalt  }
0x85: {  	_ =	shalt  }
0x86: {  	_ =	shalt  }
0x87: {  	_ =	shalt  }
.Lfunc_end0:
.L_simem_size_0:
called_computation_lowered:
.L_overlay_start_0:
0x88: {  	s2 =	sld [smem:$0x3FD9]  }
0x89: {  	s3 =	sld [smem:$0x3FFE];
	_ =	sdelay $0x1  }
0x8a: {  	s1 =	srdreg.scid  }
0x8b: {  	s0 =	sand.u32 $0x1, s1  }
0x8c: {  	s17 =	sshll.u32 s0, $0xA;
	s2 =	sadd.s32 s3, s2  }
0x8d: {  	s2 =	sadd.s32 s2, s17  }
0x8e: {  	[smem:$0x3FC6] =	sst s2  }
0x8f: {  	_ = 	snop  }
0x90: {  	s2 =	sld [smem:$0x3FC9]  }
0x91: {  	s18 =	sld [smem:$0x3FD0];
	(tm) =	ssettm $0x1  }
0x92: {  	s4 =	sld [smem:$0x3FFB];
	_ =	sdelay $0x3  }
0x93: {  	_ =	strace s4  }
0x94: {  	s4 =	sld [smem:$0x3FFC];
	_ =	sdelay $0x3  }
0x95: {  	_ =	strace s4  }
0x96: {  	s4 =	sld [smem:$0x3FFD];
	_ =	sdelay $0x3  }
0x97: {  	_ =	strace s4  }
0x98: {  	_ =	strace $0x8FFFFFFF  }
0x99: {  	s19 =	sld [smem:$0x3FDB];
	_ =	sdelay $0x1  }
0x9a: {  	s5 =	simm.s32 $_scs_section_size  }
0x9b: {  	s6 =	simm.s32 $_size__tile_overlayer_lowered;
	s7 =	simm.s32 $_tile_overlayer_lowered  }
0x9c: {  	s22 =	simm.s32 $0x1BFF;
	s21 =	sshll.u32 s7, $0x1;
	s4 =	sadd.s32 s5, s19  }
0x9d: {  	s8 =	simm.s32 $0x0;
	s20 =	sshll.u32 s6, $0x1;
	s6 =	sadd.s32 s21, s4  }
0x9e: {  	[timem:s8], [sflag:s22] =	dma.local [hbm:s6], s20  }
0x9f: {  	_ =	swait.ge [sflag:s22], s20  }
0xa0: {  	s5 =	ssub.s32 $0x0, s20;
	[sflag:s22] =	ssyncset.done $0x0  }
0xa1: {  	[sflag:s22] =	ssyncadd.s32 s5;
	_ =	sdelay $0x1  }
0xa2: {  	s23 =	simm.s32 $0x1B8B  }
0xa3: {  	_ =	swait.ge [sflag:s23], $0x1  }
0xa4: {  	[sflag:s23] =	ssyncset.done $0x0  }
0xa5: {  	s25 =	simm.s32 $0x1B8E;
	s24 =	sld [smem:$0x3FFE];
	[sflag:s23] =	ssyncadd.s32 $0xFFFFFFFF  }
0xa6: {  	s26 =	simm.s32 $execute0_lowered;
	[smem:$0x3FD2] =	sst s25  }
0xa7: {  	s6 =	sshll.u32 s26, $0x1;
	_ =	strace $0x80000046;
	[dreg:$0x1] =	wrdreg $0xFFFFFFFF  }
0xa8: {  	s28 =	simm.s32 $_size_execute0_lowered;
	s4 =	sadd.s32 s4, s6;
	[dreg:$0x0] =	wrdreg $0x0  }
0xa9: {  	s6 =	sshll.u32 s28, $0x1;
	[dreg:$0x2] =	wrdreg s4  }
0xaa: {  	[dreg:$0x3] =	wrdreg s6  }
0xab: {  	[dreg:$0x4] =	wrdreg $0xC0  }
0xac: {  	_ =	task [dreg:s8], $0x5FFFF  }
0xad: {  	[dreg:$0x1] =	wrdreg $0xFFFFFFFF  }
0xae: {  	[dreg:$0x0] =	wrdreg $0x60  }
0xaf: {  	[dreg:$0x2] =	wrdreg s2  }
0xb0: {  	[dreg:$0x3] =	wrdreg s24  }
0xb1: {  	[dreg:$0x4] =	wrdreg s18  }
0xb2: {  	[dreg:$0x5] =	wrdreg $0x9  }
0xb3: {  	_ =	task.clear_ibuf [dreg:s8], $0x6FFFF;
	_ =	strace $0x90000046  }
0xb4: {  	s29 =	simm.s32 $0x9;
	_ =	strace $0x80000048  }
0xb5: {  	_ =	swait.ge [sflag:s29], $0x1  }
0xb6: {  	[sflag:s29] =	ssyncadd.s32 $0xFFFFFFFF  }
0xb7: {  	_ =	strace $0x90000048  }
0xb8: {  	_ =	sfence  }
0xb9: {  	s30 =	sld [smem:$0x0];
	_ =	sdelay $0x2  }
0xba: {  	s31 =	sshll.u32 s1, $0xD;
	s1 =	sshrl.u32 s1, $0x2  }
0xbb: {  	s3 =	sand.u32 $0x4000, s31;
	s1 =	sadd.s32 s1, s30  }
0xbc: {  	s0 =	sor.u32 s3, s0;
	s1 =	sshll.u32 s1, $0x11  }
0xbd: {  	s0 =	sor.u32 s1, s0  }
0xbe: {  	s0 =	sadd.s32 $0x8F2B, s0  }
0xbf: {  	[sflag:s0] =	ssyncadd.remote.s32 $0x1  }
0xc0: {  	_ =	sfence.sel $0xFFFF  }
0xc1: {  	[dreg:$0x0] =	wrdreg $0xFFFFFFFF;
	(pc) =	sbr.abs _section_cstart, $3  }
0xc2: {  	[dreg:$0x1] =	wrdreg $0xFFFFFFFF  }
0xc3: {  	_ =	task.clear_ibuf [dreg:s8], $0x2FFFF;
	_ =	strace $0x9FFFFFFF  }
0xc4: {  	(tm) =	ssettm $0x7FFFFFFF  }
0xc5: {  	_ =	shalt  }
tec
execute0_lowered:
.L_overlay_start_1:
0x0: {  	(tag) =	ssettag $0x1  }
0x1: {  	v0 =	vlaneseq.u32  }
0x2: {  	v0 =	vmul.u32 $0x10, v0  }
0x3: {  	s1 =	rddreg [dreg:$0x0]  }
0x4: {  	s3 =	rddreg [dreg:$0x1];
	s2 =	srdreg.scid;
	v1 =	vor.u32 $0x100, v0  }
0x5: {  	s0 =	stileid.u32;
	s4 =	rddreg [dreg:$0x2];
	s17 =	simm.s32 $0x200;
	v10 =	vor.u32 $0xA00, v0;
	v11 =	vor.u32 $0xB00, v0;
	v12 =	vor.u32 $0xC00, v0  }
0x6: {  	s18 =	simm.s32 $0x280;
	s19 =	simm.s32 $0x1200;
	s20 =	simm.s32 $0x300;
	v13 =	vor.u32 $0xD00, v0;
	v14 =	vor.u32 $0xE00, v0;
	v15 =	vor.u32 $0xF00, v0  }
0x7: {  	s22 =	simm.s32 $0x1A00;
	s23 =	simm.s32 $0x380;
	s24 =	simm.s32 $0x2200;
	v16 =	vor.u32 $0x1000, v0;
	v17 =	vor.u32 $0x1100, v0;
	v18 =	vor.u32 $0x1200, v0  }
0x8: {  	s25 =	simm.s32 $0x400;
	s5 =	sand.u32 $0x1, s2;
	s6 =	sshll.u32 s0, $0x1;
	v19 =	vor.u32 $0x1300, v0;
	v20 =	vor.u32 $0x1400, v0;
	v21 =	vor.u32 $0x1500, v0  }
0x9: {  	s26 =	simm.s32 $0x2A00;
	s9 =	simm.s32 $0x3200;
	s6 =	sor.u32 s5, s6;
	v22 =	vor.u32 $0x1600, v0;
	v23 =	vor.u32 $0x1700, v0;
	[tilespmem:$0x1FF90] =	vst v1;
	v1 =	vor.u32 $0x200, v0  }
0xa: {  	s10 =	simm.s32 $0x500;
	s2 =	simm.s32 $0x0;
	s7 =	sshll.u32 s6, $0x6;
	v24 =	vor.u32 $0x1800, v0;
	v25 =	vor.u32 $0x1900, v0;
	[tilespmem:$0x1FFA0] =	vst v1;
	v1 =	vor.u32 $0x300, v0  }
0xb: {  	[smem:$0x7FF] =	sst s2;
	s6 =	sshll.u32 s6, $0x8;
	v26 =	vor.u32 $0x1A00, v0;
	v27 =	vor.u32 $0x1B00, v0;
	v28 =	vor.u32 $0x1C00, v0;
	s1 =	sadd.s32 s1, s7;
	[tilespmem:$0x1FFB0] =	vst v1  }
0xc: {  	v29 =	vor.u32 $0x1D00, v0;
	v30 =	vor.u32 $0x1E00, v0;
	v31 =	vor.u32 $0x1F00, v0;
	s16 =	sadd.s32 s4, s6;
	_ =	strace $0x80000047;
	[dreg:$0x4] =	wrdreg s1  }
0xd: {  	s11 =	simm.s32 $0x3A00;
	s12 =	simm.s32 $0x580;
	v32 =	vor.u32 $0x2000, v0;
	v33 =	vor.u32 $0x2100, v0;
	v34 =	vor.u32 $0x2200, v0;
	[dreg:$0x5] =	wrdreg s16  }
0xe: {  	s13 =	simm.s32 $0x4200;
	s14 =	simm.s32 $0x600;
	v35 =	vor.u32 $0x2300, v0;
	v36 =	vor.u32 $0x2400, v0;
	v37 =	vor.u32 $0x2500, v0;
	[dreg:$0x6] =	wrdreg s17  }
0xf: {  	s15 =	simm.s32 $0x4A00;
	s28 =	simm.s32 $0x7A00;
	v38 =	vor.u32 $0x2600, v0;
	v39 =	vor.u32 $0x2700, v0;
	v40 =	vor.u32 $0x2800, v0;
	[dreg:$0x7] =	wrdreg s18  }
0x10: {  	s29 =	simm.s32 $0x980;
	s30 =	simm.s32 $0x8200;
	v41 =	vor.u32 $0x2900, v0;
	v42 =	vor.u32 $0x2A00, v0;
	v43 =	vor.u32 $0x2B00, v0;
	[dreg:$0x8] =	wrdreg s19  }
0x11: {  	s31 =	simm.s32 $0x1;
	s21 =	ssub.s32 $0x2, s5;
	v44 =	vor.u32 $0x2C00, v0;
	v45 =	vor.u32 $0x2D00, v0;
	v46 =	vor.u32 $0x2E00, v0;
	[dreg:$0x9] =	wrdreg s20  }
0x12: {  	s3 =	sadd.s32 $0x400, s3;
	s5 =	sshrl.u32 s21, $0x1;
	v47 =	vor.u32 $0x2F00, v0;
	v48 =	vor.u32 $0x3000, v0;
	v49 =	vor.u32 $0x3100, v0;
	[dreg:$0xa] =	wrdreg s22  }
0x13: {  	v50 =	vor.u32 $0x3200, v0;
	v51 =	vor.u32 $0x3300, v0;
	v52 =	vor.u32 $0x3400, v0;
	s4 =	ssub.s32 s21, s5;
	s5 =	simm.s32 $0x2;
	[dreg:$0xb] =	wrdreg s23  }
0x14: {  	v53 =	vor.u32 $0x3500, v0;
	v54 =	vor.u32 $0x3600, v0;
	v55 =	vor.u32 $0x3700, v0;
	s6 =	simm.s32 $0x80;
	s7 =	simm.s32 $0xA00;
	[dreg:$0xc] =	wrdreg s24  }
0x15: {  	v56 =	vor.u32 $0x3800, v0;
	v57 =	vor.u32 $0x3900, v0;
	s21 =	simm.s32 $0x6200;
	s4 =	smax.u32 s4, $0x1;
	v1 =	vor.u32 $0x400, v0;
	[dreg:$0xd] =	wrdreg s25  }
0x16: {  	v58 =	vor.u32 $0x3A00, v0;
	v59 =	vor.u32 $0x3B00, v0;
	[tilespmem:$0x1FFC0] =	vst v1;
	v1 =	vor.u32 $0x500, v0;
	[dreg:$0xe] =	wrdreg s26;
	s16 =	simm.s32 $0x680;
	s17 =	simm.s32 $0x5200  }
0x17: {  	v60 =	vor.u32 $0x3C00, v0;
	s18 =	simm.s32 $0x700;
	s19 =	simm.s32 $0x5A00;
	s20 =	simm.s32 $0x780;
	[tilespmem:$0x1FFD0] =	vst v1;
	v1 =	vor.u32 $0x600, v0  }
0x18: {  	v8 =	vor.u32 $0x800, v0;
	v61 =	vor.u32 $0x3D00, v0;
	s22 =	simm.s32 $0x800;
	s23 =	simm.s32 $0x6A00;
	s24 =	simm.s32 $0x880;
	[tilespmem:$0x1FFE0] =	vst v1;
	v1 =	vor.u32 $0x700, v0  }
0x19: {  	v9 =	vor.u32 $0x900, v0;
	v62 =	vor.u32 $0x3E00, v0;
	v63 =	vor.u32 $0x3F00, v0;
	s25 =	simm.s32 $0x7200;
	s26 =	simm.s32 $0x900;
	s1 =	simm.s32 $0x8A00;
	[tilespmem:$0x1FFF0] =	vst v1  }
.LBB2_1:
0x1a: {  	s0 =	rddreg [dreg:$0x4]  }
0x1b: {  	[tilespmem:s2], [sflag:$0x2] =	stream.linear.gather [hbm4b:s0+s2], $0x200, $0x38;
	[tilespmem:$0x9200] =	vst v63  }
0x1c: {  	_ =	swait.ge [sflag:s5], $0x200  }
0x1d: {  	[sflag:s5] =	ssyncset.done $0x0  }
0x1e: {  	[sflag:s5] =	ssyncadd.s32 $0xFFFFFE00  }
0x1f: {  	v1 =	vld [tilespmem:$0x0]  }
0x20: {  	v2 =	vld [tilespmem:$0x10]  }
0x21: {  	v3 =	vld [tilespmem:$0x20]  }
0x22: {  	v4 =	vld [tilespmem:$0x30]  }
0x23: {  	v5 =	vld [tilespmem:$0x40]  }
0x24: {  	v6 =	vld [tilespmem:$0x50];
	v1 =	vshra.s32 v1, $0x4  }
0x25: {  	[tilespmem:$0x200] =	vst v1;
	v1 =	vshra.s32 v2, $0x4;
	v2 =	vld [tilespmem:$0x60]  }
0x26: {  	[tilespmem:$0x210] =	vst v1;
	v1 =	vshra.s32 v3, $0x4;
	v3 =	vld [tilespmem:$0x70]  }
0x27: {  	[tilespmem:$0x220] =	vst v1;
	v1 =	vshra.s32 v4, $0x4  }
0x28: {  	[tilespmem:$0x230] =	vst v1;
	v1 =	vshra.s32 v5, $0x4  }
0x29: {  	[tilespmem:$0x240] =	vst v1;
	v1 =	vshra.s32 v6, $0x4  }
0x2a: {  	[tilespmem:$0x250] =	vst v1;
	v1 =	vshra.s32 v2, $0x4  }
0x2b: {  	[tilespmem:$0x260] =	vst v1;
	v1 =	vshra.s32 v3, $0x4  }
0x2c: {  	s8 =	rddreg [dreg:$0x6];
	[tilespmem:$0x270] =	vst v1  }
0x2d: {  	[tilespmem:s7], [sflag:$0x1] =	stream.indirect.gather [hbm4b:s3+s6], $0x10, s8, s6, $0xb8;
	[tilespmem:$0x9200] =	vst v63  }
0x2e: {  	v1 =	vld [tilespmem:$0x80]  }
0x2f: {  	v2 =	vld [tilespmem:$0x90]  }
0x30: {  	v3 =	vld [tilespmem:$0xA0]  }
0x31: {  	v4 =	vld [tilespmem:$0xB0]  }
0x32: {  	v5 =	vld [tilespmem:$0xC0]  }
0x33: {  	v6 =	vld [tilespmem:$0xD0];
	v1 =	vshra.s32 v1, $0x4  }
0x34: {  	[tilespmem:$0x280] =	vst v1;
	v1 =	vshra.s32 v2, $0x4;
	v2 =	vld [tilespmem:$0xE0]  }
0x35: {  	[tilespmem:$0x290] =	vst v1;
	v1 =	vshra.s32 v3, $0x4;
	v3 =	vld [tilespmem:$0xF0]  }
0x36: {  	[tilespmem:$0x2A0] =	vst v1;
	v1 =	vshra.s32 v4, $0x4  }
0x37: {  	[tilespmem:$0x2B0] =	vst v1;
	v1 =	vshra.s32 v5, $0x4  }
0x38: {  	[tilespmem:$0x2C0] =	vst v1;
	v1 =	vshra.s32 v6, $0x4  }
0x39: {  	[tilespmem:$0x2D0] =	vst v1;
	v1 =	vshra.s32 v2, $0x4  }
0x3a: {  	s0 =	rddreg [dreg:$0x7];
	[tilespmem:$0x2E0] =	vst v1;
	v1 =	vshra.s32 v3, $0x4  }
0x3b: {  	s8 =	rddreg [dreg:$0x8];
	[tilespmem:$0x2F0] =	vst v1  }
0x3c: {  	[tilespmem:s8], [sflag:$0x1] =	stream.indirect.gather [hbm4b:s3+s6], $0x10, s0, s6, $0xb8;
	[tilespmem:$0x9200] =	vst v63  }
0x3d: {  	v1 =	vld [tilespmem:$0x100]  }
0x3e: {  	v2 =	vld [tilespmem:$0x110]  }
0x3f: {  	v3 =	vld [tilespmem:$0x120]  }
0x40: {  	v4 =	vld [tilespmem:$0x130]  }
0x41: {  	v5 =	vld [tilespmem:$0x140]  }
0x42: {  	v6 =	vld [tilespmem:$0x150];
	v1 =	vshra.s32 v1, $0x4  }
0x43: {  	[tilespmem:$0x300] =	vst v1;
	v1 =	vshra.s32 v2, $0x4;
	v2 =	vld [tilespmem:$0x160]  }
0x44: {  	[tilespmem:$0x310] =	vst v1;
	v1 =	vshra.s32 v3, $0x4;
	v3 =	vld [tilespmem:$0x170]  }
0x45: {  	[tilespmem:$0x320] =	vst v1;
	v1 =	vshra.s32 v4, $0x4  }
0x46: {  	[tilespmem:$0x330] =	vst v1;
	v1 =	vshra.s32 v5, $0x4  }
0x47: {  	[tilespmem:$0x340] =	vst v1;
	v1 =	vshra.s32 v6, $0x4  }
0x48: {  	[tilespmem:$0x350] =	vst v1;
	v1 =	vshra.s32 v2, $0x4  }
0x49: {  	s0 =	rddreg [dreg:$0x9];
	[tilespmem:$0x360] =	vst v1;
	v1 =	vshra.s32 v3, $0x4  }
0x4a: {  	s8 =	rddreg [dreg:$0xa];
	[tilespmem:$0x370] =	vst v1  }
0x4b: {  	[tilespmem:s8], [sflag:$0x1] =	stream.indirect.gather [hbm4b:s3+s6], $0x10, s0, s6, $0xb8;
	[tilespmem:$0x9200] =	vst v63  }
0x4c: {  	v1 =	vld [tilespmem:$0x180]  }
0x4d: {  	v2 =	vld [tilespmem:$0x190]  }
0x4e: {  	v3 =	vld [tilespmem:$0x1A0]  }
0x4f: {  	v4 =	vld [tilespmem:$0x1B0]  }
0x50: {  	v5 =	vld [tilespmem:$0x1C0]  }
0x51: {  	v6 =	vld [tilespmem:$0x1D0];
	v1 =	vshra.s32 v1, $0x4  }
0x52: {  	[tilespmem:$0x380] =	vst v1;
	v1 =	vshra.s32 v2, $0x4;
	v2 =	vld [tilespmem:$0x1E0]  }
0x53: {  	[tilespmem:$0x390] =	vst v1;
	v1 =	vshra.s32 v3, $0x4;
	v3 =	vld [tilespmem:$0x1F0]  }
0x54: {  	[tilespmem:$0x3A0] =	vst v1;
	v1 =	vshra.s32 v4, $0x4  }
0x55: {  	[tilespmem:$0x3B0] =	vst v1;
	v1 =	vshra.s32 v5, $0x4  }
0x56: {  	[tilespmem:$0x3C0] =	vst v1;
	v1 =	vshra.s32 v6, $0x4  }
0x57: {  	[tilespmem:$0x3D0] =	vst v1;
	v1 =	vshra.s32 v2, $0x4  }
0x58: {  	s0 =	rddreg [dreg:$0xb];
	[tilespmem:$0x3E0] =	vst v1;
	v1 =	vshra.s32 v3, $0x4  }
0x59: {  	s8 =	rddreg [dreg:$0xc];
	[tilespmem:$0x3F0] =	vst v1  }
0x5a: {  	[tilespmem:s8], [sflag:$0x1] =	stream.indirect.gather [hbm4b:s3+s6], $0x10, s0, s6, $0xb8;
	[tilespmem:$0x9200] =	vst v63  }
0x5b: {  	v1 =	vld [tilespmem:$0x0]  }
0x5c: {  	v2 =	vld [tilespmem:$0x10]  }
0x5d: {  	v3 =	vld [tilespmem:$0x20]  }
0x5e: {  	v4 =	vld [tilespmem:$0x30]  }
0x5f: {  	v5 =	vld [tilespmem:$0x40]  }
0x60: {  	v6 =	vld [tilespmem:$0x50];
	v1 =	vshra.s32 v1, $0x4  }
0x61: {  	v7 =	vld [tilespmem:$0x60];
	v2 =	vshra.s32 v2, $0x4;
	v1 =	vadd.s32 $0xF424, v1  }
0x62: {  	[tilespmem:$0x400] =	vst v1;
	v1 =	vadd.s32 $0xF424, v2;
	v2 =	vshra.s32 v3, $0x4;
	v3 =	vld [tilespmem:$0x70]  }
0x63: {  	[tilespmem:$0x410] =	vst v1;
	v1 =	vadd.s32 $0xF424, v2;
	v2 =	vshra.s32 v4, $0x4  }
0x64: {  	[tilespmem:$0x420] =	vst v1;
	v1 =	vadd.s32 $0xF424, v2;
	v2 =	vshra.s32 v5, $0x4  }
0x65: {  	[tilespmem:$0x430] =	vst v1;
	v1 =	vadd.s32 $0xF424, v2;
	v2 =	vshra.s32 v6, $0x4  }
0x66: {  	[tilespmem:$0x440] =	vst v1;
	v1 =	vadd.s32 $0xF424, v2;
	v2 =	vshra.s32 v7, $0x4  }
0x67: {  	[tilespmem:$0x450] =	vst v1;
	v1 =	vadd.s32 $0xF424, v2;
	v2 =	vshra.s32 v3, $0x4  }
0x68: {  	s0 =	rddreg [dreg:$0xd];
	[tilespmem:$0x460] =	vst v1;
	v1 =	vadd.s32 $0xF424, v2  }
0x69: {  	s8 =	rddreg [dreg:$0xe];
	[tilespmem:$0x470] =	vst v1  }
0x6a: {  	[tilespmem:s8], [sflag:$0x1] =	stream.indirect.gather [hbm4b:s3+s6], $0x10, s0, s6, $0xb8;
	[tilespmem:$0x9200] =	vst v63  }
0x6b: {  	v1 =	vld [tilespmem:$0x80]  }
0x6c: {  	v2 =	vld [tilespmem:$0x90]  }
0x6d: {  	v3 =	vld [tilespmem:$0xA0]  }
0x6e: {  	v4 =	vld [tilespmem:$0xB0]  }
0x6f: {  	v5 =	vld [tilespmem:$0xC0]  }
0x70: {  	v6 =	vld [tilespmem:$0xD0];
	v1 =	vshra.s32 v1, $0x4  }
0x71: {  	v7 =	vld [tilespmem:$0xE0];
	v2 =	vshra.s32 v2, $0x4;
	v1 =	vadd.s32 $0xF424, v1  }
0x72: {  	[tilespmem:$0x480] =	vst v1;
	v1 =	vadd.s32 $0xF424, v2;
	v2 =	vshra.s32 v3, $0x4;
	v3 =	vld [tilespmem:$0xF0]  }
0x73: {  	[tilespmem:$0x490] =	vst v1;
	v1 =	vadd.s32 $0xF424, v2;
	v2 =	vshra.s32 v4, $0x4  }
0x74: {  	[tilespmem:$0x4A0] =	vst v1;
	v1 =	vadd.s32 $0xF424, v2;
	v2 =	vshra.s32 v5, $0x4  }
0x75: {  	[tilespmem:$0x4B0] =	vst v1;
	v1 =	vadd.s32 $0xF424, v2;
	v2 =	vshra.s32 v6, $0x4  }
0x76: {  	[tilespmem:$0x4C0] =	vst v1;
	v1 =	vadd.s32 $0xF424, v2;
	v2 =	vshra.s32 v7, $0x4  }
0x77: {  	[tilespmem:$0x4D0] =	vst v1;
	v1 =	vadd.s32 $0xF424, v2;
	v2 =	vshra.s32 v3, $0x4  }
0x78: {  	[tilespmem:$0x4E0] =	vst v1;
	v1 =	vadd.s32 $0xF424, v2  }
0x79: {  	s8 =	simm.s32 $0x480;
	[tilespmem:$0x4F0] =	vst v1  }
0x7a: {  	[tilespmem:s9], [sflag:$0x1] =	stream.indirect.gather [hbm4b:s3+s6], $0x10, s8, s6, $0xb8;
	[tilespmem:$0x9200] =	vst v63  }
0x7b: {  	v1 =	vld [tilespmem:$0x100]  }
0x7c: {  	v2 =	vld [tilespmem:$0x110]  }
0x7d: {  	v3 =	vld [tilespmem:$0x120]  }
0x7e: {  	v4 =	vld [tilespmem:$0x130]  }
0x7f: {  	v5 =	vld [tilespmem:$0x140]  }
0x80: {  	v6 =	vld [tilespmem:$0x150];
	v1 =	vshra.s32 v1, $0x4  }
0x81: {  	v7 =	vld [tilespmem:$0x160];
	v2 =	vshra.s32 v2, $0x4;
	v1 =	vadd.s32 $0xF424, v1  }
0x82: {  	[tilespmem:$0x500] =	vst v1;
	v1 =	vadd.s32 $0xF424, v2;
	v2 =	vshra.s32 v3, $0x4;
	v3 =	vld [tilespmem:$0x170]  }
0x83: {  	[tilespmem:$0x510] =	vst v1;
	v1 =	vadd.s32 $0xF424, v2;
	v2 =	vshra.s32 v4, $0x4  }
0x84: {  	[tilespmem:$0x520] =	vst v1;
	v1 =	vadd.s32 $0xF424, v2;
	v2 =	vshra.s32 v5, $0x4  }
0x85: {  	[tilespmem:$0x530] =	vst v1;
	v1 =	vadd.s32 $0xF424, v2;
	v2 =	vshra.s32 v6, $0x4  }
0x86: {  	[tilespmem:$0x540] =	vst v1;
	v1 =	vadd.s32 $0xF424, v2;
	v2 =	vshra.s32 v7, $0x4  }
0x87: {  	[tilespmem:$0x550] =	vst v1;
	v1 =	vadd.s32 $0xF424, v2;
	v2 =	vshra.s32 v3, $0x4  }
0x88: {  	[tilespmem:$0x560] =	vst v1;
	v1 =	vadd.s32 $0xF424, v2  }
0x89: {  	[tilespmem:$0x570] =	vst v1  }
0x8a: {  	[tilespmem:s11], [sflag:$0x1] =	stream.indirect.gather [hbm4b:s3+s6], $0x10, s10, s6, $0xb8;
	[tilespmem:$0x9200] =	vst v63  }
0x8b: {  	v1 =	vld [tilespmem:$0x180]  }
0x8c: {  	v2 =	vld [tilespmem:$0x190]  }
0x8d: {  	v3 =	vld [tilespmem:$0x1A0]  }
0x8e: {  	v4 =	vld [tilespmem:$0x1B0]  }
0x8f: {  	v5 =	vld [tilespmem:$0x1C0]  }
0x90: {  	v6 =	vld [tilespmem:$0x1D0];
	v1 =	vshra.s32 v1, $0x4  }
0x91: {  	v7 =	vld [tilespmem:$0x1E0];
	v2 =	vshra.s32 v2, $0x4;
	v1 =	vadd.s32 $0xF424, v1  }
0x92: {  	[tilespmem:$0x580] =	vst v1;
	v1 =	vadd.s32 $0xF424, v2;
	v2 =	vshra.s32 v3, $0x4;
	v3 =	vld [tilespmem:$0x1F0]  }
0x93: {  	[tilespmem:$0x590] =	vst v1;
	v1 =	vadd.s32 $0xF424, v2;
	v2 =	vshra.s32 v4, $0x4  }
0x94: {  	[tilespmem:$0x5A0] =	vst v1;
	v1 =	vadd.s32 $0xF424, v2;
	v2 =	vshra.s32 v5, $0x4  }
0x95: {  	[tilespmem:$0x5B0] =	vst v1;
	v1 =	vadd.s32 $0xF424, v2;
	v2 =	vshra.s32 v6, $0x4  }
0x96: {  	[tilespmem:$0x5C0] =	vst v1;
	v1 =	vadd.s32 $0xF424, v2;
	v2 =	vshra.s32 v7, $0x4  }
0x97: {  	[tilespmem:$0x5D0] =	vst v1;
	v1 =	vadd.s32 $0xF424, v2;
	v2 =	vshra.s32 v3, $0x4  }
0x98: {  	[tilespmem:$0x5E0] =	vst v1;
	v1 =	vadd.s32 $0xF424, v2  }
0x99: {  	[tilespmem:$0x5F0] =	vst v1  }
0x9a: {  	[tilespmem:s13], [sflag:$0x1] =	stream.indirect.gather [hbm4b:s3+s6], $0x10, s12, s6, $0xb8;
	[tilespmem:$0x9200] =	vst v63  }
0x9b: {  	v1 =	vld [tilespmem:$0x0]  }
0x9c: {  	v2 =	vld [tilespmem:$0x10]  }
0x9d: {  	v3 =	vld [tilespmem:$0x20]  }
0x9e: {  	v4 =	vld [tilespmem:$0x30]  }
0x9f: {  	v5 =	vld [tilespmem:$0x40]  }
0xa0: {  	v6 =	vld [tilespmem:$0x50];
	v1 =	vshra.s32 v1, $0x4  }
0xa1: {  	v7 =	vld [tilespmem:$0x60];
	v2 =	vshra.s32 v2, $0x4;
	v1 =	vadd.s32 $0x1E848, v1  }
0xa2: {  	[tilespmem:$0x600] =	vst v1;
	v1 =	vadd.s32 $0x1E848, v2;
	v2 =	vshra.s32 v3, $0x4;
	v3 =	vld [tilespmem:$0x70]  }
0xa3: {  	[tilespmem:$0x610] =	vst v1;
	v1 =	vadd.s32 $0x1E848, v2;
	v2 =	vshra.s32 v4, $0x4  }
0xa4: {  	[tilespmem:$0x620] =	vst v1;
	v1 =	vadd.s32 $0x1E848, v2;
	v2 =	vshra.s32 v5, $0x4  }
0xa5: {  	[tilespmem:$0x630] =	vst v1;
	v1 =	vadd.s32 $0x1E848, v2;
	v2 =	vshra.s32 v6, $0x4  }
0xa6: {  	[tilespmem:$0x640] =	vst v1;
	v1 =	vadd.s32 $0x1E848, v2;
	v2 =	vshra.s32 v7, $0x4  }
0xa7: {  	[tilespmem:$0x650] =	vst v1;
	v1 =	vadd.s32 $0x1E848, v2;
	v2 =	vshra.s32 v3, $0x4  }
0xa8: {  	[tilespmem:$0x660] =	vst v1;
	v1 =	vadd.s32 $0x1E848, v2  }
0xa9: {  	[tilespmem:$0x670] =	vst v1  }
0xaa: {  	[tilespmem:s15], [sflag:$0x1] =	stream.indirect.gather [hbm4b:s3+s6], $0x10, s14, s6, $0xb8;
	[tilespmem:$0x9200] =	vst v63  }
0xab: {  	v1 =	vld [tilespmem:$0x80]  }
0xac: {  	v2 =	vld [tilespmem:$0x90]  }
0xad: {  	v3 =	vld [tilespmem:$0xA0]  }
0xae: {  	v4 =	vld [tilespmem:$0xB0]  }
0xaf: {  	v5 =	vld [tilespmem:$0xC0]  }
0xb0: {  	v6 =	vld [tilespmem:$0xD0];
	v1 =	vshra.s32 v1, $0x4  }
0xb1: {  	v7 =	vld [tilespmem:$0xE0];
	v2 =	vshra.s32 v2, $0x4;
	v1 =	vadd.s32 $0x1E848, v1  }
0xb2: {  	[tilespmem:$0x680] =	vst v1;
	v1 =	vadd.s32 $0x1E848, v2;
	v2 =	vshra.s32 v3, $0x4;
	v3 =	vld [tilespmem:$0xF0]  }
0xb3: {  	[tilespmem:$0x690] =	vst v1;
	v1 =	vadd.s32 $0x1E848, v2;
	v2 =	vshra.s32 v4, $0x4  }
0xb4: {  	[tilespmem:$0x6A0] =	vst v1;
	v1 =	vadd.s32 $0x1E848, v2;
	v2 =	vshra.s32 v5, $0x4  }
0xb5: {  	[tilespmem:$0x6B0] =	vst v1;
	v1 =	vadd.s32 $0x1E848, v2;
	v2 =	vshra.s32 v6, $0x4  }
0xb6: {  	[tilespmem:$0x6C0] =	vst v1;
	v1 =	vadd.s32 $0x1E848, v2;
	v2 =	vshra.s32 v7, $0x4  }
0xb7: {  	[tilespmem:$0x6D0] =	vst v1;
	v1 =	vadd.s32 $0x1E848, v2;
	v2 =	vshra.s32 v3, $0x4  }
0xb8: {  	[tilespmem:$0x6E0] =	vst v1;
	v1 =	vadd.s32 $0x1E848, v2  }
0xb9: {  	[tilespmem:$0x6F0] =	vst v1  }
0xba: {  	[tilespmem:s17], [sflag:$0x1] =	stream.indirect.gather [hbm4b:s3+s6], $0x10, s16, s6, $0xb8;
	[tilespmem:$0x9200] =	vst v63  }
0xbb: {  	v1 =	vld [tilespmem:$0x100]  }
0xbc: {  	v2 =	vld [tilespmem:$0x110]  }
0xbd: {  	v3 =	vld [tilespmem:$0x120]  }
0xbe: {  	v4 =	vld [tilespmem:$0x130]  }
0xbf: {  	v5 =	vld [tilespmem:$0x140]  }
0xc0: {  	v6 =	vld [tilespmem:$0x150];
	v1 =	vshra.s32 v1, $0x4  }
0xc1: {  	v7 =	vld [tilespmem:$0x160];
	v2 =	vshra.s32 v2, $0x4;
	v1 =	vadd.s32 $0x1E848, v1  }
0xc2: {  	[tilespmem:$0x700] =	vst v1;
	v1 =	vadd.s32 $0x1E848, v2;
	v2 =	vshra.s32 v3, $0x4;
	v3 =	vld [tilespmem:$0x170]  }
0xc3: {  	[tilespmem:$0x710] =	vst v1;
	v1 =	vadd.s32 $0x1E848, v2;
	v2 =	vshra.s32 v4, $0x4  }
0xc4: {  	[tilespmem:$0x720] =	vst v1;
	v1 =	vadd.s32 $0x1E848, v2;
	v2 =	vshra.s32 v5, $0x4  }
0xc5: {  	[tilespmem:$0x730] =	vst v1;
	v1 =	vadd.s32 $0x1E848, v2;
	v2 =	vshra.s32 v6, $0x4  }
0xc6: {  	[tilespmem:$0x740] =	vst v1;
	v1 =	vadd.s32 $0x1E848, v2;
	v2 =	vshra.s32 v7, $0x4  }
0xc7: {  	[tilespmem:$0x750] =	vst v1;
	v1 =	vadd.s32 $0x1E848, v2;
	v2 =	vshra.s32 v3, $0x4  }
0xc8: {  	[tilespmem:$0x760] =	vst v1;
	v1 =	vadd.s32 $0x1E848, v2  }
0xc9: {  	[tilespmem:$0x770] =	vst v1  }
0xca: {  	[tilespmem:s19], [sflag:$0x1] =	stream.indirect.gather [hbm4b:s3+s6], $0x10, s18, s6, $0xb8;
	[tilespmem:$0x9200] =	vst v63  }
0xcb: {  	v1 =	vld [tilespmem:$0x180]  }
0xcc: {  	v2 =	vld [tilespmem:$0x190]  }
0xcd: {  	v3 =	vld [tilespmem:$0x1A0];
	_ =	sdelay $0x2  }
0xce: {  	v1 =	vshra.s32 v1, $0x4  }
0xcf: {  	v2 =	vshra.s32 v2, $0x4;
	v1 =	vadd.s32 $0x1E848, v1  }
0xd0: {  	[tilespmem:$0x780] =	vst v1;
	v1 =	vadd.s32 $0x1E848, v2;
	v2 =	vshra.s32 v3, $0x4  }
0xd1: {  	[tilespmem:$0x790] =	vst v1;
	v1 =	vadd.s32 $0x1E848, v2  }
0xd2: {  	[tilespmem:$0x7A0] =	vst v1;
	v1 =	vld [tilespmem:$0x1B0]  }
0xd3: {  	v2 =	vld [tilespmem:$0x1C0]  }
0xd4: {  	v3 =	vld [tilespmem:$0x1D0]  }
0xd5: {  	v4 =	vld [tilespmem:$0x1E0]  }
0xd6: {  	v5 =	vld [tilespmem:$0x1F0]  }
0xd7: {  	v1 =	vshra.s32 v1, $0x4  }
0xd8: {  	v2 =	vshra.s32 v2, $0x4;
	v1 =	vadd.s32 $0x1E848, v1  }
0xd9: {  	[tilespmem:$0x7B0] =	vst v1;
	v1 =	vadd.s32 $0x1E848, v2;
	v2 =	vshra.s32 v3, $0x4  }
0xda: {  	[tilespmem:$0x7C0] =	vst v1;
	v1 =	vadd.s32 $0x1E848, v2;
	v2 =	vshra.s32 v4, $0x4  }
0xdb: {  	[tilespmem:$0x7D0] =	vst v1;
	v1 =	vadd.s32 $0x1E848, v2;
	v2 =	vshra.s32 v5, $0x4  }
0xdc: {  	[tilespmem:$0x7E0] =	vst v1;
	v1 =	vadd.s32 $0x1E848, v2  }
0xdd: {  	[tilespmem:$0x7F0] =	vst v1  }
0xde: {  	[tilespmem:s21], [sflag:$0x1] =	stream.indirect.gather [hbm4b:s3+s6], $0x10, s20, s6, $0xb8;
	[tilespmem:$0x9200] =	vst v63  }
0xdf: {  	v1 =	vld [tilespmem:$0x0]  }
0xe0: {  	v2 =	vld [tilespmem:$0x10]  }
0xe1: {  	v3 =	vld [tilespmem:$0x20]  }
0xe2: {  	v4 =	vld [tilespmem:$0x30]  }
0xe3: {  	v5 =	vld [tilespmem:$0x40]  }
0xe4: {  	v6 =	vld [tilespmem:$0x50];
	v1 =	vshra.s32 v1, $0x4  }
0xe5: {  	v7 =	vld [tilespmem:$0x60];
	v2 =	vshra.s32 v2, $0x4;
	v1 =	vadd.s32 $0x2DC6C, v1  }
0xe6: {  	[tilespmem:$0x800] =	vst v1;
	v1 =	vadd.s32 $0x2DC6C, v2;
	v2 =	vshra.s32 v3, $0x4;
	v3 =	vld [tilespmem:$0x70]  }
0xe7: {  	[tilespmem:$0x810] =	vst v1;
	v1 =	vadd.s32 $0x2DC6C, v2;
	v2 =	vshra.s32 v4, $0x4  }
0xe8: {  	[tilespmem:$0x820] =	vst v1;
	v1 =	vadd.s32 $0x2DC6C, v2;
	v2 =	vshra.s32 v5, $0x4  }
0xe9: {  	[tilespmem:$0x830] =	vst v1;
	v1 =	vadd.s32 $0x2DC6C, v2;
	v2 =	vshra.s32 v6, $0x4  }
0xea: {  	[tilespmem:$0x840] =	vst v1;
	v1 =	vadd.s32 $0x2DC6C, v2;
	v2 =	vshra.s32 v7, $0x4  }
0xeb: {  	[tilespmem:$0x850] =	vst v1;
	v1 =	vadd.s32 $0x2DC6C, v2;
	v2 =	vshra.s32 v3, $0x4  }
0xec: {  	[tilespmem:$0x860] =	vst v1;
	v1 =	vadd.s32 $0x2DC6C, v2  }
0xed: {  	[tilespmem:$0x870] =	vst v1  }
0xee: {  	[tilespmem:s23], [sflag:$0x1] =	stream.indirect.gather [hbm4b:s3+s6], $0x10, s22, s6, $0xb8;
	[tilespmem:$0x9200] =	vst v63  }
0xef: {  	v1 =	vld [tilespmem:$0x80]  }
0xf0: {  	v2 =	vld [tilespmem:$0x90]  }
0xf1: {  	v3 =	vld [tilespmem:$0xA0]  }
0xf2: {  	v4 =	vld [tilespmem:$0xB0]  }
0xf3: {  	v5 =	vld [tilespmem:$0xC0]  }
0xf4: {  	v6 =	vld [tilespmem:$0xD0];
	v1 =	vshra.s32 v1, $0x4  }
0xf5: {  	v7 =	vld [tilespmem:$0xE0];
	v2 =	vshra.s32 v2, $0x4;
	v1 =	vadd.s32 $0x2DC6C, v1  }
0xf6: {  	[tilespmem:$0x880] =	vst v1;
	v1 =	vadd.s32 $0x2DC6C, v2;
	v2 =	vshra.s32 v3, $0x4;
	v3 =	vld [tilespmem:$0xF0]  }
0xf7: {  	[tilespmem:$0x890] =	vst v1;
	v1 =	vadd.s32 $0x2DC6C, v2;
	v2 =	vshra.s32 v4, $0x4  }
0xf8: {  	[tilespmem:$0x8A0] =	vst v1;
	v1 =	vadd.s32 $0x2DC6C, v2;
	v2 =	vshra.s32 v5, $0x4  }
0xf9: {  	[tilespmem:$0x8B0] =	vst v1;
	v1 =	vadd.s32 $0x2DC6C, v2;
	v2 =	vshra.s32 v6, $0x4  }
0xfa: {  	[tilespmem:$0x8C0] =	vst v1;
	v1 =	vadd.s32 $0x2DC6C, v2;
	v2 =	vshra.s32 v7, $0x4  }
0xfb: {  	[tilespmem:$0x8D0] =	vst v1;
	v1 =	vadd.s32 $0x2DC6C, v2;
	v2 =	vshra.s32 v3, $0x4  }
0xfc: {  	[tilespmem:$0x8E0] =	vst v1;
	v1 =	vadd.s32 $0x2DC6C, v2  }
0xfd: {  	[tilespmem:$0x8F0] =	vst v1  }
0xfe: {  	[tilespmem:s25], [sflag:$0x1] =	stream.indirect.gather [hbm4b:s3+s6], $0x10, s24, s6, $0xb8;
	[tilespmem:$0x9200] =	vst v63  }
0xff: {  	v1 =	vld [tilespmem:$0x100]  }
0x100: {  	v2 =	vld [tilespmem:$0x110]  }
0x101: {  	v3 =	vld [tilespmem:$0x120]  }
0x102: {  	v4 =	vld [tilespmem:$0x130]  }
0x103: {  	v5 =	vld [tilespmem:$0x140]  }
0x104: {  	v6 =	vld [tilespmem:$0x150];
	v1 =	vshra.s32 v1, $0x4  }
0x105: {  	v7 =	vld [tilespmem:$0x160];
	v2 =	vshra.s32 v2, $0x4;
	v1 =	vadd.s32 $0x2DC6C, v1  }
0x106: {  	[tilespmem:$0x900] =	vst v1;
	v1 =	vadd.s32 $0x2DC6C, v2;
	v2 =	vshra.s32 v3, $0x4;
	v3 =	vld [tilespmem:$0x170]  }
0x107: {  	[tilespmem:$0x910] =	vst v1;
	v1 =	vadd.s32 $0x2DC6C, v2;
	v2 =	vshra.s32 v4, $0x4  }
0x108: {  	[tilespmem:$0x920] =	vst v1;
	v1 =	vadd.s32 $0x2DC6C, v2;
	v2 =	vshra.s32 v5, $0x4  }
0x109: {  	[tilespmem:$0x930] =	vst v1;
	v1 =	vadd.s32 $0x2DC6C, v2;
	v2 =	vshra.s32 v6, $0x4  }
0x10a: {  	[tilespmem:$0x940] =	vst v1;
	v1 =	vadd.s32 $0x2DC6C, v2;
	v2 =	vshra.s32 v7, $0x4  }
0x10b: {  	[tilespmem:$0x950] =	vst v1;
	v1 =	vadd.s32 $0x2DC6C, v2;
	v2 =	vshra.s32 v3, $0x4  }
0x10c: {  	[tilespmem:$0x960] =	vst v1;
	v1 =	vadd.s32 $0x2DC6C, v2  }
0x10d: {  	[tilespmem:$0x970] =	vst v1  }
0x10e: {  	[tilespmem:s28], [sflag:$0x1] =	stream.indirect.gather [hbm4b:s3+s6], $0x10, s26, s6, $0xb8;
	[tilespmem:$0x9200] =	vst v63  }
0x10f: {  	v1 =	vld [tilespmem:$0x180]  }
0x110: {  	v2 =	vld [tilespmem:$0x190]  }
0x111: {  	v3 =	vld [tilespmem:$0x1A0]  }
0x112: {  	v4 =	vld [tilespmem:$0x1B0]  }
0x113: {  	v5 =	vld [tilespmem:$0x1C0]  }
0x114: {  	v6 =	vld [tilespmem:$0x1D0];
	v1 =	vshra.s32 v1, $0x4  }
0x115: {  	v7 =	vld [tilespmem:$0x1E0];
	v2 =	vshra.s32 v2, $0x4;
	v1 =	vadd.s32 $0x2DC6C, v1  }
0x116: {  	[tilespmem:$0x980] =	vst v1;
	v1 =	vadd.s32 $0x2DC6C, v2;
	v2 =	vshra.s32 v3, $0x4;
	v3 =	vld [tilespmem:$0x1F0]  }
0x117: {  	[tilespmem:$0x990] =	vst v1;
	v1 =	vadd.s32 $0x2DC6C, v2;
	v2 =	vshra.s32 v4, $0x4  }
0x118: {  	[tilespmem:$0x9A0] =	vst v1;
	v1 =	vadd.s32 $0x2DC6C, v2;
	v2 =	vshra.s32 v5, $0x4  }
0x119: {  	[tilespmem:$0x9B0] =	vst v1;
	v1 =	vadd.s32 $0x2DC6C, v2;
	v2 =	vshra.s32 v6, $0x4  }
0x11a: {  	[tilespmem:$0x9C0] =	vst v1;
	v1 =	vadd.s32 $0x2DC6C, v2;
	v2 =	vshra.s32 v7, $0x4  }
0x11b: {  	[tilespmem:$0x9D0] =	vst v1;
	v1 =	vadd.s32 $0x2DC6C, v2;
	v2 =	vshra.s32 v3, $0x4  }
0x11c: {  	[tilespmem:$0x9E0] =	vst v1;
	v1 =	vadd.s32 $0x2DC6C, v2  }
0x11d: {  	[tilespmem:$0x9F0] =	vst v1  }
0x11e: {  	[tilespmem:s30], [sflag:$0x1] =	stream.indirect.gather [hbm4b:s3+s6], $0x10, s29, s6, $0xb8;
	[tilespmem:$0x9200] =	vst v63  }
0x11f: {  	_ =	swait.ge [sflag:s31], $0x800  }
0x120: {  	[sflag:s31] =	ssyncset.done $0x0  }
0x121: {  	[sflag:s31] =	ssyncadd.s32 $0xFFFFF800  }
0x122: {  	v1 =	vld [tilespmem:$0x0];
	_ =	sdelay $0x4  }
0x123: {  	v1 =	vand.u32 $0xF, v1  }
0x124: {  	v2 =	vld [tilespmem:$0x10];
	v1 =	vor.u32 v0, v1  }
0x125: {  	v3 =	vld [tilespmem:$0x1FF90];
	_ =	sdelay $0x3  }
0x126: {  	v2 =	vand.u32 $0xF, v2;
	v1 =	vld.idx.msk [tilespmem:v1+s7+$0x0], $0xffff  }
0x127: {  	v2 =	vor.u32 v3, v2  }
0x128: {  	v3 =	vld [tilespmem:$0x20];
	_ =	sdelay $0x2  }
0x129: {  	[tilespmem:$0x8A00] =	vst v1  }
0x12a: {  	v1 =	vld.idx.msk [tilespmem:v2+s7+$0x0], $0xffff  }
0x12b: {  	v2 =	vand.u32 $0xF, v3;
	v3 =	vld [tilespmem:$0x1FFA0];
	_ =	sdelay $0x4  }
0x12c: {  	v2 =	vor.u32 v3, v2  }
0x12d: {  	v3 =	vld [tilespmem:$0x30];
	_ =	sdelay $0x2  }
0x12e: {  	[tilespmem:$0x8A10] =	vst v1  }
0x12f: {  	v1 =	vld.idx.msk [tilespmem:v2+s7+$0x0], $0xffff  }
0x130: {  	v2 =	vand.u32 $0xF, v3;
	v3 =	vld [tilespmem:$0x1FFB0];
	_ =	sdelay $0x4  }
0x131: {  	v2 =	vor.u32 v3, v2  }
0x132: {  	v3 =	vld [tilespmem:$0x40];
	_ =	sdelay $0x2  }
0x133: {  	[tilespmem:$0x8A20] =	vst v1  }
0x134: {  	v1 =	vld.idx.msk [tilespmem:v2+s7+$0x0], $0xffff  }
0x135: {  	v2 =	vand.u32 $0xF, v3;
	v3 =	vld [tilespmem:$0x1FFC0];
	_ =	sdelay $0x4  }
0x136: {  	v2 =	vor.u32 v3, v2  }
0x137: {  	v3 =	vld [tilespmem:$0x50];
	_ =	sdelay $0x2  }
0x138: {  	[tilespmem:$0x8A30] =	vst v1  }
0x139: {  	v1 =	vld.idx.msk [tilespmem:v2+s7+$0x0], $0xffff  }
0x13a: {  	v2 =	vand.u32 $0xF, v3;
	v3 =	vld [tilespmem:$0x1FFD0];
	_ =	sdelay $0x4  }
0x13b: {  	v2 =	vor.u32 v3, v2  }
0x13c: {  	v3 =	vld [tilespmem:$0x60];
	_ =	sdelay $0x2  }
0x13d: {  	[tilespmem:$0x8A40] =	vst v1  }
0x13e: {  	v1 =	vld.idx.msk [tilespmem:v2+s7+$0x0], $0xffff  }
0x13f: {  	v2 =	vand.u32 $0xF, v3;
	v3 =	vld [tilespmem:$0x1FFE0];
	_ =	sdelay $0x4  }
0x140: {  	v2 =	vor.u32 v3, v2  }
0x141: {  	v3 =	vld [tilespmem:$0x70];
	_ =	sdelay $0x2  }
0x142: {  	[tilespmem:$0x8A50] =	vst v1  }
0x143: {  	v1 =	vld.idx.msk [tilespmem:v2+s7+$0x0], $0xffff  }
0x144: {  	v2 =	vand.u32 $0xF, v3;
	v3 =	vld [tilespmem:$0x1FFF0];
	_ =	sdelay $0x4  }
0x145: {  	v2 =	vor.u32 v3, v2;
	_ =	sdelay $0x3  }
0x146: {  	[tilespmem:$0x8A60] =	vst v1  }
0x147: {  	v1 =	vld.idx.msk [tilespmem:v2+s7+$0x0], $0xffff;
	_ =	sdelay $0x4  }
0x148: {  	[tilespmem:$0x8A70] =	vst v1  }
0x149: {  	_ =	swait.ge [sflag:s31], $0x800  }
0x14a: {  	[sflag:s31] =	ssyncset.done $0x0  }
0x14b: {  	[sflag:s31] =	ssyncadd.s32 $0xFFFFF800  }
0x14c: {  	v1 =	vld [tilespmem:$0x80];
	_ =	sdelay $0x4  }
0x14d: {  	v1 =	vand.u32 $0xF, v1  }
0x14e: {  	v2 =	vld [tilespmem:$0x90];
	v1 =	vor.u32 v8, v1;
	_ =	sdelay $0x4  }
0x14f: {  	v2 =	vand.u32 $0xF, v2;
	v1 =	vld.idx.msk [tilespmem:v1+s7+$0x0], $0xffff  }
0x150: {  	v3 =	vld [tilespmem:$0xA0];
	v2 =	vor.u32 v9, v2;
	_ =	sdelay $0x3  }
0x151: {  	[tilespmem:$0x8C00] =	vst v1  }
0x152: {  	v1 =	vld.idx.msk [tilespmem:v2+s7+$0x0], $0xffff;
	v2 =	vand.u32 $0xF, v3  }
0x153: {  	v3 =	vld [tilespmem:$0xB0];
	v2 =	vor.u32 v10, v2;
	_ =	sdelay $0x3  }
0x154: {  	[tilespmem:$0x8C10] =	vst v1  }
0x155: {  	v1 =	vld.idx.msk [tilespmem:v2+s7+$0x0], $0xffff;
	v2 =	vand.u32 $0xF, v3  }
0x156: {  	v3 =	vld [tilespmem:$0xC0];
	v2 =	vor.u32 v11, v2;
	_ =	sdelay $0x3  }
0x157: {  	[tilespmem:$0x8C20] =	vst v1  }
0x158: {  	v1 =	vld.idx.msk [tilespmem:v2+s7+$0x0], $0xffff;
	v2 =	vand.u32 $0xF, v3  }
0x159: {  	v3 =	vld [tilespmem:$0xD0];
	v2 =	vor.u32 v12, v2;
	_ =	sdelay $0x3  }
0x15a: {  	[tilespmem:$0x8C30] =	vst v1  }
0x15b: {  	v1 =	vld.idx.msk [tilespmem:v2+s7+$0x0], $0xffff;
	v2 =	vand.u32 $0xF, v3  }
0x15c: {  	v3 =	vld [tilespmem:$0xE0];
	v2 =	vor.u32 v13, v2;
	_ =	sdelay $0x3  }
0x15d: {  	[tilespmem:$0x8C40] =	vst v1  }
0x15e: {  	v1 =	vld.idx.msk [tilespmem:v2+s7+$0x0], $0xffff;
	v2 =	vand.u32 $0xF, v3  }
0x15f: {  	v3 =	vld [tilespmem:$0xF0];
	v2 =	vor.u32 v14, v2;
	_ =	sdelay $0x3  }
0x160: {  	[tilespmem:$0x8C50] =	vst v1  }
0x161: {  	v1 =	vld.idx.msk [tilespmem:v2+s7+$0x0], $0xffff;
	v2 =	vand.u32 $0xF, v3  }
0x162: {  	v2 =	vor.u32 v15, v2;
	_ =	sdelay $0x3  }
0x163: {  	[tilespmem:$0x8C60] =	vst v1  }
0x164: {  	v1 =	vld.idx.msk [tilespmem:v2+s7+$0x0], $0xffff;
	_ =	sdelay $0x4  }
0x165: {  	[tilespmem:$0x8C70] =	vst v1  }
0x166: {  	_ =	swait.ge [sflag:s31], $0x800  }
0x167: {  	[sflag:s31] =	ssyncset.done $0x0  }
0x168: {  	[sflag:s31] =	ssyncadd.s32 $0xFFFFF800  }
0x169: {  	v1 =	vld [tilespmem:$0x100];
	_ =	sdelay $0x4  }
0x16a: {  	v1 =	vand.u32 $0xF, v1  }
0x16b: {  	v2 =	vld [tilespmem:$0x110];
	v1 =	vor.u32 v16, v1;
	_ =	sdelay $0x4  }
0x16c: {  	v2 =	vand.u32 $0xF, v2;
	v1 =	vld.idx.msk [tilespmem:v1+s7+$0x0], $0xffff  }
0x16d: {  	v3 =	vld [tilespmem:$0x120];
	v2 =	vor.u32 v17, v2;
	_ =	sdelay $0x3  }
0x16e: {  	[tilespmem:$0x8E00] =	vst v1  }
0x16f: {  	v1 =	vld.idx.msk [tilespmem:v2+s7+$0x0], $0xffff;
	v2 =	vand.u32 $0xF, v3  }
0x170: {  	v3 =	vld [tilespmem:$0x130];
	v2 =	vor.u32 v18, v2;
	_ =	sdelay $0x3  }
0x171: {  	[tilespmem:$0x8E10] =	vst v1  }
0x172: {  	v1 =	vld.idx.msk [tilespmem:v2+s7+$0x0], $0xffff;
	v2 =	vand.u32 $0xF, v3  }
0x173: {  	v3 =	vld [tilespmem:$0x140];
	v2 =	vor.u32 v19, v2;
	_ =	sdelay $0x3  }
0x174: {  	[tilespmem:$0x8E20] =	vst v1  }
0x175: {  	v1 =	vld.idx.msk [tilespmem:v2+s7+$0x0], $0xffff;
	v2 =	vand.u32 $0xF, v3  }
0x176: {  	v3 =	vld [tilespmem:$0x150];
	v2 =	vor.u32 v20, v2;
	_ =	sdelay $0x3  }
0x177: {  	[tilespmem:$0x8E30] =	vst v1  }
0x178: {  	v1 =	vld.idx.msk [tilespmem:v2+s7+$0x0], $0xffff;
	v2 =	vand.u32 $0xF, v3  }
0x179: {  	v3 =	vld [tilespmem:$0x160];
	v2 =	vor.u32 v21, v2;
	_ =	sdelay $0x3  }
0x17a: {  	[tilespmem:$0x8E40] =	vst v1  }
0x17b: {  	v1 =	vld.idx.msk [tilespmem:v2+s7+$0x0], $0xffff;
	v2 =	vand.u32 $0xF, v3  }
0x17c: {  	v3 =	vld [tilespmem:$0x170];
	v2 =	vor.u32 v22, v2;
	_ =	sdelay $0x3  }
0x17d: {  	[tilespmem:$0x8E50] =	vst v1  }
0x17e: {  	v1 =	vld.idx.msk [tilespmem:v2+s7+$0x0], $0xffff;
	v2 =	vand.u32 $0xF, v3  }
0x17f: {  	v2 =	vor.u32 v23, v2;
	_ =	sdelay $0x3  }
0x180: {  	[tilespmem:$0x8E60] =	vst v1  }
0x181: {  	v1 =	vld.idx.msk [tilespmem:v2+s7+$0x0], $0xffff;
	_ =	sdelay $0x4  }
0x182: {  	[tilespmem:$0x8E70] =	vst v1  }
0x183: {  	_ =	swait.ge [sflag:s31], $0x800  }
0x184: {  	[sflag:s31] =	ssyncset.done $0x0  }
0x185: {  	[sflag:s31] =	ssyncadd.s32 $0xFFFFF800  }
0x186: {  	v1 =	vld [tilespmem:$0x180];
	_ =	sdelay $0x4  }
0x187: {  	v1 =	vand.u32 $0xF, v1  }
0x188: {  	v2 =	vld [tilespmem:$0x190];
	v1 =	vor.u32 v24, v1;
	_ =	sdelay $0x4  }
0x189: {  	v2 =	vand.u32 $0xF, v2;
	v1 =	vld.idx.msk [tilespmem:v1+s7+$0x0], $0xffff  }
0x18a: {  	v3 =	vld [tilespmem:$0x1A0];
	v2 =	vor.u32 v25, v2;
	_ =	sdelay $0x3  }
0x18b: {  	[tilespmem:$0x9000] =	vst v1  }
0x18c: {  	v1 =	vld.idx.msk [tilespmem:v2+s7+$0x0], $0xffff;
	v2 =	vand.u32 $0xF, v3  }
0x18d: {  	v3 =	vld [tilespmem:$0x1B0];
	v2 =	vor.u32 v26, v2;
	_ =	sdelay $0x3  }
0x18e: {  	[tilespmem:$0x9010] =	vst v1  }
0x18f: {  	v1 =	vld.idx.msk [tilespmem:v2+s7+$0x0], $0xffff;
	v2 =	vand.u32 $0xF, v3  }
0x190: {  	v3 =	vld [tilespmem:$0x1C0];
	v2 =	vor.u32 v27, v2;
	_ =	sdelay $0x3  }
0x191: {  	[tilespmem:$0x9020] =	vst v1  }
0x192: {  	v1 =	vld.idx.msk [tilespmem:v2+s7+$0x0], $0xffff;
	v2 =	vand.u32 $0xF, v3  }
0x193: {  	v3 =	vld [tilespmem:$0x1D0];
	v2 =	vor.u32 v28, v2;
	_ =	sdelay $0x3  }
0x194: {  	[tilespmem:$0x9030] =	vst v1  }
0x195: {  	v1 =	vld.idx.msk [tilespmem:v2+s7+$0x0], $0xffff;
	v2 =	vand.u32 $0xF, v3  }
0x196: {  	v3 =	vld [tilespmem:$0x1E0];
	v2 =	vor.u32 v29, v2;
	_ =	sdelay $0x3  }
0x197: {  	[tilespmem:$0x9040] =	vst v1  }
0x198: {  	v1 =	vld.idx.msk [tilespmem:v2+s7+$0x0], $0xffff;
	v2 =	vand.u32 $0xF, v3  }
0x199: {  	v3 =	vld [tilespmem:$0x1F0];
	v2 =	vor.u32 v30, v2;
	_ =	sdelay $0x3  }
0x19a: {  	[tilespmem:$0x9050] =	vst v1  }
0x19b: {  	v1 =	vld.idx.msk [tilespmem:v2+s7+$0x0], $0xffff;
	v2 =	vand.u32 $0xF, v3  }
0x19c: {  	v2 =	vor.u32 v31, v2;
	_ =	sdelay $0x3  }
0x19d: {  	[tilespmem:$0x9060] =	vst v1  }
0x19e: {  	v1 =	vld.idx.msk [tilespmem:v2+s7+$0x0], $0xffff;
	_ =	sdelay $0x4  }
0x19f: {  	[tilespmem:$0x9070] =	vst v1  }
0x1a0: {  	_ =	swait.ge [sflag:s31], $0x800  }
0x1a1: {  	[sflag:s31] =	ssyncset.done $0x0  }
0x1a2: {  	[sflag:s31] =	ssyncadd.s32 $0xFFFFF800  }
0x1a3: {  	v1 =	vld [tilespmem:$0x0];
	_ =	sdelay $0x4  }
0x1a4: {  	v1 =	vand.u32 $0xF, v1  }
0x1a5: {  	v2 =	vld [tilespmem:$0x10];
	v1 =	vor.u32 v32, v1;
	_ =	sdelay $0x4  }
0x1a6: {  	v2 =	vand.u32 $0xF, v2;
	v1 =	vld.idx.msk [tilespmem:v1+s7+$0x0], $0xffff  }
0x1a7: {  	v3 =	vld [tilespmem:$0x20];
	v2 =	vor.u32 v33, v2;
	_ =	sdelay $0x3  }
0x1a8: {  	[tilespmem:$0x8A80] =	vst v1  }
0x1a9: {  	v1 =	vld.idx.msk [tilespmem:v2+s7+$0x0], $0xffff;
	v2 =	vand.u32 $0xF, v3  }
0x1aa: {  	v3 =	vld [tilespmem:$0x30];
	v2 =	vor.u32 v34, v2;
	_ =	sdelay $0x3  }
0x1ab: {  	[tilespmem:$0x8A90] =	vst v1  }
0x1ac: {  	v1 =	vld.idx.msk [tilespmem:v2+s7+$0x0], $0xffff;
	v2 =	vand.u32 $0xF, v3  }
0x1ad: {  	v3 =	vld [tilespmem:$0x40];
	v2 =	vor.u32 v35, v2;
	_ =	sdelay $0x3  }
0x1ae: {  	[tilespmem:$0x8AA0] =	vst v1  }
0x1af: {  	v1 =	vld.idx.msk [tilespmem:v2+s7+$0x0], $0xffff;
	v2 =	vand.u32 $0xF, v3  }
0x1b0: {  	v3 =	vld [tilespmem:$0x50];
	v2 =	vor.u32 v36, v2;
	_ =	sdelay $0x3  }
0x1b1: {  	[tilespmem:$0x8AB0] =	vst v1  }
0x1b2: {  	v1 =	vld.idx.msk [tilespmem:v2+s7+$0x0], $0xffff;
	v2 =	vand.u32 $0xF, v3  }
0x1b3: {  	v3 =	vld [tilespmem:$0x60];
	v2 =	vor.u32 v37, v2;
	_ =	sdelay $0x3  }
0x1b4: {  	[tilespmem:$0x8AC0] =	vst v1  }
0x1b5: {  	v1 =	vld.idx.msk [tilespmem:v2+s7+$0x0], $0xffff;
	v2 =	vand.u32 $0xF, v3  }
0x1b6: {  	v3 =	vld [tilespmem:$0x70];
	v2 =	vor.u32 v38, v2;
	_ =	sdelay $0x3  }
0x1b7: {  	[tilespmem:$0x8AD0] =	vst v1  }
0x1b8: {  	v1 =	vld.idx.msk [tilespmem:v2+s7+$0x0], $0xffff;
	v2 =	vand.u32 $0xF, v3  }
0x1b9: {  	v2 =	vor.u32 v39, v2;
	_ =	sdelay $0x3  }
0x1ba: {  	[tilespmem:$0x8AE0] =	vst v1  }
0x1bb: {  	v1 =	vld.idx.msk [tilespmem:v2+s7+$0x0], $0xffff;
	_ =	sdelay $0x4  }
0x1bc: {  	[tilespmem:$0x8AF0] =	vst v1  }
0x1bd: {  	_ =	swait.ge [sflag:s31], $0x800  }
0x1be: {  	[sflag:s31] =	ssyncset.done $0x0  }
0x1bf: {  	[sflag:s31] =	ssyncadd.s32 $0xFFFFF800  }
0x1c0: {  	v1 =	vld [tilespmem:$0x80];
	_ =	sdelay $0x4  }
0x1c1: {  	v1 =	vand.u32 $0xF, v1  }
0x1c2: {  	v2 =	vld [tilespmem:$0x90];
	v1 =	vor.u32 v40, v1;
	_ =	sdelay $0x4  }
0x1c3: {  	v2 =	vand.u32 $0xF, v2;
	v1 =	vld.idx.msk [tilespmem:v1+s7+$0x0], $0xffff  }
0x1c4: {  	v3 =	vld [tilespmem:$0xA0];
	v2 =	vor.u32 v41, v2;
	_ =	sdelay $0x3  }
0x1c5: {  	[tilespmem:$0x8C80] =	vst v1  }
0x1c6: {  	v1 =	vld.idx.msk [tilespmem:v2+s7+$0x0], $0xffff;
	v2 =	vand.u32 $0xF, v3  }
0x1c7: {  	v3 =	vld [tilespmem:$0xB0];
	v2 =	vor.u32 v42, v2;
	_ =	sdelay $0x3  }
0x1c8: {  	[tilespmem:$0x8C90] =	vst v1  }
0x1c9: {  	v1 =	vld.idx.msk [tilespmem:v2+s7+$0x0], $0xffff;
	v2 =	vand.u32 $0xF, v3  }
0x1ca: {  	v3 =	vld [tilespmem:$0xC0];
	v2 =	vor.u32 v43, v2;
	_ =	sdelay $0x3  }
0x1cb: {  	[tilespmem:$0x8CA0] =	vst v1  }
0x1cc: {  	v1 =	vld.idx.msk [tilespmem:v2+s7+$0x0], $0xffff;
	v2 =	vand.u32 $0xF, v3  }
0x1cd: {  	v3 =	vld [tilespmem:$0xD0];
	v2 =	vor.u32 v44, v2;
	_ =	sdelay $0x3  }
0x1ce: {  	[tilespmem:$0x8CB0] =	vst v1  }
0x1cf: {  	v1 =	vld.idx.msk [tilespmem:v2+s7+$0x0], $0xffff;
	v2 =	vand.u32 $0xF, v3  }
0x1d0: {  	v3 =	vld [tilespmem:$0xE0];
	v2 =	vor.u32 v45, v2;
	_ =	sdelay $0x3  }
0x1d1: {  	[tilespmem:$0x8CC0] =	vst v1  }
0x1d2: {  	v1 =	vld.idx.msk [tilespmem:v2+s7+$0x0], $0xffff;
	v2 =	vand.u32 $0xF, v3  }
0x1d3: {  	v3 =	vld [tilespmem:$0xF0];
	v2 =	vor.u32 v46, v2;
	_ =	sdelay $0x3  }
0x1d4: {  	[tilespmem:$0x8CD0] =	vst v1  }
0x1d5: {  	v1 =	vld.idx.msk [tilespmem:v2+s7+$0x0], $0xffff;
	v2 =	vand.u32 $0xF, v3  }
0x1d6: {  	v2 =	vor.u32 v47, v2;
	_ =	sdelay $0x3  }
0x1d7: {  	[tilespmem:$0x8CE0] =	vst v1  }
0x1d8: {  	v1 =	vld.idx.msk [tilespmem:v2+s7+$0x0], $0xffff;
	_ =	sdelay $0x4  }
0x1d9: {  	[tilespmem:$0x8CF0] =	vst v1  }
0x1da: {  	_ =	swait.ge [sflag:s31], $0x800  }
0x1db: {  	[sflag:s31] =	ssyncset.done $0x0  }
0x1dc: {  	[sflag:s31] =	ssyncadd.s32 $0xFFFFF800  }
0x1dd: {  	v1 =	vld [tilespmem:$0x100];
	_ =	sdelay $0x4  }
0x1de: {  	v1 =	vand.u32 $0xF, v1  }
0x1df: {  	v2 =	vld [tilespmem:$0x110];
	v1 =	vor.u32 v48, v1;
	_ =	sdelay $0x4  }
0x1e0: {  	v2 =	vand.u32 $0xF, v2;
	v1 =	vld.idx.msk [tilespmem:v1+s7+$0x0], $0xffff  }
0x1e1: {  	v3 =	vld [tilespmem:$0x120];
	v2 =	vor.u32 v49, v2;
	_ =	sdelay $0x3  }
0x1e2: {  	[tilespmem:$0x8E80] =	vst v1  }
0x1e3: {  	v1 =	vld.idx.msk [tilespmem:v2+s7+$0x0], $0xffff;
	v2 =	vand.u32 $0xF, v3  }
0x1e4: {  	v3 =	vld [tilespmem:$0x130];
	v2 =	vor.u32 v50, v2;
	_ =	sdelay $0x3  }
0x1e5: {  	[tilespmem:$0x8E90] =	vst v1  }
0x1e6: {  	v1 =	vld.idx.msk [tilespmem:v2+s7+$0x0], $0xffff;
	v2 =	vand.u32 $0xF, v3  }
0x1e7: {  	v3 =	vld [tilespmem:$0x140];
	v2 =	vor.u32 v51, v2;
	_ =	sdelay $0x3  }
0x1e8: {  	[tilespmem:$0x8EA0] =	vst v1  }
0x1e9: {  	v1 =	vld.idx.msk [tilespmem:v2+s7+$0x0], $0xffff;
	v2 =	vand.u32 $0xF, v3  }
0x1ea: {  	v3 =	vld [tilespmem:$0x150];
	v2 =	vor.u32 v52, v2;
	_ =	sdelay $0x3  }
0x1eb: {  	[tilespmem:$0x8EB0] =	vst v1  }
0x1ec: {  	v1 =	vld.idx.msk [tilespmem:v2+s7+$0x0], $0xffff;
	v2 =	vand.u32 $0xF, v3  }
0x1ed: {  	v3 =	vld [tilespmem:$0x160];
	v2 =	vor.u32 v53, v2;
	_ =	sdelay $0x3  }
0x1ee: {  	[tilespmem:$0x8EC0] =	vst v1  }
0x1ef: {  	v1 =	vld.idx.msk [tilespmem:v2+s7+$0x0], $0xffff;
	v2 =	vand.u32 $0xF, v3  }
0x1f0: {  	v3 =	vld [tilespmem:$0x170];
	v2 =	vor.u32 v54, v2;
	_ =	sdelay $0x3  }
0x1f1: {  	[tilespmem:$0x8ED0] =	vst v1  }
0x1f2: {  	v1 =	vld.idx.msk [tilespmem:v2+s7+$0x0], $0xffff;
	v2 =	vand.u32 $0xF, v3  }
0x1f3: {  	v2 =	vor.u32 v55, v2;
	_ =	sdelay $0x3  }
0x1f4: {  	[tilespmem:$0x8EE0] =	vst v1  }
0x1f5: {  	v1 =	vld.idx.msk [tilespmem:v2+s7+$0x0], $0xffff;
	_ =	sdelay $0x4  }
0x1f6: {  	[tilespmem:$0x8EF0] =	vst v1  }
0x1f7: {  	_ =	swait.ge [sflag:s31], $0x800  }
0x1f8: {  	[sflag:s31] =	ssyncset.done $0x0  }
0x1f9: {  	[sflag:s31] =	ssyncadd.s32 $0xFFFFF800  }
0x1fa: {  	v1 =	vld [tilespmem:$0x180];
	_ =	sdelay $0x4  }
0x1fb: {  	v1 =	vand.u32 $0xF, v1  }
0x1fc: {  	v2 =	vld [tilespmem:$0x190];
	v1 =	vor.u32 v56, v1;
	_ =	sdelay $0x4  }
0x1fd: {  	v2 =	vand.u32 $0xF, v2;
	v1 =	vld.idx.msk [tilespmem:v1+s7+$0x0], $0xffff  }
0x1fe: {  	v3 =	vld [tilespmem:$0x1A0];
	v2 =	vor.u32 v57, v2;
	_ =	sdelay $0x3  }
0x1ff: {  	[tilespmem:$0x9080] =	vst v1  }
0x200: {  	v1 =	vld.idx.msk [tilespmem:v2+s7+$0x0], $0xffff;
	v2 =	vand.u32 $0xF, v3  }
0x201: {  	v3 =	vld [tilespmem:$0x1B0];
	v2 =	vor.u32 v58, v2;
	_ =	sdelay $0x3  }
0x202: {  	[tilespmem:$0x9090] =	vst v1  }
0x203: {  	v1 =	vld.idx.msk [tilespmem:v2+s7+$0x0], $0xffff;
	v2 =	vand.u32 $0xF, v3  }
0x204: {  	v3 =	vld [tilespmem:$0x1C0];
	v2 =	vor.u32 v59, v2;
	_ =	sdelay $0x3  }
0x205: {  	[tilespmem:$0x90A0] =	vst v1  }
0x206: {  	v1 =	vld.idx.msk [tilespmem:v2+s7+$0x0], $0xffff;
	v2 =	vand.u32 $0xF, v3  }
0x207: {  	v3 =	vld [tilespmem:$0x1D0];
	v2 =	vor.u32 v60, v2;
	_ =	sdelay $0x3  }
0x208: {  	[tilespmem:$0x90B0] =	vst v1  }
0x209: {  	v1 =	vld.idx.msk [tilespmem:v2+s7+$0x0], $0xffff;
	v2 =	vand.u32 $0xF, v3  }
0x20a: {  	v3 =	vld [tilespmem:$0x1E0];
	v2 =	vor.u32 v61, v2;
	_ =	sdelay $0x3  }
0x20b: {  	[tilespmem:$0x90C0] =	vst v1  }
0x20c: {  	v1 =	vld.idx.msk [tilespmem:v2+s7+$0x0], $0xffff;
	v2 =	vand.u32 $0xF, v3  }
0x20d: {  	v3 =	vld [tilespmem:$0x1F0];
	v2 =	vor.u32 v62, v2;
	_ =	sdelay $0x3  }
0x20e: {  	[tilespmem:$0x90D0] =	vst v1  }
0x20f: {  	v1 =	vld.idx.msk [tilespmem:v2+s7+$0x0], $0xffff;
	v2 =	vand.u32 $0xF, v3  }
0x210: {  	v2 =	vor.u32 v63, v2;
	_ =	sdelay $0x3  }
0x211: {  	[tilespmem:$0x90E0] =	vst v1  }
0x212: {  	v1 =	vld.idx.msk [tilespmem:v2+s7+$0x0], $0xffff;
	_ =	sdelay $0x4  }
0x213: {  	[tilespmem:$0x90F0] =	vst v1  }
0x214: {  	_ =	swait.ge [sflag:s31], $0x800  }
0x215: {  	[sflag:s31] =	ssyncset.done $0x0  }
0x216: {  	[sflag:s31] =	ssyncadd.s32 $0xFFFFF800  }
0x217: {  	v1 =	vld [tilespmem:$0x0];
	_ =	sdelay $0x4  }
0x218: {  	v2 =	vor.u32 $0x4000, v0;
	v1 =	vand.u32 $0xF, v1  }
0x219: {  	v1 =	vor.u32 v2, v1;
	v2 =	vld [tilespmem:$0x10];
	_ =	sdelay $0x4  }
0x21a: {  	v3 =	vor.u32 $0x4100, v0;
	v1 =	vld.idx.msk [tilespmem:v1+s7+$0x0], $0xffff;
	v2 =	vand.u32 $0xF, v2  }
0x21b: {  	v2 =	vor.u32 v3, v2;
	v3 =	vld [tilespmem:$0x20];
	_ =	sdelay $0x3  }
0x21c: {  	[tilespmem:$0x8B00] =	vst v1  }
0x21d: {  	v1 =	vld.idx.msk [tilespmem:v2+s7+$0x0], $0xffff;
	v2 =	vand.u32 $0xF, v3;
	v3 =	vor.u32 $0x4200, v0  }
0x21e: {  	v2 =	vor.u32 v3, v2;
	v3 =	vld [tilespmem:$0x30];
	_ =	sdelay $0x3  }
0x21f: {  	[tilespmem:$0x8B10] =	vst v1  }
0x220: {  	v1 =	vld.idx.msk [tilespmem:v2+s7+$0x0], $0xffff;
	v2 =	vand.u32 $0xF, v3;
	v3 =	vor.u32 $0x4300, v0  }
0x221: {  	v2 =	vor.u32 v3, v2;
	v3 =	vld [tilespmem:$0x40];
	_ =	sdelay $0x3  }
0x222: {  	[tilespmem:$0x8B20] =	vst v1  }
0x223: {  	v1 =	vld.idx.msk [tilespmem:v2+s7+$0x0], $0xffff;
	v2 =	vand.u32 $0xF, v3;
	v3 =	vor.u32 $0x4400, v0  }
0x224: {  	v2 =	vor.u32 v3, v2;
	v3 =	vld [tilespmem:$0x50];
	_ =	sdelay $0x3  }
0x225: {  	[tilespmem:$0x8B30] =	vst v1  }
0x226: {  	v1 =	vld.idx.msk [tilespmem:v2+s7+$0x0], $0xffff;
	v2 =	vand.u32 $0xF, v3;
	v3 =	vor.u32 $0x4500, v0  }
0x227: {  	v2 =	vor.u32 v3, v2;
	v3 =	vld [tilespmem:$0x60];
	_ =	sdelay $0x3  }
0x228: {  	[tilespmem:$0x8B40] =	vst v1  }
0x229: {  	v1 =	vld.idx.msk [tilespmem:v2+s7+$0x0], $0xffff;
	v2 =	vand.u32 $0xF, v3;
	v3 =	vor.u32 $0x4600, v0  }
0x22a: {  	v2 =	vor.u32 v3, v2;
	v3 =	vld [tilespmem:$0x70];
	_ =	sdelay $0x3  }
0x22b: {  	[tilespmem:$0x8B50] =	vst v1  }
0x22c: {  	v1 =	vld.idx.msk [tilespmem:v2+s7+$0x0], $0xffff;
	v2 =	vand.u32 $0xF, v3;
	v3 =	vor.u32 $0x4700, v0  }
0x22d: {  	v2 =	vor.u32 v3, v2;
	_ =	sdelay $0x3  }
0x22e: {  	[tilespmem:$0x8B60] =	vst v1  }
0x22f: {  	v1 =	vld.idx.msk [tilespmem:v2+s7+$0x0], $0xffff;
	_ =	sdelay $0x4  }
0x230: {  	[tilespmem:$0x8B70] =	vst v1  }
0x231: {  	_ =	swait.ge [sflag:s31], $0x800  }
0x232: {  	[sflag:s31] =	ssyncset.done $0x0  }
0x233: {  	[sflag:s31] =	ssyncadd.s32 $0xFFFFF800  }
0x234: {  	v1 =	vld [tilespmem:$0x80];
	_ =	sdelay $0x4  }
0x235: {  	v2 =	vor.u32 $0x4800, v0;
	v1 =	vand.u32 $0xF, v1  }
0x236: {  	v1 =	vor.u32 v2, v1;
	v2 =	vld [tilespmem:$0x90];
	_ =	sdelay $0x4  }
0x237: {  	v3 =	vor.u32 $0x4900, v0;
	v1 =	vld.idx.msk [tilespmem:v1+s7+$0x0], $0xffff;
	v2 =	vand.u32 $0xF, v2  }
0x238: {  	v2 =	vor.u32 v3, v2;
	v3 =	vld [tilespmem:$0xA0];
	_ =	sdelay $0x3  }
0x239: {  	[tilespmem:$0x8D00] =	vst v1  }
0x23a: {  	v1 =	vld.idx.msk [tilespmem:v2+s7+$0x0], $0xffff;
	v2 =	vand.u32 $0xF, v3;
	v3 =	vor.u32 $0x4A00, v0  }
0x23b: {  	v2 =	vor.u32 v3, v2;
	v3 =	vld [tilespmem:$0xB0];
	_ =	sdelay $0x3  }
0x23c: {  	[tilespmem:$0x8D10] =	vst v1  }
0x23d: {  	v1 =	vld.idx.msk [tilespmem:v2+s7+$0x0], $0xffff;
	v2 =	vand.u32 $0xF, v3;
	v3 =	vor.u32 $0x4B00, v0  }
0x23e: {  	v2 =	vor.u32 v3, v2;
	v3 =	vld [tilespmem:$0xC0];
	_ =	sdelay $0x3  }
0x23f: {  	[tilespmem:$0x8D20] =	vst v1  }
0x240: {  	v1 =	vld.idx.msk [tilespmem:v2+s7+$0x0], $0xffff;
	v2 =	vand.u32 $0xF, v3;
	v3 =	vor.u32 $0x4C00, v0  }
0x241: {  	v2 =	vor.u32 v3, v2;
	v3 =	vld [tilespmem:$0xD0];
	_ =	sdelay $0x3  }
0x242: {  	[tilespmem:$0x8D30] =	vst v1  }
0x243: {  	v1 =	vld.idx.msk [tilespmem:v2+s7+$0x0], $0xffff;
	v2 =	vand.u32 $0xF, v3;
	v3 =	vor.u32 $0x4D00, v0  }
0x244: {  	v2 =	vor.u32 v3, v2;
	v3 =	vld [tilespmem:$0xE0];
	_ =	sdelay $0x3  }
0x245: {  	[tilespmem:$0x8D40] =	vst v1  }
0x246: {  	v1 =	vld.idx.msk [tilespmem:v2+s7+$0x0], $0xffff;
	v2 =	vand.u32 $0xF, v3;
	v3 =	vor.u32 $0x4E00, v0  }
0x247: {  	v2 =	vor.u32 v3, v2;
	v3 =	vld [tilespmem:$0xF0];
	_ =	sdelay $0x3  }
0x248: {  	[tilespmem:$0x8D50] =	vst v1  }
0x249: {  	v1 =	vld.idx.msk [tilespmem:v2+s7+$0x0], $0xffff;
	v2 =	vand.u32 $0xF, v3;
	v3 =	vor.u32 $0x4F00, v0  }
0x24a: {  	v2 =	vor.u32 v3, v2;
	_ =	sdelay $0x3  }
0x24b: {  	[tilespmem:$0x8D60] =	vst v1  }
0x24c: {  	v1 =	vld.idx.msk [tilespmem:v2+s7+$0x0], $0xffff;
	_ =	sdelay $0x4  }
0x24d: {  	[tilespmem:$0x8D70] =	vst v1  }
0x24e: {  	_ =	swait.ge [sflag:s31], $0x800  }
0x24f: {  	[sflag:s31] =	ssyncset.done $0x0  }
0x250: {  	[sflag:s31] =	ssyncadd.s32 $0xFFFFF800  }
0x251: {  	v1 =	vld [tilespmem:$0x100];
	_ =	sdelay $0x4  }
0x252: {  	v2 =	vor.u32 $0x5000, v0;
	v1 =	vand.u32 $0xF, v1  }
0x253: {  	v1 =	vor.u32 v2, v1;
	v2 =	vld [tilespmem:$0x110];
	_ =	sdelay $0x4  }
0x254: {  	v3 =	vor.u32 $0x5100, v0;
	v1 =	vld.idx.msk [tilespmem:v1+s7+$0x0], $0xffff;
	v2 =	vand.u32 $0xF, v2  }
0x255: {  	v2 =	vor.u32 v3, v2;
	v3 =	vld [tilespmem:$0x120];
	_ =	sdelay $0x3  }
0x256: {  	[tilespmem:$0x8F00] =	vst v1  }
0x257: {  	v1 =	vld.idx.msk [tilespmem:v2+s7+$0x0], $0xffff;
	v2 =	vand.u32 $0xF, v3;
	v3 =	vor.u32 $0x5200, v0  }
0x258: {  	v2 =	vor.u32 v3, v2;
	v3 =	vld [tilespmem:$0x130];
	_ =	sdelay $0x3  }
0x259: {  	[tilespmem:$0x8F10] =	vst v1  }
0x25a: {  	v1 =	vld.idx.msk [tilespmem:v2+s7+$0x0], $0xffff;
	v2 =	vand.u32 $0xF, v3;
	v3 =	vor.u32 $0x5300, v0  }
0x25b: {  	v2 =	vor.u32 v3, v2;
	v3 =	vld [tilespmem:$0x140];
	_ =	sdelay $0x3  }
0x25c: {  	[tilespmem:$0x8F20] =	vst v1  }
0x25d: {  	v1 =	vld.idx.msk [tilespmem:v2+s7+$0x0], $0xffff;
	v2 =	vand.u32 $0xF, v3;
	v3 =	vor.u32 $0x5400, v0  }
0x25e: {  	v2 =	vor.u32 v3, v2;
	v3 =	vld [tilespmem:$0x150];
	_ =	sdelay $0x3  }
0x25f: {  	[tilespmem:$0x8F30] =	vst v1  }
0x260: {  	v1 =	vld.idx.msk [tilespmem:v2+s7+$0x0], $0xffff;
	v2 =	vand.u32 $0xF, v3;
	v3 =	vor.u32 $0x5500, v0  }
0x261: {  	v2 =	vor.u32 v3, v2;
	v3 =	vld [tilespmem:$0x160];
	_ =	sdelay $0x3  }
0x262: {  	[tilespmem:$0x8F40] =	vst v1  }
0x263: {  	v1 =	vld.idx.msk [tilespmem:v2+s7+$0x0], $0xffff;
	v2 =	vand.u32 $0xF, v3;
	v3 =	vor.u32 $0x5600, v0  }
0x264: {  	v2 =	vor.u32 v3, v2;
	v3 =	vld [tilespmem:$0x170];
	_ =	sdelay $0x3  }
0x265: {  	[tilespmem:$0x8F50] =	vst v1  }
0x266: {  	v1 =	vld.idx.msk [tilespmem:v2+s7+$0x0], $0xffff;
	v2 =	vand.u32 $0xF, v3;
	v3 =	vor.u32 $0x5700, v0  }
0x267: {  	v2 =	vor.u32 v3, v2;
	_ =	sdelay $0x3  }
0x268: {  	[tilespmem:$0x8F60] =	vst v1  }
0x269: {  	v1 =	vld.idx.msk [tilespmem:v2+s7+$0x0], $0xffff;
	_ =	sdelay $0x4  }
0x26a: {  	[tilespmem:$0x8F70] =	vst v1  }
0x26b: {  	_ =	swait.ge [sflag:s31], $0x800  }
0x26c: {  	[sflag:s31] =	ssyncset.done $0x0  }
0x26d: {  	[sflag:s31] =	ssyncadd.s32 $0xFFFFF800  }
0x26e: {  	v1 =	vld [tilespmem:$0x180];
	_ =	sdelay $0x4  }
0x26f: {  	v2 =	vor.u32 $0x5800, v0;
	v1 =	vand.u32 $0xF, v1  }
0x270: {  	v1 =	vor.u32 v2, v1;
	v2 =	vld [tilespmem:$0x190];
	_ =	sdelay $0x4  }
0x271: {  	v3 =	vor.u32 $0x5900, v0;
	v1 =	vld.idx.msk [tilespmem:v1+s7+$0x0], $0xffff;
	v2 =	vand.u32 $0xF, v2  }
0x272: {  	v2 =	vor.u32 v3, v2;
	v3 =	vld [tilespmem:$0x1A0];
	_ =	sdelay $0x3  }
0x273: {  	[tilespmem:$0x9100] =	vst v1  }
0x274: {  	v1 =	vld.idx.msk [tilespmem:v2+s7+$0x0], $0xffff;
	v2 =	vand.u32 $0xF, v3;
	v3 =	vor.u32 $0x5A00, v0  }
0x275: {  	v2 =	vor.u32 v3, v2;
	v3 =	vld [tilespmem:$0x1B0];
	_ =	sdelay $0x3  }
0x276: {  	[tilespmem:$0x9110] =	vst v1  }
0x277: {  	v1 =	vld.idx.msk [tilespmem:v2+s7+$0x0], $0xffff;
	v2 =	vand.u32 $0xF, v3;
	v3 =	vor.u32 $0x5B00, v0  }
0x278: {  	v2 =	vor.u32 v3, v2;
	v3 =	vld [tilespmem:$0x1C0];
	_ =	sdelay $0x3  }
0x279: {  	[tilespmem:$0x9120] =	vst v1  }
0x27a: {  	v1 =	vld.idx.msk [tilespmem:v2+s7+$0x0], $0xffff;
	v2 =	vand.u32 $0xF, v3;
	v3 =	vor.u32 $0x5C00, v0  }
0x27b: {  	v2 =	vor.u32 v3, v2;
	v3 =	vld [tilespmem:$0x1D0];
	_ =	sdelay $0x3  }
0x27c: {  	[tilespmem:$0x9130] =	vst v1  }
0x27d: {  	v1 =	vld.idx.msk [tilespmem:v2+s7+$0x0], $0xffff;
	v2 =	vand.u32 $0xF, v3;
	v3 =	vor.u32 $0x5D00, v0  }
0x27e: {  	v2 =	vor.u32 v3, v2;
	v3 =	vld [tilespmem:$0x1E0];
	_ =	sdelay $0x3  }
0x27f: {  	[tilespmem:$0x9140] =	vst v1  }
0x280: {  	v1 =	vld.idx.msk [tilespmem:v2+s7+$0x0], $0xffff;
	v2 =	vand.u32 $0xF, v3;
	v3 =	vor.u32 $0x5E00, v0  }
0x281: {  	v2 =	vor.u32 v3, v2;
	v3 =	vld [tilespmem:$0x1F0];
	_ =	sdelay $0x3  }
0x282: {  	[tilespmem:$0x9150] =	vst v1  }
0x283: {  	v1 =	vld.idx.msk [tilespmem:v2+s7+$0x0], $0xffff;
	v2 =	vand.u32 $0xF, v3;
	v3 =	vor.u32 $0x5F00, v0  }
0x284: {  	v2 =	vor.u32 v3, v2;
	_ =	sdelay $0x3  }
0x285: {  	[tilespmem:$0x9160] =	vst v1  }
0x286: {  	v1 =	vld.idx.msk [tilespmem:v2+s7+$0x0], $0xffff;
	_ =	sdelay $0x4  }
0x287: {  	[tilespmem:$0x9170] =	vst v1  }
0x288: {  	_ =	swait.ge [sflag:s31], $0x800  }
0x289: {  	[sflag:s31] =	ssyncset.done $0x0  }
0x28a: {  	[sflag:s31] =	ssyncadd.s32 $0xFFFFF800  }
0x28b: {  	v1 =	vld [tilespmem:$0x0];
	_ =	sdelay $0x4  }
0x28c: {  	v2 =	vor.u32 $0x6000, v0;
	v1 =	vand.u32 $0xF, v1  }
0x28d: {  	v1 =	vor.u32 v2, v1;
	v2 =	vld [tilespmem:$0x10];
	_ =	sdelay $0x4  }
0x28e: {  	v3 =	vor.u32 $0x6100, v0;
	v1 =	vld.idx.msk [tilespmem:v1+s7+$0x0], $0xffff;
	v2 =	vand.u32 $0xF, v2  }
0x28f: {  	v2 =	vor.u32 v3, v2;
	v3 =	vld [tilespmem:$0x20];
	_ =	sdelay $0x3  }
0x290: {  	[tilespmem:$0x8B80] =	vst v1  }
0x291: {  	v1 =	vld.idx.msk [tilespmem:v2+s7+$0x0], $0xffff;
	v2 =	vand.u32 $0xF, v3;
	v3 =	vor.u32 $0x6200, v0  }
0x292: {  	v2 =	vor.u32 v3, v2;
	v3 =	vld [tilespmem:$0x30];
	_ =	sdelay $0x3  }
0x293: {  	[tilespmem:$0x8B90] =	vst v1  }
0x294: {  	v1 =	vld.idx.msk [tilespmem:v2+s7+$0x0], $0xffff;
	v2 =	vand.u32 $0xF, v3;
	v3 =	vor.u32 $0x6300, v0  }
0x295: {  	v2 =	vor.u32 v3, v2;
	v3 =	vld [tilespmem:$0x40];
	_ =	sdelay $0x3  }
0x296: {  	[tilespmem:$0x8BA0] =	vst v1  }
0x297: {  	v1 =	vld.idx.msk [tilespmem:v2+s7+$0x0], $0xffff;
	v2 =	vand.u32 $0xF, v3;
	v3 =	vor.u32 $0x6400, v0  }
0x298: {  	v2 =	vor.u32 v3, v2;
	v3 =	vld [tilespmem:$0x50];
	_ =	sdelay $0x3  }
0x299: {  	[tilespmem:$0x8BB0] =	vst v1  }
0x29a: {  	v1 =	vld.idx.msk [tilespmem:v2+s7+$0x0], $0xffff;
	v2 =	vand.u32 $0xF, v3;
	v3 =	vor.u32 $0x6500, v0  }
0x29b: {  	v2 =	vor.u32 v3, v2;
	v3 =	vld [tilespmem:$0x60];
	_ =	sdelay $0x3  }
0x29c: {  	[tilespmem:$0x8BC0] =	vst v1  }
0x29d: {  	v1 =	vld.idx.msk [tilespmem:v2+s7+$0x0], $0xffff;
	v2 =	vand.u32 $0xF, v3;
	v3 =	vor.u32 $0x6600, v0  }
0x29e: {  	v2 =	vor.u32 v3, v2;
	v3 =	vld [tilespmem:$0x70];
	_ =	sdelay $0x3  }
0x29f: {  	[tilespmem:$0x8BD0] =	vst v1  }
0x2a0: {  	v1 =	vld.idx.msk [tilespmem:v2+s7+$0x0], $0xffff;
	v2 =	vand.u32 $0xF, v3;
	v3 =	vor.u32 $0x6700, v0  }
0x2a1: {  	v2 =	vor.u32 v3, v2;
	_ =	sdelay $0x3  }
0x2a2: {  	[tilespmem:$0x8BE0] =	vst v1  }
0x2a3: {  	v1 =	vld.idx.msk [tilespmem:v2+s7+$0x0], $0xffff;
	_ =	sdelay $0x4  }
0x2a4: {  	[tilespmem:$0x8BF0] =	vst v1  }
0x2a5: {  	_ =	swait.ge [sflag:s31], $0x800  }
0x2a6: {  	[sflag:s31] =	ssyncset.done $0x0  }
0x2a7: {  	[sflag:s31] =	ssyncadd.s32 $0xFFFFF800  }
0x2a8: {  	v1 =	vld [tilespmem:$0x80];
	_ =	sdelay $0x4  }
0x2a9: {  	v2 =	vor.u32 $0x6800, v0;
	v1 =	vand.u32 $0xF, v1  }
0x2aa: {  	v1 =	vor.u32 v2, v1;
	v2 =	vld [tilespmem:$0x90];
	_ =	sdelay $0x4  }
0x2ab: {  	v3 =	vor.u32 $0x6900, v0;
	v1 =	vld.idx.msk [tilespmem:v1+s7+$0x0], $0xffff;
	v2 =	vand.u32 $0xF, v2  }
0x2ac: {  	v2 =	vor.u32 v3, v2;
	v3 =	vld [tilespmem:$0xA0];
	_ =	sdelay $0x3  }
0x2ad: {  	[tilespmem:$0x8D80] =	vst v1  }
0x2ae: {  	v1 =	vld.idx.msk [tilespmem:v2+s7+$0x0], $0xffff;
	v2 =	vand.u32 $0xF, v3;
	v3 =	vor.u32 $0x6A00, v0  }
0x2af: {  	v2 =	vor.u32 v3, v2;
	v3 =	vld [tilespmem:$0xB0];
	_ =	sdelay $0x3  }
0x2b0: {  	[tilespmem:$0x8D90] =	vst v1  }
0x2b1: {  	v1 =	vld.idx.msk [tilespmem:v2+s7+$0x0], $0xffff;
	v2 =	vand.u32 $0xF, v3;
	v3 =	vor.u32 $0x6B00, v0  }
0x2b2: {  	v2 =	vor.u32 v3, v2;
	v3 =	vld [tilespmem:$0xC0];
	_ =	sdelay $0x3  }
0x2b3: {  	[tilespmem:$0x8DA0] =	vst v1  }
0x2b4: {  	v1 =	vld.idx.msk [tilespmem:v2+s7+$0x0], $0xffff;
	v2 =	vand.u32 $0xF, v3;
	v3 =	vor.u32 $0x6C00, v0  }
0x2b5: {  	v2 =	vor.u32 v3, v2;
	v3 =	vld [tilespmem:$0xD0];
	_ =	sdelay $0x3  }
0x2b6: {  	[tilespmem:$0x8DB0] =	vst v1  }
0x2b7: {  	v1 =	vld.idx.msk [tilespmem:v2+s7+$0x0], $0xffff;
	v2 =	vand.u32 $0xF, v3;
	v3 =	vor.u32 $0x6D00, v0  }
0x2b8: {  	v2 =	vor.u32 v3, v2;
	v3 =	vld [tilespmem:$0xE0];
	_ =	sdelay $0x3  }
0x2b9: {  	[tilespmem:$0x8DC0] =	vst v1  }
0x2ba: {  	v1 =	vld.idx.msk [tilespmem:v2+s7+$0x0], $0xffff;
	v2 =	vand.u32 $0xF, v3;
	v3 =	vor.u32 $0x6E00, v0  }
0x2bb: {  	v2 =	vor.u32 v3, v2;
	v3 =	vld [tilespmem:$0xF0];
	_ =	sdelay $0x3  }
0x2bc: {  	[tilespmem:$0x8DD0] =	vst v1  }
0x2bd: {  	v1 =	vld.idx.msk [tilespmem:v2+s7+$0x0], $0xffff;
	v2 =	vand.u32 $0xF, v3;
	v3 =	vor.u32 $0x6F00, v0  }
0x2be: {  	v2 =	vor.u32 v3, v2;
	_ =	sdelay $0x3  }
0x2bf: {  	[tilespmem:$0x8DE0] =	vst v1  }
0x2c0: {  	v1 =	vld.idx.msk [tilespmem:v2+s7+$0x0], $0xffff;
	_ =	sdelay $0x4  }
0x2c1: {  	[tilespmem:$0x8DF0] =	vst v1  }
0x2c2: {  	_ =	swait.ge [sflag:s31], $0x800  }
0x2c3: {  	[sflag:s31] =	ssyncset.done $0x0  }
0x2c4: {  	[sflag:s31] =	ssyncadd.s32 $0xFFFFF800  }
0x2c5: {  	v1 =	vld [tilespmem:$0x100];
	_ =	sdelay $0x4  }
0x2c6: {  	v2 =	vor.u32 $0x7000, v0;
	v1 =	vand.u32 $0xF, v1  }
0x2c7: {  	v1 =	vor.u32 v2, v1;
	v2 =	vld [tilespmem:$0x110];
	_ =	sdelay $0x4  }
0x2c8: {  	v3 =	vor.u32 $0x7100, v0;
	v1 =	vld.idx.msk [tilespmem:v1+s7+$0x0], $0xffff;
	v2 =	vand.u32 $0xF, v2  }
0x2c9: {  	v2 =	vor.u32 v3, v2;
	v3 =	vld [tilespmem:$0x120];
	_ =	sdelay $0x3  }
0x2ca: {  	[tilespmem:$0x8F80] =	vst v1  }
0x2cb: {  	v1 =	vld.idx.msk [tilespmem:v2+s7+$0x0], $0xffff;
	v2 =	vand.u32 $0xF, v3;
	v3 =	vor.u32 $0x7200, v0  }
0x2cc: {  	v2 =	vor.u32 v3, v2;
	v3 =	vld [tilespmem:$0x130];
	_ =	sdelay $0x3  }
0x2cd: {  	[tilespmem:$0x8F90] =	vst v1  }
0x2ce: {  	v1 =	vld.idx.msk [tilespmem:v2+s7+$0x0], $0xffff;
	v2 =	vand.u32 $0xF, v3;
	v3 =	vor.u32 $0x7300, v0  }
0x2cf: {  	v2 =	vor.u32 v3, v2;
	v3 =	vld [tilespmem:$0x140];
	_ =	sdelay $0x3  }
0x2d0: {  	[tilespmem:$0x8FA0] =	vst v1  }
0x2d1: {  	v1 =	vld.idx.msk [tilespmem:v2+s7+$0x0], $0xffff;
	v2 =	vand.u32 $0xF, v3;
	v3 =	vor.u32 $0x7400, v0  }
0x2d2: {  	v2 =	vor.u32 v3, v2;
	v3 =	vld [tilespmem:$0x150];
	_ =	sdelay $0x3  }
0x2d3: {  	[tilespmem:$0x8FB0] =	vst v1  }
0x2d4: {  	v1 =	vld.idx.msk [tilespmem:v2+s7+$0x0], $0xffff;
	v2 =	vand.u32 $0xF, v3;
	v3 =	vor.u32 $0x7500, v0  }
0x2d5: {  	v2 =	vor.u32 v3, v2;
	v3 =	vld [tilespmem:$0x160];
	_ =	sdelay $0x3  }
0x2d6: {  	[tilespmem:$0x8FC0] =	vst v1  }
0x2d7: {  	v1 =	vld.idx.msk [tilespmem:v2+s7+$0x0], $0xffff;
	v2 =	vand.u32 $0xF, v3;
	v3 =	vor.u32 $0x7600, v0  }
0x2d8: {  	v2 =	vor.u32 v3, v2;
	v3 =	vld [tilespmem:$0x170];
	_ =	sdelay $0x3  }
0x2d9: {  	[tilespmem:$0x8FD0] =	vst v1  }
0x2da: {  	v1 =	vld.idx.msk [tilespmem:v2+s7+$0x0], $0xffff;
	v2 =	vand.u32 $0xF, v3;
	v3 =	vor.u32 $0x7700, v0  }
0x2db: {  	v2 =	vor.u32 v3, v2;
	_ =	sdelay $0x3  }
0x2dc: {  	[tilespmem:$0x8FE0] =	vst v1  }
0x2dd: {  	v1 =	vld.idx.msk [tilespmem:v2+s7+$0x0], $0xffff;
	_ =	sdelay $0x4  }
0x2de: {  	[tilespmem:$0x8FF0] =	vst v1  }
0x2df: {  	_ =	swait.ge [sflag:s31], $0x800  }
0x2e0: {  	[sflag:s31] =	ssyncset.done $0x0  }
0x2e1: {  	[sflag:s31] =	ssyncadd.s32 $0xFFFFF800  }
0x2e2: {  	v1 =	vld [tilespmem:$0x180];
	_ =	sdelay $0x4  }
0x2e3: {  	v2 =	vor.u32 $0x7800, v0;
	v1 =	vand.u32 $0xF, v1  }
0x2e4: {  	v1 =	vor.u32 v2, v1;
	v2 =	vld [tilespmem:$0x190];
	_ =	sdelay $0x4  }
0x2e5: {  	v3 =	vor.u32 $0x7900, v0;
	v1 =	vld.idx.msk [tilespmem:v1+s7+$0x0], $0xffff;
	v2 =	vand.u32 $0xF, v2  }
0x2e6: {  	v2 =	vor.u32 v3, v2;
	v3 =	vld [tilespmem:$0x1A0];
	_ =	sdelay $0x3  }
0x2e7: {  	[tilespmem:$0x9180] =	vst v1  }
0x2e8: {  	v1 =	vld.idx.msk [tilespmem:v2+s7+$0x0], $0xffff;
	v2 =	vand.u32 $0xF, v3;
	v3 =	vor.u32 $0x7A00, v0  }
0x2e9: {  	v2 =	vor.u32 v3, v2;
	v3 =	vld [tilespmem:$0x1B0];
	_ =	sdelay $0x3  }
0x2ea: {  	[tilespmem:$0x9190] =	vst v1  }
0x2eb: {  	v1 =	vld.idx.msk [tilespmem:v2+s7+$0x0], $0xffff;
	v2 =	vand.u32 $0xF, v3;
	v3 =	vor.u32 $0x7B00, v0  }
0x2ec: {  	v2 =	vor.u32 v3, v2;
	v3 =	vld [tilespmem:$0x1C0];
	_ =	sdelay $0x3  }
0x2ed: {  	[tilespmem:$0x91A0] =	vst v1  }
0x2ee: {  	v1 =	vld.idx.msk [tilespmem:v2+s7+$0x0], $0xffff;
	v2 =	vand.u32 $0xF, v3;
	v3 =	vor.u32 $0x7C00, v0  }
0x2ef: {  	v2 =	vor.u32 v3, v2;
	v3 =	vld [tilespmem:$0x1D0];
	_ =	sdelay $0x3  }
0x2f0: {  	[tilespmem:$0x91B0] =	vst v1  }
0x2f1: {  	v1 =	vld.idx.msk [tilespmem:v2+s7+$0x0], $0xffff;
	v2 =	vand.u32 $0xF, v3;
	v3 =	vor.u32 $0x7D00, v0  }
0x2f2: {  	v2 =	vor.u32 v3, v2;
	v3 =	vld [tilespmem:$0x1E0];
	_ =	sdelay $0x3  }
0x2f3: {  	[tilespmem:$0x91C0] =	vst v1  }
0x2f4: {  	v1 =	vld.idx.msk [tilespmem:v2+s7+$0x0], $0xffff;
	v2 =	vand.u32 $0xF, v3;
	v3 =	vor.u32 $0x7E00, v0  }
0x2f5: {  	v2 =	vor.u32 v3, v2;
	v3 =	vld [tilespmem:$0x1F0];
	_ =	sdelay $0x3  }
0x2f6: {  	[tilespmem:$0x91D0] =	vst v1  }
0x2f7: {  	v1 =	vld.idx.msk [tilespmem:v2+s7+$0x0], $0xffff;
	v2 =	vand.u32 $0xF, v3;
	v3 =	vor.u32 $0x7F00, v0  }
0x2f8: {  	v2 =	vor.u32 v3, v2;
	_ =	sdelay $0x3  }
0x2f9: {  	[tilespmem:$0x91E0] =	vst v1  }
0x2fa: {  	v1 =	vld.idx.msk [tilespmem:v2+s7+$0x0], $0xffff;
	_ =	sdelay $0x3  }
0x2fb: {  	p0 =	sne.s32 s4, $0x1  }
.Ltmp0:
0x2fc: {  	s8 =	rddreg [dreg:$0x5];
	[tilespmem:$0x91F0] =	vst v1;
	(pc) =	sbr.rel @p0 .LBB2_1-.Ltmp0, $4  }
0x2fd: {  	[hbm4b:s8+s2] =	stream.linear.scatter [tilespmem:s1], [sflag:$0x2], $0x800, $0x38;
	[tilespmem:$0x9200] =	vst v63  }
0x2fe: {  	_ =	swait.ge [sflag:s5], $0x800  }
0x2ff: {  	[sflag:s5] =	ssyncset.done $0x0  }
0x300: {  	s4 =	sadd.s32 $0xFFFFFFFF, s4;
	[sflag:s5] =	ssyncadd.s32 $0xFFFFF800  }
0x301: {  	_ =	sfence.sel $0x180000  }
0x302: {  	[bflag:$0x0] =	sbarrier.arrive $0xFFFF  }
0x303: {  	_ =	strace $0x90000047  }
0x304: {  	s0 =	stileid.u32;
	[bflag:$0x2] =	sbarrier.arrive $0xFFFF  }
0x305: {  	p0 =	sne.s32 s0, $0x0;
	s0 =	rddreg [dreg:$0x3]  }
0x306: {  	s0 =	sadd.s32 @!p0 $0x100000, s0  }
0x307: {  	[sflag:s0] =	ssyncadd.tile.s32 @!p0 $0x1;
	_ =	shalt  }
.Lfunc_end2:
_tile_overlayer_lowered:
.L_overlay_start_2:
0x308: {  	(tag) =	ssettag $0x2  }
0x309: {  	s0 =	rddreg [dreg:$0x0];
	s2 =	stileid.u32  }
0x30a: {  	s1 =	rddreg [dreg:$0x1];
	p0 =	sne.s32 s2, $0x0  }
0x30b: {  	s3 =	rddreg [dreg:$0x2];
	[bflag:$0x3] =	sbarrier.arrive $0xFFFF;
	s2 =	simm.s32 @!p0 $0x1C02  }
0x30c: {  	[timem:s3], [sflag:s2] =	dma.local @!p0 [hbm:s0], s1  }
0x30d: {  	s0 =	simm.s32 @!p0 $0x2  }
0x30e: {  	_ =	swait.ge @!p0 [sflag:s0], s1  }
0x30f: {  	s1 =	ssub.s32 @!p0 $0x0, s1;
	[sflag:s0] =	ssyncset.done @!p0 $0x0  }
0x310: {  	[sflag:s0] =	ssyncadd.s32 @!p0 s1  }
0x311: {  	[bflag:$0x3] =	sbarrier.arrive $0xFFFF  }
0x312: {  	_ =	shalt  }

</sc_bundles>
